<compile_context>
chip_gen: v7x
topology: tpu7x:2x2x1
jax: 0.10.2.dev20260603
libtpu: 0.0.44.dev20260713+nightly
codegen_flags: <defaults>
</compile_context>

<pallas_src>
import functools

import jax
import jax.numpy as jnp
from jax import lax
from jax.experimental import pallas as pl
from jax.experimental.pallas import tpu as pltpu
from jax.experimental.pallas import tpu_sc as plsc

BATCH = 16384
DIM = 64
DIM_MLP = 256
CHUNK = 64


def _make_gather1(d):
    info = plsc.get_sparse_core_info()
    nc, ns = info.num_cores, info.num_subcores
    nw = nc * ns
    b_per_w = BATCH // nw
    n_chunks = b_per_w // CHUNK
    mesh = plsc.VectorSubcoreMesh(core_axis_name="c", subcore_axis_name="s")
    f32 = jnp.float32

    @functools.partial(
        pl.kernel,
        mesh=mesh,
        out_type=jax.ShapeDtypeStruct((BATCH, d), f32),
        scratch_types=[
            pltpu.VMEM((n_chunks, CHUNK), jnp.int32),
            pltpu.VMEM((CHUNK, d), f32),
            pltpu.VMEM((CHUNK, d), f32),
            pltpu.SemaphoreType.DMA,
            pltpu.SemaphoreType.DMA,
        ],
    )
    def gather1(idx_hbm, tab_hbm, out, idx, b0, b1, s0, s1):
        wid = lax.axis_index("s") * nc + lax.axis_index("c")
        base = wid * b_per_w
        bufs, sems = (b0, b1), (s0, s1)
        for j in range(n_chunks):
            pltpu.sync_copy(idx_hbm.at[pl.ds(base + j * CHUNK, CHUNK)],
                            idx.at[j])
        cps = [None, None]
        cps[0] = pltpu.async_copy(tab_hbm.at[idx.at[0]], bufs[0], sems[0])
        for j in range(n_chunks):
            s = j % 2
            n = (j + 1) % 2
            if j + 1 < n_chunks:
                cps[n] = pltpu.async_copy(tab_hbm.at[idx.at[j + 1]],
                                          bufs[n], sems[n])
            cps[s].wait()
            pltpu.sync_copy(bufs[s], out.at[pl.ds(base + j * CHUNK, CHUNK)])

    return gather1


def _make_gather(d):
    info = plsc.get_sparse_core_info()
    nc, ns = info.num_cores, info.num_subcores
    nw = nc * ns
    b_per_w = BATCH // nw
    n_chunks = b_per_w // CHUNK
    mesh = plsc.VectorSubcoreMesh(core_axis_name="c", subcore_axis_name="s")
    f32 = jnp.float32

    @functools.partial(
        pl.kernel,
        mesh=mesh,
        out_type=[
            jax.ShapeDtypeStruct((BATCH, d), f32),
            jax.ShapeDtypeStruct((BATCH, d), f32),
        ],
        scratch_types=[
            pltpu.VMEM((n_chunks, CHUNK), jnp.int32),
            pltpu.VMEM((n_chunks, CHUNK), jnp.int32),
            pltpu.VMEM((CHUNK, d), f32),
            pltpu.VMEM((CHUNK, d), f32),
            pltpu.VMEM((CHUNK, d), f32),
            pltpu.VMEM((CHUNK, d), f32),
            pltpu.SemaphoreType.DMA,
            pltpu.SemaphoreType.DMA,
            pltpu.SemaphoreType.DMA,
            pltpu.SemaphoreType.DMA,
        ],
    )
    def gather_kernel(u_idx_hbm, s_idx_hbm, ut_hbm, it_hbm,
                      out_u, out_i,
                      idx_u, idx_i, bu0, bu1, bi0, bi1,
                      su0, su1, si0, si1):
        wid = lax.axis_index("s") * nc + lax.axis_index("c")
        base = wid * b_per_w
        bufs_u, bufs_i = (bu0, bu1), (bi0, bi1)
        sems_u, sems_i = (su0, su1), (si0, si1)
        for j in range(n_chunks):
            pltpu.sync_copy(u_idx_hbm.at[pl.ds(base + j * CHUNK, CHUNK)],
                            idx_u.at[j])
            pltpu.sync_copy(s_idx_hbm.at[pl.ds(base + j * CHUNK, CHUNK)],
                            idx_i.at[j])

        cps = [None, None]
        cps[0] = (
            pltpu.async_copy(ut_hbm.at[idx_u.at[0]], bufs_u[0], sems_u[0]),
            pltpu.async_copy(it_hbm.at[idx_i.at[0]], bufs_i[0], sems_i[0]),
        )
        for j in range(n_chunks):
            s = j % 2
            n = (j + 1) % 2
            if j + 1 < n_chunks:
                cps[n] = (
                    pltpu.async_copy(ut_hbm.at[idx_u.at[j + 1]],
                                     bufs_u[n], sems_u[n]),
                    pltpu.async_copy(it_hbm.at[idx_i.at[j + 1]],
                                     bufs_i[n], sems_i[n]),
                )
            sl = pl.ds(base + j * CHUNK, CHUNK)
            cps[s][0].wait()
            pltpu.sync_copy(bufs_u[s], out_u.at[sl])
            cps[s][1].wait()
            pltpu.sync_copy(bufs_i[s], out_i.at[sl])

    return gather_kernel


_gather_mlp = _make_gather(DIM_MLP)
_gather_gmf1 = _make_gather1(2 * DIM)


def _tpad_body(tt, eye, out):
    t = jax.lax.dot_general(tt[...], eye[...], (((0,), (0,)), ((), ())),
                            preferred_element_type=jnp.float32)
    out[...] = jnp.pad(t, ((0, 0), (0, DIM)))


def _transpose_pad(tab_t):
    n = tab_t.shape[1]
    c = 16384
    grid = (-(-n // c),)
    eye = jnp.eye(DIM, dtype=jnp.float32)
    return pl.pallas_call(
        _tpad_body,
        grid=grid,
        in_specs=[pl.BlockSpec((DIM, c), lambda i: (0, i)),
                  pl.BlockSpec((DIM, DIM), lambda i: (0, 0))],
        out_specs=pl.BlockSpec((c, 2 * DIM), lambda i: (i, 0)),
        out_shape=jax.ShapeDtypeStruct((n, 2 * DIM), jnp.float32),
    )(tab_t, eye)


def _bdot(a, b):
    return jnp.dot(a.astype(jnp.bfloat16), b.astype(jnp.bfloat16),
                   preferred_element_type=jnp.float32)


def _dense_body(um, im, w0u, w0i, b0, w1, b1, w2, b2, wpx, bp, out):
    x = _bdot(um[...], w0u[...]) + _bdot(im[...], w0i[...])
    x = jnp.maximum(x + b0[...], 0.0)
    x = jnp.maximum(_bdot(x, w1[...]) + b1[...], 0.0)
    x = jnp.maximum(_bdot(x, w2[...]) + b2[...], 0.0)
    out[...] = _bdot(x, wpx[...]) + bp[...]


def _final_body(ug, ig, xd, wpg, out):
    g = ug[:, :DIM] * ig[:, :DIM]
    out[...] = _bdot(g, wpg[...]) + xd[...]


_T = 4096


def _run_dense(um, im, W0, b0, W1, b1, W2, b2, Wp, bp):
    grid = (BATCH // _T,)
    f32 = jnp.float32
    w0u = W0[:, :DIM_MLP].T
    w0i = W0[:, DIM_MLP:].T
    w1 = W1.T
    w2 = W2.T
    wpx = Wp[:, DIM:].T
    b0r = b0.reshape(1, -1)
    b1r = b1.reshape(1, -1)
    b2r = b2.reshape(1, -1)
    bpr = bp.reshape(1, 1)

    batch_spec = lambda d: pl.BlockSpec((_T, d), lambda i: (i, 0))
    full_spec = lambda a, b: pl.BlockSpec((a, b), lambda i: (0, 0))

    return pl.pallas_call(
        _dense_body,
        grid=grid,
        in_specs=[
            batch_spec(DIM_MLP), batch_spec(DIM_MLP),
            full_spec(256, 256), full_spec(256, 256), full_spec(1, 256),
            full_spec(256, 128), full_spec(1, 128),
            full_spec(128, 64), full_spec(1, 64),
            full_spec(64, 1), full_spec(1, 1),
        ],
        out_specs=pl.BlockSpec((_T, 1), lambda i: (i, 0)),
        out_shape=jax.ShapeDtypeStruct((BATCH, 1), f32),
    )(um, im, w0u, w0i, b0r, w1, b1r, w2, b2r, wpx, bpr)


def _run_final(ug2, ig2, xdot, Wp):
    grid = (BATCH // _T,)
    f32 = jnp.float32
    wpg = Wp[:, :DIM].T
    batch_spec = lambda d: pl.BlockSpec((_T, d), lambda i: (i, 0))
    out = pl.pallas_call(
        _final_body,
        grid=grid,
        in_specs=[
            batch_spec(2 * DIM), batch_spec(2 * DIM), batch_spec(1),
            pl.BlockSpec((DIM, 1), lambda i: (0, 0)),
        ],
        out_specs=pl.BlockSpec((_T, 1), lambda i: (i, 0)),
        out_shape=jax.ShapeDtypeStruct((BATCH, 1), f32),
    )(ug2, ig2, xdot, wpg)
    return out.reshape(-1)


def kernel(userIdx, servIdx, U_gmf, U_mlp, I_gmf, I_mlp, W0, b0, W1, b1, W2, b2, Wp, bp):
    ui = userIdx.astype(jnp.int32)
    si = servIdx.astype(jnp.int32)
    um, im = _gather_mlp(ui, si, U_mlp, I_mlp)
    igp = _transpose_pad(I_gmf.T)
    ig2 = _gather_gmf1(si, igp)
    ugt, igp = jax.lax.optimization_barrier((U_gmf.T, igp))
    ugp = _transpose_pad(ugt)
    ug2 = _gather_gmf1(ui, ugp)
    xdot = _run_dense(um, im, W0, b0, W1, b1, W2, b2, Wp, bp)
    return _run_final(ug2, ig2, xdot, Wp)

# --- scband reference (transcript-rebuilt; emitter-appended) ---
"""Pipeline reference for scband-neu-cf-68204080660655 (READ-ONLY COPY).

The authoritative reference and input builder live on the scoring server;
editing this copy changes nothing except your own understanding.
"""

import jax, jax.numpy as jnp
import numpy as np

NUM_USERS = 162542
NUM_ITEMS = 59048
DIM = 64
NUM_LAYERS = 3
DIM_MLP = DIM * 2 ** (NUM_LAYERS - 1)  # 256
BATCH = 16384


def setup_inputs(seed: int = 0) -> dict:
    key = jax.random.key(seed)
    ks = [jax.random.fold_in(key, i) for i in range(16)]
    inp = {}
    inp['userIdx'] = jax.random.randint(ks[0], (BATCH,), 0, NUM_USERS, dtype=jnp.int64 if jax.config.jax_enable_x64 else jnp.int32)
    inp['servIdx'] = jax.random.randint(ks[1], (BATCH,), 0, NUM_ITEMS, dtype=jnp.int64 if jax.config.jax_enable_x64 else jnp.int32)
    inp['U_gmf'] = jax.random.normal(ks[2], (NUM_USERS, DIM), dtype=jnp.float32) * 0.02
    inp['U_mlp'] = jax.random.normal(ks[3], (NUM_USERS, DIM_MLP), dtype=jnp.float32) * 0.02
    inp['I_gmf'] = jax.random.normal(ks[4], (NUM_ITEMS, DIM), dtype=jnp.float32) * 0.02
    inp['I_mlp'] = jax.random.normal(ks[5], (NUM_ITEMS, DIM_MLP), dtype=jnp.float32) * 0.02
    # MLP layers: input sizes 512 -> 256 -> 128 -> 64
    sizes = [DIM * 2 ** (NUM_LAYERS - i) for i in range(NUM_LAYERS)]  # [512, 256, 128]
    for i, s in enumerate(sizes):
        inp[f'W{i}'] = jax.random.normal(ks[6 + 2 * i], (s // 2, s), dtype=jnp.float32) * (1.0 / np.sqrt(s))
        inp[f'b{i}'] = jnp.zeros((s // 2,), dtype=jnp.float32)
    inp['Wp'] = jax.random.normal(ks[14], (1, DIM * 2), dtype=jnp.float32) * (1.0 / np.sqrt(DIM * 2))
    inp['bp'] = jnp.zeros((1,), dtype=jnp.float32)
    return inp


def reference(userIdx, servIdx, U_gmf, U_mlp, I_gmf, I_mlp, W0, b0, W1, b1, W2, b2, Wp, bp):
    user_embed = jnp.take(U_gmf, userIdx, axis=0)
    embed_user_MLP = jnp.take(U_mlp, userIdx, axis=0)
    item_embed = jnp.take(I_gmf, servIdx, axis=0)
    embed_item_MLP = jnp.take(I_mlp, servIdx, axis=0)
    gmf_output = user_embed * item_embed
    x = jnp.concatenate((embed_user_MLP, embed_item_MLP), axis=-1)
    # dropout p=0.1 is identity in eval mode
    x = jax.nn.relu(x @ W0.T + b0)
    x = jax.nn.relu(x @ W1.T + b1)
    x = jax.nn.relu(x @ W2.T + b2)
    prediction = jnp.concatenate((gmf_output, x), axis=-1) @ Wp.T + bp
    return prediction.reshape(-1)


if False:  # reference __main__ guard neutralized (emitter)
    out = reference(**setup_inputs())
    print(out.shape, out.dtype)

if __name__ == "__main__":
    import jax
    _d = setup_inputs()
    print(jax.jit(kernel)(*tuple(_d.values())))

</pallas_src>

<mosaic_0001>
#map = affine_map<(d0, d1) -> (0)>
#map1 = affine_map<(d0, d1) -> (0, 0)>
module attributes {stable_mosaic.version = 14 : i64} {
  func.func @gather1(%arg0: i32, %arg1: i32, %arg2: memref<16384xi32, #tpu.memory_space<hbm>>, %arg3: memref<59048x128xf32, #tpu.memory_space<hbm>>, %arg4: memref<16384x128xf32, #tpu.memory_space<hbm>>, %arg5: memref<8x64xi32, #tpu.memory_space<vmem>>, %arg6: memref<64x128xf32, #tpu.memory_space<vmem>>, %arg7: memref<64x128xf32, #tpu.memory_space<vmem>>, %arg8: memref<!tpu.dma_semaphore, #tpu.memory_space<semaphore_mem>>, %arg9: memref<!tpu.dma_semaphore, #tpu.memory_space<semaphore_mem>>) attributes {dimension_semantics = [#tpu.dimension_semantics<core_parallel>, #tpu.dimension_semantics<subcore_parallel>], iteration_bounds = array<i64: 2, 16>, scalar_prefetch = 0 : i64, scratch_operands = 5 : i64, tpu.core_type = #tpu.core_type<sc_vector_subcore>, window_params = [{transform_indices = #map}, {transform_indices = #map1}, {transform_indices = #map1}]} {
    %mul3A = arith.constant 2 : i32
    %mul3A_0 = arith.muli %arg1, %mul3A : i32
    %add3A = arith.addi %mul3A_0, %arg0 : i32
    %mul3A_1 = arith.constant 512 : i32
    %mul3A_2 = arith.muli %add3A, %mul3A_1 : i32
    %add3A_3 = arith.constant 0 : i32
    %add3A_4 = arith.addi %mul3A_2, %add3A_3 : i32
    %run_scoped3A = arith.constant 0 : i32
    "tpu.region"() ({
      %run_scoped3A_152 = tpu.sem_alloc : memref<!tpu.dma_semaphore, #tpu.memory_space<semaphore_mem>>
      %dma_start3A_153 = arith.constant 0 : i32
      %dma_start3A_154 = tpu.memref_slice %arg5[%run_scoped3A, %dma_start3A_153] : memref<8x64xi32, #tpu.memory_space<vmem>> -> memref<1x64xi32, #tpu.memory_space<vmem>>
      %dma_start3A_155 = tpu.memref_squeeze %dma_start3A_154 : memref<1x64xi32, #tpu.memory_space<vmem>> -> memref<64xi32, #tpu.memory_space<vmem>>
      %dma_start3A_156 = tpu.memref_slice %arg2[%add3A_4] : memref<16384xi32, #tpu.memory_space<hbm>> -> memref<64xi32, #tpu.memory_space<hbm>>
      %dma_start3A_157 = arith.constant 0 : i32
      %dma_start3A_158 = tpu.memref_slice %arg5[%run_scoped3A, %dma_start3A_157] : memref<8x64xi32, #tpu.memory_space<vmem>> -> memref<1x64xi32, #tpu.memory_space<vmem>>
      %dma_start3A_159 = tpu.memref_squeeze %dma_start3A_158 : memref<1x64xi32, #tpu.memory_space<vmem>> -> memref<64xi32, #tpu.memory_space<vmem>>
      %dma_start3A_160 = tpu.memref_slice %arg2[%add3A_4] : memref<16384xi32, #tpu.memory_space<hbm>> -> memref<64xi32, #tpu.memory_space<hbm>>
      tpu.enqueue_dma source(%dma_start3A_160 : memref<64xi32, #tpu.memory_space<hbm>>) target(%dma_start3A_159 : memref<64xi32, #tpu.memory_space<vmem>>) target_semaphore(%run_scoped3A_152 : memref<!tpu.dma_semaphore, #tpu.memory_space<semaphore_mem>>)
      %dma_wait3A_161 = arith.constant 0 : i32
      %dma_wait3A_162 = tpu.memref_slice %arg5[%run_scoped3A, %dma_wait3A_161] : memref<8x64xi32, #tpu.memory_space<vmem>> -> memref<1x64xi32, #tpu.memory_space<vmem>>
      %dma_wait3A_163 = tpu.memref_squeeze %dma_wait3A_162 : memref<1x64xi32, #tpu.memory_space<vmem>> -> memref<64xi32, #tpu.memory_space<vmem>>
      %dma_wait3A_164 = tpu.memref_slice %arg2[%add3A_4] : memref<16384xi32, #tpu.memory_space<hbm>> -> memref<64xi32, #tpu.memory_space<hbm>>
      %dma_wait3A_165 = arith.constant 0 : i32
      %dma_wait3A_166 = tpu.memref_slice %arg5[%run_scoped3A, %dma_wait3A_165] : memref<8x64xi32, #tpu.memory_space<vmem>> -> memref<1x64xi32, #tpu.memory_space<vmem>>
      %dma_wait3A_167 = tpu.memref_squeeze %dma_wait3A_166 : memref<1x64xi32, #tpu.memory_space<vmem>> -> memref<64xi32, #tpu.memory_space<vmem>>
      %dma_wait3A_168 = tpu.memref_slice %arg2[%add3A_4] : memref<16384xi32, #tpu.memory_space<hbm>> -> memref<64xi32, #tpu.memory_space<hbm>>
      tpu.wait_dma2 semaphore(%run_scoped3A_152 : memref<!tpu.dma_semaphore, #tpu.memory_space<semaphore_mem>>) src(%dma_wait3A_168 : memref<64xi32, #tpu.memory_space<hbm>>) dst(%dma_wait3A_167 : memref<64xi32, #tpu.memory_space<vmem>>)
      tpu.yield
    }) : () -> ()
    %add3A_5 = arith.constant 64 : i32
    %add3A_6 = arith.addi %mul3A_2, %add3A_5 : i32
    %run_scoped3A_7 = arith.constant 1 : i32
    "tpu.region"() ({
      %run_scoped3A_152 = tpu.sem_alloc : memref<!tpu.dma_semaphore, #tpu.memory_space<semaphore_mem>>
      %dma_start3A_153 = arith.constant 0 : i32
      %dma_start3A_154 = tpu.memref_slice %arg5[%run_scoped3A_7, %dma_start3A_153] : memref<8x64xi32, #tpu.memory_space<vmem>> -> memref<1x64xi32, #tpu.memory_space<vmem>>
      %dma_start3A_155 = tpu.memref_squeeze %dma_start3A_154 : memref<1x64xi32, #tpu.memory_space<vmem>> -> memref<64xi32, #tpu.memory_space<vmem>>
      %dma_start3A_156 = tpu.memref_slice %arg2[%add3A_6] : memref<16384xi32, #tpu.memory_space<hbm>> -> memref<64xi32, #tpu.memory_space<hbm>>
      %dma_start3A_157 = arith.constant 0 : i32
      %dma_start3A_158 = tpu.memref_slice %arg5[%run_scoped3A_7, %dma_start3A_157] : memref<8x64xi32, #tpu.memory_space<vmem>> -> memref<1x64xi32, #tpu.memory_space<vmem>>
      %dma_start3A_159 = tpu.memref_squeeze %dma_start3A_158 : memref<1x64xi32, #tpu.memory_space<vmem>> -> memref<64xi32, #tpu.memory_space<vmem>>
      %dma_start3A_160 = tpu.memref_slice %arg2[%add3A_6] : memref<16384xi32, #tpu.memory_space<hbm>> -> memref<64xi32, #tpu.memory_space<hbm>>
      tpu.enqueue_dma source(%dma_start3A_160 : memref<64xi32, #tpu.memory_space<hbm>>) target(%dma_start3A_159 : memref<64xi32, #tpu.memory_space<vmem>>) target_semaphore(%run_scoped3A_152 : memref<!tpu.dma_semaphore, #tpu.memory_space<semaphore_mem>>)
      %dma_wait3A_161 = arith.constant 0 : i32
      %dma_wait3A_162 = tpu.memref_slice %arg5[%run_scoped3A_7, %dma_wait3A_161] : memref<8x64xi32, #tpu.memory_space<vmem>> -> memref<1x64xi32, #tpu.memory_space<vmem>>
      %dma_wait3A_163 = tpu.memref_squeeze %dma_wait3A_162 : memref<1x64xi32, #tpu.memory_space<vmem>> -> memref<64xi32, #tpu.memory_space<vmem>>
      %dma_wait3A_164 = tpu.memref_slice %arg2[%add3A_6] : memref<16384xi32, #tpu.memory_space<hbm>> -> memref<64xi32, #tpu.memory_space<hbm>>
      %dma_wait3A_165 = arith.constant 0 : i32
      %dma_wait3A_166 = tpu.memref_slice %arg5[%run_scoped3A_7, %dma_wait3A_165] : memref<8x64xi32, #tpu.memory_space<vmem>> -> memref<1x64xi32, #tpu.memory_space<vmem>>
      %dma_wait3A_167 = tpu.memref_squeeze %dma_wait3A_166 : memref<1x64xi32, #tpu.memory_space<vmem>> -> memref<64xi32, #tpu.memory_space<vmem>>
      %dma_wait3A_168 = tpu.memref_slice %arg2[%add3A_6] : memref<16384xi32, #tpu.memory_space<hbm>> -> memref<64xi32, #tpu.memory_space<hbm>>
      tpu.wait_dma2 semaphore(%run_scoped3A_152 : memref<!tpu.dma_semaphore, #tpu.memory_space<semaphore_mem>>) src(%dma_wait3A_168 : memref<64xi32, #tpu.memory_space<hbm>>) dst(%dma_wait3A_167 : memref<64xi32, #tpu.memory_space<vmem>>)
      tpu.yield
    }) : () -> ()
    %add3A_8 = arith.constant 128 : i32
    %add3A_9 = arith.addi %mul3A_2, %add3A_8 : i32
    %run_scoped3A_10 = arith.constant 2 : i32
    "tpu.region"() ({
      %run_scoped3A_152 = tpu.sem_alloc : memref<!tpu.dma_semaphore, #tpu.memory_space<semaphore_mem>>
      %dma_start3A_153 = arith.constant 0 : i32
      %dma_start3A_154 = tpu.memref_slice %arg5[%run_scoped3A_10, %dma_start3A_153] : memref<8x64xi32, #tpu.memory_space<vmem>> -> memref<1x64xi32, #tpu.memory_space<vmem>>
      %dma_start3A_155 = tpu.memref_squeeze %dma_start3A_154 : memref<1x64xi32, #tpu.memory_space<vmem>> -> memref<64xi32, #tpu.memory_space<vmem>>
      %dma_start3A_156 = tpu.memref_slice %arg2[%add3A_9] : memref<16384xi32, #tpu.memory_space<hbm>> -> memref<64xi32, #tpu.memory_space<hbm>>
      %dma_start3A_157 = arith.constant 0 : i32
      %dma_start3A_158 = tpu.memref_slice %arg5[%run_scoped3A_10, %dma_start3A_157] : memref<8x64xi32, #tpu.memory_space<vmem>> -> memref<1x64xi32, #tpu.memory_space<vmem>>
      %dma_start3A_159 = tpu.memref_squeeze %dma_start3A_158 : memref<1x64xi32, #tpu.memory_space<vmem>> -> memref<64xi32, #tpu.memory_space<vmem>>
      %dma_start3A_160 = tpu.memref_slice %arg2[%add3A_9] : memref<16384xi32, #tpu.memory_space<hbm>> -> memref<64xi32, #tpu.memory_space<hbm>>
      tpu.enqueue_dma source(%dma_start3A_160 : memref<64xi32, #tpu.memory_space<hbm>>) target(%dma_start3A_159 : memref<64xi32, #tpu.memory_space<vmem>>) target_semaphore(%run_scoped3A_152 : memref<!tpu.dma_semaphore, #tpu.memory_space<semaphore_mem>>)
      %dma_wait3A_161 = arith.constant 0 : i32
      %dma_wait3A_162 = tpu.memref_slice %arg5[%run_scoped3A_10, %dma_wait3A_161] : memref<8x64xi32, #tpu.memory_space<vmem>> -> memref<1x64xi32, #tpu.memory_space<vmem>>
      %dma_wait3A_163 = tpu.memref_squeeze %dma_wait3A_162 : memref<1x64xi32, #tpu.memory_space<vmem>> -> memref<64xi32, #tpu.memory_space<vmem>>
      %dma_wait3A_164 = tpu.memref_slice %arg2[%add3A_9] : memref<16384xi32, #tpu.memory_space<hbm>> -> memref<64xi32, #tpu.memory_space<hbm>>
      %dma_wait3A_165 = arith.constant 0 : i32
      %dma_wait3A_166 = tpu.memref_slice %arg5[%run_scoped3A_10, %dma_wait3A_165] : memref<8x64xi32, #tpu.memory_space<vmem>> -> memref<1x64xi32, #tpu.memory_space<vmem>>
      %dma_wait3A_167 = tpu.memref_squeeze %dma_wait3A_166 : memref<1x64xi32, #tpu.memory_space<vmem>> -> memref<64xi32, #tpu.memory_space<vmem>>
      %dma_wait3A_168 = tpu.memref_slice %arg2[%add3A_9] : memref<16384xi32, #tpu.memory_space<hbm>> -> memref<64xi32, #tpu.memory_space<hbm>>
      tpu.wait_dma2 semaphore(%run_scoped3A_152 : memref<!tpu.dma_semaphore, #tpu.memory_space<semaphore_mem>>) src(%dma_wait3A_168 : memref<64xi32, #tpu.memory_space<hbm>>) dst(%dma_wait3A_167 : memref<64xi32, #tpu.memory_space<vmem>>)
      tpu.yield
    }) : () -> ()
    %add3A_11 = arith.constant 192 : i32
    %add3A_12 = arith.addi %mul3A_2, %add3A_11 : i32
    %run_scoped3A_13 = arith.constant 3 : i32
    "tpu.region"() ({
      %run_scoped3A_152 = tpu.sem_alloc : memref<!tpu.dma_semaphore, #tpu.memory_space<semaphore_mem>>
      %dma_start3A_153 = arith.constant 0 : i32
      %dma_start3A_154 = tpu.memref_slice %arg5[%run_scoped3A_13, %dma_start3A_153] : memref<8x64xi32, #tpu.memory_space<vmem>> -> memref<1x64xi32, #tpu.memory_space<vmem>>
      %dma_start3A_155 = tpu.memref_squeeze %dma_start3A_154 : memref<1x64xi32, #tpu.memory_space<vmem>> -> memref<64xi32, #tpu.memory_space<vmem>>
      %dma_start3A_156 = tpu.memref_slice %arg2[%add3A_12] : memref<16384xi32, #tpu.memory_space<hbm>> -> memref<64xi32, #tpu.memory_space<hbm>>
      %dma_start3A_157 = arith.constant 0 : i32
      %dma_start3A_158 = tpu.memref_slice %arg5[%run_scoped3A_13, %dma_start3A_157] : memref<8x64xi32, #tpu.memory_space<vmem>> -> memref<1x64xi32, #tpu.memory_space<vmem>>
      %dma_start3A_159 = tpu.memref_squeeze %dma_start3A_158 : memref<1x64xi32, #tpu.memory_space<vmem>> -> memref<64xi32, #tpu.memory_space<vmem>>
      %dma_start3A_160 = tpu.memref_slice %arg2[%add3A_12] : memref<16384xi32, #tpu.memory_space<hbm>> -> memref<64xi32, #tpu.memory_space<hbm>>
      tpu.enqueue_dma source(%dma_start3A_160 : memref<64xi32, #tpu.memory_space<hbm>>) target(%dma_start3A_159 : memref<64xi32, #tpu.memory_space<vmem>>) target_semaphore(%run_scoped3A_152 : memref<!tpu.dma_semaphore, #tpu.memory_space<semaphore_mem>>)
      %dma_wait3A_161 = arith.constant 0 : i32
      %dma_wait3A_162 = tpu.memref_slice %arg5[%run_scoped3A_13, %dma_wait3A_161] : memref<8x64xi32, #tpu.memory_space<vmem>> -> memref<1x64xi32, #tpu.memory_space<vmem>>
      %dma_wait3A_163 = tpu.memref_squeeze %dma_wait3A_162 : memref<1x64xi32, #tpu.memory_space<vmem>> -> memref<64xi32, #tpu.memory_space<vmem>>
      %dma_wait3A_164 = tpu.memref_slice %arg2[%add3A_12] : memref<16384xi32, #tpu.memory_space<hbm>> -> memref<64xi32, #tpu.memory_space<hbm>>
      %dma_wait3A_165 = arith.constant 0 : i32
      %dma_wait3A_166 = tpu.memref_slice %arg5[%run_scoped3A_13, %dma_wait3A_165] : memref<8x64xi32, #tpu.memory_space<vmem>> -> memref<1x64xi32, #tpu.memory_space<vmem>>
      %dma_wait3A_167 = tpu.memref_squeeze %dma_wait3A_166 : memref<1x64xi32, #tpu.memory_space<vmem>> -> memref<64xi32, #tpu.memory_space<vmem>>
      %dma_wait3A_168 = tpu.memref_slice %arg2[%add3A_12] : memref<16384xi32, #tpu.memory_space<hbm>> -> memref<64xi32, #tpu.memory_space<hbm>>
      tpu.wait_dma2 semaphore(%run_scoped3A_152 : memref<!tpu.dma_semaphore, #tpu.memory_space<semaphore_mem>>) src(%dma_wait3A_168 : memref<64xi32, #tpu.memory_space<hbm>>) dst(%dma_wait3A_167 : memref<64xi32, #tpu.memory_space<vmem>>)
      tpu.yield
    }) : () -> ()
    %add3A_14 = arith.constant 256 : i32
    %add3A_15 = arith.addi %mul3A_2, %add3A_14 : i32
    %run_scoped3A_16 = arith.constant 4 : i32
    "tpu.region"() ({
      %run_scoped3A_152 = tpu.sem_alloc : memref<!tpu.dma_semaphore, #tpu.memory_space<semaphore_mem>>
      %dma_start3A_153 = arith.constant 0 : i32
      %dma_start3A_154 = tpu.memref_slice %arg5[%run_scoped3A_16, %dma_start3A_153] : memref<8x64xi32, #tpu.memory_space<vmem>> -> memref<1x64xi32, #tpu.memory_space<vmem>>
      %dma_start3A_155 = tpu.memref_squeeze %dma_start3A_154 : memref<1x64xi32, #tpu.memory_space<vmem>> -> memref<64xi32, #tpu.memory_space<vmem>>
      %dma_start3A_156 = tpu.memref_slice %arg2[%add3A_15] : memref<16384xi32, #tpu.memory_space<hbm>> -> memref<64xi32, #tpu.memory_space<hbm>>
      %dma_start3A_157 = arith.constant 0 : i32
      %dma_start3A_158 = tpu.memref_slice %arg5[%run_scoped3A_16, %dma_start3A_157] : memref<8x64xi32, #tpu.memory_space<vmem>> -> memref<1x64xi32, #tpu.memory_space<vmem>>
      %dma_start3A_159 = tpu.memref_squeeze %dma_start3A_158 : memref<1x64xi32, #tpu.memory_space<vmem>> -> memref<64xi32, #tpu.memory_space<vmem>>
      %dma_start3A_160 = tpu.memref_slice %arg2[%add3A_15] : memref<16384xi32, #tpu.memory_space<hbm>> -> memref<64xi32, #tpu.memory_space<hbm>>
      tpu.enqueue_dma source(%dma_start3A_160 : memref<64xi32, #tpu.memory_space<hbm>>) target(%dma_start3A_159 : memref<64xi32, #tpu.memory_space<vmem>>) target_semaphore(%run_scoped3A_152 : memref<!tpu.dma_semaphore, #tpu.memory_space<semaphore_mem>>)
      %dma_wait3A_161 = arith.constant 0 : i32
      %dma_wait3A_162 = tpu.memref_slice %arg5[%run_scoped3A_16, %dma_wait3A_161] : memref<8x64xi32, #tpu.memory_space<vmem>> -> memref<1x64xi32, #tpu.memory_space<vmem>>
      %dma_wait3A_163 = tpu.memref_squeeze %dma_wait3A_162 : memref<1x64xi32, #tpu.memory_space<vmem>> -> memref<64xi32, #tpu.memory_space<vmem>>
      %dma_wait3A_164 = tpu.memref_slice %arg2[%add3A_15] : memref<16384xi32, #tpu.memory_space<hbm>> -> memref<64xi32, #tpu.memory_space<hbm>>
      %dma_wait3A_165 = arith.constant 0 : i32
      %dma_wait3A_166 = tpu.memref_slice %arg5[%run_scoped3A_16, %dma_wait3A_165] : memref<8x64xi32, #tpu.memory_space<vmem>> -> memref<1x64xi32, #tpu.memory_space<vmem>>
      %dma_wait3A_167 = tpu.memref_squeeze %dma_wait3A_166 : memref<1x64xi32, #tpu.memory_space<vmem>> -> memref<64xi32, #tpu.memory_space<vmem>>
      %dma_wait3A_168 = tpu.memref_slice %arg2[%add3A_15] : memref<16384xi32, #tpu.memory_space<hbm>> -> memref<64xi32, #tpu.memory_space<hbm>>
      tpu.wait_dma2 semaphore(%run_scoped3A_152 : memref<!tpu.dma_semaphore, #tpu.memory_space<semaphore_mem>>) src(%dma_wait3A_168 : memref<64xi32, #tpu.memory_space<hbm>>) dst(%dma_wait3A_167 : memref<64xi32, #tpu.memory_space<vmem>>)
      tpu.yield
    }) : () -> ()
    %add3A_17 = arith.constant 320 : i32
    %add3A_18 = arith.addi %mul3A_2, %add3A_17 : i32
    %run_scoped3A_19 = arith.constant 5 : i32
    "tpu.region"() ({
      %run_scoped3A_152 = tpu.sem_alloc : memref<!tpu.dma_semaphore, #tpu.memory_space<semaphore_mem>>
      %dma_start3A_153 = arith.constant 0 : i32
      %dma_start3A_154 = tpu.memref_slice %arg5[%run_scoped3A_19, %dma_start3A_153] : memref<8x64xi32, #tpu.memory_space<vmem>> -> memref<1x64xi32, #tpu.memory_space<vmem>>
      %dma_start3A_155 = tpu.memref_squeeze %dma_start3A_154 : memref<1x64xi32, #tpu.memory_space<vmem>> -> memref<64xi32, #tpu.memory_space<vmem>>
      %dma_start3A_156 = tpu.memref_slice %arg2[%add3A_18] : memref<16384xi32, #tpu.memory_space<hbm>> -> memref<64xi32, #tpu.memory_space<hbm>>
      %dma_start3A_157 = arith.constant 0 : i32
      %dma_start3A_158 = tpu.memref_slice %arg5[%run_scoped3A_19, %dma_start3A_157] : memref<8x64xi32, #tpu.memory_space<vmem>> -> memref<1x64xi32, #tpu.memory_space<vmem>>
      %dma_start3A_159 = tpu.memref_squeeze %dma_start3A_158 : memref<1x64xi32, #tpu.memory_space<vmem>> -> memref<64xi32, #tpu.memory_space<vmem>>
      %dma_start3A_160 = tpu.memref_slice %arg2[%add3A_18] : memref<16384xi32, #tpu.memory_space<hbm>> -> memref<64xi32, #tpu.memory_space<hbm>>
      tpu.enqueue_dma source(%dma_start3A_160 : memref<64xi32, #tpu.memory_space<hbm>>) target(%dma_start3A_159 : memref<64xi32, #tpu.memory_space<vmem>>) target_semaphore(%run_scoped3A_152 : memref<!tpu.dma_semaphore, #tpu.memory_space<semaphore_mem>>)
      %dma_wait3A_161 = arith.constant 0 : i32
      %dma_wait3A_162 = tpu.memref_slice %arg5[%run_scoped3A_19, %dma_wait3A_161] : memref<8x64xi32, #tpu.memory_space<vmem>> -> memref<1x64xi32, #tpu.memory_space<vmem>>
      %dma_wait3A_163 = tpu.memref_squeeze %dma_wait3A_162 : memref<1x64xi32, #tpu.memory_space<vmem>> -> memref<64xi32, #tpu.memory_space<vmem>>
      %dma_wait3A_164 = tpu.memref_slice %arg2[%add3A_18] : memref<16384xi32, #tpu.memory_space<hbm>> -> memref<64xi32, #tpu.memory_space<hbm>>
      %dma_wait3A_165 = arith.constant 0 : i32
      %dma_wait3A_166 = tpu.memref_slice %arg5[%run_scoped3A_19, %dma_wait3A_165] : memref<8x64xi32, #tpu.memory_space<vmem>> -> memref<1x64xi32, #tpu.memory_space<vmem>>
      %dma_wait3A_167 = tpu.memref_squeeze %dma_wait3A_166 : memref<1x64xi32, #tpu.memory_space<vmem>> -> memref<64xi32, #tpu.memory_space<vmem>>
      %dma_wait3A_168 = tpu.memref_slice %arg2[%add3A_18] : memref<16384xi32, #tpu.memory_space<hbm>> -> memref<64xi32, #tpu.memory_space<hbm>>
      tpu.wait_dma2 semaphore(%run_scoped3A_152 : memref<!tpu.dma_semaphore, #tpu.memory_space<semaphore_mem>>) src(%dma_wait3A_168 : memref<64xi32, #tpu.memory_space<hbm>>) dst(%dma_wait3A_167 : memref<64xi32, #tpu.memory_space<vmem>>)
      tpu.yield
    }) : () -> ()
    %add3A_20 = arith.constant 384 : i32
    %add3A_21 = arith.addi %mul3A_2, %add3A_20 : i32
    %run_scoped3A_22 = arith.constant 6 : i32
    "tpu.region"() ({
      %run_scoped3A_152 = tpu.sem_alloc : memref<!tpu.dma_semaphore, #tpu.memory_space<semaphore_mem>>
      %dma_start3A_153 = arith.constant 0 : i32
      %dma_start3A_154 = tpu.memref_slice %arg5[%run_scoped3A_22, %dma_start3A_153] : memref<8x64xi32, #tpu.memory_space<vmem>> -> memref<1x64xi32, #tpu.memory_space<vmem>>
      %dma_start3A_155 = tpu.memref_squeeze %dma_start3A_154 : memref<1x64xi32, #tpu.memory_space<vmem>> -> memref<64xi32, #tpu.memory_space<vmem>>
      %dma_start3A_156 = tpu.memref_slice %arg2[%add3A_21] : memref<16384xi32, #tpu.memory_space<hbm>> -> memref<64xi32, #tpu.memory_space<hbm>>
      %dma_start3A_157 = arith.constant 0 : i32
      %dma_start3A_158 = tpu.memref_slice %arg5[%run_scoped3A_22, %dma_start3A_157] : memref<8x64xi32, #tpu.memory_space<vmem>> -> memref<1x64xi32, #tpu.memory_space<vmem>>
      %dma_start3A_159 = tpu.memref_squeeze %dma_start3A_158 : memref<1x64xi32, #tpu.memory_space<vmem>> -> memref<64xi32, #tpu.memory_space<vmem>>
      %dma_start3A_160 = tpu.memref_slice %arg2[%add3A_21] : memref<16384xi32, #tpu.memory_space<hbm>> -> memref<64xi32, #tpu.memory_space<hbm>>
      tpu.enqueue_dma source(%dma_start3A_160 : memref<64xi32, #tpu.memory_space<hbm>>) target(%dma_start3A_159 : memref<64xi32, #tpu.memory_space<vmem>>) target_semaphore(%run_scoped3A_152 : memref<!tpu.dma_semaphore, #tpu.memory_space<semaphore_mem>>)
      %dma_wait3A_161 = arith.constant 0 : i32
      %dma_wait3A_162 = tpu.memref_slice %arg5[%run_scoped3A_22, %dma_wait3A_161] : memref<8x64xi32, #tpu.memory_space<vmem>> -> memref<1x64xi32, #tpu.memory_space<vmem>>
      %dma_wait3A_163 = tpu.memref_squeeze %dma_wait3A_162 : memref<1x64xi32, #tpu.memory_space<vmem>> -> memref<64xi32, #tpu.memory_space<vmem>>
      %dma_wait3A_164 = tpu.memref_slice %arg2[%add3A_21] : memref<16384xi32, #tpu.memory_space<hbm>> -> memref<64xi32, #tpu.memory_space<hbm>>
      %dma_wait3A_165 = arith.constant 0 : i32
      %dma_wait3A_166 = tpu.memref_slice %arg5[%run_scoped3A_22, %dma_wait3A_165] : memref<8x64xi32, #tpu.memory_space<vmem>> -> memref<1x64xi32, #tpu.memory_space<vmem>>
      %dma_wait3A_167 = tpu.memref_squeeze %dma_wait3A_166 : memref<1x64xi32, #tpu.memory_space<vmem>> -> memref<64xi32, #tpu.memory_space<vmem>>
      %dma_wait3A_168 = tpu.memref_slice %arg2[%add3A_21] : memref<16384xi32, #tpu.memory_space<hbm>> -> memref<64xi32, #tpu.memory_space<hbm>>
      tpu.wait_dma2 semaphore(%run_scoped3A_152 : memref<!tpu.dma_semaphore, #tpu.memory_space<semaphore_mem>>) src(%dma_wait3A_168 : memref<64xi32, #tpu.memory_space<hbm>>) dst(%dma_wait3A_167 : memref<64xi32, #tpu.memory_space<vmem>>)
      tpu.yield
    }) : () -> ()
    %add3A_23 = arith.constant 448 : i32
    %add3A_24 = arith.addi %mul3A_2, %add3A_23 : i32
    %run_scoped3A_25 = arith.constant 7 : i32
    "tpu.region"() ({
      %run_scoped3A_152 = tpu.sem_alloc : memref<!tpu.dma_semaphore, #tpu.memory_space<semaphore_mem>>
      %dma_start3A_153 = arith.constant 0 : i32
      %dma_start3A_154 = tpu.memref_slice %arg5[%run_scoped3A_25, %dma_start3A_153] : memref<8x64xi32, #tpu.memory_space<vmem>> -> memref<1x64xi32, #tpu.memory_space<vmem>>
      %dma_start3A_155 = tpu.memref_squeeze %dma_start3A_154 : memref<1x64xi32, #tpu.memory_space<vmem>> -> memref<64xi32, #tpu.memory_space<vmem>>
      %dma_start3A_156 = tpu.memref_slice %arg2[%add3A_24] : memref<16384xi32, #tpu.memory_space<hbm>> -> memref<64xi32, #tpu.memory_space<hbm>>
      %dma_start3A_157 = arith.constant 0 : i32
      %dma_start3A_158 = tpu.memref_slice %arg5[%run_scoped3A_25, %dma_start3A_157] : memref<8x64xi32, #tpu.memory_space<vmem>> -> memref<1x64xi32, #tpu.memory_space<vmem>>
      %dma_start3A_159 = tpu.memref_squeeze %dma_start3A_158 : memref<1x64xi32, #tpu.memory_space<vmem>> -> memref<64xi32, #tpu.memory_space<vmem>>
      %dma_start3A_160 = tpu.memref_slice %arg2[%add3A_24] : memref<16384xi32, #tpu.memory_space<hbm>> -> memref<64xi32, #tpu.memory_space<hbm>>
      tpu.enqueue_dma source(%dma_start3A_160 : memref<64xi32, #tpu.memory_space<hbm>>) target(%dma_start3A_159 : memref<64xi32, #tpu.memory_space<vmem>>) target_semaphore(%run_scoped3A_152 : memref<!tpu.dma_semaphore, #tpu.memory_space<semaphore_mem>>)
      %dma_wait3A_161 = arith.constant 0 : i32
      %dma_wait3A_162 = tpu.memref_slice %arg5[%run_scoped3A_25, %dma_wait3A_161] : memref<8x64xi32, #tpu.memory_space<vmem>> -> memref<1x64xi32, #tpu.memory_space<vmem>>
      %dma_wait3A_163 = tpu.memref_squeeze %dma_wait3A_162 : memref<1x64xi32, #tpu.memory_space<vmem>> -> memref<64xi32, #tpu.memory_space<vmem>>
      %dma_wait3A_164 = tpu.memref_slice %arg2[%add3A_24] : memref<16384xi32, #tpu.memory_space<hbm>> -> memref<64xi32, #tpu.memory_space<hbm>>
      %dma_wait3A_165 = arith.constant 0 : i32
      %dma_wait3A_166 = tpu.memref_slice %arg5[%run_scoped3A_25, %dma_wait3A_165] : memref<8x64xi32, #tpu.memory_space<vmem>> -> memref<1x64xi32, #tpu.memory_space<vmem>>
      %dma_wait3A_167 = tpu.memref_squeeze %dma_wait3A_166 : memref<1x64xi32, #tpu.memory_space<vmem>> -> memref<64xi32, #tpu.memory_space<vmem>>
      %dma_wait3A_168 = tpu.memref_slice %arg2[%add3A_24] : memref<16384xi32, #tpu.memory_space<hbm>> -> memref<64xi32, #tpu.memory_space<hbm>>
      tpu.wait_dma2 semaphore(%run_scoped3A_152 : memref<!tpu.dma_semaphore, #tpu.memory_space<semaphore_mem>>) src(%dma_wait3A_168 : memref<64xi32, #tpu.memory_space<hbm>>) dst(%dma_wait3A_167 : memref<64xi32, #tpu.memory_space<vmem>>)
      tpu.yield
    }) : () -> ()
    %dma_start3A = arith.constant 0 : i32
    %dma_start3A_26 = arith.constant 0 : i32
    %dma_start3A_27 = tpu.memref_slice %arg5[%dma_start3A, %dma_start3A_26] : memref<8x64xi32, #tpu.memory_space<vmem>> -> memref<1x64xi32, #tpu.memory_space<vmem>>
    %dma_start3A_28 = tpu.memref_squeeze %dma_start3A_27 : memref<1x64xi32, #tpu.memory_space<vmem>> -> memref<64xi32, #tpu.memory_space<vmem>>
    %dma_start3A_29 = arith.constant 0 : i32
    %dma_start3A_30 = arith.constant 0 : i32
    %dma_start3A_31 = tpu.memref_slice %arg3[%dma_start3A_29, %dma_start3A_30] : memref<59048x128xf32, #tpu.memory_space<hbm>> -> memref<59048x128xf32, #tpu.memory_space<hbm>>
    tpu.enqueue_indirect_dma source(%dma_start3A_31 : memref<59048x128xf32, #tpu.memory_space<hbm>>) target(%arg6 : memref<64x128xf32, #tpu.memory_space<vmem>>) offsets(%dma_start3A_28 : memref<64xi32, #tpu.memory_space<vmem>>) semaphore(%arg8 : memref<!tpu.dma_semaphore, #tpu.memory_space<semaphore_mem>>)
    %dma_start3A_32 = arith.constant 1 : i32
    %dma_start3A_33 = arith.constant 0 : i32
    %dma_start3A_34 = tpu.memref_slice %arg5[%dma_start3A_32, %dma_start3A_33] : memref<8x64xi32, #tpu.memory_space<vmem>> -> memref<1x64xi32, #tpu.memory_space<vmem>>
    %dma_start3A_35 = tpu.memref_squeeze %dma_start3A_34 : memref<1x64xi32, #tpu.memory_space<vmem>> -> memref<64xi32, #tpu.memory_space<vmem>>
    %dma_start3A_36 = arith.constant 0 : i32
    %dma_start3A_37 = arith.constant 0 : i32
    %dma_start3A_38 = tpu.memref_slice %arg3[%dma_start3A_36, %dma_start3A_37] : memref<59048x128xf32, #tpu.memory_space<hbm>> -> memref<59048x128xf32, #tpu.memory_space<hbm>>
    tpu.enqueue_indirect_dma source(%dma_start3A_38 : memref<59048x128xf32, #tpu.memory_space<hbm>>) target(%arg7 : memref<64x128xf32, #tpu.memory_space<vmem>>) offsets(%dma_start3A_35 : memref<64xi32, #tpu.memory_space<vmem>>) semaphore(%arg9 : memref<!tpu.dma_semaphore, #tpu.memory_space<semaphore_mem>>)
    %dma_wait3A = arith.constant 0 : i32
    %dma_wait3A_39 = arith.constant 0 : i32
    %dma_wait3A_40 = tpu.memref_slice %arg5[%dma_wait3A, %dma_wait3A_39] : memref<8x64xi32, #tpu.memory_space<vmem>> -> memref<1x64xi32, #tpu.memory_space<vmem>>
    %dma_wait3A_41 = tpu.memref_squeeze %dma_wait3A_40 : memref<1x64xi32, #tpu.memory_space<vmem>> -> memref<64xi32, #tpu.memory_space<vmem>>
    %dma_wait3A_42 = arith.constant 0 : i32
    %dma_wait3A_43 = arith.constant 0 : i32
    %dma_wait3A_44 = tpu.memref_slice %arg3[%dma_wait3A_42, %dma_wait3A_43] : memref<59048x128xf32, #tpu.memory_space<hbm>> -> memref<59048x128xf32, #tpu.memory_space<hbm>>
    tpu.wait_indirect_dma semaphore(%arg8 : memref<!tpu.dma_semaphore, #tpu.memory_space<semaphore_mem>>) src(%dma_wait3A_44 : memref<59048x128xf32, #tpu.memory_space<hbm>>) dst(%arg6 : memref<64x128xf32, #tpu.memory_space<vmem>>)
    %add3A_45 = arith.constant 0 : i32
    %add3A_46 = arith.addi %mul3A_2, %add3A_45 : i32
    "tpu.region"() ({
      %run_scoped3A_152 = tpu.sem_alloc : memref<!tpu.dma_semaphore, #tpu.memory_space<semaphore_mem>>
      %dma_start3A_153 = arith.constant 0 : i32
      %dma_start3A_154 = tpu.memref_slice %arg4[%add3A_46, %dma_start3A_153] : memref<16384x128xf32, #tpu.memory_space<hbm>> -> memref<64x128xf32, #tpu.memory_space<hbm>>
      %dma_start3A_155 = arith.constant 0 : i32
      %dma_start3A_156 = tpu.memref_slice %arg4[%add3A_46, %dma_start3A_155] : memref<16384x128xf32, #tpu.memory_space<hbm>> -> memref<64x128xf32, #tpu.memory_space<hbm>>
      tpu.enqueue_dma source(%arg6 : memref<64x128xf32, #tpu.memory_space<vmem>>) target(%dma_start3A_156 : memref<64x128xf32, #tpu.memory_space<hbm>>) target_semaphore(%run_scoped3A_152 : memref<!tpu.dma_semaphore, #tpu.memory_space<semaphore_mem>>)
      %dma_wait3A_157 = arith.constant 0 : i32
      %dma_wait3A_158 = tpu.memref_slice %arg4[%add3A_46, %dma_wait3A_157] : memref<16384x128xf32, #tpu.memory_space<hbm>> -> memref<64x128xf32, #tpu.memory_space<hbm>>
      %dma_wait3A_159 = arith.constant 0 : i32
      %dma_wait3A_160 = tpu.memref_slice %arg4[%add3A_46, %dma_wait3A_159] : memref<16384x128xf32, #tpu.memory_space<hbm>> -> memref<64x128xf32, #tpu.memory_space<hbm>>
      tpu.wait_dma2 semaphore(%run_scoped3A_152 : memref<!tpu.dma_semaphore, #tpu.memory_space<semaphore_mem>>) src(%arg6 : memref<64x128xf32, #tpu.memory_space<vmem>>) dst(%dma_wait3A_160 : memref<64x128xf32, #tpu.memory_space<hbm>>)
      tpu.yield
    }) : () -> ()
    %dma_start3A_47 = arith.constant 2 : i32
    %dma_start3A_48 = arith.constant 0 : i32
    %dma_start3A_49 = tpu.memref_slice %arg5[%dma_start3A_47, %dma_start3A_48] : memref<8x64xi32, #tpu.memory_space<vmem>> -> memref<1x64xi32, #tpu.memory_space<vmem>>
    %dma_start3A_50 = tpu.memref_squeeze %dma_start3A_49 : memref<1x64xi32, #tpu.memory_space<vmem>> -> memref<64xi32, #tpu.memory_space<vmem>>
    %dma_start3A_51 = arith.constant 0 : i32
    %dma_start3A_52 = arith.constant 0 : i32
    %dma_start3A_53 = tpu.memref_slice %arg3[%dma_start3A_51, %dma_start3A_52] : memref<59048x128xf32, #tpu.memory_space<hbm>> -> memref<59048x128xf32, #tpu.memory_space<hbm>>
    tpu.enqueue_indirect_dma source(%dma_start3A_53 : memref<59048x128xf32, #tpu.memory_space<hbm>>) target(%arg6 : memref<64x128xf32, #tpu.memory_space<vmem>>) offsets(%dma_start3A_50 : memref<64xi32, #tpu.memory_space<vmem>>) semaphore(%arg8 : memref<!tpu.dma_semaphore, #tpu.memory_space<semaphore_mem>>)
    %dma_wait3A_54 = arith.constant 1 : i32
    %dma_wait3A_55 = arith.constant 0 : i32
    %dma_wait3A_56 = tpu.memref_slice %arg5[%dma_wait3A_54, %dma_wait3A_55] : memref<8x64xi32, #tpu.memory_space<vmem>> -> memref<1x64xi32, #tpu.memory_space<vmem>>
    %dma_wait3A_57 = tpu.memref_squeeze %dma_wait3A_56 : memref<1x64xi32, #tpu.memory_space<vmem>> -> memref<64xi32, #tpu.memory_space<vmem>>
    %dma_wait3A_58 = arith.constant 0 : i32
    %dma_wait3A_59 = arith.constant 0 : i32
    %dma_wait3A_60 = tpu.memref_slice %arg3[%dma_wait3A_58, %dma_wait3A_59] : memref<59048x128xf32, #tpu.memory_space<hbm>> -> memref<59048x128xf32, #tpu.memory_space<hbm>>
    tpu.wait_indirect_dma semaphore(%arg9 : memref<!tpu.dma_semaphore, #tpu.memory_space<semaphore_mem>>) src(%dma_wait3A_60 : memref<59048x128xf32, #tpu.memory_space<hbm>>) dst(%arg7 : memref<64x128xf32, #tpu.memory_space<vmem>>)
    %add3A_61 = arith.constant 64 : i32
    %add3A_62 = arith.addi %mul3A_2, %add3A_61 : i32
    "tpu.region"() ({
      %run_scoped3A_152 = tpu.sem_alloc : memref<!tpu.dma_semaphore, #tpu.memory_space<semaphore_mem>>
      %dma_start3A_153 = arith.constant 0 : i32
      %dma_start3A_154 = tpu.memref_slice %arg4[%add3A_62, %dma_start3A_153] : memref<16384x128xf32, #tpu.memory_space<hbm>> -> memref<64x128xf32, #tpu.memory_space<hbm>>
      %dma_start3A_155 = arith.constant 0 : i32
      %dma_start3A_156 = tpu.memref_slice %arg4[%add3A_62, %dma_start3A_155] : memref<16384x128xf32, #tpu.memory_space<hbm>> -> memref<64x128xf32, #tpu.memory_space<hbm>>
      tpu.enqueue_dma source(%arg7 : memref<64x128xf32, #tpu.memory_space<vmem>>) target(%dma_start3A_156 : memref<64x128xf32, #tpu.memory_space<hbm>>) target_semaphore(%run_scoped3A_152 : memref<!tpu.dma_semaphore, #tpu.memory_space<semaphore_mem>>)
      %dma_wait3A_157 = arith.constant 0 : i32
      %dma_wait3A_158 = tpu.memref_slice %arg4[%add3A_62, %dma_wait3A_157] : memref<16384x128xf32, #tpu.memory_space<hbm>> -> memref<64x128xf32, #tpu.memory_space<hbm>>
      %dma_wait3A_159 = arith.constant 0 : i32
      %dma_wait3A_160 = tpu.memref_slice %arg4[%add3A_62, %dma_wait3A_159] : memref<16384x128xf32, #tpu.memory_space<hbm>> -> memref<64x128xf32, #tpu.memory_space<hbm>>
      tpu.wait_dma2 semaphore(%run_scoped3A_152 : memref<!tpu.dma_semaphore, #tpu.memory_space<semaphore_mem>>) src(%arg7 : memref<64x128xf32, #tpu.memory_space<vmem>>) dst(%dma_wait3A_160 : memref<64x128xf32, #tpu.memory_space<hbm>>)
      tpu.yield
    }) : () -> ()
    %dma_start3A_63 = arith.constant 3 : i32
    %dma_start3A_64 = arith.constant 0 : i32
    %dma_start3A_65 = tpu.memref_slice %arg5[%dma_start3A_63, %dma_start3A_64] : memref<8x64xi32, #tpu.memory_space<vmem>> -> memref<1x64xi32, #tpu.memory_space<vmem>>
    %dma_start3A_66 = tpu.memref_squeeze %dma_start3A_65 : memref<1x64xi32, #tpu.memory_space<vmem>> -> memref<64xi32, #tpu.memory_space<vmem>>
    %dma_start3A_67 = arith.constant 0 : i32
    %dma_start3A_68 = arith.constant 0 : i32
    %dma_start3A_69 = tpu.memref_slice %arg3[%dma_start3A_67, %dma_start3A_68] : memref<59048x128xf32, #tpu.memory_space<hbm>> -> memref<59048x128xf32, #tpu.memory_space<hbm>>
    tpu.enqueue_indirect_dma source(%dma_start3A_69 : memref<59048x128xf32, #tpu.memory_space<hbm>>) target(%arg7 : memref<64x128xf32, #tpu.memory_space<vmem>>) offsets(%dma_start3A_66 : memref<64xi32, #tpu.memory_space<vmem>>) semaphore(%arg9 : memref<!tpu.dma_semaphore, #tpu.memory_space<semaphore_mem>>)
    %dma_wait3A_70 = arith.constant 2 : i32
    %dma_wait3A_71 = arith.constant 0 : i32
    %dma_wait3A_72 = tpu.memref_slice %arg5[%dma_wait3A_70, %dma_wait3A_71] : memref<8x64xi32, #tpu.memory_space<vmem>> -> memref<1x64xi32, #tpu.memory_space<vmem>>
    %dma_wait3A_73 = tpu.memref_squeeze %dma_wait3A_72 : memref<1x64xi32, #tpu.memory_space<vmem>> -> memref<64xi32, #tpu.memory_space<vmem>>
    %dma_wait3A_74 = arith.constant 0 : i32
    %dma_wait3A_75 = arith.constant 0 : i32
    %dma_wait3A_76 = tpu.memref_slice %arg3[%dma_wait3A_74, %dma_wait3A_75] : memref<59048x128xf32, #tpu.memory_space<hbm>> -> memref<59048x128xf32, #tpu.memory_space<hbm>>
    tpu.wait_indirect_dma semaphore(%arg8 : memref<!tpu.dma_semaphore, #tpu.memory_space<semaphore_mem>>) src(%dma_wait3A_76 : memref<59048x128xf32, #tpu.memory_space<hbm>>) dst(%arg6 : memref<64x128xf32, #tpu.memory_space<vmem>>)
    %add3A_77 = arith.constant 128 : i32
    %add3A_78 = arith.addi %mul3A_2, %add3A_77 : i32
    "tpu.region"() ({
      %run_scoped3A_152 = tpu.sem_alloc : memref<!tpu.dma_semaphore, #tpu.memory_space<semaphore_mem>>
      %dma_start3A_153 = arith.constant 0 : i32
      %dma_start3A_154 = tpu.memref_slice %arg4[%add3A_78, %dma_start3A_153] : memref<16384x128xf32, #tpu.memory_space<hbm>> -> memref<64x128xf32, #tpu.memory_space<hbm>>
      %dma_start3A_155 = arith.constant 0 : i32
      %dma_start3A_156 = tpu.memref_slice %arg4[%add3A_78, %dma_start3A_155] : memref<16384x128xf32, #tpu.memory_space<hbm>> -> memref<64x128xf32, #tpu.memory_space<hbm>>
      tpu.enqueue_dma source(%arg6 : memref<64x128xf32, #tpu.memory_space<vmem>>) target(%dma_start3A_156 : memref<64x128xf32, #tpu.memory_space<hbm>>) target_semaphore(%run_scoped3A_152 : memref<!tpu.dma_semaphore, #tpu.memory_space<semaphore_mem>>)
      %dma_wait3A_157 = arith.constant 0 : i32
      %dma_wait3A_158 = tpu.memref_slice %arg4[%add3A_78, %dma_wait3A_157] : memref<16384x128xf32, #tpu.memory_space<hbm>> -> memref<64x128xf32, #tpu.memory_space<hbm>>
      %dma_wait3A_159 = arith.constant 0 : i32
      %dma_wait3A_160 = tpu.memref_slice %arg4[%add3A_78, %dma_wait3A_159] : memref<16384x128xf32, #tpu.memory_space<hbm>> -> memref<64x128xf32, #tpu.memory_space<hbm>>
      tpu.wait_dma2 semaphore(%run_scoped3A_152 : memref<!tpu.dma_semaphore, #tpu.memory_space<semaphore_mem>>) src(%arg6 : memref<64x128xf32, #tpu.memory_space<vmem>>) dst(%dma_wait3A_160 : memref<64x128xf32, #tpu.memory_space<hbm>>)
      tpu.yield
    }) : () -> ()
    %dma_start3A_79 = arith.constant 4 : i32
    %dma_start3A_80 = arith.constant 0 : i32
    %dma_start3A_81 = tpu.memref_slice %arg5[%dma_start3A_79, %dma_start3A_80] : memref<8x64xi32, #tpu.memory_space<vmem>> -> memref<1x64xi32, #tpu.memory_space<vmem>>
    %dma_start3A_82 = tpu.memref_squeeze %dma_start3A_81 : memref<1x64xi32, #tpu.memory_space<vmem>> -> memref<64xi32, #tpu.memory_space<vmem>>
    %dma_start3A_83 = arith.constant 0 : i32
    %dma_start3A_84 = arith.constant 0 : i32
    %dma_start3A_85 = tpu.memref_slice %arg3[%dma_start3A_83, %dma_start3A_84] : memref<59048x128xf32, #tpu.memory_space<hbm>> -> memref<59048x128xf32, #tpu.memory_space<hbm>>
    tpu.enqueue_indirect_dma source(%dma_start3A_85 : memref<59048x128xf32, #tpu.memory_space<hbm>>) target(%arg6 : memref<64x128xf32, #tpu.memory_space<vmem>>) offsets(%dma_start3A_82 : memref<64xi32, #tpu.memory_space<vmem>>) semaphore(%arg8 : memref<!tpu.dma_semaphore, #tpu.memory_space<semaphore_mem>>)
    %dma_wait3A_86 = arith.constant 3 : i32
    %dma_wait3A_87 = arith.constant 0 : i32
    %dma_wait3A_88 = tpu.memref_slice %arg5[%dma_wait3A_86, %dma_wait3A_87] : memref<8x64xi32, #tpu.memory_space<vmem>> -> memref<1x64xi32, #tpu.memory_space<vmem>>
    %dma_wait3A_89 = tpu.memref_squeeze %dma_wait3A_88 : memref<1x64xi32, #tpu.memory_space<vmem>> -> memref<64xi32, #tpu.memory_space<vmem>>
    %dma_wait3A_90 = arith.constant 0 : i32
    %dma_wait3A_91 = arith.constant 0 : i32
    %dma_wait3A_92 = tpu.memref_slice %arg3[%dma_wait3A_90, %dma_wait3A_91] : memref<59048x128xf32, #tpu.memory_space<hbm>> -> memref<59048x128xf32, #tpu.memory_space<hbm>>
    tpu.wait_indirect_dma semaphore(%arg9 : memref<!tpu.dma_semaphore, #tpu.memory_space<semaphore_mem>>) src(%dma_wait3A_92 : memref<59048x128xf32, #tpu.memory_space<hbm>>) dst(%arg7 : memref<64x128xf32, #tpu.memory_space<vmem>>)
    %add3A_93 = arith.constant 192 : i32
    %add3A_94 = arith.addi %mul3A_2, %add3A_93 : i32
    "tpu.region"() ({
      %run_scoped3A_152 = tpu.sem_alloc : memref<!tpu.dma_semaphore, #tpu.memory_space<semaphore_mem>>
      %dma_start3A_153 = arith.constant 0 : i32
      %dma_start3A_154 = tpu.memref_slice %arg4[%add3A_94, %dma_start3A_153] : memref<16384x128xf32, #tpu.memory_space<hbm>> -> memref<64x128xf32, #tpu.memory_space<hbm>>
      %dma_start3A_155 = arith.constant 0 : i32
      %dma_start3A_156 = tpu.memref_slice %arg4[%add3A_94, %dma_start3A_155] : memref<16384x128xf32, #tpu.memory_space<hbm>> -> memref<64x128xf32, #tpu.memory_space<hbm>>
      tpu.enqueue_dma source(%arg7 : memref<64x128xf32, #tpu.memory_space<vmem>>) target(%dma_start3A_156 : memref<64x128xf32, #tpu.memory_space<hbm>>) target_semaphore(%run_scoped3A_152 : memref<!tpu.dma_semaphore, #tpu.memory_space<semaphore_mem>>)
      %dma_wait3A_157 = arith.constant 0 : i32
      %dma_wait3A_158 = tpu.memref_slice %arg4[%add3A_94, %dma_wait3A_157] : memref<16384x128xf32, #tpu.memory_space<hbm>> -> memref<64x128xf32, #tpu.memory_space<hbm>>
      %dma_wait3A_159 = arith.constant 0 : i32
      %dma_wait3A_160 = tpu.memref_slice %arg4[%add3A_94, %dma_wait3A_159] : memref<16384x128xf32, #tpu.memory_space<hbm>> -> memref<64x128xf32, #tpu.memory_space<hbm>>
      tpu.wait_dma2 semaphore(%run_scoped3A_152 : memref<!tpu.dma_semaphore, #tpu.memory_space<semaphore_mem>>) src(%arg7 : memref<64x128xf32, #tpu.memory_space<vmem>>) dst(%dma_wait3A_160 : memref<64x128xf32, #tpu.memory_space<hbm>>)
      tpu.yield
    }) : () -> ()
    %dma_start3A_95 = arith.constant 5 : i32
    %dma_start3A_96 = arith.constant 0 : i32
    %dma_start3A_97 = tpu.memref_slice %arg5[%dma_start3A_95, %dma_start3A_96] : memref<8x64xi32, #tpu.memory_space<vmem>> -> memref<1x64xi32, #tpu.memory_space<vmem>>
    %dma_start3A_98 = tpu.memref_squeeze %dma_start3A_97 : memref<1x64xi32, #tpu.memory_space<vmem>> -> memref<64xi32, #tpu.memory_space<vmem>>
    %dma_start3A_99 = arith.constant 0 : i32
    %dma_start3A_100 = arith.constant 0 : i32
    %dma_start3A_101 = tpu.memref_slice %arg3[%dma_start3A_99, %dma_start3A_100] : memref<59048x128xf32, #tpu.memory_space<hbm>> -> memref<59048x128xf32, #tpu.memory_space<hbm>>
    tpu.enqueue_indirect_dma source(%dma_start3A_101 : memref<59048x128xf32, #tpu.memory_space<hbm>>) target(%arg7 : memref<64x128xf32, #tpu.memory_space<vmem>>) offsets(%dma_start3A_98 : memref<64xi32, #tpu.memory_space<vmem>>) semaphore(%arg9 : memref<!tpu.dma_semaphore, #tpu.memory_space<semaphore_mem>>)
    %dma_wait3A_102 = arith.constant 4 : i32
    %dma_wait3A_103 = arith.constant 0 : i32
    %dma_wait3A_104 = tpu.memref_slice %arg5[%dma_wait3A_102, %dma_wait3A_103] : memref<8x64xi32, #tpu.memory_space<vmem>> -> memref<1x64xi32, #tpu.memory_space<vmem>>
    %dma_wait3A_105 = tpu.memref_squeeze %dma_wait3A_104 : memref<1x64xi32, #tpu.memory_space<vmem>> -> memref<64xi32, #tpu.memory_space<vmem>>
    %dma_wait3A_106 = arith.constant 0 : i32
    %dma_wait3A_107 = arith.constant 0 : i32
    %dma_wait3A_108 = tpu.memref_slice %arg3[%dma_wait3A_106, %dma_wait3A_107] : memref<59048x128xf32, #tpu.memory_space<hbm>> -> memref<59048x128xf32, #tpu.memory_space<hbm>>
    tpu.wait_indirect_dma semaphore(%arg8 : memref<!tpu.dma_semaphore, #tpu.memory_space<semaphore_mem>>) src(%dma_wait3A_108 : memref<59048x128xf32, #tpu.memory_space<hbm>>) dst(%arg6 : memref<64x128xf32, #tpu.memory_space<vmem>>)
    %add3A_109 = arith.constant 256 : i32
    %add3A_110 = arith.addi %mul3A_2, %add3A_109 : i32
    "tpu.region"() ({
      %run_scoped3A_152 = tpu.sem_alloc : memref<!tpu.dma_semaphore, #tpu.memory_space<semaphore_mem>>
      %dma_start3A_153 = arith.constant 0 : i32
      %dma_start3A_154 = tpu.memref_slice %arg4[%add3A_110, %dma_start3A_153] : memref<16384x128xf32, #tpu.memory_space<hbm>> -> memref<64x128xf32, #tpu.memory_space<hbm>>
      %dma_start3A_155 = arith.constant 0 : i32
      %dma_start3A_156 = tpu.memref_slice %arg4[%add3A_110, %dma_start3A_155] : memref<16384x128xf32, #tpu.memory_space<hbm>> -> memref<64x128xf32, #tpu.memory_space<hbm>>
      tpu.enqueue_dma source(%arg6 : memref<64x128xf32, #tpu.memory_space<vmem>>) target(%dma_start3A_156 : memref<64x128xf32, #tpu.memory_space<hbm>>) target_semaphore(%run_scoped3A_152 : memref<!tpu.dma_semaphore, #tpu.memory_space<semaphore_mem>>)
      %dma_wait3A_157 = arith.constant 0 : i32
      %dma_wait3A_158 = tpu.memref_slice %arg4[%add3A_110, %dma_wait3A_157] : memref<16384x128xf32, #tpu.memory_space<hbm>> -> memref<64x128xf32, #tpu.memory_space<hbm>>
      %dma_wait3A_159 = arith.constant 0 : i32
      %dma_wait3A_160 = tpu.memref_slice %arg4[%add3A_110, %dma_wait3A_159] : memref<16384x128xf32, #tpu.memory_space<hbm>> -> memref<64x128xf32, #tpu.memory_space<hbm>>
      tpu.wait_dma2 semaphore(%run_scoped3A_152 : memref<!tpu.dma_semaphore, #tpu.memory_space<semaphore_mem>>) src(%arg6 : memref<64x128xf32, #tpu.memory_space<vmem>>) dst(%dma_wait3A_160 : memref<64x128xf32, #tpu.memory_space<hbm>>)
      tpu.yield
    }) : () -> ()
    %dma_start3A_111 = arith.constant 6 : i32
    %dma_start3A_112 = arith.constant 0 : i32
    %dma_start3A_113 = tpu.memref_slice %arg5[%dma_start3A_111, %dma_start3A_112] : memref<8x64xi32, #tpu.memory_space<vmem>> -> memref<1x64xi32, #tpu.memory_space<vmem>>
    %dma_start3A_114 = tpu.memref_squeeze %dma_start3A_113 : memref<1x64xi32, #tpu.memory_space<vmem>> -> memref<64xi32, #tpu.memory_space<vmem>>
    %dma_start3A_115 = arith.constant 0 : i32
    %dma_start3A_116 = arith.constant 0 : i32
    %dma_start3A_117 = tpu.memref_slice %arg3[%dma_start3A_115, %dma_start3A_116] : memref<59048x128xf32, #tpu.memory_space<hbm>> -> memref<59048x128xf32, #tpu.memory_space<hbm>>
    tpu.enqueue_indirect_dma source(%dma_start3A_117 : memref<59048x128xf32, #tpu.memory_space<hbm>>) target(%arg6 : memref<64x128xf32, #tpu.memory_space<vmem>>) offsets(%dma_start3A_114 : memref<64xi32, #tpu.memory_space<vmem>>) semaphore(%arg8 : memref<!tpu.dma_semaphore, #tpu.memory_space<semaphore_mem>>)
    %dma_wait3A_118 = arith.constant 5 : i32
    %dma_wait3A_119 = arith.constant 0 : i32
    %dma_wait3A_120 = tpu.memref_slice %arg5[%dma_wait3A_118, %dma_wait3A_119] : memref<8x64xi32, #tpu.memory_space<vmem>> -> memref<1x64xi32, #tpu.memory_space<vmem>>
    %dma_wait3A_121 = tpu.memref_squeeze %dma_wait3A_120 : memref<1x64xi32, #tpu.memory_space<vmem>> -> memref<64xi32, #tpu.memory_space<vmem>>
    %dma_wait3A_122 = arith.constant 0 : i32
    %dma_wait3A_123 = arith.constant 0 : i32
    %dma_wait3A_124 = tpu.memref_slice %arg3[%dma_wait3A_122, %dma_wait3A_123] : memref<59048x128xf32, #tpu.memory_space<hbm>> -> memref<59048x128xf32, #tpu.memory_space<hbm>>
    tpu.wait_indirect_dma semaphore(%arg9 : memref<!tpu.dma_semaphore, #tpu.memory_space<semaphore_mem>>) src(%dma_wait3A_124 : memref<59048x128xf32, #tpu.memory_space<hbm>>) dst(%arg7 : memref<64x128xf32, #tpu.memory_space<vmem>>)
    %add3A_125 = arith.constant 320 : i32
    %add3A_126 = arith.addi %mul3A_2, %add3A_125 : i32
    "tpu.region"() ({
      %run_scoped3A_152 = tpu.sem_alloc : memref<!tpu.dma_semaphore, #tpu.memory_space<semaphore_mem>>
      %dma_start3A_153 = arith.constant 0 : i32
      %dma_start3A_154 = tpu.memref_slice %arg4[%add3A_126, %dma_start3A_153] : memref<16384x128xf32, #tpu.memory_space<hbm>> -> memref<64x128xf32, #tpu.memory_space<hbm>>
      %dma_start3A_155 = arith.constant 0 : i32
      %dma_start3A_156 = tpu.memref_slice %arg4[%add3A_126, %dma_start3A_155] : memref<16384x128xf32, #tpu.memory_space<hbm>> -> memref<64x128xf32, #tpu.memory_space<hbm>>
      tpu.enqueue_dma source(%arg7 : memref<64x128xf32, #tpu.memory_space<vmem>>) target(%dma_start3A_156 : memref<64x128xf32, #tpu.memory_space<hbm>>) target_semaphore(%run_scoped3A_152 : memref<!tpu.dma_semaphore, #tpu.memory_space<semaphore_mem>>)
      %dma_wait3A_157 = arith.constant 0 : i32
      %dma_wait3A_158 = tpu.memref_slice %arg4[%add3A_126, %dma_wait3A_157] : memref<16384x128xf32, #tpu.memory_space<hbm>> -> memref<64x128xf32, #tpu.memory_space<hbm>>
      %dma_wait3A_159 = arith.constant 0 : i32
      %dma_wait3A_160 = tpu.memref_slice %arg4[%add3A_126, %dma_wait3A_159] : memref<16384x128xf32, #tpu.memory_space<hbm>> -> memref<64x128xf32, #tpu.memory_space<hbm>>
      tpu.wait_dma2 semaphore(%run_scoped3A_152 : memref<!tpu.dma_semaphore, #tpu.memory_space<semaphore_mem>>) src(%arg7 : memref<64x128xf32, #tpu.memory_space<vmem>>) dst(%dma_wait3A_160 : memref<64x128xf32, #tpu.memory_space<hbm>>)
      tpu.yield
    }) : () -> ()
    %dma_start3A_127 = arith.constant 7 : i32
    %dma_start3A_128 = arith.constant 0 : i32
    %dma_start3A_129 = tpu.memref_slice %arg5[%dma_start3A_127, %dma_start3A_128] : memref<8x64xi32, #tpu.memory_space<vmem>> -> memref<1x64xi32, #tpu.memory_space<vmem>>
    %dma_start3A_130 = tpu.memref_squeeze %dma_start3A_129 : memref<1x64xi32, #tpu.memory_space<vmem>> -> memref<64xi32, #tpu.memory_space<vmem>>
    %dma_start3A_131 = arith.constant 0 : i32
    %dma_start3A_132 = arith.constant 0 : i32
    %dma_start3A_133 = tpu.memref_slice %arg3[%dma_start3A_131, %dma_start3A_132] : memref<59048x128xf32, #tpu.memory_space<hbm>> -> memref<59048x128xf32, #tpu.memory_space<hbm>>
    tpu.enqueue_indirect_dma source(%dma_start3A_133 : memref<59048x128xf32, #tpu.memory_space<hbm>>) target(%arg7 : memref<64x128xf32, #tpu.memory_space<vmem>>) offsets(%dma_start3A_130 : memref<64xi32, #tpu.memory_space<vmem>>) semaphore(%arg9 : memref<!tpu.dma_semaphore, #tpu.memory_space<semaphore_mem>>)
    %dma_wait3A_134 = arith.constant 6 : i32
    %dma_wait3A_135 = arith.constant 0 : i32
    %dma_wait3A_136 = tpu.memref_slice %arg5[%dma_wait3A_134, %dma_wait3A_135] : memref<8x64xi32, #tpu.memory_space<vmem>> -> memref<1x64xi32, #tpu.memory_space<vmem>>
    %dma_wait3A_137 = tpu.memref_squeeze %dma_wait3A_136 : memref<1x64xi32, #tpu.memory_space<vmem>> -> memref<64xi32, #tpu.memory_space<vmem>>
    %dma_wait3A_138 = arith.constant 0 : i32
    %dma_wait3A_139 = arith.constant 0 : i32
    %dma_wait3A_140 = tpu.memref_slice %arg3[%dma_wait3A_138, %dma_wait3A_139] : memref<59048x128xf32, #tpu.memory_space<hbm>> -> memref<59048x128xf32, #tpu.memory_space<hbm>>
    tpu.wait_indirect_dma semaphore(%arg8 : memref<!tpu.dma_semaphore, #tpu.memory_space<semaphore_mem>>) src(%dma_wait3A_140 : memref<59048x128xf32, #tpu.memory_space<hbm>>) dst(%arg6 : memref<64x128xf32, #tpu.memory_space<vmem>>)
    %add3A_141 = arith.constant 384 : i32
    %add3A_142 = arith.addi %mul3A_2, %add3A_141 : i32
    "tpu.region"() ({
      %run_scoped3A_152 = tpu.sem_alloc : memref<!tpu.dma_semaphore, #tpu.memory_space<semaphore_mem>>
      %dma_start3A_153 = arith.constant 0 : i32
      %dma_start3A_154 = tpu.memref_slice %arg4[%add3A_142, %dma_start3A_153] : memref<16384x128xf32, #tpu.memory_space<hbm>> -> memref<64x128xf32, #tpu.memory_space<hbm>>
      %dma_start3A_155 = arith.constant 0 : i32
      %dma_start3A_156 = tpu.memref_slice %arg4[%add3A_142, %dma_start3A_155] : memref<16384x128xf32, #tpu.memory_space<hbm>> -> memref<64x128xf32, #tpu.memory_space<hbm>>
      tpu.enqueue_dma source(%arg6 : memref<64x128xf32, #tpu.memory_space<vmem>>) target(%dma_start3A_156 : memref<64x128xf32, #tpu.memory_space<hbm>>) target_semaphore(%run_scoped3A_152 : memref<!tpu.dma_semaphore, #tpu.memory_space<semaphore_mem>>)
      %dma_wait3A_157 = arith.constant 0 : i32
      %dma_wait3A_158 = tpu.memref_slice %arg4[%add3A_142, %dma_wait3A_157] : memref<16384x128xf32, #tpu.memory_space<hbm>> -> memref<64x128xf32, #tpu.memory_space<hbm>>
      %dma_wait3A_159 = arith.constant 0 : i32
      %dma_wait3A_160 = tpu.memref_slice %arg4[%add3A_142, %dma_wait3A_159] : memref<16384x128xf32, #tpu.memory_space<hbm>> -> memref<64x128xf32, #tpu.memory_space<hbm>>
      tpu.wait_dma2 semaphore(%run_scoped3A_152 : memref<!tpu.dma_semaphore, #tpu.memory_space<semaphore_mem>>) src(%arg6 : memref<64x128xf32, #tpu.memory_space<vmem>>) dst(%dma_wait3A_160 : memref<64x128xf32, #tpu.memory_space<hbm>>)
      tpu.yield
    }) : () -> ()
    %dma_wait3A_143 = arith.constant 7 : i32
    %dma_wait3A_144 = arith.constant 0 : i32
    %dma_wait3A_145 = tpu.memref_slice %arg5[%dma_wait3A_143, %dma_wait3A_144] : memref<8x64xi32, #tpu.memory_space<vmem>> -> memref<1x64xi32, #tpu.memory_space<vmem>>
    %dma_wait3A_146 = tpu.memref_squeeze %dma_wait3A_145 : memref<1x64xi32, #tpu.memory_space<vmem>> -> memref<64xi32, #tpu.memory_space<vmem>>
    %dma_wait3A_147 = arith.constant 0 : i32
    %dma_wait3A_148 = arith.constant 0 : i32
    %dma_wait3A_149 = tpu.memref_slice %arg3[%dma_wait3A_147, %dma_wait3A_148] : memref<59048x128xf32, #tpu.memory_space<hbm>> -> memref<59048x128xf32, #tpu.memory_space<hbm>>
    tpu.wait_indirect_dma semaphore(%arg9 : memref<!tpu.dma_semaphore, #tpu.memory_space<semaphore_mem>>) src(%dma_wait3A_149 : memref<59048x128xf32, #tpu.memory_space<hbm>>) dst(%arg7 : memref<64x128xf32, #tpu.memory_space<vmem>>)
    %add3A_150 = arith.constant 448 : i32
    %add3A_151 = arith.addi %mul3A_2, %add3A_150 : i32
    "tpu.region"() ({
      %run_scoped3A_152 = tpu.sem_alloc : memref<!tpu.dma_semaphore, #tpu.memory_space<semaphore_mem>>
      %dma_start3A_153 = arith.constant 0 : i32
      %dma_start3A_154 = tpu.memref_slice %arg4[%add3A_151, %dma_start3A_153] : memref<16384x128xf32, #tpu.memory_space<hbm>> -> memref<64x128xf32, #tpu.memory_space<hbm>>
      %dma_start3A_155 = arith.constant 0 : i32
      %dma_start3A_156 = tpu.memref_slice %arg4[%add3A_151, %dma_start3A_155] : memref<16384x128xf32, #tpu.memory_space<hbm>> -> memref<64x128xf32, #tpu.memory_space<hbm>>
      tpu.enqueue_dma source(%arg7 : memref<64x128xf32, #tpu.memory_space<vmem>>) target(%dma_start3A_156 : memref<64x128xf32, #tpu.memory_space<hbm>>) target_semaphore(%run_scoped3A_152 : memref<!tpu.dma_semaphore, #tpu.memory_space<semaphore_mem>>)
      %dma_wait3A_157 = arith.constant 0 : i32
      %dma_wait3A_158 = tpu.memref_slice %arg4[%add3A_151, %dma_wait3A_157] : memref<16384x128xf32, #tpu.memory_space<hbm>> -> memref<64x128xf32, #tpu.memory_space<hbm>>
      %dma_wait3A_159 = arith.constant 0 : i32
      %dma_wait3A_160 = tpu.memref_slice %arg4[%add3A_151, %dma_wait3A_159] : memref<16384x128xf32, #tpu.memory_space<hbm>> -> memref<64x128xf32, #tpu.memory_space<hbm>>
      tpu.wait_dma2 semaphore(%run_scoped3A_152 : memref<!tpu.dma_semaphore, #tpu.memory_space<semaphore_mem>>) src(%arg7 : memref<64x128xf32, #tpu.memory_space<vmem>>) dst(%dma_wait3A_160 : memref<64x128xf32, #tpu.memory_space<hbm>>)
      tpu.yield
    }) : () -> ()
    return
  }
}

#map = affine_map<(d0, d1) -> (0)>
#map1 = affine_map<(d0, d1) -> (0, 0)>
module attributes {stable_mosaic.version = 14 : i64} {
  func.func @gather1(%arg0: i32, %arg1: i32, %arg2: memref<16384xi32, #tpu.memory_space<hbm>>, %arg3: memref<162542x128xf32, #tpu.memory_space<hbm>>, %arg4: memref<16384x128xf32, #tpu.memory_space<hbm>>, %arg5: memref<8x64xi32, #tpu.memory_space<vmem>>, %arg6: memref<64x128xf32, #tpu.memory_space<vmem>>, %arg7: memref<64x128xf32, #tpu.memory_space<vmem>>, %arg8: memref<!tpu.dma_semaphore, #tpu.memory_space<semaphore_mem>>, %arg9: memref<!tpu.dma_semaphore, #tpu.memory_space<semaphore_mem>>) attributes {dimension_semantics = [#tpu.dimension_semantics<core_parallel>, #tpu.dimension_semantics<subcore_parallel>], iteration_bounds = array<i64: 2, 16>, scalar_prefetch = 0 : i64, scratch_operands = 5 : i64, tpu.core_type = #tpu.core_type<sc_vector_subcore>, window_params = [{transform_indices = #map}, {transform_indices = #map1}, {transform_indices = #map1}]} {
    %mul3A = arith.constant 2 : i32
    %mul3A_0 = arith.muli %arg1, %mul3A : i32
    %add3A = arith.addi %mul3A_0, %arg0 : i32
    %mul3A_1 = arith.constant 512 : i32
    %mul3A_2 = arith.muli %add3A, %mul3A_1 : i32
    %add3A_3 = arith.constant 0 : i32
    %add3A_4 = arith.addi %mul3A_2, %add3A_3 : i32
    %run_scoped3A = arith.constant 0 : i32
    "tpu.region"() ({
      %run_scoped3A_152 = tpu.sem_alloc : memref<!tpu.dma_semaphore, #tpu.memory_space<semaphore_mem>>
      %dma_start3A_153 = arith.constant 0 : i32
      %dma_start3A_154 = tpu.memref_slice %arg5[%run_scoped3A, %dma_start3A_153] : memref<8x64xi32, #tpu.memory_space<vmem>> -> memref<1x64xi32, #tpu.memory_space<vmem>>
      %dma_start3A_155 = tpu.memref_squeeze %dma_start3A_154 : memref<1x64xi32, #tpu.memory_space<vmem>> -> memref<64xi32, #tpu.memory_space<vmem>>
      %dma_start3A_156 = tpu.memref_slice %arg2[%add3A_4] : memref<16384xi32, #tpu.memory_space<hbm>> -> memref<64xi32, #tpu.memory_space<hbm>>
      %dma_start3A_157 = arith.constant 0 : i32
      %dma_start3A_158 = tpu.memref_slice %arg5[%run_scoped3A, %dma_start3A_157] : memref<8x64xi32, #tpu.memory_space<vmem>> -> memref<1x64xi32, #tpu.memory_space<vmem>>
      %dma_start3A_159 = tpu.memref_squeeze %dma_start3A_158 : memref<1x64xi32, #tpu.memory_space<vmem>> -> memref<64xi32, #tpu.memory_space<vmem>>
      %dma_start3A_160 = tpu.memref_slice %arg2[%add3A_4] : memref<16384xi32, #tpu.memory_space<hbm>> -> memref<64xi32, #tpu.memory_space<hbm>>
      tpu.enqueue_dma source(%dma_start3A_160 : memref<64xi32, #tpu.memory_space<hbm>>) target(%dma_start3A_159 : memref<64xi32, #tpu.memory_space<vmem>>) target_semaphore(%run_scoped3A_152 : memref<!tpu.dma_semaphore, #tpu.memory_space<semaphore_mem>>)
      %dma_wait3A_161 = arith.constant 0 : i32
      %dma_wait3A_162 = tpu.memref_slice %arg5[%run_scoped3A, %dma_wait3A_161] : memref<8x64xi32, #tpu.memory_space<vmem>> -> memref<1x64xi32, #tpu.memory_space<vmem>>
      %dma_wait3A_163 = tpu.memref_squeeze %dma_wait3A_162 : memref<1x64xi32, #tpu.memory_space<vmem>> -> memref<64xi32, #tpu.memory_space<vmem>>
      %dma_wait3A_164 = tpu.memref_slice %arg2[%add3A_4] : memref<16384xi32, #tpu.memory_space<hbm>> -> memref<64xi32, #tpu.memory_space<hbm>>
      %dma_wait3A_165 = arith.constant 0 : i32
      %dma_wait3A_166 = tpu.memref_slice %arg5[%run_scoped3A, %dma_wait3A_165] : memref<8x64xi32, #tpu.memory_space<vmem>> -> memref<1x64xi32, #tpu.memory_space<vmem>>
      %dma_wait3A_167 = tpu.memref_squeeze %dma_wait3A_166 : memref<1x64xi32, #tpu.memory_space<vmem>> -> memref<64xi32, #tpu.memory_space<vmem>>
      %dma_wait3A_168 = tpu.memref_slice %arg2[%add3A_4] : memref<16384xi32, #tpu.memory_space<hbm>> -> memref<64xi32, #tpu.memory_space<hbm>>
      tpu.wait_dma2 semaphore(%run_scoped3A_152 : memref<!tpu.dma_semaphore, #tpu.memory_space<semaphore_mem>>) src(%dma_wait3A_168 : memref<64xi32, #tpu.memory_space<hbm>>) dst(%dma_wait3A_167 : memref<64xi32, #tpu.memory_space<vmem>>)
      tpu.yield
    }) : () -> ()
    %add3A_5 = arith.constant 64 : i32
    %add3A_6 = arith.addi %mul3A_2, %add3A_5 : i32
    %run_scoped3A_7 = arith.constant 1 : i32
    "tpu.region"() ({
      %run_scoped3A_152 = tpu.sem_alloc : memref<!tpu.dma_semaphore, #tpu.memory_space<semaphore_mem>>
      %dma_start3A_153 = arith.constant 0 : i32
      %dma_start3A_154 = tpu.memref_slice %arg5[%run_scoped3A_7, %dma_start3A_153] : memref<8x64xi32, #tpu.memory_space<vmem>> -> memref<1x64xi32, #tpu.memory_space<vmem>>
      %dma_start3A_155 = tpu.memref_squeeze %dma_start3A_154 : memref<1x64xi32, #tpu.memory_space<vmem>> -> memref<64xi32, #tpu.memory_space<vmem>>
      %dma_start3A_156 = tpu.memref_slice %arg2[%add3A_6] : memref<16384xi32, #tpu.memory_space<hbm>> -> memref<64xi32, #tpu.memory_space<hbm>>
      %dma_start3A_157 = arith.constant 0 : i32
      %dma_start3A_158 = tpu.memref_slice %arg5[%run_scoped3A_7, %dma_start3A_157] : memref<8x64xi32, #tpu.memory_space<vmem>> -> memref<1x64xi32, #tpu.memory_space<vmem>>
      %dma_start3A_159 = tpu.memref_squeeze %dma_start3A_158 : memref<1x64xi32, #tpu.memory_space<vmem>> -> memref<64xi32, #tpu.memory_space<vmem>>
      %dma_start3A_160 = tpu.memref_slice %arg2[%add3A_6] : memref<16384xi32, #tpu.memory_space<hbm>> -> memref<64xi32, #tpu.memory_space<hbm>>
      tpu.enqueue_dma source(%dma_start3A_160 : memref<64xi32, #tpu.memory_space<hbm>>) target(%dma_start3A_159 : memref<64xi32, #tpu.memory_space<vmem>>) target_semaphore(%run_scoped3A_152 : memref<!tpu.dma_semaphore, #tpu.memory_space<semaphore_mem>>)
      %dma_wait3A_161 = arith.constant 0 : i32
      %dma_wait3A_162 = tpu.memref_slice %arg5[%run_scoped3A_7, %dma_wait3A_161] : memref<8x64xi32, #tpu.memory_space<vmem>> -> memref<1x64xi32, #tpu.memory_space<vmem>>
      %dma_wait3A_163 = tpu.memref_squeeze %dma_wait3A_162 : memref<1x64xi32, #tpu.memory_space<vmem>> -> memref<64xi32, #tpu.memory_space<vmem>>
      %dma_wait3A_164 = tpu.memref_slice %arg2[%add3A_6] : memref<16384xi32, #tpu.memory_space<hbm>> -> memref<64xi32, #tpu.memory_space<hbm>>
      %dma_wait3A_165 = arith.constant 0 : i32
      %dma_wait3A_166 = tpu.memref_slice %arg5[%run_scoped3A_7, %dma_wait3A_165] : memref<8x64xi32, #tpu.memory_space<vmem>> -> memref<1x64xi32, #tpu.memory_space<vmem>>
      %dma_wait3A_167 = tpu.memref_squeeze %dma_wait3A_166 : memref<1x64xi32, #tpu.memory_space<vmem>> -> memref<64xi32, #tpu.memory_space<vmem>>
      %dma_wait3A_168 = tpu.memref_slice %arg2[%add3A_6] : memref<16384xi32, #tpu.memory_space<hbm>> -> memref<64xi32, #tpu.memory_space<hbm>>
      tpu.wait_dma2 semaphore(%run_scoped3A_152 : memref<!tpu.dma_semaphore, #tpu.memory_space<semaphore_mem>>) src(%dma_wait3A_168 : memref<64xi32, #tpu.memory_space<hbm>>) dst(%dma_wait3A_167 : memref<64xi32, #tpu.memory_space<vmem>>)
      tpu.yield
    }) : () -> ()
    %add3A_8 = arith.constant 128 : i32
    %add3A_9 = arith.addi %mul3A_2, %add3A_8 : i32
    %run_scoped3A_10 = arith.constant 2 : i32
    "tpu.region"() ({
      %run_scoped3A_152 = tpu.sem_alloc : memref<!tpu.dma_semaphore, #tpu.memory_space<semaphore_mem>>
      %dma_start3A_153 = arith.constant 0 : i32
      %dma_start3A_154 = tpu.memref_slice %arg5[%run_scoped3A_10, %dma_start3A_153] : memref<8x64xi32, #tpu.memory_space<vmem>> -> memref<1x64xi32, #tpu.memory_space<vmem>>
      %dma_start3A_155 = tpu.memref_squeeze %dma_start3A_154 : memref<1x64xi32, #tpu.memory_space<vmem>> -> memref<64xi32, #tpu.memory_space<vmem>>
      %dma_start3A_156 = tpu.memref_slice %arg2[%add3A_9] : memref<16384xi32, #tpu.memory_space<hbm>> -> memref<64xi32, #tpu.memory_space<hbm>>
      %dma_start3A_157 = arith.constant 0 : i32
      %dma_start3A_158 = tpu.memref_slice %arg5[%run_scoped3A_10, %dma_start3A_157] : memref<8x64xi32, #tpu.memory_space<vmem>> -> memref<1x64xi32, #tpu.memory_space<vmem>>
      %dma_start3A_159 = tpu.memref_squeeze %dma_start3A_158 : memref<1x64xi32, #tpu.memory_space<vmem>> -> memref<64xi32, #tpu.memory_space<vmem>>
      %dma_start3A_160 = tpu.memref_slice %arg2[%add3A_9] : memref<16384xi32, #tpu.memory_space<hbm>> -> memref<64xi32, #tpu.memory_space<hbm>>
      tpu.enqueue_dma source(%dma_start3A_160 : memref<64xi32, #tpu.memory_space<hbm>>) target(%dma_start3A_159 : memref<64xi32, #tpu.memory_space<vmem>>) target_semaphore(%run_scoped3A_152 : memref<!tpu.dma_semaphore, #tpu.memory_space<semaphore_mem>>)
      %dma_wait3A_161 = arith.constant 0 : i32
      %dma_wait3A_162 = tpu.memref_slice %arg5[%run_scoped3A_10, %dma_wait3A_161] : memref<8x64xi32, #tpu.memory_space<vmem>> -> memref<1x64xi32, #tpu.memory_space<vmem>>
      %dma_wait3A_163 = tpu.memref_squeeze %dma_wait3A_162 : memref<1x64xi32, #tpu.memory_space<vmem>> -> memref<64xi32, #tpu.memory_space<vmem>>
      %dma_wait3A_164 = tpu.memref_slice %arg2[%add3A_9] : memref<16384xi32, #tpu.memory_space<hbm>> -> memref<64xi32, #tpu.memory_space<hbm>>
      %dma_wait3A_165 = arith.constant 0 : i32
      %dma_wait3A_166 = tpu.memref_slice %arg5[%run_scoped3A_10, %dma_wait3A_165] : memref<8x64xi32, #tpu.memory_space<vmem>> -> memref<1x64xi32, #tpu.memory_space<vmem>>
      %dma_wait3A_167 = tpu.memref_squeeze %dma_wait3A_166 : memref<1x64xi32, #tpu.memory_space<vmem>> -> memref<64xi32, #tpu.memory_space<vmem>>
      %dma_wait3A_168 = tpu.memref_slice %arg2[%add3A_9] : memref<16384xi32, #tpu.memory_space<hbm>> -> memref<64xi32, #tpu.memory_space<hbm>>
      tpu.wait_dma2 semaphore(%run_scoped3A_152 : memref<!tpu.dma_semaphore, #tpu.memory_space<semaphore_mem>>) src(%dma_wait3A_168 : memref<64xi32, #tpu.memory_space<hbm>>) dst(%dma_wait3A_167 : memref<64xi32, #tpu.memory_space<vmem>>)
      tpu.yield
    }) : () -> ()
    %add3A_11 = arith.constant 192 : i32
    %add3A_12 = arith.addi %mul3A_2, %add3A_11 : i32
    %run_scoped3A_13 = arith.constant 3 : i32
    "tpu.region"() ({
      %run_scoped3A_152 = tpu.sem_alloc : memref<!tpu.dma_semaphore, #tpu.memory_space<semaphore_mem>>
      %dma_start3A_153 = arith.constant 0 : i32
      %dma_start3A_154 = tpu.memref_slice %arg5[%run_scoped3A_13, %dma_start3A_153] : memref<8x64xi32, #tpu.memory_space<vmem>> -> memref<1x64xi32, #tpu.memory_space<vmem>>
      %dma_start3A_155 = tpu.memref_squeeze %dma_start3A_154 : memref<1x64xi32, #tpu.memory_space<vmem>> -> memref<64xi32, #tpu.memory_space<vmem>>
      %dma_start3A_156 = tpu.memref_slice %arg2[%add3A_12] : memref<16384xi32, #tpu.memory_space<hbm>> -> memref<64xi32, #tpu.memory_space<hbm>>
      %dma_start3A_157 = arith.constant 0 : i32
      %dma_start3A_158 = tpu.memref_slice %arg5[%run_scoped3A_13, %dma_start3A_157] : memref<8x64xi32, #tpu.memory_space<vmem>> -> memref<1x64xi32, #tpu.memory_space<vmem>>
      %dma_start3A_159 = tpu.memref_squeeze %dma_start3A_158 : memref<1x64xi32, #tpu.memory_space<vmem>> -> memref<64xi32, #tpu.memory_space<vmem>>
      %dma_start3A_160 = tpu.memref_slice %arg2[%add3A_12] : memref<16384xi32, #tpu.memory_space<hbm>> -> memref<64xi32, #tpu.memory_space<hbm>>
      tpu.enqueue_dma source(%dma_start3A_160 : memref<64xi32, #tpu.memory_space<hbm>>) target(%dma_start3A_159 : memref<64xi32, #tpu.memory_space<vmem>>) target_semaphore(%run_scoped3A_152 : memref<!tpu.dma_semaphore, #tpu.memory_space<semaphore_mem>>)
      %dma_wait3A_161 = arith.constant 0 : i32
      %dma_wait3A_162 = tpu.memref_slice %arg5[%run_scoped3A_13, %dma_wait3A_161] : memref<8x64xi32, #tpu.memory_space<vmem>> -> memref<1x64xi32, #tpu.memory_space<vmem>>
      %dma_wait3A_163 = tpu.memref_squeeze %dma_wait3A_162 : memref<1x64xi32, #tpu.memory_space<vmem>> -> memref<64xi32, #tpu.memory_space<vmem>>
      %dma_wait3A_164 = tpu.memref_slice %arg2[%add3A_12] : memref<16384xi32, #tpu.memory_space<hbm>> -> memref<64xi32, #tpu.memory_space<hbm>>
      %dma_wait3A_165 = arith.constant 0 : i32
      %dma_wait3A_166 = tpu.memref_slice %arg5[%run_scoped3A_13, %dma_wait3A_165] : memref<8x64xi32, #tpu.memory_space<vmem>> -> memref<1x64xi32, #tpu.memory_space<vmem>>
      %dma_wait3A_167 = tpu.memref_squeeze %dma_wait3A_166 : memref<1x64xi32, #tpu.memory_space<vmem>> -> memref<64xi32, #tpu.memory_space<vmem>>
      %dma_wait3A_168 = tpu.memref_slice %arg2[%add3A_12] : memref<16384xi32, #tpu.memory_space<hbm>> -> memref<64xi32, #tpu.memory_space<hbm>>
      tpu.wait_dma2 semaphore(%run_scoped3A_152 : memref<!tpu.dma_semaphore, #tpu.memory_space<semaphore_mem>>) src(%dma_wait3A_168 : memref<64xi32, #tpu.memory_space<hbm>>) dst(%dma_wait3A_167 : memref<64xi32, #tpu.memory_space<vmem>>)
      tpu.yield
    }) : () -> ()
    %add3A_14 = arith.constant 256 : i32
    %add3A_15 = arith.addi %mul3A_2, %add3A_14 : i32
    %run_scoped3A_16 = arith.constant 4 : i32
    "tpu.region"() ({
      %run_scoped3A_152 = tpu.sem_alloc : memref<!tpu.dma_semaphore, #tpu.memory_space<semaphore_mem>>
      %dma_start3A_153 = arith.constant 0 : i32
      %dma_start3A_154 = tpu.memref_slice %arg5[%run_scoped3A_16, %dma_start3A_153] : memref<8x64xi32, #tpu.memory_space<vmem>> -> memref<1x64xi32, #tpu.memory_space<vmem>>
      %dma_start3A_155 = tpu.memref_squeeze %dma_start3A_154 : memref<1x64xi32, #tpu.memory_space<vmem>> -> memref<64xi32, #tpu.memory_space<vmem>>
      %dma_start3A_156 = tpu.memref_slice %arg2[%add3A_15] : memref<16384xi32, #tpu.memory_space<hbm>> -> memref<64xi32, #tpu.memory_space<hbm>>
      %dma_start3A_157 = arith.constant 0 : i32
      %dma_start3A_158 = tpu.memref_slice %arg5[%run_scoped3A_16, %dma_start3A_157] : memref<8x64xi32, #tpu.memory_space<vmem>> -> memref<1x64xi32, #tpu.memory_space<vmem>>
      %dma_start3A_159 = tpu.memref_squeeze %dma_start3A_158 : memref<1x64xi32, #tpu.memory_space<vmem>> -> memref<64xi32, #tpu.memory_space<vmem>>
      %dma_start3A_160 = tpu.memref_slice %arg2[%add3A_15] : memref<16384xi32, #tpu.memory_space<hbm>> -> memref<64xi32, #tpu.memory_space<hbm>>
      tpu.enqueue_dma source(%dma_start3A_160 : memref<64xi32, #tpu.memory_space<hbm>>) target(%dma_start3A_159 : memref<64xi32, #tpu.memory_space<vmem>>) target_semaphore(%run_scoped3A_152 : memref<!tpu.dma_semaphore, #tpu.memory_space<semaphore_mem>>)
      %dma_wait3A_161 = arith.constant 0 : i32
      %dma_wait3A_162 = tpu.memref_slice %arg5[%run_scoped3A_16, %dma_wait3A_161] : memref<8x64xi32, #tpu.memory_space<vmem>> -> memref<1x64xi32, #tpu.memory_space<vmem>>
      %dma_wait3A_163 = tpu.memref_squeeze %dma_wait3A_162 : memref<1x64xi32, #tpu.memory_space<vmem>> -> memref<64xi32, #tpu.memory_space<vmem>>
      %dma_wait3A_164 = tpu.memref_slice %arg2[%add3A_15] : memref<16384xi32, #tpu.memory_space<hbm>> -> memref<64xi32, #tpu.memory_space<hbm>>
      %dma_wait3A_165 = arith.constant 0 : i32
      %dma_wait3A_166 = tpu.memref_slice %arg5[%run_scoped3A_16, %dma_wait3A_165] : memref<8x64xi32, #tpu.memory_space<vmem>> -> memref<1x64xi32, #tpu.memory_space<vmem>>
      %dma_wait3A_167 = tpu.memref_squeeze %dma_wait3A_166 : memref<1x64xi32, #tpu.memory_space<vmem>> -> memref<64xi32, #tpu.memory_space<vmem>>
      %dma_wait3A_168 = tpu.memref_slice %arg2[%add3A_15] : memref<16384xi32, #tpu.memory_space<hbm>> -> memref<64xi32, #tpu.memory_space<hbm>>
      tpu.wait_dma2 semaphore(%run_scoped3A_152 : memref<!tpu.dma_semaphore, #tpu.memory_space<semaphore_mem>>) src(%dma_wait3A_168 : memref<64xi32, #tpu.memory_space<hbm>>) dst(%dma_wait3A_167 : memref<64xi32, #tpu.memory_space<vmem>>)
      tpu.yield
    }) : () -> ()
    %add3A_17 = arith.constant 320 : i32
    %add3A_18 = arith.addi %mul3A_2, %add3A_17 : i32
    %run_scoped3A_19 = arith.constant 5 : i32
    "tpu.region"() ({
      %run_scoped3A_152 = tpu.sem_alloc : memref<!tpu.dma_semaphore, #tpu.memory_space<semaphore_mem>>
      %dma_start3A_153 = arith.constant 0 : i32
      %dma_start3A_154 = tpu.memref_slice %arg5[%run_scoped3A_19, %dma_start3A_153] : memref<8x64xi32, #tpu.memory_space<vmem>> -> memref<1x64xi32, #tpu.memory_space<vmem>>
      %dma_start3A_155 = tpu.memref_squeeze %dma_start3A_154 : memref<1x64xi32, #tpu.memory_space<vmem>> -> memref<64xi32, #tpu.memory_space<vmem>>
      %dma_start3A_156 = tpu.memref_slice %arg2[%add3A_18] : memref<16384xi32, #tpu.memory_space<hbm>> -> memref<64xi32, #tpu.memory_space<hbm>>
      %dma_start3A_157 = arith.constant 0 : i32
      %dma_start3A_158 = tpu.memref_slice %arg5[%run_scoped3A_19, %dma_start3A_157] : memref<8x64xi32, #tpu.memory_space<vmem>> -> memref<1x64xi32, #tpu.memory_space<vmem>>
      %dma_start3A_159 = tpu.memref_squeeze %dma_start3A_158 : memref<1x64xi32, #tpu.memory_space<vmem>> -> memref<64xi32, #tpu.memory_space<vmem>>
      %dma_start3A_160 = tpu.memref_slice %arg2[%add3A_18] : memref<16384xi32, #tpu.memory_space<hbm>> -> memref<64xi32, #tpu.memory_space<hbm>>
      tpu.enqueue_dma source(%dma_start3A_160 : memref<64xi32, #tpu.memory_space<hbm>>) target(%dma_start3A_159 : memref<64xi32, #tpu.memory_space<vmem>>) target_semaphore(%run_scoped3A_152 : memref<!tpu.dma_semaphore, #tpu.memory_space<semaphore_mem>>)
      %dma_wait3A_161 = arith.constant 0 : i32
      %dma_wait3A_162 = tpu.memref_slice %arg5[%run_scoped3A_19, %dma_wait3A_161] : memref<8x64xi32, #tpu.memory_space<vmem>> -> memref<1x64xi32, #tpu.memory_space<vmem>>
      %dma_wait3A_163 = tpu.memref_squeeze %dma_wait3A_162 : memref<1x64xi32, #tpu.memory_space<vmem>> -> memref<64xi32, #tpu.memory_space<vmem>>
      %dma_wait3A_164 = tpu.memref_slice %arg2[%add3A_18] : memref<16384xi32, #tpu.memory_space<hbm>> -> memref<64xi32, #tpu.memory_space<hbm>>
      %dma_wait3A_165 = arith.constant 0 : i32
      %dma_wait3A_166 = tpu.memref_slice %arg5[%run_scoped3A_19, %dma_wait3A_165] : memref<8x64xi32, #tpu.memory_space<vmem>> -> memref<1x64xi32, #tpu.memory_space<vmem>>
      %dma_wait3A_167 = tpu.memref_squeeze %dma_wait3A_166 : memref<1x64xi32, #tpu.memory_space<vmem>> -> memref<64xi32, #tpu.memory_space<vmem>>
      %dma_wait3A_168 = tpu.memref_slice %arg2[%add3A_18] : memref<16384xi32, #tpu.memory_space<hbm>> -> memref<64xi32, #tpu.memory_space<hbm>>
      tpu.wait_dma2 semaphore(%run_scoped3A_152 : memref<!tpu.dma_semaphore, #tpu.memory_space<semaphore_mem>>) src(%dma_wait3A_168 : memref<64xi32, #tpu.memory_space<hbm>>) dst(%dma_wait3A_167 : memref<64xi32, #tpu.memory_space<vmem>>)
      tpu.yield
    }) : () -> ()
    %add3A_20 = arith.constant 384 : i32
    %add3A_21 = arith.addi %mul3A_2, %add3A_20 : i32
    %run_scoped3A_22 = arith.constant 6 : i32
    "tpu.region"() ({
      %run_scoped3A_152 = tpu.sem_alloc : memref<!tpu.dma_semaphore, #tpu.memory_space<semaphore_mem>>
      %dma_start3A_153 = arith.constant 0 : i32
      %dma_start3A_154 = tpu.memref_slice %arg5[%run_scoped3A_22, %dma_start3A_153] : memref<8x64xi32, #tpu.memory_space<vmem>> -> memref<1x64xi32, #tpu.memory_space<vmem>>
      %dma_start3A_155 = tpu.memref_squeeze %dma_start3A_154 : memref<1x64xi32, #tpu.memory_space<vmem>> -> memref<64xi32, #tpu.memory_space<vmem>>
      %dma_start3A_156 = tpu.memref_slice %arg2[%add3A_21] : memref<16384xi32, #tpu.memory_space<hbm>> -> memref<64xi32, #tpu.memory_space<hbm>>
      %dma_start3A_157 = arith.constant 0 : i32
      %dma_start3A_158 = tpu.memref_slice %arg5[%run_scoped3A_22, %dma_start3A_157] : memref<8x64xi32, #tpu.memory_space<vmem>> -> memref<1x64xi32, #tpu.memory_space<vmem>>
      %dma_start3A_159 = tpu.memref_squeeze %dma_start3A_158 : memref<1x64xi32, #tpu.memory_space<vmem>> -> memref<64xi32, #tpu.memory_space<vmem>>
      %dma_start3A_160 = tpu.memref_slice %arg2[%add3A_21] : memref<16384xi32, #tpu.memory_space<hbm>> -> memref<64xi32, #tpu.memory_space<hbm>>
      tpu.enqueue_dma source(%dma_start3A_160 : memref<64xi32, #tpu.memory_space<hbm>>) target(%dma_start3A_159 : memref<64xi32, #tpu.memory_space<vmem>>) target_semaphore(%run_scoped3A_152 : memref<!tpu.dma_semaphore, #tpu.memory_space<semaphore_mem>>)
      %dma_wait3A_161 = arith.constant 0 : i32
      %dma_wait3A_162 = tpu.memref_slice %arg5[%run_scoped3A_22, %dma_wait3A_161] : memref<8x64xi32, #tpu.memory_space<vmem>> -> memref<1x64xi32, #tpu.memory_space<vmem>>
      %dma_wait3A_163 = tpu.memref_squeeze %dma_wait3A_162 : memref<1x64xi32, #tpu.memory_space<vmem>> -> memref<64xi32, #tpu.memory_space<vmem>>
      %dma_wait3A_164 = tpu.memref_slice %arg2[%add3A_21] : memref<16384xi32, #tpu.memory_space<hbm>> -> memref<64xi32, #tpu.memory_space<hbm>>
      %dma_wait3A_165 = arith.constant 0 : i32
      %dma_wait3A_166 = tpu.memref_slice %arg5[%run_scoped3A_22, %dma_wait3A_165] : memref<8x64xi32, #tpu.memory_space<vmem>> -> memref<1x64xi32, #tpu.memory_space<vmem>>
      %dma_wait3A_167 = tpu.memref_squeeze %dma_wait3A_166 : memref<1x64xi32, #tpu.memory_space<vmem>> -> memref<64xi32, #tpu.memory_space<vmem>>
      %dma_wait3A_168 = tpu.memref_slice %arg2[%add3A_21] : memref<16384xi32, #tpu.memory_space<hbm>> -> memref<64xi32, #tpu.memory_space<hbm>>
      tpu.wait_dma2 semaphore(%run_scoped3A_152 : memref<!tpu.dma_semaphore, #tpu.memory_space<semaphore_mem>>) src(%dma_wait3A_168 : memref<64xi32, #tpu.memory_space<hbm>>) dst(%dma_wait3A_167 : memref<64xi32, #tpu.memory_space<vmem>>)
      tpu.yield
    }) : () -> ()
    %add3A_23 = arith.constant 448 : i32
    %add3A_24 = arith.addi %mul3A_2, %add3A_23 : i32
    %run_scoped3A_25 = arith.constant 7 : i32
    "tpu.region"() ({
      %run_scoped3A_152 = tpu.sem_alloc : memref<!tpu.dma_semaphore, #tpu.memory_space<semaphore_mem>>
      %dma_start3A_153 = arith.constant 0 : i32
      %dma_start3A_154 = tpu.memref_slice %arg5[%run_scoped3A_25, %dma_start3A_153] : memref<8x64xi32, #tpu.memory_space<vmem>> -> memref<1x64xi32, #tpu.memory_space<vmem>>
      %dma_start3A_155 = tpu.memref_squeeze %dma_start3A_154 : memref<1x64xi32, #tpu.memory_space<vmem>> -> memref<64xi32, #tpu.memory_space<vmem>>
      %dma_start3A_156 = tpu.memref_slice %arg2[%add3A_24] : memref<16384xi32, #tpu.memory_space<hbm>> -> memref<64xi32, #tpu.memory_space<hbm>>
      %dma_start3A_157 = arith.constant 0 : i32
      %dma_start3A_158 = tpu.memref_slice %arg5[%run_scoped3A_25, %dma_start3A_157] : memref<8x64xi32, #tpu.memory_space<vmem>> -> memref<1x64xi32, #tpu.memory_space<vmem>>
      %dma_start3A_159 = tpu.memref_squeeze %dma_start3A_158 : memref<1x64xi32, #tpu.memory_space<vmem>> -> memref<64xi32, #tpu.memory_space<vmem>>
      %dma_start3A_160 = tpu.memref_slice %arg2[%add3A_24] : memref<16384xi32, #tpu.memory_space<hbm>> -> memref<64xi32, #tpu.memory_space<hbm>>
      tpu.enqueue_dma source(%dma_start3A_160 : memref<64xi32, #tpu.memory_space<hbm>>) target(%dma_start3A_159 : memref<64xi32, #tpu.memory_space<vmem>>) target_semaphore(%run_scoped3A_152 : memref<!tpu.dma_semaphore, #tpu.memory_space<semaphore_mem>>)
      %dma_wait3A_161 = arith.constant 0 : i32
      %dma_wait3A_162 = tpu.memref_slice %arg5[%run_scoped3A_25, %dma_wait3A_161] : memref<8x64xi32, #tpu.memory_space<vmem>> -> memref<1x64xi32, #tpu.memory_space<vmem>>
      %dma_wait3A_163 = tpu.memref_squeeze %dma_wait3A_162 : memref<1x64xi32, #tpu.memory_space<vmem>> -> memref<64xi32, #tpu.memory_space<vmem>>
      %dma_wait3A_164 = tpu.memref_slice %arg2[%add3A_24] : memref<16384xi32, #tpu.memory_space<hbm>> -> memref<64xi32, #tpu.memory_space<hbm>>
      %dma_wait3A_165 = arith.constant 0 : i32
      %dma_wait3A_166 = tpu.memref_slice %arg5[%run_scoped3A_25, %dma_wait3A_165] : memref<8x64xi32, #tpu.memory_space<vmem>> -> memref<1x64xi32, #tpu.memory_space<vmem>>
      %dma_wait3A_167 = tpu.memref_squeeze %dma_wait3A_166 : memref<1x64xi32, #tpu.memory_space<vmem>> -> memref<64xi32, #tpu.memory_space<vmem>>
      %dma_wait3A_168 = tpu.memref_slice %arg2[%add3A_24] : memref<16384xi32, #tpu.memory_space<hbm>> -> memref<64xi32, #tpu.memory_space<hbm>>
      tpu.wait_dma2 semaphore(%run_scoped3A_152 : memref<!tpu.dma_semaphore, #tpu.memory_space<semaphore_mem>>) src(%dma_wait3A_168 : memref<64xi32, #tpu.memory_space<hbm>>) dst(%dma_wait3A_167 : memref<64xi32, #tpu.memory_space<vmem>>)
      tpu.yield
    }) : () -> ()
    %dma_start3A = arith.constant 0 : i32
    %dma_start3A_26 = arith.constant 0 : i32
    %dma_start3A_27 = tpu.memref_slice %arg5[%dma_start3A, %dma_start3A_26] : memref<8x64xi32, #tpu.memory_space<vmem>> -> memref<1x64xi32, #tpu.memory_space<vmem>>
    %dma_start3A_28 = tpu.memref_squeeze %dma_start3A_27 : memref<1x64xi32, #tpu.memory_space<vmem>> -> memref<64xi32, #tpu.memory_space<vmem>>
    %dma_start3A_29 = arith.constant 0 : i32
    %dma_start3A_30 = arith.constant 0 : i32
    %dma_start3A_31 = tpu.memref_slice %arg3[%dma_start3A_29, %dma_start3A_30] : memref<162542x128xf32, #tpu.memory_space<hbm>> -> memref<162542x128xf32, #tpu.memory_space<hbm>>
    tpu.enqueue_indirect_dma source(%dma_start3A_31 : memref<162542x128xf32, #tpu.memory_space<hbm>>) target(%arg6 : memref<64x128xf32, #tpu.memory_space<vmem>>) offsets(%dma_start3A_28 : memref<64xi32, #tpu.memory_space<vmem>>) semaphore(%arg8 : memref<!tpu.dma_semaphore, #tpu.memory_space<semaphore_mem>>)
    %dma_start3A_32 = arith.constant 1 : i32
    %dma_start3A_33 = arith.constant 0 : i32
    %dma_start3A_34 = tpu.memref_slice %arg5[%dma_start3A_32, %dma_start3A_33] : memref<8x64xi32, #tpu.memory_space<vmem>> -> memref<1x64xi32, #tpu.memory_space<vmem>>
    %dma_start3A_35 = tpu.memref_squeeze %dma_start3A_34 : memref<1x64xi32, #tpu.memory_space<vmem>> -> memref<64xi32, #tpu.memory_space<vmem>>
    %dma_start3A_36 = arith.constant 0 : i32
    %dma_start3A_37 = arith.constant 0 : i32
    %dma_start3A_38 = tpu.memref_slice %arg3[%dma_start3A_36, %dma_start3A_37] : memref<162542x128xf32, #tpu.memory_space<hbm>> -> memref<162542x128xf32, #tpu.memory_space<hbm>>
    tpu.enqueue_indirect_dma source(%dma_start3A_38 : memref<162542x128xf32, #tpu.memory_space<hbm>>) target(%arg7 : memref<64x128xf32, #tpu.memory_space<vmem>>) offsets(%dma_start3A_35 : memref<64xi32, #tpu.memory_space<vmem>>) semaphore(%arg9 : memref<!tpu.dma_semaphore, #tpu.memory_space<semaphore_mem>>)
    %dma_wait3A = arith.constant 0 : i32
    %dma_wait3A_39 = arith.constant 0 : i32
    %dma_wait3A_40 = tpu.memref_slice %arg5[%dma_wait3A, %dma_wait3A_39] : memref<8x64xi32, #tpu.memory_space<vmem>> -> memref<1x64xi32, #tpu.memory_space<vmem>>
    %dma_wait3A_41 = tpu.memref_squeeze %dma_wait3A_40 : memref<1x64xi32, #tpu.memory_space<vmem>> -> memref<64xi32, #tpu.memory_space<vmem>>
    %dma_wait3A_42 = arith.constant 0 : i32
    %dma_wait3A_43 = arith.constant 0 : i32
    %dma_wait3A_44 = tpu.memref_slice %arg3[%dma_wait3A_42, %dma_wait3A_43] : memref<162542x128xf32, #tpu.memory_space<hbm>> -> memref<162542x128xf32, #tpu.memory_space<hbm>>
    tpu.wait_indirect_dma semaphore(%arg8 : memref<!tpu.dma_semaphore, #tpu.memory_space<semaphore_mem>>) src(%dma_wait3A_44 : memref<162542x128xf32, #tpu.memory_space<hbm>>) dst(%arg6 : memref<64x128xf32, #tpu.memory_space<vmem>>)
    %add3A_45 = arith.constant 0 : i32
    %add3A_46 = arith.addi %mul3A_2, %add3A_45 : i32
    "tpu.region"() ({
      %run_scoped3A_152 = tpu.sem_alloc : memref<!tpu.dma_semaphore, #tpu.memory_space<semaphore_mem>>
      %dma_start3A_153 = arith.constant 0 : i32
      %dma_start3A_154 = tpu.memref_slice %arg4[%add3A_46, %dma_start3A_153] : memref<16384x128xf32, #tpu.memory_space<hbm>> -> memref<64x128xf32, #tpu.memory_space<hbm>>
      %dma_start3A_155 = arith.constant 0 : i32
      %dma_start3A_156 = tpu.memref_slice %arg4[%add3A_46, %dma_start3A_155] : memref<16384x128xf32, #tpu.memory_space<hbm>> -> memref<64x128xf32, #tpu.memory_space<hbm>>
      tpu.enqueue_dma source(%arg6 : memref<64x128xf32, #tpu.memory_space<vmem>>) target(%dma_start3A_156 : memref<64x128xf32, #tpu.memory_space<hbm>>) target_semaphore(%run_scoped3A_152 : memref<!tpu.dma_semaphore, #tpu.memory_space<semaphore_mem>>)
      %dma_wait3A_157 = arith.constant 0 : i32
      %dma_wait3A_158 = tpu.memref_slice %arg4[%add3A_46, %dma_wait3A_157] : memref<16384x128xf32, #tpu.memory_space<hbm>> -> memref<64x128xf32, #tpu.memory_space<hbm>>
      %dma_wait3A_159 = arith.constant 0 : i32
      %dma_wait3A_160 = tpu.memref_slice %arg4[%add3A_46, %dma_wait3A_159] : memref<16384x128xf32, #tpu.memory_space<hbm>> -> memref<64x128xf32, #tpu.memory_space<hbm>>
      tpu.wait_dma2 semaphore(%run_scoped3A_152 : memref<!tpu.dma_semaphore, #tpu.memory_space<semaphore_mem>>) src(%arg6 : memref<64x128xf32, #tpu.memory_space<vmem>>) dst(%dma_wait3A_160 : memref<64x128xf32, #tpu.memory_space<hbm>>)
      tpu.yield
    }) : () -> ()
    %dma_start3A_47 = arith.constant 2 : i32
    %dma_start3A_48 = arith.constant 0 : i32
    %dma_start3A_49 = tpu.memref_slice %arg5[%dma_start3A_47, %dma_start3A_48] : memref<8x64xi32, #tpu.memory_space<vmem>> -> memref<1x64xi32, #tpu.memory_space<vmem>>
    %dma_start3A_50 = tpu.memref_squeeze %dma_start3A_49 : memref<1x64xi32, #tpu.memory_space<vmem>> -> memref<64xi32, #tpu.memory_space<vmem>>
    %dma_start3A_51 = arith.constant 0 : i32
    %dma_start3A_52 = arith.constant 0 : i32
    %dma_start3A_53 = tpu.memref_slice %arg3[%dma_start3A_51, %dma_start3A_52] : memref<162542x128xf32, #tpu.memory_space<hbm>> -> memref<162542x128xf32, #tpu.memory_space<hbm>>
    tpu.enqueue_indirect_dma source(%dma_start3A_53 : memref<162542x128xf32, #tpu.memory_space<hbm>>) target(%arg6 : memref<64x128xf32, #tpu.memory_space<vmem>>) offsets(%dma_start3A_50 : memref<64xi32, #tpu.memory_space<vmem>>) semaphore(%arg8 : memref<!tpu.dma_semaphore, #tpu.memory_space<semaphore_mem>>)
    %dma_wait3A_54 = arith.constant 1 : i32
    %dma_wait3A_55 = arith.constant 0 : i32
    %dma_wait3A_56 = tpu.memref_slice %arg5[%dma_wait3A_54, %dma_wait3A_55] : memref<8x64xi32, #tpu.memory_space<vmem>> -> memref<1x64xi32, #tpu.memory_space<vmem>>
    %dma_wait3A_57 = tpu.memref_squeeze %dma_wait3A_56 : memref<1x64xi32, #tpu.memory_space<vmem>> -> memref<64xi32, #tpu.memory_space<vmem>>
    %dma_wait3A_58 = arith.constant 0 : i32
    %dma_wait3A_59 = arith.constant 0 : i32
    %dma_wait3A_60 = tpu.memref_slice %arg3[%dma_wait3A_58, %dma_wait3A_59] : memref<162542x128xf32, #tpu.memory_space<hbm>> -> memref<162542x128xf32, #tpu.memory_space<hbm>>
    tpu.wait_indirect_dma semaphore(%arg9 : memref<!tpu.dma_semaphore, #tpu.memory_space<semaphore_mem>>) src(%dma_wait3A_60 : memref<162542x128xf32, #tpu.memory_space<hbm>>) dst(%arg7 : memref<64x128xf32, #tpu.memory_space<vmem>>)
    %add3A_61 = arith.constant 64 : i32
    %add3A_62 = arith.addi %mul3A_2, %add3A_61 : i32
    "tpu.region"() ({
      %run_scoped3A_152 = tpu.sem_alloc : memref<!tpu.dma_semaphore, #tpu.memory_space<semaphore_mem>>
      %dma_start3A_153 = arith.constant 0 : i32
      %dma_start3A_154 = tpu.memref_slice %arg4[%add3A_62, %dma_start3A_153] : memref<16384x128xf32, #tpu.memory_space<hbm>> -> memref<64x128xf32, #tpu.memory_space<hbm>>
      %dma_start3A_155 = arith.constant 0 : i32
      %dma_start3A_156 = tpu.memref_slice %arg4[%add3A_62, %dma_start3A_155] : memref<16384x128xf32, #tpu.memory_space<hbm>> -> memref<64x128xf32, #tpu.memory_space<hbm>>
      tpu.enqueue_dma source(%arg7 : memref<64x128xf32, #tpu.memory_space<vmem>>) target(%dma_start3A_156 : memref<64x128xf32, #tpu.memory_space<hbm>>) target_semaphore(%run_scoped3A_152 : memref<!tpu.dma_semaphore, #tpu.memory_space<semaphore_mem>>)
      %dma_wait3A_157 = arith.constant 0 : i32
      %dma_wait3A_158 = tpu.memref_slice %arg4[%add3A_62, %dma_wait3A_157] : memref<16384x128xf32, #tpu.memory_space<hbm>> -> memref<64x128xf32, #tpu.memory_space<hbm>>
      %dma_wait3A_159 = arith.constant 0 : i32
      %dma_wait3A_160 = tpu.memref_slice %arg4[%add3A_62, %dma_wait3A_159] : memref<16384x128xf32, #tpu.memory_space<hbm>> -> memref<64x128xf32, #tpu.memory_space<hbm>>
      tpu.wait_dma2 semaphore(%run_scoped3A_152 : memref<!tpu.dma_semaphore, #tpu.memory_space<semaphore_mem>>) src(%arg7 : memref<64x128xf32, #tpu.memory_space<vmem>>) dst(%dma_wait3A_160 : memref<64x128xf32, #tpu.memory_space<hbm>>)
      tpu.yield
    }) : () -> ()
    %dma_start3A_63 = arith.constant 3 : i32
    %dma_start3A_64 = arith.constant 0 : i32
    %dma_start3A_65 = tpu.memref_slice %arg5[%dma_start3A_63, %dma_start3A_64] : memref<8x64xi32, #tpu.memory_space<vmem>> -> memref<1x64xi32, #tpu.memory_space<vmem>>
    %dma_start3A_66 = tpu.memref_squeeze %dma_start3A_65 : memref<1x64xi32, #tpu.memory_space<vmem>> -> memref<64xi32, #tpu.memory_space<vmem>>
    %dma_start3A_67 = arith.constant 0 : i32
    %dma_start3A_68 = arith.constant 0 : i32
    %dma_start3A_69 = tpu.memref_slice %arg3[%dma_start3A_67, %dma_start3A_68] : memref<162542x128xf32, #tpu.memory_space<hbm>> -> memref<162542x128xf32, #tpu.memory_space<hbm>>
    tpu.enqueue_indirect_dma source(%dma_start3A_69 : memref<162542x128xf32, #tpu.memory_space<hbm>>) target(%arg7 : memref<64x128xf32, #tpu.memory_space<vmem>>) offsets(%dma_start3A_66 : memref<64xi32, #tpu.memory_space<vmem>>) semaphore(%arg9 : memref<!tpu.dma_semaphore, #tpu.memory_space<semaphore_mem>>)
    %dma_wait3A_70 = arith.constant 2 : i32
    %dma_wait3A_71 = arith.constant 0 : i32
    %dma_wait3A_72 = tpu.memref_slice %arg5[%dma_wait3A_70, %dma_wait3A_71] : memref<8x64xi32, #tpu.memory_space<vmem>> -> memref<1x64xi32, #tpu.memory_space<vmem>>
    %dma_wait3A_73 = tpu.memref_squeeze %dma_wait3A_72 : memref<1x64xi32, #tpu.memory_space<vmem>> -> memref<64xi32, #tpu.memory_space<vmem>>
    %dma_wait3A_74 = arith.constant 0 : i32
    %dma_wait3A_75 = arith.constant 0 : i32
    %dma_wait3A_76 = tpu.memref_slice %arg3[%dma_wait3A_74, %dma_wait3A_75] : memref<162542x128xf32, #tpu.memory_space<hbm>> -> memref<162542x128xf32, #tpu.memory_space<hbm>>
    tpu.wait_indirect_dma semaphore(%arg8 : memref<!tpu.dma_semaphore, #tpu.memory_space<semaphore_mem>>) src(%dma_wait3A_76 : memref<162542x128xf32, #tpu.memory_space<hbm>>) dst(%arg6 : memref<64x128xf32, #tpu.memory_space<vmem>>)
    %add3A_77 = arith.constant 128 : i32
    %add3A_78 = arith.addi %mul3A_2, %add3A_77 : i32
    "tpu.region"() ({
      %run_scoped3A_152 = tpu.sem_alloc : memref<!tpu.dma_semaphore, #tpu.memory_space<semaphore_mem>>
      %dma_start3A_153 = arith.constant 0 : i32
      %dma_start3A_154 = tpu.memref_slice %arg4[%add3A_78, %dma_start3A_153] : memref<16384x128xf32, #tpu.memory_space<hbm>> -> memref<64x128xf32, #tpu.memory_space<hbm>>
      %dma_start3A_155 = arith.constant 0 : i32
      %dma_start3A_156 = tpu.memref_slice %arg4[%add3A_78, %dma_start3A_155] : memref<16384x128xf32, #tpu.memory_space<hbm>> -> memref<64x128xf32, #tpu.memory_space<hbm>>
      tpu.enqueue_dma source(%arg6 : memref<64x128xf32, #tpu.memory_space<vmem>>) target(%dma_start3A_156 : memref<64x128xf32, #tpu.memory_space<hbm>>) target_semaphore(%run_scoped3A_152 : memref<!tpu.dma_semaphore, #tpu.memory_space<semaphore_mem>>)
      %dma_wait3A_157 = arith.constant 0 : i32
      %dma_wait3A_158 = tpu.memref_slice %arg4[%add3A_78, %dma_wait3A_157] : memref<16384x128xf32, #tpu.memory_space<hbm>> -> memref<64x128xf32, #tpu.memory_space<hbm>>
      %dma_wait3A_159 = arith.constant 0 : i32
      %dma_wait3A_160 = tpu.memref_slice %arg4[%add3A_78, %dma_wait3A_159] : memref<16384x128xf32, #tpu.memory_space<hbm>> -> memref<64x128xf32, #tpu.memory_space<hbm>>
      tpu.wait_dma2 semaphore(%run_scoped3A_152 : memref<!tpu.dma_semaphore, #tpu.memory_space<semaphore_mem>>) src(%arg6 : memref<64x128xf32, #tpu.memory_space<vmem>>) dst(%dma_wait3A_160 : memref<64x128xf32, #tpu.memory_space<hbm>>)
      tpu.yield
    }) : () -> ()
    %dma_start3A_79 = arith.constant 4 : i32
    %dma_start3A_80 = arith.constant 0 : i32
    %dma_start3A_81 = tpu.memref_slice %arg5[%dma_start3A_79, %dma_start3A_80] : memref<8x64xi32, #tpu.memory_space<vmem>> -> memref<1x64xi32, #tpu.memory_space<vmem>>
    %dma_start3A_82 = tpu.memref_squeeze %dma_start3A_81 : memref<1x64xi32, #tpu.memory_space<vmem>> -> memref<64xi32, #tpu.memory_space<vmem>>
    %dma_start3A_83 = arith.constant 0 : i32
    %dma_start3A_84 = arith.constant 0 : i32
    %dma_start3A_85 = tpu.memref_slice %arg3[%dma_start3A_83, %dma_start3A_84] : memref<162542x128xf32, #tpu.memory_space<hbm>> -> memref<162542x128xf32, #tpu.memory_space<hbm>>
    tpu.enqueue_indirect_dma source(%dma_start3A_85 : memref<162542x128xf32, #tpu.memory_space<hbm>>) target(%arg6 : memref<64x128xf32, #tpu.memory_space<vmem>>) offsets(%dma_start3A_82 : memref<64xi32, #tpu.memory_space<vmem>>) semaphore(%arg8 : memref<!tpu.dma_semaphore, #tpu.memory_space<semaphore_mem>>)
    %dma_wait3A_86 = arith.constant 3 : i32
    %dma_wait3A_87 = arith.constant 0 : i32
    %dma_wait3A_88 = tpu.memref_slice %arg5[%dma_wait3A_86, %dma_wait3A_87] : memref<8x64xi32, #tpu.memory_space<vmem>> -> memref<1x64xi32, #tpu.memory_space<vmem>>
    %dma_wait3A_89 = tpu.memref_squeeze %dma_wait3A_88 : memref<1x64xi32, #tpu.memory_space<vmem>> -> memref<64xi32, #tpu.memory_space<vmem>>
    %dma_wait3A_90 = arith.constant 0 : i32
    %dma_wait3A_91 = arith.constant 0 : i32
    %dma_wait3A_92 = tpu.memref_slice %arg3[%dma_wait3A_90, %dma_wait3A_91] : memref<162542x128xf32, #tpu.memory_space<hbm>> -> memref<162542x128xf32, #tpu.memory_space<hbm>>
    tpu.wait_indirect_dma semaphore(%arg9 : memref<!tpu.dma_semaphore, #tpu.memory_space<semaphore_mem>>) src(%dma_wait3A_92 : memref<162542x128xf32, #tpu.memory_space<hbm>>) dst(%arg7 : memref<64x128xf32, #tpu.memory_space<vmem>>)
    %add3A_93 = arith.constant 192 : i32
    %add3A_94 = arith.addi %mul3A_2, %add3A_93 : i32
    "tpu.region"() ({
      %run_scoped3A_152 = tpu.sem_alloc : memref<!tpu.dma_semaphore, #tpu.memory_space<semaphore_mem>>
      %dma_start3A_153 = arith.constant 0 : i32
      %dma_start3A_154 = tpu.memref_slice %arg4[%add3A_94, %dma_start3A_153] : memref<16384x128xf32, #tpu.memory_space<hbm>> -> memref<64x128xf32, #tpu.memory_space<hbm>>
      %dma_start3A_155 = arith.constant 0 : i32
      %dma_start3A_156 = tpu.memref_slice %arg4[%add3A_94, %dma_start3A_155] : memref<16384x128xf32, #tpu.memory_space<hbm>> -> memref<64x128xf32, #tpu.memory_space<hbm>>
      tpu.enqueue_dma source(%arg7 : memref<64x128xf32, #tpu.memory_space<vmem>>) target(%dma_start3A_156 : memref<64x128xf32, #tpu.memory_space<hbm>>) target_semaphore(%run_scoped3A_152 : memref<!tpu.dma_semaphore, #tpu.memory_space<semaphore_mem>>)
      %dma_wait3A_157 = arith.constant 0 : i32
      %dma_wait3A_158 = tpu.memref_slice %arg4[%add3A_94, %dma_wait3A_157] : memref<16384x128xf32, #tpu.memory_space<hbm>> -> memref<64x128xf32, #tpu.memory_space<hbm>>
      %dma_wait3A_159 = arith.constant 0 : i32
      %dma_wait3A_160 = tpu.memref_slice %arg4[%add3A_94, %dma_wait3A_159] : memref<16384x128xf32, #tpu.memory_space<hbm>> -> memref<64x128xf32, #tpu.memory_space<hbm>>
      tpu.wait_dma2 semaphore(%run_scoped3A_152 : memref<!tpu.dma_semaphore, #tpu.memory_space<semaphore_mem>>) src(%arg7 : memref<64x128xf32, #tpu.memory_space<vmem>>) dst(%dma_wait3A_160 : memref<64x128xf32, #tpu.memory_space<hbm>>)
      tpu.yield
    }) : () -> ()
    %dma_start3A_95 = arith.constant 5 : i32
    %dma_start3A_96 = arith.constant 0 : i32
    %dma_start3A_97 = tpu.memref_slice %arg5[%dma_start3A_95, %dma_start3A_96] : memref<8x64xi32, #tpu.memory_space<vmem>> -> memref<1x64xi32, #tpu.memory_space<vmem>>
    %dma_start3A_98 = tpu.memref_squeeze %dma_start3A_97 : memref<1x64xi32, #tpu.memory_space<vmem>> -> memref<64xi32, #tpu.memory_space<vmem>>
    %dma_start3A_99 = arith.constant 0 : i32
    %dma_start3A_100 = arith.constant 0 : i32
    %dma_start3A_101 = tpu.memref_slice %arg3[%dma_start3A_99, %dma_start3A_100] : memref<162542x128xf32, #tpu.memory_space<hbm>> -> memref<162542x128xf32, #tpu.memory_space<hbm>>
    tpu.enqueue_indirect_dma source(%dma_start3A_101 : memref<162542x128xf32, #tpu.memory_space<hbm>>) target(%arg7 : memref<64x128xf32, #tpu.memory_space<vmem>>) offsets(%dma_start3A_98 : memref<64xi32, #tpu.memory_space<vmem>>) semaphore(%arg9 : memref<!tpu.dma_semaphore, #tpu.memory_space<semaphore_mem>>)
    %dma_wait3A_102 = arith.constant 4 : i32
    %dma_wait3A_103 = arith.constant 0 : i32
    %dma_wait3A_104 = tpu.memref_slice %arg5[%dma_wait3A_102, %dma_wait3A_103] : memref<8x64xi32, #tpu.memory_space<vmem>> -> memref<1x64xi32, #tpu.memory_space<vmem>>
    %dma_wait3A_105 = tpu.memref_squeeze %dma_wait3A_104 : memref<1x64xi32, #tpu.memory_space<vmem>> -> memref<64xi32, #tpu.memory_space<vmem>>
    %dma_wait3A_106 = arith.constant 0 : i32
    %dma_wait3A_107 = arith.constant 0 : i32
    %dma_wait3A_108 = tpu.memref_slice %arg3[%dma_wait3A_106, %dma_wait3A_107] : memref<162542x128xf32, #tpu.memory_space<hbm>> -> memref<162542x128xf32, #tpu.memory_space<hbm>>
    tpu.wait_indirect_dma semaphore(%arg8 : memref<!tpu.dma_semaphore, #tpu.memory_space<semaphore_mem>>) src(%dma_wait3A_108 : memref<162542x128xf32, #tpu.memory_space<hbm>>) dst(%arg6 : memref<64x128xf32, #tpu.memory_space<vmem>>)
    %add3A_109 = arith.constant 256 : i32
    %add3A_110 = arith.addi %mul3A_2, %add3A_109 : i32
    "tpu.region"() ({
      %run_scoped3A_152 = tpu.sem_alloc : memref<!tpu.dma_semaphore, #tpu.memory_space<semaphore_mem>>
      %dma_start3A_153 = arith.constant 0 : i32
      %dma_start3A_154 = tpu.memref_slice %arg4[%add3A_110, %dma_start3A_153] : memref<16384x128xf32, #tpu.memory_space<hbm>> -> memref<64x128xf32, #tpu.memory_space<hbm>>
      %dma_start3A_155 = arith.constant 0 : i32
      %dma_start3A_156 = tpu.memref_slice %arg4[%add3A_110, %dma_start3A_155] : memref<16384x128xf32, #tpu.memory_space<hbm>> -> memref<64x128xf32, #tpu.memory_space<hbm>>
      tpu.enqueue_dma source(%arg6 : memref<64x128xf32, #tpu.memory_space<vmem>>) target(%dma_start3A_156 : memref<64x128xf32, #tpu.memory_space<hbm>>) target_semaphore(%run_scoped3A_152 : memref<!tpu.dma_semaphore, #tpu.memory_space<semaphore_mem>>)
      %dma_wait3A_157 = arith.constant 0 : i32
      %dma_wait3A_158 = tpu.memref_slice %arg4[%add3A_110, %dma_wait3A_157] : memref<16384x128xf32, #tpu.memory_space<hbm>> -> memref<64x128xf32, #tpu.memory_space<hbm>>
      %dma_wait3A_159 = arith.constant 0 : i32
      %dma_wait3A_160 = tpu.memref_slice %arg4[%add3A_110, %dma_wait3A_159] : memref<16384x128xf32, #tpu.memory_space<hbm>> -> memref<64x128xf32, #tpu.memory_space<hbm>>
      tpu.wait_dma2 semaphore(%run_scoped3A_152 : memref<!tpu.dma_semaphore, #tpu.memory_space<semaphore_mem>>) src(%arg6 : memref<64x128xf32, #tpu.memory_space<vmem>>) dst(%dma_wait3A_160 : memref<64x128xf32, #tpu.memory_space<hbm>>)
      tpu.yield
    }) : () -> ()
    %dma_start3A_111 = arith.constant 6 : i32
    %dma_start3A_112 = arith.constant 0 : i32
    %dma_start3A_113 = tpu.memref_slice %arg5[%dma_start3A_111, %dma_start3A_112] : memref<8x64xi32, #tpu.memory_space<vmem>> -> memref<1x64xi32, #tpu.memory_space<vmem>>
    %dma_start3A_114 = tpu.memref_squeeze %dma_start3A_113 : memref<1x64xi32, #tpu.memory_space<vmem>> -> memref<64xi32, #tpu.memory_space<vmem>>
    %dma_start3A_115 = arith.constant 0 : i32
    %dma_start3A_116 = arith.constant 0 : i32
    %dma_start3A_117 = tpu.memref_slice %arg3[%dma_start3A_115, %dma_start3A_116] : memref<162542x128xf32, #tpu.memory_space<hbm>> -> memref<162542x128xf32, #tpu.memory_space<hbm>>
    tpu.enqueue_indirect_dma source(%dma_start3A_117 : memref<162542x128xf32, #tpu.memory_space<hbm>>) target(%arg6 : memref<64x128xf32, #tpu.memory_space<vmem>>) offsets(%dma_start3A_114 : memref<64xi32, #tpu.memory_space<vmem>>) semaphore(%arg8 : memref<!tpu.dma_semaphore, #tpu.memory_space<semaphore_mem>>)
    %dma_wait3A_118 = arith.constant 5 : i32
    %dma_wait3A_119 = arith.constant 0 : i32
    %dma_wait3A_120 = tpu.memref_slice %arg5[%dma_wait3A_118, %dma_wait3A_119] : memref<8x64xi32, #tpu.memory_space<vmem>> -> memref<1x64xi32, #tpu.memory_space<vmem>>
    %dma_wait3A_121 = tpu.memref_squeeze %dma_wait3A_120 : memref<1x64xi32, #tpu.memory_space<vmem>> -> memref<64xi32, #tpu.memory_space<vmem>>
    %dma_wait3A_122 = arith.constant 0 : i32
    %dma_wait3A_123 = arith.constant 0 : i32
    %dma_wait3A_124 = tpu.memref_slice %arg3[%dma_wait3A_122, %dma_wait3A_123] : memref<162542x128xf32, #tpu.memory_space<hbm>> -> memref<162542x128xf32, #tpu.memory_space<hbm>>
    tpu.wait_indirect_dma semaphore(%arg9 : memref<!tpu.dma_semaphore, #tpu.memory_space<semaphore_mem>>) src(%dma_wait3A_124 : memref<162542x128xf32, #tpu.memory_space<hbm>>) dst(%arg7 : memref<64x128xf32, #tpu.memory_space<vmem>>)
    %add3A_125 = arith.constant 320 : i32
    %add3A_126 = arith.addi %mul3A_2, %add3A_125 : i32
    "tpu.region"() ({
      %run_scoped3A_152 = tpu.sem_alloc : memref<!tpu.dma_semaphore, #tpu.memory_space<semaphore_mem>>
      %dma_start3A_153 = arith.constant 0 : i32
      %dma_start3A_154 = tpu.memref_slice %arg4[%add3A_126, %dma_start3A_153] : memref<16384x128xf32, #tpu.memory_space<hbm>> -> memref<64x128xf32, #tpu.memory_space<hbm>>
      %dma_start3A_155 = arith.constant 0 : i32
      %dma_start3A_156 = tpu.memref_slice %arg4[%add3A_126, %dma_start3A_155] : memref<16384x128xf32, #tpu.memory_space<hbm>> -> memref<64x128xf32, #tpu.memory_space<hbm>>
      tpu.enqueue_dma source(%arg7 : memref<64x128xf32, #tpu.memory_space<vmem>>) target(%dma_start3A_156 : memref<64x128xf32, #tpu.memory_space<hbm>>) target_semaphore(%run_scoped3A_152 : memref<!tpu.dma_semaphore, #tpu.memory_space<semaphore_mem>>)
      %dma_wait3A_157 = arith.constant 0 : i32
      %dma_wait3A_158 = tpu.memref_slice %arg4[%add3A_126, %dma_wait3A_157] : memref<16384x128xf32, #tpu.memory_space<hbm>> -> memref<64x128xf32, #tpu.memory_space<hbm>>
      %dma_wait3A_159 = arith.constant 0 : i32
      %dma_wait3A_160 = tpu.memref_slice %arg4[%add3A_126, %dma_wait3A_159] : memref<16384x128xf32, #tpu.memory_space<hbm>> -> memref<64x128xf32, #tpu.memory_space<hbm>>
      tpu.wait_dma2 semaphore(%run_scoped3A_152 : memref<!tpu.dma_semaphore, #tpu.memory_space<semaphore_mem>>) src(%arg7 : memref<64x128xf32, #tpu.memory_space<vmem>>) dst(%dma_wait3A_160 : memref<64x128xf32, #tpu.memory_space<hbm>>)
      tpu.yield
    }) : () -> ()
    %dma_start3A_127 = arith.constant 7 : i32
    %dma_start3A_128 = arith.constant 0 : i32
    %dma_start3A_129 = tpu.memref_slice %arg5[%dma_start3A_127, %dma_start3A_128] : memref<8x64xi32, #tpu.memory_space<vmem>> -> memref<1x64xi32, #tpu.memory_space<vmem>>
    %dma_start3A_130 = tpu.memref_squeeze %dma_start3A_129 : memref<1x64xi32, #tpu.memory_space<vmem>> -> memref<64xi32, #tpu.memory_space<vmem>>
    %dma_start3A_131 = arith.constant 0 : i32
    %dma_start3A_132 = arith.constant 0 : i32
    %dma_start3A_133 = tpu.memref_slice %arg3[%dma_start3A_131, %dma_start3A_132] : memref<162542x128xf32, #tpu.memory_space<hbm>> -> memref<162542x128xf32, #tpu.memory_space<hbm>>
    tpu.enqueue_indirect_dma source(%dma_start3A_133 : memref<162542x128xf32, #tpu.memory_space<hbm>>) target(%arg7 : memref<64x128xf32, #tpu.memory_space<vmem>>) offsets(%dma_start3A_130 : memref<64xi32, #tpu.memory_space<vmem>>) semaphore(%arg9 : memref<!tpu.dma_semaphore, #tpu.memory_space<semaphore_mem>>)
    %dma_wait3A_134 = arith.constant 6 : i32
    %dma_wait3A_135 = arith.constant 0 : i32
    %dma_wait3A_136 = tpu.memref_slice %arg5[%dma_wait3A_134, %dma_wait3A_135] : memref<8x64xi32, #tpu.memory_space<vmem>> -> memref<1x64xi32, #tpu.memory_space<vmem>>
    %dma_wait3A_137 = tpu.memref_squeeze %dma_wait3A_136 : memref<1x64xi32, #tpu.memory_space<vmem>> -> memref<64xi32, #tpu.memory_space<vmem>>
    %dma_wait3A_138 = arith.constant 0 : i32
    %dma_wait3A_139 = arith.constant 0 : i32
    %dma_wait3A_140 = tpu.memref_slice %arg3[%dma_wait3A_138, %dma_wait3A_139] : memref<162542x128xf32, #tpu.memory_space<hbm>> -> memref<162542x128xf32, #tpu.memory_space<hbm>>
    tpu.wait_indirect_dma semaphore(%arg8 : memref<!tpu.dma_semaphore, #tpu.memory_space<semaphore_mem>>) src(%dma_wait3A_140 : memref<162542x128xf32, #tpu.memory_space<hbm>>) dst(%arg6 : memref<64x128xf32, #tpu.memory_space<vmem>>)
    %add3A_141 = arith.constant 384 : i32
    %add3A_142 = arith.addi %mul3A_2, %add3A_141 : i32
    "tpu.region"() ({
      %run_scoped3A_152 = tpu.sem_alloc : memref<!tpu.dma_semaphore, #tpu.memory_space<semaphore_mem>>
      %dma_start3A_153 = arith.constant 0 : i32
      %dma_start3A_154 = tpu.memref_slice %arg4[%add3A_142, %dma_start3A_153] : memref<16384x128xf32, #tpu.memory_space<hbm>> -> memref<64x128xf32, #tpu.memory_space<hbm>>
      %dma_start3A_155 = arith.constant 0 : i32
      %dma_start3A_156 = tpu.memref_slice %arg4[%add3A_142, %dma_start3A_155] : memref<16384x128xf32, #tpu.memory_space<hbm>> -> memref<64x128xf32, #tpu.memory_space<hbm>>
      tpu.enqueue_dma source(%arg6 : memref<64x128xf32, #tpu.memory_space<vmem>>) target(%dma_start3A_156 : memref<64x128xf32, #tpu.memory_space<hbm>>) target_semaphore(%run_scoped3A_152 : memref<!tpu.dma_semaphore, #tpu.memory_space<semaphore_mem>>)
      %dma_wait3A_157 = arith.constant 0 : i32
      %dma_wait3A_158 = tpu.memref_slice %arg4[%add3A_142, %dma_wait3A_157] : memref<16384x128xf32, #tpu.memory_space<hbm>> -> memref<64x128xf32, #tpu.memory_space<hbm>>
      %dma_wait3A_159 = arith.constant 0 : i32
      %dma_wait3A_160 = tpu.memref_slice %arg4[%add3A_142, %dma_wait3A_159] : memref<16384x128xf32, #tpu.memory_space<hbm>> -> memref<64x128xf32, #tpu.memory_space<hbm>>
      tpu.wait_dma2 semaphore(%run_scoped3A_152 : memref<!tpu.dma_semaphore, #tpu.memory_space<semaphore_mem>>) src(%arg6 : memref<64x128xf32, #tpu.memory_space<vmem>>) dst(%dma_wait3A_160 : memref<64x128xf32, #tpu.memory_space<hbm>>)
      tpu.yield
    }) : () -> ()
    %dma_wait3A_143 = arith.constant 7 : i32
    %dma_wait3A_144 = arith.constant 0 : i32
    %dma_wait3A_145 = tpu.memref_slice %arg5[%dma_wait3A_143, %dma_wait3A_144] : memref<8x64xi32, #tpu.memory_space<vmem>> -> memref<1x64xi32, #tpu.memory_space<vmem>>
    %dma_wait3A_146 = tpu.memref_squeeze %dma_wait3A_145 : memref<1x64xi32, #tpu.memory_space<vmem>> -> memref<64xi32, #tpu.memory_space<vmem>>
    %dma_wait3A_147 = arith.constant 0 : i32
    %dma_wait3A_148 = arith.constant 0 : i32
    %dma_wait3A_149 = tpu.memref_slice %arg3[%dma_wait3A_147, %dma_wait3A_148] : memref<162542x128xf32, #tpu.memory_space<hbm>> -> memref<162542x128xf32, #tpu.memory_space<hbm>>
    tpu.wait_indirect_dma semaphore(%arg9 : memref<!tpu.dma_semaphore, #tpu.memory_space<semaphore_mem>>) src(%dma_wait3A_149 : memref<162542x128xf32, #tpu.memory_space<hbm>>) dst(%arg7 : memref<64x128xf32, #tpu.memory_space<vmem>>)
    %add3A_150 = arith.constant 448 : i32
    %add3A_151 = arith.addi %mul3A_2, %add3A_150 : i32
    "tpu.region"() ({
      %run_scoped3A_152 = tpu.sem_alloc : memref<!tpu.dma_semaphore, #tpu.memory_space<semaphore_mem>>
      %dma_start3A_153 = arith.constant 0 : i32
      %dma_start3A_154 = tpu.memref_slice %arg4[%add3A_151, %dma_start3A_153] : memref<16384x128xf32, #tpu.memory_space<hbm>> -> memref<64x128xf32, #tpu.memory_space<hbm>>
      %dma_start3A_155 = arith.constant 0 : i32
      %dma_start3A_156 = tpu.memref_slice %arg4[%add3A_151, %dma_start3A_155] : memref<16384x128xf32, #tpu.memory_space<hbm>> -> memref<64x128xf32, #tpu.memory_space<hbm>>
      tpu.enqueue_dma source(%arg7 : memref<64x128xf32, #tpu.memory_space<vmem>>) target(%dma_start3A_156 : memref<64x128xf32, #tpu.memory_space<hbm>>) target_semaphore(%run_scoped3A_152 : memref<!tpu.dma_semaphore, #tpu.memory_space<semaphore_mem>>)
      %dma_wait3A_157 = arith.constant 0 : i32
      %dma_wait3A_158 = tpu.memref_slice %arg4[%add3A_151, %dma_wait3A_157] : memref<16384x128xf32, #tpu.memory_space<hbm>> -> memref<64x128xf32, #tpu.memory_space<hbm>>
      %dma_wait3A_159 = arith.constant 0 : i32
      %dma_wait3A_160 = tpu.memref_slice %arg4[%add3A_151, %dma_wait3A_159] : memref<16384x128xf32, #tpu.memory_space<hbm>> -> memref<64x128xf32, #tpu.memory_space<hbm>>
      tpu.wait_dma2 semaphore(%run_scoped3A_152 : memref<!tpu.dma_semaphore, #tpu.memory_space<semaphore_mem>>) src(%arg7 : memref<64x128xf32, #tpu.memory_space<vmem>>) dst(%dma_wait3A_160 : memref<64x128xf32, #tpu.memory_space<hbm>>)
      tpu.yield
    }) : () -> ()
    return
  }
}

#map = affine_map<(d0, d1) -> (0)>
#map1 = affine_map<(d0, d1) -> (0, 0)>
module attributes {stable_mosaic.version = 14 : i64} {
  func.func @gather_kernel(%arg0: i32, %arg1: i32, %arg2: memref<16384xi32, #tpu.memory_space<hbm>>, %arg3: memref<16384xi32, #tpu.memory_space<hbm>>, %arg4: memref<162542x256xf32, #tpu.memory_space<hbm>>, %arg5: memref<59048x256xf32, #tpu.memory_space<hbm>>, %arg6: memref<16384x256xf32, #tpu.memory_space<hbm>>, %arg7: memref<16384x256xf32, #tpu.memory_space<hbm>>, %arg8: memref<8x64xi32, #tpu.memory_space<vmem>>, %arg9: memref<8x64xi32, #tpu.memory_space<vmem>>, %arg10: memref<64x256xf32, #tpu.memory_space<vmem>>, %arg11: memref<64x256xf32, #tpu.memory_space<vmem>>, %arg12: memref<64x256xf32, #tpu.memory_space<vmem>>, %arg13: memref<64x256xf32, #tpu.memory_space<vmem>>, %arg14: memref<!tpu.dma_semaphore, #tpu.memory_space<semaphore_mem>>, %arg15: memref<!tpu.dma_semaphore, #tpu.memory_space<semaphore_mem>>, %arg16: memref<!tpu.dma_semaphore, #tpu.memory_space<semaphore_mem>>, %arg17: memref<!tpu.dma_semaphore, #tpu.memory_space<semaphore_mem>>) attributes {dimension_semantics = [#tpu.dimension_semantics<core_parallel>, #tpu.dimension_semantics<subcore_parallel>], iteration_bounds = array<i64: 2, 16>, scalar_prefetch = 0 : i64, scratch_operands = 10 : i64, tpu.core_type = #tpu.core_type<sc_vector_subcore>, window_params = [{transform_indices = #map}, {transform_indices = #map}, {transform_indices = #map1}, {transform_indices = #map1}, {transform_indices = #map1}, {transform_indices = #map1}]} {
    %mul3A = arith.constant 2 : i32
    %mul3A_0 = arith.muli %arg1, %mul3A : i32
    %add3A = arith.addi %mul3A_0, %arg0 : i32
    %mul3A_1 = arith.constant 512 : i32
    %mul3A_2 = arith.muli %add3A, %mul3A_1 : i32
    %add3A_3 = arith.constant 0 : i32
    %add3A_4 = arith.addi %mul3A_2, %add3A_3 : i32
    %run_scoped3A = arith.constant 0 : i32
    "tpu.region"() ({
      %run_scoped3A_288 = tpu.sem_alloc : memref<!tpu.dma_semaphore, #tpu.memory_space<semaphore_mem>>
      %dma_start3A_289 = arith.constant 0 : i32
      %dma_start3A_290 = tpu.memref_slice %arg8[%run_scoped3A, %dma_start3A_289] : memref<8x64xi32, #tpu.memory_space<vmem>> -> memref<1x64xi32, #tpu.memory_space<vmem>>
      %dma_start3A_291 = tpu.memref_squeeze %dma_start3A_290 : memref<1x64xi32, #tpu.memory_space<vmem>> -> memref<64xi32, #tpu.memory_space<vmem>>
      %dma_start3A_292 = tpu.memref_slice %arg2[%add3A_4] : memref<16384xi32, #tpu.memory_space<hbm>> -> memref<64xi32, #tpu.memory_space<hbm>>
      %dma_start3A_293 = arith.constant 0 : i32
      %dma_start3A_294 = tpu.memref_slice %arg8[%run_scoped3A, %dma_start3A_293] : memref<8x64xi32, #tpu.memory_space<vmem>> -> memref<1x64xi32, #tpu.memory_space<vmem>>
      %dma_start3A_295 = tpu.memref_squeeze %dma_start3A_294 : memref<1x64xi32, #tpu.memory_space<vmem>> -> memref<64xi32, #tpu.memory_space<vmem>>
      %dma_start3A_296 = tpu.memref_slice %arg2[%add3A_4] : memref<16384xi32, #tpu.memory_space<hbm>> -> memref<64xi32, #tpu.memory_space<hbm>>
      tpu.enqueue_dma source(%dma_start3A_296 : memref<64xi32, #tpu.memory_space<hbm>>) target(%dma_start3A_295 : memref<64xi32, #tpu.memory_space<vmem>>) target_semaphore(%run_scoped3A_288 : memref<!tpu.dma_semaphore, #tpu.memory_space<semaphore_mem>>)
      %dma_wait3A_297 = arith.constant 0 : i32
      %dma_wait3A_298 = tpu.memref_slice %arg8[%run_scoped3A, %dma_wait3A_297] : memref<8x64xi32, #tpu.memory_space<vmem>> -> memref<1x64xi32, #tpu.memory_space<vmem>>
      %dma_wait3A_299 = tpu.memref_squeeze %dma_wait3A_298 : memref<1x64xi32, #tpu.memory_space<vmem>> -> memref<64xi32, #tpu.memory_space<vmem>>
      %dma_wait3A_300 = tpu.memref_slice %arg2[%add3A_4] : memref<16384xi32, #tpu.memory_space<hbm>> -> memref<64xi32, #tpu.memory_space<hbm>>
      %dma_wait3A_301 = arith.constant 0 : i32
      %dma_wait3A_302 = tpu.memref_slice %arg8[%run_scoped3A, %dma_wait3A_301] : memref<8x64xi32, #tpu.memory_space<vmem>> -> memref<1x64xi32, #tpu.memory_space<vmem>>
      %dma_wait3A_303 = tpu.memref_squeeze %dma_wait3A_302 : memref<1x64xi32, #tpu.memory_space<vmem>> -> memref<64xi32, #tpu.memory_space<vmem>>
      %dma_wait3A_304 = tpu.memref_slice %arg2[%add3A_4] : memref<16384xi32, #tpu.memory_space<hbm>> -> memref<64xi32, #tpu.memory_space<hbm>>
      tpu.wait_dma2 semaphore(%run_scoped3A_288 : memref<!tpu.dma_semaphore, #tpu.memory_space<semaphore_mem>>) src(%dma_wait3A_304 : memref<64xi32, #tpu.memory_space<hbm>>) dst(%dma_wait3A_303 : memref<64xi32, #tpu.memory_space<vmem>>)
      tpu.yield
    }) : () -> ()
    %add3A_5 = arith.constant 0 : i32
    %add3A_6 = arith.addi %mul3A_2, %add3A_5 : i32
    %run_scoped3A_7 = arith.constant 0 : i32
    "tpu.region"() ({
      %run_scoped3A_288 = tpu.sem_alloc : memref<!tpu.dma_semaphore, #tpu.memory_space<semaphore_mem>>
      %dma_start3A_289 = arith.constant 0 : i32
      %dma_start3A_290 = tpu.memref_slice %arg9[%run_scoped3A_7, %dma_start3A_289] : memref<8x64xi32, #tpu.memory_space<vmem>> -> memref<1x64xi32, #tpu.memory_space<vmem>>
      %dma_start3A_291 = tpu.memref_squeeze %dma_start3A_290 : memref<1x64xi32, #tpu.memory_space<vmem>> -> memref<64xi32, #tpu.memory_space<vmem>>
      %dma_start3A_292 = tpu.memref_slice %arg3[%add3A_6] : memref<16384xi32, #tpu.memory_space<hbm>> -> memref<64xi32, #tpu.memory_space<hbm>>
      %dma_start3A_293 = arith.constant 0 : i32
      %dma_start3A_294 = tpu.memref_slice %arg9[%run_scoped3A_7, %dma_start3A_293] : memref<8x64xi32, #tpu.memory_space<vmem>> -> memref<1x64xi32, #tpu.memory_space<vmem>>
      %dma_start3A_295 = tpu.memref_squeeze %dma_start3A_294 : memref<1x64xi32, #tpu.memory_space<vmem>> -> memref<64xi32, #tpu.memory_space<vmem>>
      %dma_start3A_296 = tpu.memref_slice %arg3[%add3A_6] : memref<16384xi32, #tpu.memory_space<hbm>> -> memref<64xi32, #tpu.memory_space<hbm>>
      tpu.enqueue_dma source(%dma_start3A_296 : memref<64xi32, #tpu.memory_space<hbm>>) target(%dma_start3A_295 : memref<64xi32, #tpu.memory_space<vmem>>) target_semaphore(%run_scoped3A_288 : memref<!tpu.dma_semaphore, #tpu.memory_space<semaphore_mem>>)
      %dma_wait3A_297 = arith.constant 0 : i32
      %dma_wait3A_298 = tpu.memref_slice %arg9[%run_scoped3A_7, %dma_wait3A_297] : memref<8x64xi32, #tpu.memory_space<vmem>> -> memref<1x64xi32, #tpu.memory_space<vmem>>
      %dma_wait3A_299 = tpu.memref_squeeze %dma_wait3A_298 : memref<1x64xi32, #tpu.memory_space<vmem>> -> memref<64xi32, #tpu.memory_space<vmem>>
      %dma_wait3A_300 = tpu.memref_slice %arg3[%add3A_6] : memref<16384xi32, #tpu.memory_space<hbm>> -> memref<64xi32, #tpu.memory_space<hbm>>
      %dma_wait3A_301 = arith.constant 0 : i32
      %dma_wait3A_302 = tpu.memref_slice %arg9[%run_scoped3A_7, %dma_wait3A_301] : memref<8x64xi32, #tpu.memory_space<vmem>> -> memref<1x64xi32, #tpu.memory_space<vmem>>
      %dma_wait3A_303 = tpu.memref_squeeze %dma_wait3A_302 : memref<1x64xi32, #tpu.memory_space<vmem>> -> memref<64xi32, #tpu.memory_space<vmem>>
      %dma_wait3A_304 = tpu.memref_slice %arg3[%add3A_6] : memref<16384xi32, #tpu.memory_space<hbm>> -> memref<64xi32, #tpu.memory_space<hbm>>
      tpu.wait_dma2 semaphore(%run_scoped3A_288 : memref<!tpu.dma_semaphore, #tpu.memory_space<semaphore_mem>>) src(%dma_wait3A_304 : memref<64xi32, #tpu.memory_space<hbm>>) dst(%dma_wait3A_303 : memref<64xi32, #tpu.memory_space<vmem>>)
      tpu.yield
    }) : () -> ()
    %add3A_8 = arith.constant 64 : i32
    %add3A_9 = arith.addi %mul3A_2, %add3A_8 : i32
    %run_scoped3A_10 = arith.constant 1 : i32
    "tpu.region"() ({
      %run_scoped3A_288 = tpu.sem_alloc : memref<!tpu.dma_semaphore, #tpu.memory_space<semaphore_mem>>
      %dma_start3A_289 = arith.constant 0 : i32
      %dma_start3A_290 = tpu.memref_slice %arg8[%run_scoped3A_10, %dma_start3A_289] : memref<8x64xi32, #tpu.memory_space<vmem>> -> memref<1x64xi32, #tpu.memory_space<vmem>>
      %dma_start3A_291 = tpu.memref_squeeze %dma_start3A_290 : memref<1x64xi32, #tpu.memory_space<vmem>> -> memref<64xi32, #tpu.memory_space<vmem>>
      %dma_start3A_292 = tpu.memref_slice %arg2[%add3A_9] : memref<16384xi32, #tpu.memory_space<hbm>> -> memref<64xi32, #tpu.memory_space<hbm>>
      %dma_start3A_293 = arith.constant 0 : i32
      %dma_start3A_294 = tpu.memref_slice %arg8[%run_scoped3A_10, %dma_start3A_293] : memref<8x64xi32, #tpu.memory_space<vmem>> -> memref<1x64xi32, #tpu.memory_space<vmem>>
      %dma_start3A_295 = tpu.memref_squeeze %dma_start3A_294 : memref<1x64xi32, #tpu.memory_space<vmem>> -> memref<64xi32, #tpu.memory_space<vmem>>
      %dma_start3A_296 = tpu.memref_slice %arg2[%add3A_9] : memref<16384xi32, #tpu.memory_space<hbm>> -> memref<64xi32, #tpu.memory_space<hbm>>
      tpu.enqueue_dma source(%dma_start3A_296 : memref<64xi32, #tpu.memory_space<hbm>>) target(%dma_start3A_295 : memref<64xi32, #tpu.memory_space<vmem>>) target_semaphore(%run_scoped3A_288 : memref<!tpu.dma_semaphore, #tpu.memory_space<semaphore_mem>>)
      %dma_wait3A_297 = arith.constant 0 : i32
      %dma_wait3A_298 = tpu.memref_slice %arg8[%run_scoped3A_10, %dma_wait3A_297] : memref<8x64xi32, #tpu.memory_space<vmem>> -> memref<1x64xi32, #tpu.memory_space<vmem>>
      %dma_wait3A_299 = tpu.memref_squeeze %dma_wait3A_298 : memref<1x64xi32, #tpu.memory_space<vmem>> -> memref<64xi32, #tpu.memory_space<vmem>>
      %dma_wait3A_300 = tpu.memref_slice %arg2[%add3A_9] : memref<16384xi32, #tpu.memory_space<hbm>> -> memref<64xi32, #tpu.memory_space<hbm>>
      %dma_wait3A_301 = arith.constant 0 : i32
      %dma_wait3A_302 = tpu.memref_slice %arg8[%run_scoped3A_10, %dma_wait3A_301] : memref<8x64xi32, #tpu.memory_space<vmem>> -> memref<1x64xi32, #tpu.memory_space<vmem>>
      %dma_wait3A_303 = tpu.memref_squeeze %dma_wait3A_302 : memref<1x64xi32, #tpu.memory_space<vmem>> -> memref<64xi32, #tpu.memory_space<vmem>>
      %dma_wait3A_304 = tpu.memref_slice %arg2[%add3A_9] : memref<16384xi32, #tpu.memory_space<hbm>> -> memref<64xi32, #tpu.memory_space<hbm>>
      tpu.wait_dma2 semaphore(%run_scoped3A_288 : memref<!tpu.dma_semaphore, #tpu.memory_space<semaphore_mem>>) src(%dma_wait3A_304 : memref<64xi32, #tpu.memory_space<hbm>>) dst(%dma_wait3A_303 : memref<64xi32, #tpu.memory_space<vmem>>)
      tpu.yield
    }) : () -> ()
    %add3A_11 = arith.constant 64 : i32
    %add3A_12 = arith.addi %mul3A_2, %add3A_11 : i32
    %run_scoped3A_13 = arith.constant 1 : i32
    "tpu.region"() ({
      %run_scoped3A_288 = tpu.sem_alloc : memref<!tpu.dma_semaphore, #tpu.memory_space<semaphore_mem>>
      %dma_start3A_289 = arith.constant 0 : i32
      %dma_start3A_290 = tpu.memref_slice %arg9[%run_scoped3A_13, %dma_start3A_289] : memref<8x64xi32, #tpu.memory_space<vmem>> -> memref<1x64xi32, #tpu.memory_space<vmem>>
      %dma_start3A_291 = tpu.memref_squeeze %dma_start3A_290 : memref<1x64xi32, #tpu.memory_space<vmem>> -> memref<64xi32, #tpu.memory_space<vmem>>
      %dma_start3A_292 = tpu.memref_slice %arg3[%add3A_12] : memref<16384xi32, #tpu.memory_space<hbm>> -> memref<64xi32, #tpu.memory_space<hbm>>
      %dma_start3A_293 = arith.constant 0 : i32
      %dma_start3A_294 = tpu.memref_slice %arg9[%run_scoped3A_13, %dma_start3A_293] : memref<8x64xi32, #tpu.memory_space<vmem>> -> memref<1x64xi32, #tpu.memory_space<vmem>>
      %dma_start3A_295 = tpu.memref_squeeze %dma_start3A_294 : memref<1x64xi32, #tpu.memory_space<vmem>> -> memref<64xi32, #tpu.memory_space<vmem>>
      %dma_start3A_296 = tpu.memref_slice %arg3[%add3A_12] : memref<16384xi32, #tpu.memory_space<hbm>> -> memref<64xi32, #tpu.memory_space<hbm>>
      tpu.enqueue_dma source(%dma_start3A_296 : memref<64xi32, #tpu.memory_space<hbm>>) target(%dma_start3A_295 : memref<64xi32, #tpu.memory_space<vmem>>) target_semaphore(%run_scoped3A_288 : memref<!tpu.dma_semaphore, #tpu.memory_space<semaphore_mem>>)
      %dma_wait3A_297 = arith.constant 0 : i32
      %dma_wait3A_298 = tpu.memref_slice %arg9[%run_scoped3A_13, %dma_wait3A_297] : memref<8x64xi32, #tpu.memory_space<vmem>> -> memref<1x64xi32, #tpu.memory_space<vmem>>
      %dma_wait3A_299 = tpu.memref_squeeze %dma_wait3A_298 : memref<1x64xi32, #tpu.memory_space<vmem>> -> memref<64xi32, #tpu.memory_space<vmem>>
      %dma_wait3A_300 = tpu.memref_slice %arg3[%add3A_12] : memref<16384xi32, #tpu.memory_space<hbm>> -> memref<64xi32, #tpu.memory_space<hbm>>
      %dma_wait3A_301 = arith.constant 0 : i32
      %dma_wait3A_302 = tpu.memref_slice %arg9[%run_scoped3A_13, %dma_wait3A_301] : memref<8x64xi32, #tpu.memory_space<vmem>> -> memref<1x64xi32, #tpu.memory_space<vmem>>
      %dma_wait3A_303 = tpu.memref_squeeze %dma_wait3A_302 : memref<1x64xi32, #tpu.memory_space<vmem>> -> memref<64xi32, #tpu.memory_space<vmem>>
      %dma_wait3A_304 = tpu.memref_slice %arg3[%add3A_12] : memref<16384xi32, #tpu.memory_space<hbm>> -> memref<64xi32, #tpu.memory_space<hbm>>
      tpu.wait_dma2 semaphore(%run_scoped3A_288 : memref<!tpu.dma_semaphore, #tpu.memory_space<semaphore_mem>>) src(%dma_wait3A_304 : memref<64xi32, #tpu.memory_space<hbm>>) dst(%dma_wait3A_303 : memref<64xi32, #tpu.memory_space<vmem>>)
      tpu.yield
    }) : () -> ()
    %add3A_14 = arith.constant 128 : i32
    %add3A_15 = arith.addi %mul3A_2, %add3A_14 : i32
    %run_scoped3A_16 = arith.constant 2 : i32
    "tpu.region"() ({
      %run_scoped3A_288 = tpu.sem_alloc : memref<!tpu.dma_semaphore, #tpu.memory_space<semaphore_mem>>
      %dma_start3A_289 = arith.constant 0 : i32
      %dma_start3A_290 = tpu.memref_slice %arg8[%run_scoped3A_16, %dma_start3A_289] : memref<8x64xi32, #tpu.memory_space<vmem>> -> memref<1x64xi32, #tpu.memory_space<vmem>>
      %dma_start3A_291 = tpu.memref_squeeze %dma_start3A_290 : memref<1x64xi32, #tpu.memory_space<vmem>> -> memref<64xi32, #tpu.memory_space<vmem>>
      %dma_start3A_292 = tpu.memref_slice %arg2[%add3A_15] : memref<16384xi32, #tpu.memory_space<hbm>> -> memref<64xi32, #tpu.memory_space<hbm>>
      %dma_start3A_293 = arith.constant 0 : i32
      %dma_start3A_294 = tpu.memref_slice %arg8[%run_scoped3A_16, %dma_start3A_293] : memref<8x64xi32, #tpu.memory_space<vmem>> -> memref<1x64xi32, #tpu.memory_space<vmem>>
      %dma_start3A_295 = tpu.memref_squeeze %dma_start3A_294 : memref<1x64xi32, #tpu.memory_space<vmem>> -> memref<64xi32, #tpu.memory_space<vmem>>
      %dma_start3A_296 = tpu.memref_slice %arg2[%add3A_15] : memref<16384xi32, #tpu.memory_space<hbm>> -> memref<64xi32, #tpu.memory_space<hbm>>
      tpu.enqueue_dma source(%dma_start3A_296 : memref<64xi32, #tpu.memory_space<hbm>>) target(%dma_start3A_295 : memref<64xi32, #tpu.memory_space<vmem>>) target_semaphore(%run_scoped3A_288 : memref<!tpu.dma_semaphore, #tpu.memory_space<semaphore_mem>>)
      %dma_wait3A_297 = arith.constant 0 : i32
      %dma_wait3A_298 = tpu.memref_slice %arg8[%run_scoped3A_16, %dma_wait3A_297] : memref<8x64xi32, #tpu.memory_space<vmem>> -> memref<1x64xi32, #tpu.memory_space<vmem>>
      %dma_wait3A_299 = tpu.memref_squeeze %dma_wait3A_298 : memref<1x64xi32, #tpu.memory_space<vmem>> -> memref<64xi32, #tpu.memory_space<vmem>>
      %dma_wait3A_300 = tpu.memref_slice %arg2[%add3A_15] : memref<16384xi32, #tpu.memory_space<hbm>> -> memref<64xi32, #tpu.memory_space<hbm>>
      %dma_wait3A_301 = arith.constant 0 : i32
      %dma_wait3A_302 = tpu.memref_slice %arg8[%run_scoped3A_16, %dma_wait3A_301] : memref<8x64xi32, #tpu.memory_space<vmem>> -> memref<1x64xi32, #tpu.memory_space<vmem>>
      %dma_wait3A_303 = tpu.memref_squeeze %dma_wait3A_302 : memref<1x64xi32, #tpu.memory_space<vmem>> -> memref<64xi32, #tpu.memory_space<vmem>>
      %dma_wait3A_304 = tpu.memref_slice %arg2[%add3A_15] : memref<16384xi32, #tpu.memory_space<hbm>> -> memref<64xi32, #tpu.memory_space<hbm>>
      tpu.wait_dma2 semaphore(%run_scoped3A_288 : memref<!tpu.dma_semaphore, #tpu.memory_space<semaphore_mem>>) src(%dma_wait3A_304 : memref<64xi32, #tpu.memory_space<hbm>>) dst(%dma_wait3A_303 : memref<64xi32, #tpu.memory_space<vmem>>)
      tpu.yield
    }) : () -> ()
    %add3A_17 = arith.constant 128 : i32
    %add3A_18 = arith.addi %mul3A_2, %add3A_17 : i32
    %run_scoped3A_19 = arith.constant 2 : i32
    "tpu.region"() ({
      %run_scoped3A_288 = tpu.sem_alloc : memref<!tpu.dma_semaphore, #tpu.memory_space<semaphore_mem>>
      %dma_start3A_289 = arith.constant 0 : i32
      %dma_start3A_290 = tpu.memref_slice %arg9[%run_scoped3A_19, %dma_start3A_289] : memref<8x64xi32, #tpu.memory_space<vmem>> -> memref<1x64xi32, #tpu.memory_space<vmem>>
      %dma_start3A_291 = tpu.memref_squeeze %dma_start3A_290 : memref<1x64xi32, #tpu.memory_space<vmem>> -> memref<64xi32, #tpu.memory_space<vmem>>
      %dma_start3A_292 = tpu.memref_slice %arg3[%add3A_18] : memref<16384xi32, #tpu.memory_space<hbm>> -> memref<64xi32, #tpu.memory_space<hbm>>
      %dma_start3A_293 = arith.constant 0 : i32
      %dma_start3A_294 = tpu.memref_slice %arg9[%run_scoped3A_19, %dma_start3A_293] : memref<8x64xi32, #tpu.memory_space<vmem>> -> memref<1x64xi32, #tpu.memory_space<vmem>>
      %dma_start3A_295 = tpu.memref_squeeze %dma_start3A_294 : memref<1x64xi32, #tpu.memory_space<vmem>> -> memref<64xi32, #tpu.memory_space<vmem>>
      %dma_start3A_296 = tpu.memref_slice %arg3[%add3A_18] : memref<16384xi32, #tpu.memory_space<hbm>> -> memref<64xi32, #tpu.memory_space<hbm>>
      tpu.enqueue_dma source(%dma_start3A_296 : memref<64xi32, #tpu.memory_space<hbm>>) target(%dma_start3A_295 : memref<64xi32, #tpu.memory_space<vmem>>) target_semaphore(%run_scoped3A_288 : memref<!tpu.dma_semaphore, #tpu.memory_space<semaphore_mem>>)
      %dma_wait3A_297 = arith.constant 0 : i32
      %dma_wait3A_298 = tpu.memref_slice %arg9[%run_scoped3A_19, %dma_wait3A_297] : memref<8x64xi32, #tpu.memory_space<vmem>> -> memref<1x64xi32, #tpu.memory_space<vmem>>
      %dma_wait3A_299 = tpu.memref_squeeze %dma_wait3A_298 : memref<1x64xi32, #tpu.memory_space<vmem>> -> memref<64xi32, #tpu.memory_space<vmem>>
      %dma_wait3A_300 = tpu.memref_slice %arg3[%add3A_18] : memref<16384xi32, #tpu.memory_space<hbm>> -> memref<64xi32, #tpu.memory_space<hbm>>
      %dma_wait3A_301 = arith.constant 0 : i32
      %dma_wait3A_302 = tpu.memref_slice %arg9[%run_scoped3A_19, %dma_wait3A_301] : memref<8x64xi32, #tpu.memory_space<vmem>> -> memref<1x64xi32, #tpu.memory_space<vmem>>
      %dma_wait3A_303 = tpu.memref_squeeze %dma_wait3A_302 : memref<1x64xi32, #tpu.memory_space<vmem>> -> memref<64xi32, #tpu.memory_space<vmem>>
      %dma_wait3A_304 = tpu.memref_slice %arg3[%add3A_18] : memref<16384xi32, #tpu.memory_space<hbm>> -> memref<64xi32, #tpu.memory_space<hbm>>
      tpu.wait_dma2 semaphore(%run_scoped3A_288 : memref<!tpu.dma_semaphore, #tpu.memory_space<semaphore_mem>>) src(%dma_wait3A_304 : memref<64xi32, #tpu.memory_space<hbm>>) dst(%dma_wait3A_303 : memref<64xi32, #tpu.memory_space<vmem>>)
      tpu.yield
    }) : () -> ()
    %add3A_20 = arith.constant 192 : i32
    %add3A_21 = arith.addi %mul3A_2, %add3A_20 : i32
    %run_scoped3A_22 = arith.constant 3 : i32
    "tpu.region"() ({
      %run_scoped3A_288 = tpu.sem_alloc : memref<!tpu.dma_semaphore, #tpu.memory_space<semaphore_mem>>
      %dma_start3A_289 = arith.constant 0 : i32
      %dma_start3A_290 = tpu.memref_slice %arg8[%run_scoped3A_22, %dma_start3A_289] : memref<8x64xi32, #tpu.memory_space<vmem>> -> memref<1x64xi32, #tpu.memory_space<vmem>>
      %dma_start3A_291 = tpu.memref_squeeze %dma_start3A_290 : memref<1x64xi32, #tpu.memory_space<vmem>> -> memref<64xi32, #tpu.memory_space<vmem>>
      %dma_start3A_292 = tpu.memref_slice %arg2[%add3A_21] : memref<16384xi32, #tpu.memory_space<hbm>> -> memref<64xi32, #tpu.memory_space<hbm>>
      %dma_start3A_293 = arith.constant 0 : i32
      %dma_start3A_294 = tpu.memref_slice %arg8[%run_scoped3A_22, %dma_start3A_293] : memref<8x64xi32, #tpu.memory_space<vmem>> -> memref<1x64xi32, #tpu.memory_space<vmem>>
      %dma_start3A_295 = tpu.memref_squeeze %dma_start3A_294 : memref<1x64xi32, #tpu.memory_space<vmem>> -> memref<64xi32, #tpu.memory_space<vmem>>
      %dma_start3A_296 = tpu.memref_slice %arg2[%add3A_21] : memref<16384xi32, #tpu.memory_space<hbm>> -> memref<64xi32, #tpu.memory_space<hbm>>
      tpu.enqueue_dma source(%dma_start3A_296 : memref<64xi32, #tpu.memory_space<hbm>>) target(%dma_start3A_295 : memref<64xi32, #tpu.memory_space<vmem>>) target_semaphore(%run_scoped3A_288 : memref<!tpu.dma_semaphore, #tpu.memory_space<semaphore_mem>>)
      %dma_wait3A_297 = arith.constant 0 : i32
      %dma_wait3A_298 = tpu.memref_slice %arg8[%run_scoped3A_22, %dma_wait3A_297] : memref<8x64xi32, #tpu.memory_space<vmem>> -> memref<1x64xi32, #tpu.memory_space<vmem>>
      %dma_wait3A_299 = tpu.memref_squeeze %dma_wait3A_298 : memref<1x64xi32, #tpu.memory_space<vmem>> -> memref<64xi32, #tpu.memory_space<vmem>>
      %dma_wait3A_300 = tpu.memref_slice %arg2[%add3A_21] : memref<16384xi32, #tpu.memory_space<hbm>> -> memref<64xi32, #tpu.memory_space<hbm>>
      %dma_wait3A_301 = arith.constant 0 : i32
      %dma_wait3A_302 = tpu.memref_slice %arg8[%run_scoped3A_22, %dma_wait3A_301] : memref<8x64xi32, #tpu.memory_space<vmem>> -> memref<1x64xi32, #tpu.memory_space<vmem>>
      %dma_wait3A_303 = tpu.memref_squeeze %dma_wait3A_302 : memref<1x64xi32, #tpu.memory_space<vmem>> -> memref<64xi32, #tpu.memory_space<vmem>>
      %dma_wait3A_304 = tpu.memref_slice %arg2[%add3A_21] : memref<16384xi32, #tpu.memory_space<hbm>> -> memref<64xi32, #tpu.memory_space<hbm>>
      tpu.wait_dma2 semaphore(%run_scoped3A_288 : memref<!tpu.dma_semaphore, #tpu.memory_space<semaphore_mem>>) src(%dma_wait3A_304 : memref<64xi32, #tpu.memory_space<hbm>>) dst(%dma_wait3A_303 : memref<64xi32, #tpu.memory_space<vmem>>)
      tpu.yield
    }) : () -> ()
    %add3A_23 = arith.constant 192 : i32
    %add3A_24 = arith.addi %mul3A_2, %add3A_23 : i32
    %run_scoped3A_25 = arith.constant 3 : i32
    "tpu.region"() ({
      %run_scoped3A_288 = tpu.sem_alloc : memref<!tpu.dma_semaphore, #tpu.memory_space<semaphore_mem>>
      %dma_start3A_289 = arith.constant 0 : i32
      %dma_start3A_290 = tpu.memref_slice %arg9[%run_scoped3A_25, %dma_start3A_289] : memref<8x64xi32, #tpu.memory_space<vmem>> -> memref<1x64xi32, #tpu.memory_space<vmem>>
      %dma_start3A_291 = tpu.memref_squeeze %dma_start3A_290 : memref<1x64xi32, #tpu.memory_space<vmem>> -> memref<64xi32, #tpu.memory_space<vmem>>
      %dma_start3A_292 = tpu.memref_slice %arg3[%add3A_24] : memref<16384xi32, #tpu.memory_space<hbm>> -> memref<64xi32, #tpu.memory_space<hbm>>
      %dma_start3A_293 = arith.constant 0 : i32
      %dma_start3A_294 = tpu.memref_slice %arg9[%run_scoped3A_25, %dma_start3A_293] : memref<8x64xi32, #tpu.memory_space<vmem>> -> memref<1x64xi32, #tpu.memory_space<vmem>>
      %dma_start3A_295 = tpu.memref_squeeze %dma_start3A_294 : memref<1x64xi32, #tpu.memory_space<vmem>> -> memref<64xi32, #tpu.memory_space<vmem>>
      %dma_start3A_296 = tpu.memref_slice %arg3[%add3A_24] : memref<16384xi32, #tpu.memory_space<hbm>> -> memref<64xi32, #tpu.memory_space<hbm>>
      tpu.enqueue_dma source(%dma_start3A_296 : memref<64xi32, #tpu.memory_space<hbm>>) target(%dma_start3A_295 : memref<64xi32, #tpu.memory_space<vmem>>) target_semaphore(%run_scoped3A_288 : memref<!tpu.dma_semaphore, #tpu.memory_space<semaphore_mem>>)
      %dma_wait3A_297 = arith.constant 0 : i32
      %dma_wait3A_298 = tpu.memref_slice %arg9[%run_scoped3A_25, %dma_wait3A_297] : memref<8x64xi32, #tpu.memory_space<vmem>> -> memref<1x64xi32, #tpu.memory_space<vmem>>
      %dma_wait3A_299 = tpu.memref_squeeze %dma_wait3A_298 : memref<1x64xi32, #tpu.memory_space<vmem>> -> memref<64xi32, #tpu.memory_space<vmem>>
      %dma_wait3A_300 = tpu.memref_slice %arg3[%add3A_24] : memref<16384xi32, #tpu.memory_space<hbm>> -> memref<64xi32, #tpu.memory_space<hbm>>
      %dma_wait3A_301 = arith.constant 0 : i32
      %dma_wait3A_302 = tpu.memref_slice %arg9[%run_scoped3A_25, %dma_wait3A_301] : memref<8x64xi32, #tpu.memory_space<vmem>> -> memref<1x64xi32, #tpu.memory_space<vmem>>
      %dma_wait3A_303 = tpu.memref_squeeze %dma_wait3A_302 : memref<1x64xi32, #tpu.memory_space<vmem>> -> memref<64xi32, #tpu.memory_space<vmem>>
      %dma_wait3A_304 = tpu.memref_slice %arg3[%add3A_24] : memref<16384xi32, #tpu.memory_space<hbm>> -> memref<64xi32, #tpu.memory_space<hbm>>
      tpu.wait_dma2 semaphore(%run_scoped3A_288 : memref<!tpu.dma_semaphore, #tpu.memory_space<semaphore_mem>>) src(%dma_wait3A_304 : memref<64xi32, #tpu.memory_space<hbm>>) dst(%dma_wait3A_303 : memref<64xi32, #tpu.memory_space<vmem>>)
      tpu.yield
    }) : () -> ()
    %add3A_26 = arith.constant 256 : i32
    %add3A_27 = arith.addi %mul3A_2, %add3A_26 : i32
    %run_scoped3A_28 = arith.constant 4 : i32
    "tpu.region"() ({
      %run_scoped3A_288 = tpu.sem_alloc : memref<!tpu.dma_semaphore, #tpu.memory_space<semaphore_mem>>
      %dma_start3A_289 = arith.constant 0 : i32
      %dma_start3A_290 = tpu.memref_slice %arg8[%run_scoped3A_28, %dma_start3A_289] : memref<8x64xi32, #tpu.memory_space<vmem>> -> memref<1x64xi32, #tpu.memory_space<vmem>>
      %dma_start3A_291 = tpu.memref_squeeze %dma_start3A_290 : memref<1x64xi32, #tpu.memory_space<vmem>> -> memref<64xi32, #tpu.memory_space<vmem>>
      %dma_start3A_292 = tpu.memref_slice %arg2[%add3A_27] : memref<16384xi32, #tpu.memory_space<hbm>> -> memref<64xi32, #tpu.memory_space<hbm>>
      %dma_start3A_293 = arith.constant 0 : i32
      %dma_start3A_294 = tpu.memref_slice %arg8[%run_scoped3A_28, %dma_start3A_293] : memref<8x64xi32, #tpu.memory_space<vmem>> -> memref<1x64xi32, #tpu.memory_space<vmem>>
      %dma_start3A_295 = tpu.memref_squeeze %dma_start3A_294 : memref<1x64xi32, #tpu.memory_space<vmem>> -> memref<64xi32, #tpu.memory_space<vmem>>
      %dma_start3A_296 = tpu.memref_slice %arg2[%add3A_27] : memref<16384xi32, #tpu.memory_space<hbm>> -> memref<64xi32, #tpu.memory_space<hbm>>
      tpu.enqueue_dma source(%dma_start3A_296 : memref<64xi32, #tpu.memory_space<hbm>>) target(%dma_start3A_295 : memref<64xi32, #tpu.memory_space<vmem>>) target_semaphore(%run_scoped3A_288 : memref<!tpu.dma_semaphore, #tpu.memory_space<semaphore_mem>>)
      %dma_wait3A_297 = arith.constant 0 : i32
      %dma_wait3A_298 = tpu.memref_slice %arg8[%run_scoped3A_28, %dma_wait3A_297] : memref<8x64xi32, #tpu.memory_space<vmem>> -> memref<1x64xi32, #tpu.memory_space<vmem>>
      %dma_wait3A_299 = tpu.memref_squeeze %dma_wait3A_298 : memref<1x64xi32, #tpu.memory_space<vmem>> -> memref<64xi32, #tpu.memory_space<vmem>>
      %dma_wait3A_300 = tpu.memref_slice %arg2[%add3A_27] : memref<16384xi32, #tpu.memory_space<hbm>> -> memref<64xi32, #tpu.memory_space<hbm>>
      %dma_wait3A_301 = arith.constant 0 : i32
      %dma_wait3A_302 = tpu.memref_slice %arg8[%run_scoped3A_28, %dma_wait3A_301] : memref<8x64xi32, #tpu.memory_space<vmem>> -> memref<1x64xi32, #tpu.memory_space<vmem>>
      %dma_wait3A_303 = tpu.memref_squeeze %dma_wait3A_302 : memref<1x64xi32, #tpu.memory_space<vmem>> -> memref<64xi32, #tpu.memory_space<vmem>>
      %dma_wait3A_304 = tpu.memref_slice %arg2[%add3A_27] : memref<16384xi32, #tpu.memory_space<hbm>> -> memref<64xi32, #tpu.memory_space<hbm>>
      tpu.wait_dma2 semaphore(%run_scoped3A_288 : memref<!tpu.dma_semaphore, #tpu.memory_space<semaphore_mem>>) src(%dma_wait3A_304 : memref<64xi32, #tpu.memory_space<hbm>>) dst(%dma_wait3A_303 : memref<64xi32, #tpu.memory_space<vmem>>)
      tpu.yield
    }) : () -> ()
    %add3A_29 = arith.constant 256 : i32
    %add3A_30 = arith.addi %mul3A_2, %add3A_29 : i32
    %run_scoped3A_31 = arith.constant 4 : i32
    "tpu.region"() ({
      %run_scoped3A_288 = tpu.sem_alloc : memref<!tpu.dma_semaphore, #tpu.memory_space<semaphore_mem>>
      %dma_start3A_289 = arith.constant 0 : i32
      %dma_start3A_290 = tpu.memref_slice %arg9[%run_scoped3A_31, %dma_start3A_289] : memref<8x64xi32, #tpu.memory_space<vmem>> -> memref<1x64xi32, #tpu.memory_space<vmem>>
      %dma_start3A_291 = tpu.memref_squeeze %dma_start3A_290 : memref<1x64xi32, #tpu.memory_space<vmem>> -> memref<64xi32, #tpu.memory_space<vmem>>
      %dma_start3A_292 = tpu.memref_slice %arg3[%add3A_30] : memref<16384xi32, #tpu.memory_space<hbm>> -> memref<64xi32, #tpu.memory_space<hbm>>
      %dma_start3A_293 = arith.constant 0 : i32
      %dma_start3A_294 = tpu.memref_slice %arg9[%run_scoped3A_31, %dma_start3A_293] : memref<8x64xi32, #tpu.memory_space<vmem>> -> memref<1x64xi32, #tpu.memory_space<vmem>>
      %dma_start3A_295 = tpu.memref_squeeze %dma_start3A_294 : memref<1x64xi32, #tpu.memory_space<vmem>> -> memref<64xi32, #tpu.memory_space<vmem>>
      %dma_start3A_296 = tpu.memref_slice %arg3[%add3A_30] : memref<16384xi32, #tpu.memory_space<hbm>> -> memref<64xi32, #tpu.memory_space<hbm>>
      tpu.enqueue_dma source(%dma_start3A_296 : memref<64xi32, #tpu.memory_space<hbm>>) target(%dma_start3A_295 : memref<64xi32, #tpu.memory_space<vmem>>) target_semaphore(%run_scoped3A_288 : memref<!tpu.dma_semaphore, #tpu.memory_space<semaphore_mem>>)
      %dma_wait3A_297 = arith.constant 0 : i32
      %dma_wait3A_298 = tpu.memref_slice %arg9[%run_scoped3A_31, %dma_wait3A_297] : memref<8x64xi32, #tpu.memory_space<vmem>> -> memref<1x64xi32, #tpu.memory_space<vmem>>
      %dma_wait3A_299 = tpu.memref_squeeze %dma_wait3A_298 : memref<1x64xi32, #tpu.memory_space<vmem>> -> memref<64xi32, #tpu.memory_space<vmem>>
      %dma_wait3A_300 = tpu.memref_slice %arg3[%add3A_30] : memref<16384xi32, #tpu.memory_space<hbm>> -> memref<64xi32, #tpu.memory_space<hbm>>
      %dma_wait3A_301 = arith.constant 0 : i32
      %dma_wait3A_302 = tpu.memref_slice %arg9[%run_scoped3A_31, %dma_wait3A_301] : memref<8x64xi32, #tpu.memory_space<vmem>> -> memref<1x64xi32, #tpu.memory_space<vmem>>
      %dma_wait3A_303 = tpu.memref_squeeze %dma_wait3A_302 : memref<1x64xi32, #tpu.memory_space<vmem>> -> memref<64xi32, #tpu.memory_space<vmem>>
      %dma_wait3A_304 = tpu.memref_slice %arg3[%add3A_30] : memref<16384xi32, #tpu.memory_space<hbm>> -> memref<64xi32, #tpu.memory_space<hbm>>
      tpu.wait_dma2 semaphore(%run_scoped3A_288 : memref<!tpu.dma_semaphore, #tpu.memory_space<semaphore_mem>>) src(%dma_wait3A_304 : memref<64xi32, #tpu.memory_space<hbm>>) dst(%dma_wait3A_303 : memref<64xi32, #tpu.memory_space<vmem>>)
      tpu.yield
    }) : () -> ()
    %add3A_32 = arith.constant 320 : i32
    %add3A_33 = arith.addi %mul3A_2, %add3A_32 : i32
    %run_scoped3A_34 = arith.constant 5 : i32
    "tpu.region"() ({
      %run_scoped3A_288 = tpu.sem_alloc : memref<!tpu.dma_semaphore, #tpu.memory_space<semaphore_mem>>
      %dma_start3A_289 = arith.constant 0 : i32
      %dma_start3A_290 = tpu.memref_slice %arg8[%run_scoped3A_34, %dma_start3A_289] : memref<8x64xi32, #tpu.memory_space<vmem>> -> memref<1x64xi32, #tpu.memory_space<vmem>>
      %dma_start3A_291 = tpu.memref_squeeze %dma_start3A_290 : memref<1x64xi32, #tpu.memory_space<vmem>> -> memref<64xi32, #tpu.memory_space<vmem>>
      %dma_start3A_292 = tpu.memref_slice %arg2[%add3A_33] : memref<16384xi32, #tpu.memory_space<hbm>> -> memref<64xi32, #tpu.memory_space<hbm>>
      %dma_start3A_293 = arith.constant 0 : i32
      %dma_start3A_294 = tpu.memref_slice %arg8[%run_scoped3A_34, %dma_start3A_293] : memref<8x64xi32, #tpu.memory_space<vmem>> -> memref<1x64xi32, #tpu.memory_space<vmem>>
      %dma_start3A_295 = tpu.memref_squeeze %dma_start3A_294 : memref<1x64xi32, #tpu.memory_space<vmem>> -> memref<64xi32, #tpu.memory_space<vmem>>
      %dma_start3A_296 = tpu.memref_slice %arg2[%add3A_33] : memref<16384xi32, #tpu.memory_space<hbm>> -> memref<64xi32, #tpu.memory_space<hbm>>
      tpu.enqueue_dma source(%dma_start3A_296 : memref<64xi32, #tpu.memory_space<hbm>>) target(%dma_start3A_295 : memref<64xi32, #tpu.memory_space<vmem>>) target_semaphore(%run_scoped3A_288 : memref<!tpu.dma_semaphore, #tpu.memory_space<semaphore_mem>>)
      %dma_wait3A_297 = arith.constant 0 : i32
      %dma_wait3A_298 = tpu.memref_slice %arg8[%run_scoped3A_34, %dma_wait3A_297] : memref<8x64xi32, #tpu.memory_space<vmem>> -> memref<1x64xi32, #tpu.memory_space<vmem>>
      %dma_wait3A_299 = tpu.memref_squeeze %dma_wait3A_298 : memref<1x64xi32, #tpu.memory_space<vmem>> -> memref<64xi32, #tpu.memory_space<vmem>>
      %dma_wait3A_300 = tpu.memref_slice %arg2[%add3A_33] : memref<16384xi32, #tpu.memory_space<hbm>> -> memref<64xi32, #tpu.memory_space<hbm>>
      %dma_wait3A_301 = arith.constant 0 : i32
      %dma_wait3A_302 = tpu.memref_slice %arg8[%run_scoped3A_34, %dma_wait3A_301] : memref<8x64xi32, #tpu.memory_space<vmem>> -> memref<1x64xi32, #tpu.memory_space<vmem>>
      %dma_wait3A_303 = tpu.memref_squeeze %dma_wait3A_302 : memref<1x64xi32, #tpu.memory_space<vmem>> -> memref<64xi32, #tpu.memory_space<vmem>>
      %dma_wait3A_304 = tpu.memref_slice %arg2[%add3A_33] : memref<16384xi32, #tpu.memory_space<hbm>> -> memref<64xi32, #tpu.memory_space<hbm>>
      tpu.wait_dma2 semaphore(%run_scoped3A_288 : memref<!tpu.dma_semaphore, #tpu.memory_space<semaphore_mem>>) src(%dma_wait3A_304 : memref<64xi32, #tpu.memory_space<hbm>>) dst(%dma_wait3A_303 : memref<64xi32, #tpu.memory_space<vmem>>)
      tpu.yield
    }) : () -> ()
    %add3A_35 = arith.constant 320 : i32
    %add3A_36 = arith.addi %mul3A_2, %add3A_35 : i32
    %run_scoped3A_37 = arith.constant 5 : i32
    "tpu.region"() ({
      %run_scoped3A_288 = tpu.sem_alloc : memref<!tpu.dma_semaphore, #tpu.memory_space<semaphore_mem>>
      %dma_start3A_289 = arith.constant 0 : i32
      %dma_start3A_290 = tpu.memref_slice %arg9[%run_scoped3A_37, %dma_start3A_289] : memref<8x64xi32, #tpu.memory_space<vmem>> -> memref<1x64xi32, #tpu.memory_space<vmem>>
      %dma_start3A_291 = tpu.memref_squeeze %dma_start3A_290 : memref<1x64xi32, #tpu.memory_space<vmem>> -> memref<64xi32, #tpu.memory_space<vmem>>
      %dma_start3A_292 = tpu.memref_slice %arg3[%add3A_36] : memref<16384xi32, #tpu.memory_space<hbm>> -> memref<64xi32, #tpu.memory_space<hbm>>
      %dma_start3A_293 = arith.constant 0 : i32
      %dma_start3A_294 = tpu.memref_slice %arg9[%run_scoped3A_37, %dma_start3A_293] : memref<8x64xi32, #tpu.memory_space<vmem>> -> memref<1x64xi32, #tpu.memory_space<vmem>>
      %dma_start3A_295 = tpu.memref_squeeze %dma_start3A_294 : memref<1x64xi32, #tpu.memory_space<vmem>> -> memref<64xi32, #tpu.memory_space<vmem>>
      %dma_start3A_296 = tpu.memref_slice %arg3[%add3A_36] : memref<16384xi32, #tpu.memory_space<hbm>> -> memref<64xi32, #tpu.memory_space<hbm>>
      tpu.enqueue_dma source(%dma_start3A_296 : memref<64xi32, #tpu.memory_space<hbm>>) target(%dma_start3A_295 : memref<64xi32, #tpu.memory_space<vmem>>) target_semaphore(%run_scoped3A_288 : memref<!tpu.dma_semaphore, #tpu.memory_space<semaphore_mem>>)
      %dma_wait3A_297 = arith.constant 0 : i32
      %dma_wait3A_298 = tpu.memref_slice %arg9[%run_scoped3A_37, %dma_wait3A_297] : memref<8x64xi32, #tpu.memory_space<vmem>> -> memref<1x64xi32, #tpu.memory_space<vmem>>
      %dma_wait3A_299 = tpu.memref_squeeze %dma_wait3A_298 : memref<1x64xi32, #tpu.memory_space<vmem>> -> memref<64xi32, #tpu.memory_space<vmem>>
      %dma_wait3A_300 = tpu.memref_slice %arg3[%add3A_36] : memref<16384xi32, #tpu.memory_space<hbm>> -> memref<64xi32, #tpu.memory_space<hbm>>
      %dma_wait3A_301 = arith.constant 0 : i32
      %dma_wait3A_302 = tpu.memref_slice %arg9[%run_scoped3A_37, %dma_wait3A_301] : memref<8x64xi32, #tpu.memory_space<vmem>> -> memref<1x64xi32, #tpu.memory_space<vmem>>
      %dma_wait3A_303 = tpu.memref_squeeze %dma_wait3A_302 : memref<1x64xi32, #tpu.memory_space<vmem>> -> memref<64xi32, #tpu.memory_space<vmem>>
      %dma_wait3A_304 = tpu.memref_slice %arg3[%add3A_36] : memref<16384xi32, #tpu.memory_space<hbm>> -> memref<64xi32, #tpu.memory_space<hbm>>
      tpu.wait_dma2 semaphore(%run_scoped3A_288 : memref<!tpu.dma_semaphore, #tpu.memory_space<semaphore_mem>>) src(%dma_wait3A_304 : memref<64xi32, #tpu.memory_space<hbm>>) dst(%dma_wait3A_303 : memref<64xi32, #tpu.memory_space<vmem>>)
      tpu.yield
    }) : () -> ()
    %add3A_38 = arith.constant 384 : i32
    %add3A_39 = arith.addi %mul3A_2, %add3A_38 : i32
    %run_scoped3A_40 = arith.constant 6 : i32
    "tpu.region"() ({
      %run_scoped3A_288 = tpu.sem_alloc : memref<!tpu.dma_semaphore, #tpu.memory_space<semaphore_mem>>
      %dma_start3A_289 = arith.constant 0 : i32
      %dma_start3A_290 = tpu.memref_slice %arg8[%run_scoped3A_40, %dma_start3A_289] : memref<8x64xi32, #tpu.memory_space<vmem>> -> memref<1x64xi32, #tpu.memory_space<vmem>>
      %dma_start3A_291 = tpu.memref_squeeze %dma_start3A_290 : memref<1x64xi32, #tpu.memory_space<vmem>> -> memref<64xi32, #tpu.memory_space<vmem>>
      %dma_start3A_292 = tpu.memref_slice %arg2[%add3A_39] : memref<16384xi32, #tpu.memory_space<hbm>> -> memref<64xi32, #tpu.memory_space<hbm>>
      %dma_start3A_293 = arith.constant 0 : i32
      %dma_start3A_294 = tpu.memref_slice %arg8[%run_scoped3A_40, %dma_start3A_293] : memref<8x64xi32, #tpu.memory_space<vmem>> -> memref<1x64xi32, #tpu.memory_space<vmem>>
      %dma_start3A_295 = tpu.memref_squeeze %dma_start3A_294 : memref<1x64xi32, #tpu.memory_space<vmem>> -> memref<64xi32, #tpu.memory_space<vmem>>
      %dma_start3A_296 = tpu.memref_slice %arg2[%add3A_39] : memref<16384xi32, #tpu.memory_space<hbm>> -> memref<64xi32, #tpu.memory_space<hbm>>
      tpu.enqueue_dma source(%dma_start3A_296 : memref<64xi32, #tpu.memory_space<hbm>>) target(%dma_start3A_295 : memref<64xi32, #tpu.memory_space<vmem>>) target_semaphore(%run_scoped3A_288 : memref<!tpu.dma_semaphore, #tpu.memory_space<semaphore_mem>>)
      %dma_wait3A_297 = arith.constant 0 : i32
      %dma_wait3A_298 = tpu.memref_slice %arg8[%run_scoped3A_40, %dma_wait3A_297] : memref<8x64xi32, #tpu.memory_space<vmem>> -> memref<1x64xi32, #tpu.memory_space<vmem>>
      %dma_wait3A_299 = tpu.memref_squeeze %dma_wait3A_298 : memref<1x64xi32, #tpu.memory_space<vmem>> -> memref<64xi32, #tpu.memory_space<vmem>>
      %dma_wait3A_300 = tpu.memref_slice %arg2[%add3A_39] : memref<16384xi32, #tpu.memory_space<hbm>> -> memref<64xi32, #tpu.memory_space<hbm>>
      %dma_wait3A_301 = arith.constant 0 : i32
      %dma_wait3A_302 = tpu.memref_slice %arg8[%run_scoped3A_40, %dma_wait3A_301] : memref<8x64xi32, #tpu.memory_space<vmem>> -> memref<1x64xi32, #tpu.memory_space<vmem>>
      %dma_wait3A_303 = tpu.memref_squeeze %dma_wait3A_302 : memref<1x64xi32, #tpu.memory_space<vmem>> -> memref<64xi32, #tpu.memory_space<vmem>>
      %dma_wait3A_304 = tpu.memref_slice %arg2[%add3A_39] : memref<16384xi32, #tpu.memory_space<hbm>> -> memref<64xi32, #tpu.memory_space<hbm>>
      tpu.wait_dma2 semaphore(%run_scoped3A_288 : memref<!tpu.dma_semaphore, #tpu.memory_space<semaphore_mem>>) src(%dma_wait3A_304 : memref<64xi32, #tpu.memory_space<hbm>>) dst(%dma_wait3A_303 : memref<64xi32, #tpu.memory_space<vmem>>)
      tpu.yield
    }) : () -> ()
    %add3A_41 = arith.constant 384 : i32
    %add3A_42 = arith.addi %mul3A_2, %add3A_41 : i32
    %run_scoped3A_43 = arith.constant 6 : i32
    "tpu.region"() ({
      %run_scoped3A_288 = tpu.sem_alloc : memref<!tpu.dma_semaphore, #tpu.memory_space<semaphore_mem>>
      %dma_start3A_289 = arith.constant 0 : i32
      %dma_start3A_290 = tpu.memref_slice %arg9[%run_scoped3A_43, %dma_start3A_289] : memref<8x64xi32, #tpu.memory_space<vmem>> -> memref<1x64xi32, #tpu.memory_space<vmem>>
      %dma_start3A_291 = tpu.memref_squeeze %dma_start3A_290 : memref<1x64xi32, #tpu.memory_space<vmem>> -> memref<64xi32, #tpu.memory_space<vmem>>
      %dma_start3A_292 = tpu.memref_slice %arg3[%add3A_42] : memref<16384xi32, #tpu.memory_space<hbm>> -> memref<64xi32, #tpu.memory_space<hbm>>
      %dma_start3A_293 = arith.constant 0 : i32
      %dma_start3A_294 = tpu.memref_slice %arg9[%run_scoped3A_43, %dma_start3A_293] : memref<8x64xi32, #tpu.memory_space<vmem>> -> memref<1x64xi32, #tpu.memory_space<vmem>>
      %dma_start3A_295 = tpu.memref_squeeze %dma_start3A_294 : memref<1x64xi32, #tpu.memory_space<vmem>> -> memref<64xi32, #tpu.memory_space<vmem>>
      %dma_start3A_296 = tpu.memref_slice %arg3[%add3A_42] : memref<16384xi32, #tpu.memory_space<hbm>> -> memref<64xi32, #tpu.memory_space<hbm>>
      tpu.enqueue_dma source(%dma_start3A_296 : memref<64xi32, #tpu.memory_space<hbm>>) target(%dma_start3A_295 : memref<64xi32, #tpu.memory_space<vmem>>) target_semaphore(%run_scoped3A_288 : memref<!tpu.dma_semaphore, #tpu.memory_space<semaphore_mem>>)
      %dma_wait3A_297 = arith.constant 0 : i32
      %dma_wait3A_298 = tpu.memref_slice %arg9[%run_scoped3A_43, %dma_wait3A_297] : memref<8x64xi32, #tpu.memory_space<vmem>> -> memref<1x64xi32, #tpu.memory_space<vmem>>
      %dma_wait3A_299 = tpu.memref_squeeze %dma_wait3A_298 : memref<1x64xi32, #tpu.memory_space<vmem>> -> memref<64xi32, #tpu.memory_space<vmem>>
      %dma_wait3A_300 = tpu.memref_slice %arg3[%add3A_42] : memref<16384xi32, #tpu.memory_space<hbm>> -> memref<64xi32, #tpu.memory_space<hbm>>
      %dma_wait3A_301 = arith.constant 0 : i32
      %dma_wait3A_302 = tpu.memref_slice %arg9[%run_scoped3A_43, %dma_wait3A_301] : memref<8x64xi32, #tpu.memory_space<vmem>> -> memref<1x64xi32, #tpu.memory_space<vmem>>
      %dma_wait3A_303 = tpu.memref_squeeze %dma_wait3A_302 : memref<1x64xi32, #tpu.memory_space<vmem>> -> memref<64xi32, #tpu.memory_space<vmem>>
      %dma_wait3A_304 = tpu.memref_slice %arg3[%add3A_42] : memref<16384xi32, #tpu.memory_space<hbm>> -> memref<64xi32, #tpu.memory_space<hbm>>
      tpu.wait_dma2 semaphore(%run_scoped3A_288 : memref<!tpu.dma_semaphore, #tpu.memory_space<semaphore_mem>>) src(%dma_wait3A_304 : memref<64xi32, #tpu.memory_space<hbm>>) dst(%dma_wait3A_303 : memref<64xi32, #tpu.memory_space<vmem>>)
      tpu.yield
    }) : () -> ()
    %add3A_44 = arith.constant 448 : i32
    %add3A_45 = arith.addi %mul3A_2, %add3A_44 : i32
    %run_scoped3A_46 = arith.constant 7 : i32
    "tpu.region"() ({
      %run_scoped3A_288 = tpu.sem_alloc : memref<!tpu.dma_semaphore, #tpu.memory_space<semaphore_mem>>
      %dma_start3A_289 = arith.constant 0 : i32
      %dma_start3A_290 = tpu.memref_slice %arg8[%run_scoped3A_46, %dma_start3A_289] : memref<8x64xi32, #tpu.memory_space<vmem>> -> memref<1x64xi32, #tpu.memory_space<vmem>>
      %dma_start3A_291 = tpu.memref_squeeze %dma_start3A_290 : memref<1x64xi32, #tpu.memory_space<vmem>> -> memref<64xi32, #tpu.memory_space<vmem>>
      %dma_start3A_292 = tpu.memref_slice %arg2[%add3A_45] : memref<16384xi32, #tpu.memory_space<hbm>> -> memref<64xi32, #tpu.memory_space<hbm>>
      %dma_start3A_293 = arith.constant 0 : i32
      %dma_start3A_294 = tpu.memref_slice %arg8[%run_scoped3A_46, %dma_start3A_293] : memref<8x64xi32, #tpu.memory_space<vmem>> -> memref<1x64xi32, #tpu.memory_space<vmem>>
      %dma_start3A_295 = tpu.memref_squeeze %dma_start3A_294 : memref<1x64xi32, #tpu.memory_space<vmem>> -> memref<64xi32, #tpu.memory_space<vmem>>
      %dma_start3A_296 = tpu.memref_slice %arg2[%add3A_45] : memref<16384xi32, #tpu.memory_space<hbm>> -> memref<64xi32, #tpu.memory_space<hbm>>
      tpu.enqueue_dma source(%dma_start3A_296 : memref<64xi32, #tpu.memory_space<hbm>>) target(%dma_start3A_295 : memref<64xi32, #tpu.memory_space<vmem>>) target_semaphore(%run_scoped3A_288 : memref<!tpu.dma_semaphore, #tpu.memory_space<semaphore_mem>>)
      %dma_wait3A_297 = arith.constant 0 : i32
      %dma_wait3A_298 = tpu.memref_slice %arg8[%run_scoped3A_46, %dma_wait3A_297] : memref<8x64xi32, #tpu.memory_space<vmem>> -> memref<1x64xi32, #tpu.memory_space<vmem>>
      %dma_wait3A_299 = tpu.memref_squeeze %dma_wait3A_298 : memref<1x64xi32, #tpu.memory_space<vmem>> -> memref<64xi32, #tpu.memory_space<vmem>>
      %dma_wait3A_300 = tpu.memref_slice %arg2[%add3A_45] : memref<16384xi32, #tpu.memory_space<hbm>> -> memref<64xi32, #tpu.memory_space<hbm>>
      %dma_wait3A_301 = arith.constant 0 : i32
      %dma_wait3A_302 = tpu.memref_slice %arg8[%run_scoped3A_46, %dma_wait3A_301] : memref<8x64xi32, #tpu.memory_space<vmem>> -> memref<1x64xi32, #tpu.memory_space<vmem>>
      %dma_wait3A_303 = tpu.memref_squeeze %dma_wait3A_302 : memref<1x64xi32, #tpu.memory_space<vmem>> -> memref<64xi32, #tpu.memory_space<vmem>>
      %dma_wait3A_304 = tpu.memref_slice %arg2[%add3A_45] : memref<16384xi32, #tpu.memory_space<hbm>> -> memref<64xi32, #tpu.memory_space<hbm>>
      tpu.wait_dma2 semaphore(%run_scoped3A_288 : memref<!tpu.dma_semaphore, #tpu.memory_space<semaphore_mem>>) src(%dma_wait3A_304 : memref<64xi32, #tpu.memory_space<hbm>>) dst(%dma_wait3A_303 : memref<64xi32, #tpu.memory_space<vmem>>)
      tpu.yield
    }) : () -> ()
    %add3A_47 = arith.constant 448 : i32
    %add3A_48 = arith.addi %mul3A_2, %add3A_47 : i32
    %run_scoped3A_49 = arith.constant 7 : i32
    "tpu.region"() ({
      %run_scoped3A_288 = tpu.sem_alloc : memref<!tpu.dma_semaphore, #tpu.memory_space<semaphore_mem>>
      %dma_start3A_289 = arith.constant 0 : i32
      %dma_start3A_290 = tpu.memref_slice %arg9[%run_scoped3A_49, %dma_start3A_289] : memref<8x64xi32, #tpu.memory_space<vmem>> -> memref<1x64xi32, #tpu.memory_space<vmem>>
      %dma_start3A_291 = tpu.memref_squeeze %dma_start3A_290 : memref<1x64xi32, #tpu.memory_space<vmem>> -> memref<64xi32, #tpu.memory_space<vmem>>
      %dma_start3A_292 = tpu.memref_slice %arg3[%add3A_48] : memref<16384xi32, #tpu.memory_space<hbm>> -> memref<64xi32, #tpu.memory_space<hbm>>
      %dma_start3A_293 = arith.constant 0 : i32
      %dma_start3A_294 = tpu.memref_slice %arg9[%run_scoped3A_49, %dma_start3A_293] : memref<8x64xi32, #tpu.memory_space<vmem>> -> memref<1x64xi32, #tpu.memory_space<vmem>>
      %dma_start3A_295 = tpu.memref_squeeze %dma_start3A_294 : memref<1x64xi32, #tpu.memory_space<vmem>> -> memref<64xi32, #tpu.memory_space<vmem>>
      %dma_start3A_296 = tpu.memref_slice %arg3[%add3A_48] : memref<16384xi32, #tpu.memory_space<hbm>> -> memref<64xi32, #tpu.memory_space<hbm>>
      tpu.enqueue_dma source(%dma_start3A_296 : memref<64xi32, #tpu.memory_space<hbm>>) target(%dma_start3A_295 : memref<64xi32, #tpu.memory_space<vmem>>) target_semaphore(%run_scoped3A_288 : memref<!tpu.dma_semaphore, #tpu.memory_space<semaphore_mem>>)
      %dma_wait3A_297 = arith.constant 0 : i32
      %dma_wait3A_298 = tpu.memref_slice %arg9[%run_scoped3A_49, %dma_wait3A_297] : memref<8x64xi32, #tpu.memory_space<vmem>> -> memref<1x64xi32, #tpu.memory_space<vmem>>
      %dma_wait3A_299 = tpu.memref_squeeze %dma_wait3A_298 : memref<1x64xi32, #tpu.memory_space<vmem>> -> memref<64xi32, #tpu.memory_space<vmem>>
      %dma_wait3A_300 = tpu.memref_slice %arg3[%add3A_48] : memref<16384xi32, #tpu.memory_space<hbm>> -> memref<64xi32, #tpu.memory_space<hbm>>
      %dma_wait3A_301 = arith.constant 0 : i32
      %dma_wait3A_302 = tpu.memref_slice %arg9[%run_scoped3A_49, %dma_wait3A_301] : memref<8x64xi32, #tpu.memory_space<vmem>> -> memref<1x64xi32, #tpu.memory_space<vmem>>
      %dma_wait3A_303 = tpu.memref_squeeze %dma_wait3A_302 : memref<1x64xi32, #tpu.memory_space<vmem>> -> memref<64xi32, #tpu.memory_space<vmem>>
      %dma_wait3A_304 = tpu.memref_slice %arg3[%add3A_48] : memref<16384xi32, #tpu.memory_space<hbm>> -> memref<64xi32, #tpu.memory_space<hbm>>
      tpu.wait_dma2 semaphore(%run_scoped3A_288 : memref<!tpu.dma_semaphore, #tpu.memory_space<semaphore_mem>>) src(%dma_wait3A_304 : memref<64xi32, #tpu.memory_space<hbm>>) dst(%dma_wait3A_303 : memref<64xi32, #tpu.memory_space<vmem>>)
      tpu.yield
    }) : () -> ()
    %dma_start3A = arith.constant 0 : i32
    %dma_start3A_50 = arith.constant 0 : i32
    %dma_start3A_51 = tpu.memref_slice %arg8[%dma_start3A, %dma_start3A_50] : memref<8x64xi32, #tpu.memory_space<vmem>> -> memref<1x64xi32, #tpu.memory_space<vmem>>
    %dma_start3A_52 = tpu.memref_squeeze %dma_start3A_51 : memref<1x64xi32, #tpu.memory_space<vmem>> -> memref<64xi32, #tpu.memory_space<vmem>>
    %dma_start3A_53 = arith.constant 0 : i32
    %dma_start3A_54 = arith.constant 0 : i32
    %dma_start3A_55 = tpu.memref_slice %arg4[%dma_start3A_53, %dma_start3A_54] : memref<162542x256xf32, #tpu.memory_space<hbm>> -> memref<162542x256xf32, #tpu.memory_space<hbm>>
    tpu.enqueue_indirect_dma source(%dma_start3A_55 : memref<162542x256xf32, #tpu.memory_space<hbm>>) target(%arg10 : memref<64x256xf32, #tpu.memory_space<vmem>>) offsets(%dma_start3A_52 : memref<64xi32, #tpu.memory_space<vmem>>) semaphore(%arg14 : memref<!tpu.dma_semaphore, #tpu.memory_space<semaphore_mem>>)
    %dma_start3A_56 = arith.constant 0 : i32
    %dma_start3A_57 = arith.constant 0 : i32
    %dma_start3A_58 = tpu.memref_slice %arg9[%dma_start3A_56, %dma_start3A_57] : memref<8x64xi32, #tpu.memory_space<vmem>> -> memref<1x64xi32, #tpu.memory_space<vmem>>
    %dma_start3A_59 = tpu.memref_squeeze %dma_start3A_58 : memref<1x64xi32, #tpu.memory_space<vmem>> -> memref<64xi32, #tpu.memory_space<vmem>>
    %dma_start3A_60 = arith.constant 0 : i32
    %dma_start3A_61 = arith.constant 0 : i32
    %dma_start3A_62 = tpu.memref_slice %arg5[%dma_start3A_60, %dma_start3A_61] : memref<59048x256xf32, #tpu.memory_space<hbm>> -> memref<59048x256xf32, #tpu.memory_space<hbm>>
    tpu.enqueue_indirect_dma source(%dma_start3A_62 : memref<59048x256xf32, #tpu.memory_space<hbm>>) target(%arg12 : memref<64x256xf32, #tpu.memory_space<vmem>>) offsets(%dma_start3A_59 : memref<64xi32, #tpu.memory_space<vmem>>) semaphore(%arg16 : memref<!tpu.dma_semaphore, #tpu.memory_space<semaphore_mem>>)
    %dma_start3A_63 = arith.constant 1 : i32
    %dma_start3A_64 = arith.constant 0 : i32
    %dma_start3A_65 = tpu.memref_slice %arg8[%dma_start3A_63, %dma_start3A_64] : memref<8x64xi32, #tpu.memory_space<vmem>> -> memref<1x64xi32, #tpu.memory_space<vmem>>
    %dma_start3A_66 = tpu.memref_squeeze %dma_start3A_65 : memref<1x64xi32, #tpu.memory_space<vmem>> -> memref<64xi32, #tpu.memory_space<vmem>>
    %dma_start3A_67 = arith.constant 0 : i32
    %dma_start3A_68 = arith.constant 0 : i32
    %dma_start3A_69 = tpu.memref_slice %arg4[%dma_start3A_67, %dma_start3A_68] : memref<162542x256xf32, #tpu.memory_space<hbm>> -> memref<162542x256xf32, #tpu.memory_space<hbm>>
    tpu.enqueue_indirect_dma source(%dma_start3A_69 : memref<162542x256xf32, #tpu.memory_space<hbm>>) target(%arg11 : memref<64x256xf32, #tpu.memory_space<vmem>>) offsets(%dma_start3A_66 : memref<64xi32, #tpu.memory_space<vmem>>) semaphore(%arg15 : memref<!tpu.dma_semaphore, #tpu.memory_space<semaphore_mem>>)
    %dma_start3A_70 = arith.constant 1 : i32
    %dma_start3A_71 = arith.constant 0 : i32
    %dma_start3A_72 = tpu.memref_slice %arg9[%dma_start3A_70, %dma_start3A_71] : memref<8x64xi32, #tpu.memory_space<vmem>> -> memref<1x64xi32, #tpu.memory_space<vmem>>
    %dma_start3A_73 = tpu.memref_squeeze %dma_start3A_72 : memref<1x64xi32, #tpu.memory_space<vmem>> -> memref<64xi32, #tpu.memory_space<vmem>>
    %dma_start3A_74 = arith.constant 0 : i32
    %dma_start3A_75 = arith.constant 0 : i32
    %dma_start3A_76 = tpu.memref_slice %arg5[%dma_start3A_74, %dma_start3A_75] : memref<59048x256xf32, #tpu.memory_space<hbm>> -> memref<59048x256xf32, #tpu.memory_space<hbm>>
    tpu.enqueue_indirect_dma source(%dma_start3A_76 : memref<59048x256xf32, #tpu.memory_space<hbm>>) target(%arg13 : memref<64x256xf32, #tpu.memory_space<vmem>>) offsets(%dma_start3A_73 : memref<64xi32, #tpu.memory_space<vmem>>) semaphore(%arg17 : memref<!tpu.dma_semaphore, #tpu.memory_space<semaphore_mem>>)
    %add3A_77 = arith.constant 0 : i32
    %add3A_78 = arith.addi %mul3A_2, %add3A_77 : i32
    %dma_wait3A = arith.constant 0 : i32
    %dma_wait3A_79 = arith.constant 0 : i32
    %dma_wait3A_80 = tpu.memref_slice %arg8[%dma_wait3A, %dma_wait3A_79] : memref<8x64xi32, #tpu.memory_space<vmem>> -> memref<1x64xi32, #tpu.memory_space<vmem>>
    %dma_wait3A_81 = tpu.memref_squeeze %dma_wait3A_80 : memref<1x64xi32, #tpu.memory_space<vmem>> -> memref<64xi32, #tpu.memory_space<vmem>>
    %dma_wait3A_82 = arith.constant 0 : i32
    %dma_wait3A_83 = arith.constant 0 : i32
    %dma_wait3A_84 = tpu.memref_slice %arg4[%dma_wait3A_82, %dma_wait3A_83] : memref<162542x256xf32, #tpu.memory_space<hbm>> -> memref<162542x256xf32, #tpu.memory_space<hbm>>
    tpu.wait_indirect_dma semaphore(%arg14 : memref<!tpu.dma_semaphore, #tpu.memory_space<semaphore_mem>>) src(%dma_wait3A_84 : memref<162542x256xf32, #tpu.memory_space<hbm>>) dst(%arg10 : memref<64x256xf32, #tpu.memory_space<vmem>>)
    "tpu.region"() ({
      %run_scoped3A_288 = tpu.sem_alloc : memref<!tpu.dma_semaphore, #tpu.memory_space<semaphore_mem>>
      %dma_start3A_289 = arith.constant 0 : i32
      %dma_start3A_290 = tpu.memref_slice %arg6[%add3A_78, %dma_start3A_289] : memref<16384x256xf32, #tpu.memory_space<hbm>> -> memref<64x256xf32, #tpu.memory_space<hbm>>
      %dma_start3A_291 = arith.constant 0 : i32
      %dma_start3A_292 = tpu.memref_slice %arg6[%add3A_78, %dma_start3A_291] : memref<16384x256xf32, #tpu.memory_space<hbm>> -> memref<64x256xf32, #tpu.memory_space<hbm>>
      tpu.enqueue_dma source(%arg10 : memref<64x256xf32, #tpu.memory_space<vmem>>) target(%dma_start3A_292 : memref<64x256xf32, #tpu.memory_space<hbm>>) target_semaphore(%run_scoped3A_288 : memref<!tpu.dma_semaphore, #tpu.memory_space<semaphore_mem>>)
      %dma_wait3A_293 = arith.constant 0 : i32
      %dma_wait3A_294 = tpu.memref_slice %arg6[%add3A_78, %dma_wait3A_293] : memref<16384x256xf32, #tpu.memory_space<hbm>> -> memref<64x256xf32, #tpu.memory_space<hbm>>
      %dma_wait3A_295 = arith.constant 0 : i32
      %dma_wait3A_296 = tpu.memref_slice %arg6[%add3A_78, %dma_wait3A_295] : memref<16384x256xf32, #tpu.memory_space<hbm>> -> memref<64x256xf32, #tpu.memory_space<hbm>>
      tpu.wait_dma2 semaphore(%run_scoped3A_288 : memref<!tpu.dma_semaphore, #tpu.memory_space<semaphore_mem>>) src(%arg10 : memref<64x256xf32, #tpu.memory_space<vmem>>) dst(%dma_wait3A_296 : memref<64x256xf32, #tpu.memory_space<hbm>>)
      tpu.yield
    }) : () -> ()
    %dma_wait3A_85 = arith.constant 0 : i32
    %dma_wait3A_86 = arith.constant 0 : i32
    %dma_wait3A_87 = tpu.memref_slice %arg9[%dma_wait3A_85, %dma_wait3A_86] : memref<8x64xi32, #tpu.memory_space<vmem>> -> memref<1x64xi32, #tpu.memory_space<vmem>>
    %dma_wait3A_88 = tpu.memref_squeeze %dma_wait3A_87 : memref<1x64xi32, #tpu.memory_space<vmem>> -> memref<64xi32, #tpu.memory_space<vmem>>
    %dma_wait3A_89 = arith.constant 0 : i32
    %dma_wait3A_90 = arith.constant 0 : i32
    %dma_wait3A_91 = tpu.memref_slice %arg5[%dma_wait3A_89, %dma_wait3A_90] : memref<59048x256xf32, #tpu.memory_space<hbm>> -> memref<59048x256xf32, #tpu.memory_space<hbm>>
    tpu.wait_indirect_dma semaphore(%arg16 : memref<!tpu.dma_semaphore, #tpu.memory_space<semaphore_mem>>) src(%dma_wait3A_91 : memref<59048x256xf32, #tpu.memory_space<hbm>>) dst(%arg12 : memref<64x256xf32, #tpu.memory_space<vmem>>)
    "tpu.region"() ({
      %run_scoped3A_288 = tpu.sem_alloc : memref<!tpu.dma_semaphore, #tpu.memory_space<semaphore_mem>>
      %dma_start3A_289 = arith.constant 0 : i32
      %dma_start3A_290 = tpu.memref_slice %arg7[%add3A_78, %dma_start3A_289] : memref<16384x256xf32, #tpu.memory_space<hbm>> -> memref<64x256xf32, #tpu.memory_space<hbm>>
      %dma_start3A_291 = arith.constant 0 : i32
      %dma_start3A_292 = tpu.memref_slice %arg7[%add3A_78, %dma_start3A_291] : memref<16384x256xf32, #tpu.memory_space<hbm>> -> memref<64x256xf32, #tpu.memory_space<hbm>>
      tpu.enqueue_dma source(%arg12 : memref<64x256xf32, #tpu.memory_space<vmem>>) target(%dma_start3A_292 : memref<64x256xf32, #tpu.memory_space<hbm>>) target_semaphore(%run_scoped3A_288 : memref<!tpu.dma_semaphore, #tpu.memory_space<semaphore_mem>>)
      %dma_wait3A_293 = arith.constant 0 : i32
      %dma_wait3A_294 = tpu.memref_slice %arg7[%add3A_78, %dma_wait3A_293] : memref<16384x256xf32, #tpu.memory_space<hbm>> -> memref<64x256xf32, #tpu.memory_space<hbm>>
      %dma_wait3A_295 = arith.constant 0 : i32
      %dma_wait3A_296 = tpu.memref_slice %arg7[%add3A_78, %dma_wait3A_295] : memref<16384x256xf32, #tpu.memory_space<hbm>> -> memref<64x256xf32, #tpu.memory_space<hbm>>
      tpu.wait_dma2 semaphore(%run_scoped3A_288 : memref<!tpu.dma_semaphore, #tpu.memory_space<semaphore_mem>>) src(%arg12 : memref<64x256xf32, #tpu.memory_space<vmem>>) dst(%dma_wait3A_296 : memref<64x256xf32, #tpu.memory_space<hbm>>)
      tpu.yield
    }) : () -> ()
    %dma_start3A_92 = arith.constant 2 : i32
    %dma_start3A_93 = arith.constant 0 : i32
    %dma_start3A_94 = tpu.memref_slice %arg8[%dma_start3A_92, %dma_start3A_93] : memref<8x64xi32, #tpu.memory_space<vmem>> -> memref<1x64xi32, #tpu.memory_space<vmem>>
    %dma_start3A_95 = tpu.memref_squeeze %dma_start3A_94 : memref<1x64xi32, #tpu.memory_space<vmem>> -> memref<64xi32, #tpu.memory_space<vmem>>
    %dma_start3A_96 = arith.constant 0 : i32
    %dma_start3A_97 = arith.constant 0 : i32
    %dma_start3A_98 = tpu.memref_slice %arg4[%dma_start3A_96, %dma_start3A_97] : memref<162542x256xf32, #tpu.memory_space<hbm>> -> memref<162542x256xf32, #tpu.memory_space<hbm>>
    tpu.enqueue_indirect_dma source(%dma_start3A_98 : memref<162542x256xf32, #tpu.memory_space<hbm>>) target(%arg10 : memref<64x256xf32, #tpu.memory_space<vmem>>) offsets(%dma_start3A_95 : memref<64xi32, #tpu.memory_space<vmem>>) semaphore(%arg14 : memref<!tpu.dma_semaphore, #tpu.memory_space<semaphore_mem>>)
    %dma_start3A_99 = arith.constant 2 : i32
    %dma_start3A_100 = arith.constant 0 : i32
    %dma_start3A_101 = tpu.memref_slice %arg9[%dma_start3A_99, %dma_start3A_100] : memref<8x64xi32, #tpu.memory_space<vmem>> -> memref<1x64xi32, #tpu.memory_space<vmem>>
    %dma_start3A_102 = tpu.memref_squeeze %dma_start3A_101 : memref<1x64xi32, #tpu.memory_space<vmem>> -> memref<64xi32, #tpu.memory_space<vmem>>
    %dma_start3A_103 = arith.constant 0 : i32
    %dma_start3A_104 = arith.constant 0 : i32
    %dma_start3A_105 = tpu.memref_slice %arg5[%dma_start3A_103, %dma_start3A_104] : memref<59048x256xf32, #tpu.memory_space<hbm>> -> memref<59048x256xf32, #tpu.memory_space<hbm>>
    tpu.enqueue_indirect_dma source(%dma_start3A_105 : memref<59048x256xf32, #tpu.memory_space<hbm>>) target(%arg12 : memref<64x256xf32, #tpu.memory_space<vmem>>) offsets(%dma_start3A_102 : memref<64xi32, #tpu.memory_space<vmem>>) semaphore(%arg16 : memref<!tpu.dma_semaphore, #tpu.memory_space<semaphore_mem>>)
    %add3A_106 = arith.constant 64 : i32
    %add3A_107 = arith.addi %mul3A_2, %add3A_106 : i32
    %dma_wait3A_108 = arith.constant 1 : i32
    %dma_wait3A_109 = arith.constant 0 : i32
    %dma_wait3A_110 = tpu.memref_slice %arg8[%dma_wait3A_108, %dma_wait3A_109] : memref<8x64xi32, #tpu.memory_space<vmem>> -> memref<1x64xi32, #tpu.memory_space<vmem>>
    %dma_wait3A_111 = tpu.memref_squeeze %dma_wait3A_110 : memref<1x64xi32, #tpu.memory_space<vmem>> -> memref<64xi32, #tpu.memory_space<vmem>>
    %dma_wait3A_112 = arith.constant 0 : i32
    %dma_wait3A_113 = arith.constant 0 : i32
    %dma_wait3A_114 = tpu.memref_slice %arg4[%dma_wait3A_112, %dma_wait3A_113] : memref<162542x256xf32, #tpu.memory_space<hbm>> -> memref<162542x256xf32, #tpu.memory_space<hbm>>
    tpu.wait_indirect_dma semaphore(%arg15 : memref<!tpu.dma_semaphore, #tpu.memory_space<semaphore_mem>>) src(%dma_wait3A_114 : memref<162542x256xf32, #tpu.memory_space<hbm>>) dst(%arg11 : memref<64x256xf32, #tpu.memory_space<vmem>>)
    "tpu.region"() ({
      %run_scoped3A_288 = tpu.sem_alloc : memref<!tpu.dma_semaphore, #tpu.memory_space<semaphore_mem>>
      %dma_start3A_289 = arith.constant 0 : i32
      %dma_start3A_290 = tpu.memref_slice %arg6[%add3A_107, %dma_start3A_289] : memref<16384x256xf32, #tpu.memory_space<hbm>> -> memref<64x256xf32, #tpu.memory_space<hbm>>
      %dma_start3A_291 = arith.constant 0 : i32
      %dma_start3A_292 = tpu.memref_slice %arg6[%add3A_107, %dma_start3A_291] : memref<16384x256xf32, #tpu.memory_space<hbm>> -> memref<64x256xf32, #tpu.memory_space<hbm>>
      tpu.enqueue_dma source(%arg11 : memref<64x256xf32, #tpu.memory_space<vmem>>) target(%dma_start3A_292 : memref<64x256xf32, #tpu.memory_space<hbm>>) target_semaphore(%run_scoped3A_288 : memref<!tpu.dma_semaphore, #tpu.memory_space<semaphore_mem>>)
      %dma_wait3A_293 = arith.constant 0 : i32
      %dma_wait3A_294 = tpu.memref_slice %arg6[%add3A_107, %dma_wait3A_293] : memref<16384x256xf32, #tpu.memory_space<hbm>> -> memref<64x256xf32, #tpu.memory_space<hbm>>
      %dma_wait3A_295 = arith.constant 0 : i32
      %dma_wait3A_296 = tpu.memref_slice %arg6[%add3A_107, %dma_wait3A_295] : memref<16384x256xf32, #tpu.memory_space<hbm>> -> memref<64x256xf32, #tpu.memory_space<hbm>>
      tpu.wait_dma2 semaphore(%run_scoped3A_288 : memref<!tpu.dma_semaphore, #tpu.memory_space<semaphore_mem>>) src(%arg11 : memref<64x256xf32, #tpu.memory_space<vmem>>) dst(%dma_wait3A_296 : memref<64x256xf32, #tpu.memory_space<hbm>>)
      tpu.yield
    }) : () -> ()
    %dma_wait3A_115 = arith.constant 1 : i32
    %dma_wait3A_116 = arith.constant 0 : i32
    %dma_wait3A_117 = tpu.memref_slice %arg9[%dma_wait3A_115, %dma_wait3A_116] : memref<8x64xi32, #tpu.memory_space<vmem>> -> memref<1x64xi32, #tpu.memory_space<vmem>>
    %dma_wait3A_118 = tpu.memref_squeeze %dma_wait3A_117 : memref<1x64xi32, #tpu.memory_space<vmem>> -> memref<64xi32, #tpu.memory_space<vmem>>
    %dma_wait3A_119 = arith.constant 0 : i32
    %dma_wait3A_120 = arith.constant 0 : i32
    %dma_wait3A_121 = tpu.memref_slice %arg5[%dma_wait3A_119, %dma_wait3A_120] : memref<59048x256xf32, #tpu.memory_space<hbm>> -> memref<59048x256xf32, #tpu.memory_space<hbm>>
    tpu.wait_indirect_dma semaphore(%arg17 : memref<!tpu.dma_semaphore, #tpu.memory_space<semaphore_mem>>) src(%dma_wait3A_121 : memref<59048x256xf32, #tpu.memory_space<hbm>>) dst(%arg13 : memref<64x256xf32, #tpu.memory_space<vmem>>)
    "tpu.region"() ({
      %run_scoped3A_288 = tpu.sem_alloc : memref<!tpu.dma_semaphore, #tpu.memory_space<semaphore_mem>>
      %dma_start3A_289 = arith.constant 0 : i32
      %dma_start3A_290 = tpu.memref_slice %arg7[%add3A_107, %dma_start3A_289] : memref<16384x256xf32, #tpu.memory_space<hbm>> -> memref<64x256xf32, #tpu.memory_space<hbm>>
      %dma_start3A_291 = arith.constant 0 : i32
      %dma_start3A_292 = tpu.memref_slice %arg7[%add3A_107, %dma_start3A_291] : memref<16384x256xf32, #tpu.memory_space<hbm>> -> memref<64x256xf32, #tpu.memory_space<hbm>>
      tpu.enqueue_dma source(%arg13 : memref<64x256xf32, #tpu.memory_space<vmem>>) target(%dma_start3A_292 : memref<64x256xf32, #tpu.memory_space<hbm>>) target_semaphore(%run_scoped3A_288 : memref<!tpu.dma_semaphore, #tpu.memory_space<semaphore_mem>>)
      %dma_wait3A_293 = arith.constant 0 : i32
      %dma_wait3A_294 = tpu.memref_slice %arg7[%add3A_107, %dma_wait3A_293] : memref<16384x256xf32, #tpu.memory_space<hbm>> -> memref<64x256xf32, #tpu.memory_space<hbm>>
      %dma_wait3A_295 = arith.constant 0 : i32
      %dma_wait3A_296 = tpu.memref_slice %arg7[%add3A_107, %dma_wait3A_295] : memref<16384x256xf32, #tpu.memory_space<hbm>> -> memref<64x256xf32, #tpu.memory_space<hbm>>
      tpu.wait_dma2 semaphore(%run_scoped3A_288 : memref<!tpu.dma_semaphore, #tpu.memory_space<semaphore_mem>>) src(%arg13 : memref<64x256xf32, #tpu.memory_space<vmem>>) dst(%dma_wait3A_296 : memref<64x256xf32, #tpu.memory_space<hbm>>)
      tpu.yield
    }) : () -> ()
    %dma_start3A_122 = arith.constant 3 : i32
    %dma_start3A_123 = arith.constant 0 : i32
    %dma_start3A_124 = tpu.memref_slice %arg8[%dma_start3A_122, %dma_start3A_123] : memref<8x64xi32, #tpu.memory_space<vmem>> -> memref<1x64xi32, #tpu.memory_space<vmem>>
    %dma_start3A_125 = tpu.memref_squeeze %dma_start3A_124 : memref<1x64xi32, #tpu.memory_space<vmem>> -> memref<64xi32, #tpu.memory_space<vmem>>
    %dma_start3A_126 = arith.constant 0 : i32
    %dma_start3A_127 = arith.constant 0 : i32
    %dma_start3A_128 = tpu.memref_slice %arg4[%dma_start3A_126, %dma_start3A_127] : memref<162542x256xf32, #tpu.memory_space<hbm>> -> memref<162542x256xf32, #tpu.memory_space<hbm>>
    tpu.enqueue_indirect_dma source(%dma_start3A_128 : memref<162542x256xf32, #tpu.memory_space<hbm>>) target(%arg11 : memref<64x256xf32, #tpu.memory_space<vmem>>) offsets(%dma_start3A_125 : memref<64xi32, #tpu.memory_space<vmem>>) semaphore(%arg15 : memref<!tpu.dma_semaphore, #tpu.memory_space<semaphore_mem>>)
    %dma_start3A_129 = arith.constant 3 : i32
    %dma_start3A_130 = arith.constant 0 : i32
    %dma_start3A_131 = tpu.memref_slice %arg9[%dma_start3A_129, %dma_start3A_130] : memref<8x64xi32, #tpu.memory_space<vmem>> -> memref<1x64xi32, #tpu.memory_space<vmem>>
    %dma_start3A_132 = tpu.memref_squeeze %dma_start3A_131 : memref<1x64xi32, #tpu.memory_space<vmem>> -> memref<64xi32, #tpu.memory_space<vmem>>
    %dma_start3A_133 = arith.constant 0 : i32
    %dma_start3A_134 = arith.constant 0 : i32
    %dma_start3A_135 = tpu.memref_slice %arg5[%dma_start3A_133, %dma_start3A_134] : memref<59048x256xf32, #tpu.memory_space<hbm>> -> memref<59048x256xf32, #tpu.memory_space<hbm>>
    tpu.enqueue_indirect_dma source(%dma_start3A_135 : memref<59048x256xf32, #tpu.memory_space<hbm>>) target(%arg13 : memref<64x256xf32, #tpu.memory_space<vmem>>) offsets(%dma_start3A_132 : memref<64xi32, #tpu.memory_space<vmem>>) semaphore(%arg17 : memref<!tpu.dma_semaphore, #tpu.memory_space<semaphore_mem>>)
    %add3A_136 = arith.constant 128 : i32
    %add3A_137 = arith.addi %mul3A_2, %add3A_136 : i32
    %dma_wait3A_138 = arith.constant 2 : i32
    %dma_wait3A_139 = arith.constant 0 : i32
    %dma_wait3A_140 = tpu.memref_slice %arg8[%dma_wait3A_138, %dma_wait3A_139] : memref<8x64xi32, #tpu.memory_space<vmem>> -> memref<1x64xi32, #tpu.memory_space<vmem>>
    %dma_wait3A_141 = tpu.memref_squeeze %dma_wait3A_140 : memref<1x64xi32, #tpu.memory_space<vmem>> -> memref<64xi32, #tpu.memory_space<vmem>>
    %dma_wait3A_142 = arith.constant 0 : i32
    %dma_wait3A_143 = arith.constant 0 : i32
    %dma_wait3A_144 = tpu.memref_slice %arg4[%dma_wait3A_142, %dma_wait3A_143] : memref<162542x256xf32, #tpu.memory_space<hbm>> -> memref<162542x256xf32, #tpu.memory_space<hbm>>
    tpu.wait_indirect_dma semaphore(%arg14 : memref<!tpu.dma_semaphore, #tpu.memory_space<semaphore_mem>>) src(%dma_wait3A_144 : memref<162542x256xf32, #tpu.memory_space<hbm>>) dst(%arg10 : memref<64x256xf32, #tpu.memory_space<vmem>>)
    "tpu.region"() ({
      %run_scoped3A_288 = tpu.sem_alloc : memref<!tpu.dma_semaphore, #tpu.memory_space<semaphore_mem>>
      %dma_start3A_289 = arith.constant 0 : i32
      %dma_start3A_290 = tpu.memref_slice %arg6[%add3A_137, %dma_start3A_289] : memref<16384x256xf32, #tpu.memory_space<hbm>> -> memref<64x256xf32, #tpu.memory_space<hbm>>
      %dma_start3A_291 = arith.constant 0 : i32
      %dma_start3A_292 = tpu.memref_slice %arg6[%add3A_137, %dma_start3A_291] : memref<16384x256xf32, #tpu.memory_space<hbm>> -> memref<64x256xf32, #tpu.memory_space<hbm>>
      tpu.enqueue_dma source(%arg10 : memref<64x256xf32, #tpu.memory_space<vmem>>) target(%dma_start3A_292 : memref<64x256xf32, #tpu.memory_space<hbm>>) target_semaphore(%run_scoped3A_288 : memref<!tpu.dma_semaphore, #tpu.memory_space<semaphore_mem>>)
      %dma_wait3A_293 = arith.constant 0 : i32
      %dma_wait3A_294 = tpu.memref_slice %arg6[%add3A_137, %dma_wait3A_293] : memref<16384x256xf32, #tpu.memory_space<hbm>> -> memref<64x256xf32, #tpu.memory_space<hbm>>
      %dma_wait3A_295 = arith.constant 0 : i32
      %dma_wait3A_296 = tpu.memref_slice %arg6[%add3A_137, %dma_wait3A_295] : memref<16384x256xf32, #tpu.memory_space<hbm>> -> memref<64x256xf32, #tpu.memory_space<hbm>>
      tpu.wait_dma2 semaphore(%run_scoped3A_288 : memref<!tpu.dma_semaphore, #tpu.memory_space<semaphore_mem>>) src(%arg10 : memref<64x256xf32, #tpu.memory_space<vmem>>) dst(%dma_wait3A_296 : memref<64x256xf32, #tpu.memory_space<hbm>>)
      tpu.yield
    }) : () -> ()
    %dma_wait3A_145 = arith.constant 2 : i32
    %dma_wait3A_146 = arith.constant 0 : i32
    %dma_wait3A_147 = tpu.memref_slice %arg9[%dma_wait3A_145, %dma_wait3A_146] : memref<8x64xi32, #tpu.memory_space<vmem>> -> memref<1x64xi32, #tpu.memory_space<vmem>>
    %dma_wait3A_148 = tpu.memref_squeeze %dma_wait3A_147 : memref<1x64xi32, #tpu.memory_space<vmem>> -> memref<64xi32, #tpu.memory_space<vmem>>
    %dma_wait3A_149 = arith.constant 0 : i32
    %dma_wait3A_150 = arith.constant 0 : i32
    %dma_wait3A_151 = tpu.memref_slice %arg5[%dma_wait3A_149, %dma_wait3A_150] : memref<59048x256xf32, #tpu.memory_space<hbm>> -> memref<59048x256xf32, #tpu.memory_space<hbm>>
    tpu.wait_indirect_dma semaphore(%arg16 : memref<!tpu.dma_semaphore, #tpu.memory_space<semaphore_mem>>) src(%dma_wait3A_151 : memref<59048x256xf32, #tpu.memory_space<hbm>>) dst(%arg12 : memref<64x256xf32, #tpu.memory_space<vmem>>)
    "tpu.region"() ({
      %run_scoped3A_288 = tpu.sem_alloc : memref<!tpu.dma_semaphore, #tpu.memory_space<semaphore_mem>>
      %dma_start3A_289 = arith.constant 0 : i32
      %dma_start3A_290 = tpu.memref_slice %arg7[%add3A_137, %dma_start3A_289] : memref<16384x256xf32, #tpu.memory_space<hbm>> -> memref<64x256xf32, #tpu.memory_space<hbm>>
      %dma_start3A_291 = arith.constant 0 : i32
      %dma_start3A_292 = tpu.memref_slice %arg7[%add3A_137, %dma_start3A_291] : memref<16384x256xf32, #tpu.memory_space<hbm>> -> memref<64x256xf32, #tpu.memory_space<hbm>>
      tpu.enqueue_dma source(%arg12 : memref<64x256xf32, #tpu.memory_space<vmem>>) target(%dma_start3A_292 : memref<64x256xf32, #tpu.memory_space<hbm>>) target_semaphore(%run_scoped3A_288 : memref<!tpu.dma_semaphore, #tpu.memory_space<semaphore_mem>>)
      %dma_wait3A_293 = arith.constant 0 : i32
      %dma_wait3A_294 = tpu.memref_slice %arg7[%add3A_137, %dma_wait3A_293] : memref<16384x256xf32, #tpu.memory_space<hbm>> -> memref<64x256xf32, #tpu.memory_space<hbm>>
      %dma_wait3A_295 = arith.constant 0 : i32
      %dma_wait3A_296 = tpu.memref_slice %arg7[%add3A_137, %dma_wait3A_295] : memref<16384x256xf32, #tpu.memory_space<hbm>> -> memref<64x256xf32, #tpu.memory_space<hbm>>
      tpu.wait_dma2 semaphore(%run_scoped3A_288 : memref<!tpu.dma_semaphore, #tpu.memory_space<semaphore_mem>>) src(%arg12 : memref<64x256xf32, #tpu.memory_space<vmem>>) dst(%dma_wait3A_296 : memref<64x256xf32, #tpu.memory_space<hbm>>)
      tpu.yield
    }) : () -> ()
    %dma_start3A_152 = arith.constant 4 : i32
    %dma_start3A_153 = arith.constant 0 : i32
    %dma_start3A_154 = tpu.memref_slice %arg8[%dma_start3A_152, %dma_start3A_153] : memref<8x64xi32, #tpu.memory_space<vmem>> -> memref<1x64xi32, #tpu.memory_space<vmem>>
    %dma_start3A_155 = tpu.memref_squeeze %dma_start3A_154 : memref<1x64xi32, #tpu.memory_space<vmem>> -> memref<64xi32, #tpu.memory_space<vmem>>
    %dma_start3A_156 = arith.constant 0 : i32
    %dma_start3A_157 = arith.constant 0 : i32
    %dma_start3A_158 = tpu.memref_slice %arg4[%dma_start3A_156, %dma_start3A_157] : memref<162542x256xf32, #tpu.memory_space<hbm>> -> memref<162542x256xf32, #tpu.memory_space<hbm>>
    tpu.enqueue_indirect_dma source(%dma_start3A_158 : memref<162542x256xf32, #tpu.memory_space<hbm>>) target(%arg10 : memref<64x256xf32, #tpu.memory_space<vmem>>) offsets(%dma_start3A_155 : memref<64xi32, #tpu.memory_space<vmem>>) semaphore(%arg14 : memref<!tpu.dma_semaphore, #tpu.memory_space<semaphore_mem>>)
    %dma_start3A_159 = arith.constant 4 : i32
    %dma_start3A_160 = arith.constant 0 : i32
    %dma_start3A_161 = tpu.memref_slice %arg9[%dma_start3A_159, %dma_start3A_160] : memref<8x64xi32, #tpu.memory_space<vmem>> -> memref<1x64xi32, #tpu.memory_space<vmem>>
    %dma_start3A_162 = tpu.memref_squeeze %dma_start3A_161 : memref<1x64xi32, #tpu.memory_space<vmem>> -> memref<64xi32, #tpu.memory_space<vmem>>
    %dma_start3A_163 = arith.constant 0 : i32
    %dma_start3A_164 = arith.constant 0 : i32
    %dma_start3A_165 = tpu.memref_slice %arg5[%dma_start3A_163, %dma_start3A_164] : memref<59048x256xf32, #tpu.memory_space<hbm>> -> memref<59048x256xf32, #tpu.memory_space<hbm>>
    tpu.enqueue_indirect_dma source(%dma_start3A_165 : memref<59048x256xf32, #tpu.memory_space<hbm>>) target(%arg12 : memref<64x256xf32, #tpu.memory_space<vmem>>) offsets(%dma_start3A_162 : memref<64xi32, #tpu.memory_space<vmem>>) semaphore(%arg16 : memref<!tpu.dma_semaphore, #tpu.memory_space<semaphore_mem>>)
    %add3A_166 = arith.constant 192 : i32
    %add3A_167 = arith.addi %mul3A_2, %add3A_166 : i32
    %dma_wait3A_168 = arith.constant 3 : i32
    %dma_wait3A_169 = arith.constant 0 : i32
    %dma_wait3A_170 = tpu.memref_slice %arg8[%dma_wait3A_168, %dma_wait3A_169] : memref<8x64xi32, #tpu.memory_space<vmem>> -> memref<1x64xi32, #tpu.memory_space<vmem>>
    %dma_wait3A_171 = tpu.memref_squeeze %dma_wait3A_170 : memref<1x64xi32, #tpu.memory_space<vmem>> -> memref<64xi32, #tpu.memory_space<vmem>>
    %dma_wait3A_172 = arith.constant 0 : i32
    %dma_wait3A_173 = arith.constant 0 : i32
    %dma_wait3A_174 = tpu.memref_slice %arg4[%dma_wait3A_172, %dma_wait3A_173] : memref<162542x256xf32, #tpu.memory_space<hbm>> -> memref<162542x256xf32, #tpu.memory_space<hbm>>
    tpu.wait_indirect_dma semaphore(%arg15 : memref<!tpu.dma_semaphore, #tpu.memory_space<semaphore_mem>>) src(%dma_wait3A_174 : memref<162542x256xf32, #tpu.memory_space<hbm>>) dst(%arg11 : memref<64x256xf32, #tpu.memory_space<vmem>>)
    "tpu.region"() ({
      %run_scoped3A_288 = tpu.sem_alloc : memref<!tpu.dma_semaphore, #tpu.memory_space<semaphore_mem>>
      %dma_start3A_289 = arith.constant 0 : i32
      %dma_start3A_290 = tpu.memref_slice %arg6[%add3A_167, %dma_start3A_289] : memref<16384x256xf32, #tpu.memory_space<hbm>> -> memref<64x256xf32, #tpu.memory_space<hbm>>
      %dma_start3A_291 = arith.constant 0 : i32
      %dma_start3A_292 = tpu.memref_slice %arg6[%add3A_167, %dma_start3A_291] : memref<16384x256xf32, #tpu.memory_space<hbm>> -> memref<64x256xf32, #tpu.memory_space<hbm>>
      tpu.enqueue_dma source(%arg11 : memref<64x256xf32, #tpu.memory_space<vmem>>) target(%dma_start3A_292 : memref<64x256xf32, #tpu.memory_space<hbm>>) target_semaphore(%run_scoped3A_288 : memref<!tpu.dma_semaphore, #tpu.memory_space<semaphore_mem>>)
      %dma_wait3A_293 = arith.constant 0 : i32
      %dma_wait3A_294 = tpu.memref_slice %arg6[%add3A_167, %dma_wait3A_293] : memref<16384x256xf32, #tpu.memory_space<hbm>> -> memref<64x256xf32, #tpu.memory_space<hbm>>
      %dma_wait3A_295 = arith.constant 0 : i32
      %dma_wait3A_296 = tpu.memref_slice %arg6[%add3A_167, %dma_wait3A_295] : memref<16384x256xf32, #tpu.memory_space<hbm>> -> memref<64x256xf32, #tpu.memory_space<hbm>>
      tpu.wait_dma2 semaphore(%run_scoped3A_288 : memref<!tpu.dma_semaphore, #tpu.memory_space<semaphore_mem>>) src(%arg11 : memref<64x256xf32, #tpu.memory_space<vmem>>) dst(%dma_wait3A_296 : memref<64x256xf32, #tpu.memory_space<hbm>>)
      tpu.yield
    }) : () -> ()
    %dma_wait3A_175 = arith.constant 3 : i32
    %dma_wait3A_176 = arith.constant 0 : i32
    %dma_wait3A_177 = tpu.memref_slice %arg9[%dma_wait3A_175, %dma_wait3A_176] : memref<8x64xi32, #tpu.memory_space<vmem>> -> memref<1x64xi32, #tpu.memory_space<vmem>>
    %dma_wait3A_178 = tpu.memref_squeeze %dma_wait3A_177 : memref<1x64xi32, #tpu.memory_space<vmem>> -> memref<64xi32, #tpu.memory_space<vmem>>
    %dma_wait3A_179 = arith.constant 0 : i32
    %dma_wait3A_180 = arith.constant 0 : i32
    %dma_wait3A_181 = tpu.memref_slice %arg5[%dma_wait3A_179, %dma_wait3A_180] : memref<59048x256xf32, #tpu.memory_space<hbm>> -> memref<59048x256xf32, #tpu.memory_space<hbm>>
    tpu.wait_indirect_dma semaphore(%arg17 : memref<!tpu.dma_semaphore, #tpu.memory_space<semaphore_mem>>) src(%dma_wait3A_181 : memref<59048x256xf32, #tpu.memory_space<hbm>>) dst(%arg13 : memref<64x256xf32, #tpu.memory_space<vmem>>)
    "tpu.region"() ({
      %run_scoped3A_288 = tpu.sem_alloc : memref<!tpu.dma_semaphore, #tpu.memory_space<semaphore_mem>>
      %dma_start3A_289 = arith.constant 0 : i32
      %dma_start3A_290 = tpu.memref_slice %arg7[%add3A_167, %dma_start3A_289] : memref<16384x256xf32, #tpu.memory_space<hbm>> -> memref<64x256xf32, #tpu.memory_space<hbm>>
      %dma_start3A_291 = arith.constant 0 : i32
      %dma_start3A_292 = tpu.memref_slice %arg7[%add3A_167, %dma_start3A_291] : memref<16384x256xf32, #tpu.memory_space<hbm>> -> memref<64x256xf32, #tpu.memory_space<hbm>>
      tpu.enqueue_dma source(%arg13 : memref<64x256xf32, #tpu.memory_space<vmem>>) target(%dma_start3A_292 : memref<64x256xf32, #tpu.memory_space<hbm>>) target_semaphore(%run_scoped3A_288 : memref<!tpu.dma_semaphore, #tpu.memory_space<semaphore_mem>>)
      %dma_wait3A_293 = arith.constant 0 : i32
      %dma_wait3A_294 = tpu.memref_slice %arg7[%add3A_167, %dma_wait3A_293] : memref<16384x256xf32, #tpu.memory_space<hbm>> -> memref<64x256xf32, #tpu.memory_space<hbm>>
      %dma_wait3A_295 = arith.constant 0 : i32
      %dma_wait3A_296 = tpu.memref_slice %arg7[%add3A_167, %dma_wait3A_295] : memref<16384x256xf32, #tpu.memory_space<hbm>> -> memref<64x256xf32, #tpu.memory_space<hbm>>
      tpu.wait_dma2 semaphore(%run_scoped3A_288 : memref<!tpu.dma_semaphore, #tpu.memory_space<semaphore_mem>>) src(%arg13 : memref<64x256xf32, #tpu.memory_space<vmem>>) dst(%dma_wait3A_296 : memref<64x256xf32, #tpu.memory_space<hbm>>)
      tpu.yield
    }) : () -> ()
    %dma_start3A_182 = arith.constant 5 : i32
    %dma_start3A_183 = arith.constant 0 : i32
    %dma_start3A_184 = tpu.memref_slice %arg8[%dma_start3A_182, %dma_start3A_183] : memref<8x64xi32, #tpu.memory_space<vmem>> -> memref<1x64xi32, #tpu.memory_space<vmem>>
    %dma_start3A_185 = tpu.memref_squeeze %dma_start3A_184 : memref<1x64xi32, #tpu.memory_space<vmem>> -> memref<64xi32, #tpu.memory_space<vmem>>
    %dma_start3A_186 = arith.constant 0 : i32
    %dma_start3A_187 = arith.constant 0 : i32
    %dma_start3A_188 = tpu.memref_slice %arg4[%dma_start3A_186, %dma_start3A_187] : memref<162542x256xf32, #tpu.memory_space<hbm>> -> memref<162542x256xf32, #tpu.memory_space<hbm>>
    tpu.enqueue_indirect_dma source(%dma_start3A_188 : memref<162542x256xf32, #tpu.memory_space<hbm>>) target(%arg11 : memref<64x256xf32, #tpu.memory_space<vmem>>) offsets(%dma_start3A_185 : memref<64xi32, #tpu.memory_space<vmem>>) semaphore(%arg15 : memref<!tpu.dma_semaphore, #tpu.memory_space<semaphore_mem>>)
    %dma_start3A_189 = arith.constant 5 : i32
    %dma_start3A_190 = arith.constant 0 : i32
    %dma_start3A_191 = tpu.memref_slice %arg9[%dma_start3A_189, %dma_start3A_190] : memref<8x64xi32, #tpu.memory_space<vmem>> -> memref<1x64xi32, #tpu.memory_space<vmem>>
    %dma_start3A_192 = tpu.memref_squeeze %dma_start3A_191 : memref<1x64xi32, #tpu.memory_space<vmem>> -> memref<64xi32, #tpu.memory_space<vmem>>
    %dma_start3A_193 = arith.constant 0 : i32
    %dma_start3A_194 = arith.constant 0 : i32
    %dma_start3A_195 = tpu.memref_slice %arg5[%dma_start3A_193, %dma_start3A_194] : memref<59048x256xf32, #tpu.memory_space<hbm>> -> memref<59048x256xf32, #tpu.memory_space<hbm>>
    tpu.enqueue_indirect_dma source(%dma_start3A_195 : memref<59048x256xf32, #tpu.memory_space<hbm>>) target(%arg13 : memref<64x256xf32, #tpu.memory_space<vmem>>) offsets(%dma_start3A_192 : memref<64xi32, #tpu.memory_space<vmem>>) semaphore(%arg17 : memref<!tpu.dma_semaphore, #tpu.memory_space<semaphore_mem>>)
    %add3A_196 = arith.constant 256 : i32
    %add3A_197 = arith.addi %mul3A_2, %add3A_196 : i32
    %dma_wait3A_198 = arith.constant 4 : i32
    %dma_wait3A_199 = arith.constant 0 : i32
    %dma_wait3A_200 = tpu.memref_slice %arg8[%dma_wait3A_198, %dma_wait3A_199] : memref<8x64xi32, #tpu.memory_space<vmem>> -> memref<1x64xi32, #tpu.memory_space<vmem>>
    %dma_wait3A_201 = tpu.memref_squeeze %dma_wait3A_200 : memref<1x64xi32, #tpu.memory_space<vmem>> -> memref<64xi32, #tpu.memory_space<vmem>>
    %dma_wait3A_202 = arith.constant 0 : i32
    %dma_wait3A_203 = arith.constant 0 : i32
    %dma_wait3A_204 = tpu.memref_slice %arg4[%dma_wait3A_202, %dma_wait3A_203] : memref<162542x256xf32, #tpu.memory_space<hbm>> -> memref<162542x256xf32, #tpu.memory_space<hbm>>
    tpu.wait_indirect_dma semaphore(%arg14 : memref<!tpu.dma_semaphore, #tpu.memory_space<semaphore_mem>>) src(%dma_wait3A_204 : memref<162542x256xf32, #tpu.memory_space<hbm>>) dst(%arg10 : memref<64x256xf32, #tpu.memory_space<vmem>>)
    "tpu.region"() ({
      %run_scoped3A_288 = tpu.sem_alloc : memref<!tpu.dma_semaphore, #tpu.memory_space<semaphore_mem>>
      %dma_start3A_289 = arith.constant 0 : i32
      %dma_start3A_290 = tpu.memref_slice %arg6[%add3A_197, %dma_start3A_289] : memref<16384x256xf32, #tpu.memory_space<hbm>> -> memref<64x256xf32, #tpu.memory_space<hbm>>
      %dma_start3A_291 = arith.constant 0 : i32
      %dma_start3A_292 = tpu.memref_slice %arg6[%add3A_197, %dma_start3A_291] : memref<16384x256xf32, #tpu.memory_space<hbm>> -> memref<64x256xf32, #tpu.memory_space<hbm>>
      tpu.enqueue_dma source(%arg10 : memref<64x256xf32, #tpu.memory_space<vmem>>) target(%dma_start3A_292 : memref<64x256xf32, #tpu.memory_space<hbm>>) target_semaphore(%run_scoped3A_288 : memref<!tpu.dma_semaphore, #tpu.memory_space<semaphore_mem>>)
      %dma_wait3A_293 = arith.constant 0 : i32
      %dma_wait3A_294 = tpu.memref_slice %arg6[%add3A_197, %dma_wait3A_293] : memref<16384x256xf32, #tpu.memory_space<hbm>> -> memref<64x256xf32, #tpu.memory_space<hbm>>
      %dma_wait3A_295 = arith.constant 0 : i32
      %dma_wait3A_296 = tpu.memref_slice %arg6[%add3A_197, %dma_wait3A_295] : memref<16384x256xf32, #tpu.memory_space<hbm>> -> memref<64x256xf32, #tpu.memory_space<hbm>>
      tpu.wait_dma2 semaphore(%run_scoped3A_288 : memref<!tpu.dma_semaphore, #tpu.memory_space<semaphore_mem>>) src(%arg10 : memref<64x256xf32, #tpu.memory_space<vmem>>) dst(%dma_wait3A_296 : memref<64x256xf32, #tpu.memory_space<hbm>>)
      tpu.yield
    }) : () -> ()
    %dma_wait3A_205 = arith.constant 4 : i32
    %dma_wait3A_206 = arith.constant 0 : i32
    %dma_wait3A_207 = tpu.memref_slice %arg9[%dma_wait3A_205, %dma_wait3A_206] : memref<8x64xi32, #tpu.memory_space<vmem>> -> memref<1x64xi32, #tpu.memory_space<vmem>>
    %dma_wait3A_208 = tpu.memref_squeeze %dma_wait3A_207 : memref<1x64xi32, #tpu.memory_space<vmem>> -> memref<64xi32, #tpu.memory_space<vmem>>
    %dma_wait3A_209 = arith.constant 0 : i32
    %dma_wait3A_210 = arith.constant 0 : i32
    %dma_wait3A_211 = tpu.memref_slice %arg5[%dma_wait3A_209, %dma_wait3A_210] : memref<59048x256xf32, #tpu.memory_space<hbm>> -> memref<59048x256xf32, #tpu.memory_space<hbm>>
    tpu.wait_indirect_dma semaphore(%arg16 : memref<!tpu.dma_semaphore, #tpu.memory_space<semaphore_mem>>) src(%dma_wait3A_211 : memref<59048x256xf32, #tpu.memory_space<hbm>>) dst(%arg12 : memref<64x256xf32, #tpu.memory_space<vmem>>)
    "tpu.region"() ({
      %run_scoped3A_288 = tpu.sem_alloc : memref<!tpu.dma_semaphore, #tpu.memory_space<semaphore_mem>>
      %dma_start3A_289 = arith.constant 0 : i32
      %dma_start3A_290 = tpu.memref_slice %arg7[%add3A_197, %dma_start3A_289] : memref<16384x256xf32, #tpu.memory_space<hbm>> -> memref<64x256xf32, #tpu.memory_space<hbm>>
      %dma_start3A_291 = arith.constant 0 : i32
      %dma_start3A_292 = tpu.memref_slice %arg7[%add3A_197, %dma_start3A_291] : memref<16384x256xf32, #tpu.memory_space<hbm>> -> memref<64x256xf32, #tpu.memory_space<hbm>>
      tpu.enqueue_dma source(%arg12 : memref<64x256xf32, #tpu.memory_space<vmem>>) target(%dma_start3A_292 : memref<64x256xf32, #tpu.memory_space<hbm>>) target_semaphore(%run_scoped3A_288 : memref<!tpu.dma_semaphore, #tpu.memory_space<semaphore_mem>>)
      %dma_wait3A_293 = arith.constant 0 : i32
      %dma_wait3A_294 = tpu.memref_slice %arg7[%add3A_197, %dma_wait3A_293] : memref<16384x256xf32, #tpu.memory_space<hbm>> -> memref<64x256xf32, #tpu.memory_space<hbm>>
      %dma_wait3A_295 = arith.constant 0 : i32
      %dma_wait3A_296 = tpu.memref_slice %arg7[%add3A_197, %dma_wait3A_295] : memref<16384x256xf32, #tpu.memory_space<hbm>> -> memref<64x256xf32, #tpu.memory_space<hbm>>
      tpu.wait_dma2 semaphore(%run_scoped3A_288 : memref<!tpu.dma_semaphore, #tpu.memory_space<semaphore_mem>>) src(%arg12 : memref<64x256xf32, #tpu.memory_space<vmem>>) dst(%dma_wait3A_296 : memref<64x256xf32, #tpu.memory_space<hbm>>)
      tpu.yield
    }) : () -> ()
    %dma_start3A_212 = arith.constant 6 : i32
    %dma_start3A_213 = arith.constant 0 : i32
    %dma_start3A_214 = tpu.memref_slice %arg8[%dma_start3A_212, %dma_start3A_213] : memref<8x64xi32, #tpu.memory_space<vmem>> -> memref<1x64xi32, #tpu.memory_space<vmem>>
    %dma_start3A_215 = tpu.memref_squeeze %dma_start3A_214 : memref<1x64xi32, #tpu.memory_space<vmem>> -> memref<64xi32, #tpu.memory_space<vmem>>
    %dma_start3A_216 = arith.constant 0 : i32
    %dma_start3A_217 = arith.constant 0 : i32
    %dma_start3A_218 = tpu.memref_slice %arg4[%dma_start3A_216, %dma_start3A_217] : memref<162542x256xf32, #tpu.memory_space<hbm>> -> memref<162542x256xf32, #tpu.memory_space<hbm>>
    tpu.enqueue_indirect_dma source(%dma_start3A_218 : memref<162542x256xf32, #tpu.memory_space<hbm>>) target(%arg10 : memref<64x256xf32, #tpu.memory_space<vmem>>) offsets(%dma_start3A_215 : memref<64xi32, #tpu.memory_space<vmem>>) semaphore(%arg14 : memref<!tpu.dma_semaphore, #tpu.memory_space<semaphore_mem>>)
    %dma_start3A_219 = arith.constant 6 : i32
    %dma_start3A_220 = arith.constant 0 : i32
    %dma_start3A_221 = tpu.memref_slice %arg9[%dma_start3A_219, %dma_start3A_220] : memref<8x64xi32, #tpu.memory_space<vmem>> -> memref<1x64xi32, #tpu.memory_space<vmem>>
    %dma_start3A_222 = tpu.memref_squeeze %dma_start3A_221 : memref<1x64xi32, #tpu.memory_space<vmem>> -> memref<64xi32, #tpu.memory_space<vmem>>
    %dma_start3A_223 = arith.constant 0 : i32
    %dma_start3A_224 = arith.constant 0 : i32
    %dma_start3A_225 = tpu.memref_slice %arg5[%dma_start3A_223, %dma_start3A_224] : memref<59048x256xf32, #tpu.memory_space<hbm>> -> memref<59048x256xf32, #tpu.memory_space<hbm>>
    tpu.enqueue_indirect_dma source(%dma_start3A_225 : memref<59048x256xf32, #tpu.memory_space<hbm>>) target(%arg12 : memref<64x256xf32, #tpu.memory_space<vmem>>) offsets(%dma_start3A_222 : memref<64xi32, #tpu.memory_space<vmem>>) semaphore(%arg16 : memref<!tpu.dma_semaphore, #tpu.memory_space<semaphore_mem>>)
    %add3A_226 = arith.constant 320 : i32
    %add3A_227 = arith.addi %mul3A_2, %add3A_226 : i32
    %dma_wait3A_228 = arith.constant 5 : i32
    %dma_wait3A_229 = arith.constant 0 : i32
    %dma_wait3A_230 = tpu.memref_slice %arg8[%dma_wait3A_228, %dma_wait3A_229] : memref<8x64xi32, #tpu.memory_space<vmem>> -> memref<1x64xi32, #tpu.memory_space<vmem>>
    %dma_wait3A_231 = tpu.memref_squeeze %dma_wait3A_230 : memref<1x64xi32, #tpu.memory_space<vmem>> -> memref<64xi32, #tpu.memory_space<vmem>>
    %dma_wait3A_232 = arith.constant 0 : i32
    %dma_wait3A_233 = arith.constant 0 : i32
    %dma_wait3A_234 = tpu.memref_slice %arg4[%dma_wait3A_232, %dma_wait3A_233] : memref<162542x256xf32, #tpu.memory_space<hbm>> -> memref<162542x256xf32, #tpu.memory_space<hbm>>
    tpu.wait_indirect_dma semaphore(%arg15 : memref<!tpu.dma_semaphore, #tpu.memory_space<semaphore_mem>>) src(%dma_wait3A_234 : memref<162542x256xf32, #tpu.memory_space<hbm>>) dst(%arg11 : memref<64x256xf32, #tpu.memory_space<vmem>>)
    "tpu.region"() ({
      %run_scoped3A_288 = tpu.sem_alloc : memref<!tpu.dma_semaphore, #tpu.memory_space<semaphore_mem>>
      %dma_start3A_289 = arith.constant 0 : i32
      %dma_start3A_290 = tpu.memref_slice %arg6[%add3A_227, %dma_start3A_289] : memref<16384x256xf32, #tpu.memory_space<hbm>> -> memref<64x256xf32, #tpu.memory_space<hbm>>
      %dma_start3A_291 = arith.constant 0 : i32
      %dma_start3A_292 = tpu.memref_slice %arg6[%add3A_227, %dma_start3A_291] : memref<16384x256xf32, #tpu.memory_space<hbm>> -> memref<64x256xf32, #tpu.memory_space<hbm>>
      tpu.enqueue_dma source(%arg11 : memref<64x256xf32, #tpu.memory_space<vmem>>) target(%dma_start3A_292 : memref<64x256xf32, #tpu.memory_space<hbm>>) target_semaphore(%run_scoped3A_288 : memref<!tpu.dma_semaphore, #tpu.memory_space<semaphore_mem>>)
      %dma_wait3A_293 = arith.constant 0 : i32
      %dma_wait3A_294 = tpu.memref_slice %arg6[%add3A_227, %dma_wait3A_293] : memref<16384x256xf32, #tpu.memory_space<hbm>> -> memref<64x256xf32, #tpu.memory_space<hbm>>
      %dma_wait3A_295 = arith.constant 0 : i32
      %dma_wait3A_296 = tpu.memref_slice %arg6[%add3A_227, %dma_wait3A_295] : memref<16384x256xf32, #tpu.memory_space<hbm>> -> memref<64x256xf32, #tpu.memory_space<hbm>>
      tpu.wait_dma2 semaphore(%run_scoped3A_288 : memref<!tpu.dma_semaphore, #tpu.memory_space<semaphore_mem>>) src(%arg11 : memref<64x256xf32, #tpu.memory_space<vmem>>) dst(%dma_wait3A_296 : memref<64x256xf32, #tpu.memory_space<hbm>>)
      tpu.yield
    }) : () -> ()
    %dma_wait3A_235 = arith.constant 5 : i32
    %dma_wait3A_236 = arith.constant 0 : i32
    %dma_wait3A_237 = tpu.memref_slice %arg9[%dma_wait3A_235, %dma_wait3A_236] : memref<8x64xi32, #tpu.memory_space<vmem>> -> memref<1x64xi32, #tpu.memory_space<vmem>>
    %dma_wait3A_238 = tpu.memref_squeeze %dma_wait3A_237 : memref<1x64xi32, #tpu.memory_space<vmem>> -> memref<64xi32, #tpu.memory_space<vmem>>
    %dma_wait3A_239 = arith.constant 0 : i32
    %dma_wait3A_240 = arith.constant 0 : i32
    %dma_wait3A_241 = tpu.memref_slice %arg5[%dma_wait3A_239, %dma_wait3A_240] : memref<59048x256xf32, #tpu.memory_space<hbm>> -> memref<59048x256xf32, #tpu.memory_space<hbm>>
    tpu.wait_indirect_dma semaphore(%arg17 : memref<!tpu.dma_semaphore, #tpu.memory_space<semaphore_mem>>) src(%dma_wait3A_241 : memref<59048x256xf32, #tpu.memory_space<hbm>>) dst(%arg13 : memref<64x256xf32, #tpu.memory_space<vmem>>)
    "tpu.region"() ({
      %run_scoped3A_288 = tpu.sem_alloc : memref<!tpu.dma_semaphore, #tpu.memory_space<semaphore_mem>>
      %dma_start3A_289 = arith.constant 0 : i32
      %dma_start3A_290 = tpu.memref_slice %arg7[%add3A_227, %dma_start3A_289] : memref<16384x256xf32, #tpu.memory_space<hbm>> -> memref<64x256xf32, #tpu.memory_space<hbm>>
      %dma_start3A_291 = arith.constant 0 : i32
      %dma_start3A_292 = tpu.memref_slice %arg7[%add3A_227, %dma_start3A_291] : memref<16384x256xf32, #tpu.memory_space<hbm>> -> memref<64x256xf32, #tpu.memory_space<hbm>>
      tpu.enqueue_dma source(%arg13 : memref<64x256xf32, #tpu.memory_space<vmem>>) target(%dma_start3A_292 : memref<64x256xf32, #tpu.memory_space<hbm>>) target_semaphore(%run_scoped3A_288 : memref<!tpu.dma_semaphore, #tpu.memory_space<semaphore_mem>>)
      %dma_wait3A_293 = arith.constant 0 : i32
      %dma_wait3A_294 = tpu.memref_slice %arg7[%add3A_227, %dma_wait3A_293] : memref<16384x256xf32, #tpu.memory_space<hbm>> -> memref<64x256xf32, #tpu.memory_space<hbm>>
      %dma_wait3A_295 = arith.constant 0 : i32
      %dma_wait3A_296 = tpu.memref_slice %arg7[%add3A_227, %dma_wait3A_295] : memref<16384x256xf32, #tpu.memory_space<hbm>> -> memref<64x256xf32, #tpu.memory_space<hbm>>
      tpu.wait_dma2 semaphore(%run_scoped3A_288 : memref<!tpu.dma_semaphore, #tpu.memory_space<semaphore_mem>>) src(%arg13 : memref<64x256xf32, #tpu.memory_space<vmem>>) dst(%dma_wait3A_296 : memref<64x256xf32, #tpu.memory_space<hbm>>)
      tpu.yield
    }) : () -> ()
    %dma_start3A_242 = arith.constant 7 : i32
    %dma_start3A_243 = arith.constant 0 : i32
    %dma_start3A_244 = tpu.memref_slice %arg8[%dma_start3A_242, %dma_start3A_243] : memref<8x64xi32, #tpu.memory_space<vmem>> -> memref<1x64xi32, #tpu.memory_space<vmem>>
    %dma_start3A_245 = tpu.memref_squeeze %dma_start3A_244 : memref<1x64xi32, #tpu.memory_space<vmem>> -> memref<64xi32, #tpu.memory_space<vmem>>
    %dma_start3A_246 = arith.constant 0 : i32
    %dma_start3A_247 = arith.constant 0 : i32
    %dma_start3A_248 = tpu.memref_slice %arg4[%dma_start3A_246, %dma_start3A_247] : memref<162542x256xf32, #tpu.memory_space<hbm>> -> memref<162542x256xf32, #tpu.memory_space<hbm>>
    tpu.enqueue_indirect_dma source(%dma_start3A_248 : memref<162542x256xf32, #tpu.memory_space<hbm>>) target(%arg11 : memref<64x256xf32, #tpu.memory_space<vmem>>) offsets(%dma_start3A_245 : memref<64xi32, #tpu.memory_space<vmem>>) semaphore(%arg15 : memref<!tpu.dma_semaphore, #tpu.memory_space<semaphore_mem>>)
    %dma_start3A_249 = arith.constant 7 : i32
    %dma_start3A_250 = arith.constant 0 : i32
    %dma_start3A_251 = tpu.memref_slice %arg9[%dma_start3A_249, %dma_start3A_250] : memref<8x64xi32, #tpu.memory_space<vmem>> -> memref<1x64xi32, #tpu.memory_space<vmem>>
    %dma_start3A_252 = tpu.memref_squeeze %dma_start3A_251 : memref<1x64xi32, #tpu.memory_space<vmem>> -> memref<64xi32, #tpu.memory_space<vmem>>
    %dma_start3A_253 = arith.constant 0 : i32
    %dma_start3A_254 = arith.constant 0 : i32
    %dma_start3A_255 = tpu.memref_slice %arg5[%dma_start3A_253, %dma_start3A_254] : memref<59048x256xf32, #tpu.memory_space<hbm>> -> memref<59048x256xf32, #tpu.memory_space<hbm>>
    tpu.enqueue_indirect_dma source(%dma_start3A_255 : memref<59048x256xf32, #tpu.memory_space<hbm>>) target(%arg13 : memref<64x256xf32, #tpu.memory_space<vmem>>) offsets(%dma_start3A_252 : memref<64xi32, #tpu.memory_space<vmem>>) semaphore(%arg17 : memref<!tpu.dma_semaphore, #tpu.memory_space<semaphore_mem>>)
    %add3A_256 = arith.constant 384 : i32
    %add3A_257 = arith.addi %mul3A_2, %add3A_256 : i32
    %dma_wait3A_258 = arith.constant 6 : i32
    %dma_wait3A_259 = arith.constant 0 : i32
    %dma_wait3A_260 = tpu.memref_slice %arg8[%dma_wait3A_258, %dma_wait3A_259] : memref<8x64xi32, #tpu.memory_space<vmem>> -> memref<1x64xi32, #tpu.memory_space<vmem>>
    %dma_wait3A_261 = tpu.memref_squeeze %dma_wait3A_260 : memref<1x64xi32, #tpu.memory_space<vmem>> -> memref<64xi32, #tpu.memory_space<vmem>>
    %dma_wait3A_262 = arith.constant 0 : i32
    %dma_wait3A_263 = arith.constant 0 : i32
    %dma_wait3A_264 = tpu.memref_slice %arg4[%dma_wait3A_262, %dma_wait3A_263] : memref<162542x256xf32, #tpu.memory_space<hbm>> -> memref<162542x256xf32, #tpu.memory_space<hbm>>
    tpu.wait_indirect_dma semaphore(%arg14 : memref<!tpu.dma_semaphore, #tpu.memory_space<semaphore_mem>>) src(%dma_wait3A_264 : memref<162542x256xf32, #tpu.memory_space<hbm>>) dst(%arg10 : memref<64x256xf32, #tpu.memory_space<vmem>>)
    "tpu.region"() ({
      %run_scoped3A_288 = tpu.sem_alloc : memref<!tpu.dma_semaphore, #tpu.memory_space<semaphore_mem>>
      %dma_start3A_289 = arith.constant 0 : i32
      %dma_start3A_290 = tpu.memref_slice %arg6[%add3A_257, %dma_start3A_289] : memref<16384x256xf32, #tpu.memory_space<hbm>> -> memref<64x256xf32, #tpu.memory_space<hbm>>
      %dma_start3A_291 = arith.constant 0 : i32
      %dma_start3A_292 = tpu.memref_slice %arg6[%add3A_257, %dma_start3A_291] : memref<16384x256xf32, #tpu.memory_space<hbm>> -> memref<64x256xf32, #tpu.memory_space<hbm>>
      tpu.enqueue_dma source(%arg10 : memref<64x256xf32, #tpu.memory_space<vmem>>) target(%dma_start3A_292 : memref<64x256xf32, #tpu.memory_space<hbm>>) target_semaphore(%run_scoped3A_288 : memref<!tpu.dma_semaphore, #tpu.memory_space<semaphore_mem>>)
      %dma_wait3A_293 = arith.constant 0 : i32
      %dma_wait3A_294 = tpu.memref_slice %arg6[%add3A_257, %dma_wait3A_293] : memref<16384x256xf32, #tpu.memory_space<hbm>> -> memref<64x256xf32, #tpu.memory_space<hbm>>
      %dma_wait3A_295 = arith.constant 0 : i32
      %dma_wait3A_296 = tpu.memref_slice %arg6[%add3A_257, %dma_wait3A_295] : memref<16384x256xf32, #tpu.memory_space<hbm>> -> memref<64x256xf32, #tpu.memory_space<hbm>>
      tpu.wait_dma2 semaphore(%run_scoped3A_288 : memref<!tpu.dma_semaphore, #tpu.memory_space<semaphore_mem>>) src(%arg10 : memref<64x256xf32, #tpu.memory_space<vmem>>) dst(%dma_wait3A_296 : memref<64x256xf32, #tpu.memory_space<hbm>>)
      tpu.yield
    }) : () -> ()
    %dma_wait3A_265 = arith.constant 6 : i32
    %dma_wait3A_266 = arith.constant 0 : i32
    %dma_wait3A_267 = tpu.memref_slice %arg9[%dma_wait3A_265, %dma_wait3A_266] : memref<8x64xi32, #tpu.memory_space<vmem>> -> memref<1x64xi32, #tpu.memory_space<vmem>>
    %dma_wait3A_268 = tpu.memref_squeeze %dma_wait3A_267 : memref<1x64xi32, #tpu.memory_space<vmem>> -> memref<64xi32, #tpu.memory_space<vmem>>
    %dma_wait3A_269 = arith.constant 0 : i32
    %dma_wait3A_270 = arith.constant 0 : i32
    %dma_wait3A_271 = tpu.memref_slice %arg5[%dma_wait3A_269, %dma_wait3A_270] : memref<59048x256xf32, #tpu.memory_space<hbm>> -> memref<59048x256xf32, #tpu.memory_space<hbm>>
    tpu.wait_indirect_dma semaphore(%arg16 : memref<!tpu.dma_semaphore, #tpu.memory_space<semaphore_mem>>) src(%dma_wait3A_271 : memref<59048x256xf32, #tpu.memory_space<hbm>>) dst(%arg12 : memref<64x256xf32, #tpu.memory_space<vmem>>)
    "tpu.region"() ({
      %run_scoped3A_288 = tpu.sem_alloc : memref<!tpu.dma_semaphore, #tpu.memory_space<semaphore_mem>>
      %dma_start3A_289 = arith.constant 0 : i32
      %dma_start3A_290 = tpu.memref_slice %arg7[%add3A_257, %dma_start3A_289] : memref<16384x256xf32, #tpu.memory_space<hbm>> -> memref<64x256xf32, #tpu.memory_space<hbm>>
      %dma_start3A_291 = arith.constant 0 : i32
      %dma_start3A_292 = tpu.memref_slice %arg7[%add3A_257, %dma_start3A_291] : memref<16384x256xf32, #tpu.memory_space<hbm>> -> memref<64x256xf32, #tpu.memory_space<hbm>>
      tpu.enqueue_dma source(%arg12 : memref<64x256xf32, #tpu.memory_space<vmem>>) target(%dma_start3A_292 : memref<64x256xf32, #tpu.memory_space<hbm>>) target_semaphore(%run_scoped3A_288 : memref<!tpu.dma_semaphore, #tpu.memory_space<semaphore_mem>>)
      %dma_wait3A_293 = arith.constant 0 : i32
      %dma_wait3A_294 = tpu.memref_slice %arg7[%add3A_257, %dma_wait3A_293] : memref<16384x256xf32, #tpu.memory_space<hbm>> -> memref<64x256xf32, #tpu.memory_space<hbm>>
      %dma_wait3A_295 = arith.constant 0 : i32
      %dma_wait3A_296 = tpu.memref_slice %arg7[%add3A_257, %dma_wait3A_295] : memref<16384x256xf32, #tpu.memory_space<hbm>> -> memref<64x256xf32, #tpu.memory_space<hbm>>
      tpu.wait_dma2 semaphore(%run_scoped3A_288 : memref<!tpu.dma_semaphore, #tpu.memory_space<semaphore_mem>>) src(%arg12 : memref<64x256xf32, #tpu.memory_space<vmem>>) dst(%dma_wait3A_296 : memref<64x256xf32, #tpu.memory_space<hbm>>)
      tpu.yield
    }) : () -> ()
    %add3A_272 = arith.constant 448 : i32
    %add3A_273 = arith.addi %mul3A_2, %add3A_272 : i32
    %dma_wait3A_274 = arith.constant 7 : i32
    %dma_wait3A_275 = arith.constant 0 : i32
    %dma_wait3A_276 = tpu.memref_slice %arg8[%dma_wait3A_274, %dma_wait3A_275] : memref<8x64xi32, #tpu.memory_space<vmem>> -> memref<1x64xi32, #tpu.memory_space<vmem>>
    %dma_wait3A_277 = tpu.memref_squeeze %dma_wait3A_276 : memref<1x64xi32, #tpu.memory_space<vmem>> -> memref<64xi32, #tpu.memory_space<vmem>>
    %dma_wait3A_278 = arith.constant 0 : i32
    %dma_wait3A_279 = arith.constant 0 : i32
    %dma_wait3A_280 = tpu.memref_slice %arg4[%dma_wait3A_278, %dma_wait3A_279] : memref<162542x256xf32, #tpu.memory_space<hbm>> -> memref<162542x256xf32, #tpu.memory_space<hbm>>
    tpu.wait_indirect_dma semaphore(%arg15 : memref<!tpu.dma_semaphore, #tpu.memory_space<semaphore_mem>>) src(%dma_wait3A_280 : memref<162542x256xf32, #tpu.memory_space<hbm>>) dst(%arg11 : memref<64x256xf32, #tpu.memory_space<vmem>>)
    "tpu.region"() ({
      %run_scoped3A_288 = tpu.sem_alloc : memref<!tpu.dma_semaphore, #tpu.memory_space<semaphore_mem>>
      %dma_start3A_289 = arith.constant 0 : i32
      %dma_start3A_290 = tpu.memref_slice %arg6[%add3A_273, %dma_start3A_289] : memref<16384x256xf32, #tpu.memory_space<hbm>> -> memref<64x256xf32, #tpu.memory_space<hbm>>
      %dma_start3A_291 = arith.constant 0 : i32
      %dma_start3A_292 = tpu.memref_slice %arg6[%add3A_273, %dma_start3A_291] : memref<16384x256xf32, #tpu.memory_space<hbm>> -> memref<64x256xf32, #tpu.memory_space<hbm>>
      tpu.enqueue_dma source(%arg11 : memref<64x256xf32, #tpu.memory_space<vmem>>) target(%dma_start3A_292 : memref<64x256xf32, #tpu.memory_space<hbm>>) target_semaphore(%run_scoped3A_288 : memref<!tpu.dma_semaphore, #tpu.memory_space<semaphore_mem>>)
      %dma_wait3A_293 = arith.constant 0 : i32
      %dma_wait3A_294 = tpu.memref_slice %arg6[%add3A_273, %dma_wait3A_293] : memref<16384x256xf32, #tpu.memory_space<hbm>> -> memref<64x256xf32, #tpu.memory_space<hbm>>
      %dma_wait3A_295 = arith.constant 0 : i32
      %dma_wait3A_296 = tpu.memref_slice %arg6[%add3A_273, %dma_wait3A_295] : memref<16384x256xf32, #tpu.memory_space<hbm>> -> memref<64x256xf32, #tpu.memory_space<hbm>>
      tpu.wait_dma2 semaphore(%run_scoped3A_288 : memref<!tpu.dma_semaphore, #tpu.memory_space<semaphore_mem>>) src(%arg11 : memref<64x256xf32, #tpu.memory_space<vmem>>) dst(%dma_wait3A_296 : memref<64x256xf32, #tpu.memory_space<hbm>>)
      tpu.yield
    }) : () -> ()
    %dma_wait3A_281 = arith.constant 7 : i32
    %dma_wait3A_282 = arith.constant 0 : i32
    %dma_wait3A_283 = tpu.memref_slice %arg9[%dma_wait3A_281, %dma_wait3A_282] : memref<8x64xi32, #tpu.memory_space<vmem>> -> memref<1x64xi32, #tpu.memory_space<vmem>>
    %dma_wait3A_284 = tpu.memref_squeeze %dma_wait3A_283 : memref<1x64xi32, #tpu.memory_space<vmem>> -> memref<64xi32, #tpu.memory_space<vmem>>
    %dma_wait3A_285 = arith.constant 0 : i32
    %dma_wait3A_286 = arith.constant 0 : i32
    %dma_wait3A_287 = tpu.memref_slice %arg5[%dma_wait3A_285, %dma_wait3A_286] : memref<59048x256xf32, #tpu.memory_space<hbm>> -> memref<59048x256xf32, #tpu.memory_space<hbm>>
    tpu.wait_indirect_dma semaphore(%arg17 : memref<!tpu.dma_semaphore, #tpu.memory_space<semaphore_mem>>) src(%dma_wait3A_287 : memref<59048x256xf32, #tpu.memory_space<hbm>>) dst(%arg13 : memref<64x256xf32, #tpu.memory_space<vmem>>)
    "tpu.region"() ({
      %run_scoped3A_288 = tpu.sem_alloc : memref<!tpu.dma_semaphore, #tpu.memory_space<semaphore_mem>>
      %dma_start3A_289 = arith.constant 0 : i32
      %dma_start3A_290 = tpu.memref_slice %arg7[%add3A_273, %dma_start3A_289] : memref<16384x256xf32, #tpu.memory_space<hbm>> -> memref<64x256xf32, #tpu.memory_space<hbm>>
      %dma_start3A_291 = arith.constant 0 : i32
      %dma_start3A_292 = tpu.memref_slice %arg7[%add3A_273, %dma_start3A_291] : memref<16384x256xf32, #tpu.memory_space<hbm>> -> memref<64x256xf32, #tpu.memory_space<hbm>>
      tpu.enqueue_dma source(%arg13 : memref<64x256xf32, #tpu.memory_space<vmem>>) target(%dma_start3A_292 : memref<64x256xf32, #tpu.memory_space<hbm>>) target_semaphore(%run_scoped3A_288 : memref<!tpu.dma_semaphore, #tpu.memory_space<semaphore_mem>>)
      %dma_wait3A_293 = arith.constant 0 : i32
      %dma_wait3A_294 = tpu.memref_slice %arg7[%add3A_273, %dma_wait3A_293] : memref<16384x256xf32, #tpu.memory_space<hbm>> -> memref<64x256xf32, #tpu.memory_space<hbm>>
      %dma_wait3A_295 = arith.constant 0 : i32
      %dma_wait3A_296 = tpu.memref_slice %arg7[%add3A_273, %dma_wait3A_295] : memref<16384x256xf32, #tpu.memory_space<hbm>> -> memref<64x256xf32, #tpu.memory_space<hbm>>
      tpu.wait_dma2 semaphore(%run_scoped3A_288 : memref<!tpu.dma_semaphore, #tpu.memory_space<semaphore_mem>>) src(%arg13 : memref<64x256xf32, #tpu.memory_space<vmem>>) dst(%dma_wait3A_296 : memref<64x256xf32, #tpu.memory_space<hbm>>)
      tpu.yield
    }) : () -> ()
    return
  }
}

module attributes {stable_mosaic.version = 14 : i64} {
  func.func @_tpad_body(%arg0: i32, %arg1: memref<64x16384xf32, #tpu.memory_space<vmem>>, %arg2: memref<64x64xf32, #tpu.memory_space<vmem>>, %arg3: memref<16384x128xf32, #tpu.memory_space<vmem>>) attributes {dimension_semantics = [#tpu.dimension_semantics<arbitrary>], iteration_bounds = array<i64: 10>, scalar_prefetch = 0 : i64, scratch_operands = 0 : i64, tpu.core_type = #tpu.core_type<tc>, window_params = [{transform_indices = @transform_0, window_bounds = array<i64: 64, 16384>}, {pipeline_mode = #tpu.pipeline_mode<synchronous>, transform_indices = @transform_1, window_bounds = array<i64: 64, 64>}, {transform_indices = @transform_2, window_bounds = array<i64: 16384, 128>}]} {
    %get3A = arith.constant 0 : index
    %get3A_0 = arith.constant 0 : index
    %get3A_1 = vector.load %arg1[%get3A, %get3A_0] : memref<64x16384xf32, #tpu.memory_space<vmem>>, vector<64x16384xf32>
    %get3A_2 = arith.constant 0 : index
    %get3A_3 = arith.constant 0 : index
    %get3A_4 = vector.load %arg2[%get3A_2, %get3A_3] : memref<64x64xf32, #tpu.memory_space<vmem>>, vector<64x64xf32>
    %dot_general3A = arith.constant dense<0.000000e+00> : vector<16384x64xf32>
    %dot_general3A_5 = tpu.matmul %get3A_1, %get3A_4, %dot_general3A {dimension_numbers = #tpu.dot_dimension_numbers<[0], [0], [1], [1], [0, 1, 1, 1], [], []>, transpose_lhs_hint = false} : vector<64x16384xf32>, vector<64x64xf32>, vector<16384x64xf32> -> vector<16384x64xf32>
    %jit3A = arith.constant 0 : i32
    %convert_element_type3A = arith.sitofp %jit3A : i32 to f32
    %pad3A = vector.broadcast %convert_element_type3A : f32 to vector<16384x64xf32>
    %pad3A_6 = tpu.concatenate %dot_general3A_5, %pad3A in 1 : vector<16384x64xf32>, vector<16384x64xf32> -> vector<16384x128xf32>
    %swap3A = arith.constant 0 : index
    %swap3A_7 = arith.constant 0 : index
    %swap3A_8 = vector.load %arg3[%swap3A, %swap3A_7] : memref<16384x128xf32, #tpu.memory_space<vmem>>, vector<16384x128xf32>
    tpu.vector_store %arg3[%swap3A, %swap3A_7], %pad3A_6 {strides = array<i32>} : memref<16384x128xf32, #tpu.memory_space<vmem>>, vector<16384x128xf32>,
    return
  }
  func.func @transform_0(%arg0: i32) -> (i32, i32) {
    %c0_i32 = arith.constant 0 : i32
    %c0_i32_0 = arith.constant 0 : i32
    return %c0_i32, %arg0 : i32, i32
  }
  func.func @transform_1(%arg0: i32) -> (i32, i32) {
    %c0_i32 = arith.constant 0 : i32
    %c0_i32_0 = arith.constant 0 : i32
    %c0_i32_1 = arith.constant 0 : i32
    return %c0_i32, %c0_i32_0 : i32, i32
  }
  func.func @transform_2(%arg0: i32) -> (i32, i32) {
    %c0_i32 = arith.constant 0 : i32
    %c0_i32_0 = arith.constant 0 : i32
    return %arg0, %c0_i32 : i32, i32
  }
}

module attributes {stable_mosaic.version = 14 : i64} {
  func.func @_tpad_body(%arg0: i32, %arg1: memref<64x16384xf32, #tpu.memory_space<vmem>>, %arg2: memref<64x64xf32, #tpu.memory_space<vmem>>, %arg3: memref<16384x128xf32, #tpu.memory_space<vmem>>) attributes {dimension_semantics = [#tpu.dimension_semantics<arbitrary>], iteration_bounds = array<i64: 4>, scalar_prefetch = 0 : i64, scratch_operands = 0 : i64, tpu.core_type = #tpu.core_type<tc>, window_params = [{transform_indices = @transform_0, window_bounds = array<i64: 64, 16384>}, {pipeline_mode = #tpu.pipeline_mode<synchronous>, transform_indices = @transform_1, window_bounds = array<i64: 64, 64>}, {transform_indices = @transform_2, window_bounds = array<i64: 16384, 128>}]} {
    %get3A = arith.constant 0 : index
    %get3A_0 = arith.constant 0 : index
    %get3A_1 = vector.load %arg1[%get3A, %get3A_0] : memref<64x16384xf32, #tpu.memory_space<vmem>>, vector<64x16384xf32>
    %get3A_2 = arith.constant 0 : index
    %get3A_3 = arith.constant 0 : index
    %get3A_4 = vector.load %arg2[%get3A_2, %get3A_3] : memref<64x64xf32, #tpu.memory_space<vmem>>, vector<64x64xf32>
    %dot_general3A = arith.constant dense<0.000000e+00> : vector<16384x64xf32>
    %dot_general3A_5 = tpu.matmul %get3A_1, %get3A_4, %dot_general3A {dimension_numbers = #tpu.dot_dimension_numbers<[0], [0], [1], [1], [0, 1, 1, 1], [], []>, transpose_lhs_hint = false} : vector<64x16384xf32>, vector<64x64xf32>, vector<16384x64xf32> -> vector<16384x64xf32>
    %jit3A = arith.constant 0 : i32
    %convert_element_type3A = arith.sitofp %jit3A : i32 to f32
    %pad3A = vector.broadcast %convert_element_type3A : f32 to vector<16384x64xf32>
    %pad3A_6 = tpu.concatenate %dot_general3A_5, %pad3A in 1 : vector<16384x64xf32>, vector<16384x64xf32> -> vector<16384x128xf32>
    %swap3A = arith.constant 0 : index
    %swap3A_7 = arith.constant 0 : index
    %swap3A_8 = vector.load %arg3[%swap3A, %swap3A_7] : memref<16384x128xf32, #tpu.memory_space<vmem>>, vector<16384x128xf32>
    tpu.vector_store %arg3[%swap3A, %swap3A_7], %pad3A_6 {strides = array<i32>} : memref<16384x128xf32, #tpu.memory_space<vmem>>, vector<16384x128xf32>,
    return
  }
  func.func @transform_0(%arg0: i32) -> (i32, i32) {
    %c0_i32 = arith.constant 0 : i32
    %c0_i32_0 = arith.constant 0 : i32
    return %c0_i32, %arg0 : i32, i32
  }
  func.func @transform_1(%arg0: i32) -> (i32, i32) {
    %c0_i32 = arith.constant 0 : i32
    %c0_i32_0 = arith.constant 0 : i32
    %c0_i32_1 = arith.constant 0 : i32
    return %c0_i32, %c0_i32_0 : i32, i32
  }
  func.func @transform_2(%arg0: i32) -> (i32, i32) {
    %c0_i32 = arith.constant 0 : i32
    %c0_i32_0 = arith.constant 0 : i32
    return %arg0, %c0_i32 : i32, i32
  }
}

module attributes {stable_mosaic.version = 14 : i64} {
  func.func @_dense_body(%arg0: i32, %arg1: memref<4096x256xf32, #tpu.memory_space<vmem>>, %arg2: memref<4096x256xf32, #tpu.memory_space<vmem>>, %arg3: memref<256x256xf32, #tpu.memory_space<vmem>>, %arg4: memref<256x256xf32, #tpu.memory_space<vmem>>, %arg5: memref<1x256xf32, #tpu.memory_space<vmem>>, %arg6: memref<256x128xf32, #tpu.memory_space<vmem>>, %arg7: memref<1x128xf32, #tpu.memory_space<vmem>>, %arg8: memref<128x64xf32, #tpu.memory_space<vmem>>, %arg9: memref<1x64xf32, #tpu.memory_space<vmem>>, %arg10: memref<64x1xf32, #tpu.memory_space<vmem>>, %arg11: memref<1x1xf32, #tpu.memory_space<vmem>>, %arg12: memref<4096x1xf32, #tpu.memory_space<vmem>>) attributes {dimension_semantics = [#tpu.dimension_semantics<arbitrary>], iteration_bounds = array<i64: 4>, scalar_prefetch = 0 : i64, scratch_operands = 0 : i64, tpu.core_type = #tpu.core_type<tc>, window_params = [{transform_indices = @transform_0, window_bounds = array<i64: 4096, 256>}, {transform_indices = @transform_1, window_bounds = array<i64: 4096, 256>}, {pipeline_mode = #tpu.pipeline_mode<synchronous>, transform_indices = @transform_2, window_bounds = array<i64: 256, 256>}, {pipeline_mode = #tpu.pipeline_mode<synchronous>, transform_indices = @transform_3, window_bounds = array<i64: 256, 256>}, {pipeline_mode = #tpu.pipeline_mode<synchronous>, transform_indices = @transform_4, window_bounds = array<i64: 1, 256>}, {pipeline_mode = #tpu.pipeline_mode<synchronous>, transform_indices = @transform_5, window_bounds = array<i64: 256, 128>}, {pipeline_mode = #tpu.pipeline_mode<synchronous>, transform_indices = @transform_6, window_bounds = array<i64: 1, 128>}, {pipeline_mode = #tpu.pipeline_mode<synchronous>, transform_indices = @transform_7, window_bounds = array<i64: 128, 64>}, {pipeline_mode = #tpu.pipeline_mode<synchronous>, transform_indices = @transform_8, window_bounds = array<i64: 1, 64>}, {pipeline_mode = #tpu.pipeline_mode<synchronous>, transform_indices = @transform_9, window_bounds = array<i64: 64, 1>}, {pipeline_mode = #tpu.pipeline_mode<synchronous>, transform_indices = @transform_10, window_bounds = array<i64: 1, 1>}, {transform_indices = @transform_11, window_bounds = array<i64: 4096, 1>}]} {
    %get3A = arith.constant 0 : index
    %get3A_0 = arith.constant 0 : index
    %get3A_1 = vector.load %arg1[%get3A, %get3A_0] : memref<4096x256xf32, #tpu.memory_space<vmem>>, vector<4096x256xf32>
    %get3A_2 = arith.constant 0 : index
    %get3A_3 = arith.constant 0 : index
    %get3A_4 = vector.load %arg3[%get3A_2, %get3A_3] : memref<256x256xf32, #tpu.memory_space<vmem>>, vector<256x256xf32>
    %convert_element_type3A = arith.truncf %get3A_1 : vector<4096x256xf32> to vector<4096x256xbf16>
    %convert_element_type3A_5 = arith.truncf %get3A_4 : vector<256x256xf32> to vector<256x256xbf16>
    %dot_general3A = arith.constant dense<0.000000e+00> : vector<4096x256xf32>
    %dot_general3A_6 = tpu.matmul %convert_element_type3A, %convert_element_type3A_5, %dot_general3A {dimension_numbers = #tpu.dot_dimension_numbers<[1], [0], [0], [1], [0, 0, 1, 1], [], []>, transpose_lhs_hint = false} : vector<4096x256xbf16>, vector<256x256xbf16>, vector<4096x256xf32> -> vector<4096x256xf32>
    %get3A_7 = arith.constant 0 : index
    %get3A_8 = arith.constant 0 : index
    %get3A_9 = vector.load %arg2[%get3A_7, %get3A_8] : memref<4096x256xf32, #tpu.memory_space<vmem>>, vector<4096x256xf32>
    %get3A_10 = arith.constant 0 : index
    %get3A_11 = arith.constant 0 : index
    %get3A_12 = vector.load %arg4[%get3A_10, %get3A_11] : memref<256x256xf32, #tpu.memory_space<vmem>>, vector<256x256xf32>
    %convert_element_type3A_13 = arith.truncf %get3A_9 : vector<4096x256xf32> to vector<4096x256xbf16>
    %convert_element_type3A_14 = arith.truncf %get3A_12 : vector<256x256xf32> to vector<256x256xbf16>
    %dot_general3A_15 = arith.constant dense<0.000000e+00> : vector<4096x256xf32>
    %dot_general3A_16 = tpu.matmul %convert_element_type3A_13, %convert_element_type3A_14, %dot_general3A_15 {dimension_numbers = #tpu.dot_dimension_numbers<[1], [0], [0], [1], [0, 0, 1, 1], [], []>, transpose_lhs_hint = false} : vector<4096x256xbf16>, vector<256x256xbf16>, vector<4096x256xf32> -> vector<4096x256xf32>
    %add3A = arith.addf %dot_general3A_6, %dot_general3A_16 : vector<4096x256xf32>
    %get3A_17 = arith.constant 0 : index
    %get3A_18 = arith.constant 0 : index
    %get3A_19 = vector.load %arg5[%get3A_17, %get3A_18] : memref<1x256xf32, #tpu.memory_space<vmem>>, vector<1x256xf32>
    %add3A_20 = vector.broadcast %get3A_19 : vector<1x256xf32> to vector<4096x256xf32>
    %add3A_21 = arith.addf %add3A, %add3A_20 : vector<4096x256xf32>
    %max3A = arith.constant 0.000000e+00 : f32
    %max3A_22 = vector.broadcast %max3A : f32 to vector<4096x256xf32>
    %max3A_23 = arith.maximumf %add3A_21, %max3A_22 : vector<4096x256xf32>
    %get3A_24 = arith.constant 0 : index
    %get3A_25 = arith.constant 0 : index
    %get3A_26 = vector.load %arg6[%get3A_24, %get3A_25] : memref<256x128xf32, #tpu.memory_space<vmem>>, vector<256x128xf32>
    %convert_element_type3A_27 = arith.truncf %max3A_23 : vector<4096x256xf32> to vector<4096x256xbf16>
    %convert_element_type3A_28 = arith.truncf %get3A_26 : vector<256x128xf32> to vector<256x128xbf16>
    %dot_general3A_29 = arith.constant dense<0.000000e+00> : vector<4096x128xf32>
    %dot_general3A_30 = tpu.matmul %convert_element_type3A_27, %convert_element_type3A_28, %dot_general3A_29 {dimension_numbers = #tpu.dot_dimension_numbers<[1], [0], [0], [1], [0, 0, 1, 1], [], []>, transpose_lhs_hint = false} : vector<4096x256xbf16>, vector<256x128xbf16>, vector<4096x128xf32> -> vector<4096x128xf32>
    %get3A_31 = arith.constant 0 : index
    %get3A_32 = arith.constant 0 : index
    %get3A_33 = vector.load %arg7[%get3A_31, %get3A_32] : memref<1x128xf32, #tpu.memory_space<vmem>>, vector<1x128xf32>
    %add3A_34 = vector.broadcast %get3A_33 : vector<1x128xf32> to vector<4096x128xf32>
    %add3A_35 = arith.addf %dot_general3A_30, %add3A_34 : vector<4096x128xf32>
    %max3A_36 = arith.constant 0.000000e+00 : f32
    %max3A_37 = vector.broadcast %max3A_36 : f32 to vector<4096x128xf32>
    %max3A_38 = arith.maximumf %add3A_35, %max3A_37 : vector<4096x128xf32>
    %get3A_39 = arith.constant 0 : index
    %get3A_40 = arith.constant 0 : index
    %get3A_41 = vector.load %arg8[%get3A_39, %get3A_40] : memref<128x64xf32, #tpu.memory_space<vmem>>, vector<128x64xf32>
    %convert_element_type3A_42 = arith.truncf %max3A_38 : vector<4096x128xf32> to vector<4096x128xbf16>
    %convert_element_type3A_43 = arith.truncf %get3A_41 : vector<128x64xf32> to vector<128x64xbf16>
    %dot_general3A_44 = arith.constant dense<0.000000e+00> : vector<4096x64xf32>
    %dot_general3A_45 = tpu.matmul %convert_element_type3A_42, %convert_element_type3A_43, %dot_general3A_44 {dimension_numbers = #tpu.dot_dimension_numbers<[1], [0], [0], [1], [0, 0, 1, 1], [], []>, transpose_lhs_hint = false} : vector<4096x128xbf16>, vector<128x64xbf16>, vector<4096x64xf32> -> vector<4096x64xf32>
    %get3A_46 = arith.constant 0 : index
    %get3A_47 = arith.constant 0 : index
    %get3A_48 = vector.load %arg9[%get3A_46, %get3A_47] : memref<1x64xf32, #tpu.memory_space<vmem>>, vector<1x64xf32>
    %add3A_49 = vector.broadcast %get3A_48 : vector<1x64xf32> to vector<4096x64xf32>
    %add3A_50 = arith.addf %dot_general3A_45, %add3A_49 : vector<4096x64xf32>
    %max3A_51 = arith.constant 0.000000e+00 : f32
    %max3A_52 = vector.broadcast %max3A_51 : f32 to vector<4096x64xf32>
    %max3A_53 = arith.maximumf %add3A_50, %max3A_52 : vector<4096x64xf32>
    %get3A_54 = arith.constant 0 : index
    %get3A_55 = arith.constant 0 : index
    %get3A_56 = vector.load %arg10[%get3A_54, %get3A_55] : memref<64x1xf32, #tpu.memory_space<vmem>>, vector<64x1xf32>
    %convert_element_type3A_57 = arith.truncf %max3A_53 : vector<4096x64xf32> to vector<4096x64xbf16>
    %convert_element_type3A_58 = arith.truncf %get3A_56 : vector<64x1xf32> to vector<64x1xbf16>
    %dot_general3A_59 = arith.constant dense<0.000000e+00> : vector<4096x1xf32>
    %dot_general3A_60 = tpu.matmul %convert_element_type3A_57, %convert_element_type3A_58, %dot_general3A_59 {dimension_numbers = #tpu.dot_dimension_numbers<[1], [0], [0], [1], [0, 0, 1, 1], [], []>, transpose_lhs_hint = false} : vector<4096x64xbf16>, vector<64x1xbf16>, vector<4096x1xf32> -> vector<4096x1xf32>
    %get3A_61 = arith.constant 0 : index
    %get3A_62 = arith.constant 0 : index
    %get3A_63 = vector.load %arg11[%get3A_61, %get3A_62] : memref<1x1xf32, #tpu.memory_space<vmem>>, vector<1x1xf32>
    %add3A_64 = vector.broadcast %get3A_63 : vector<1x1xf32> to vector<4096x1xf32>
    %add3A_65 = arith.addf %dot_general3A_60, %add3A_64 : vector<4096x1xf32>
    %swap3A = arith.constant 0 : index
    %swap3A_66 = arith.constant 0 : index
    %swap3A_67 = vector.load %arg12[%swap3A, %swap3A_66] : memref<4096x1xf32, #tpu.memory_space<vmem>>, vector<4096x1xf32>
    tpu.vector_store %arg12[%swap3A, %swap3A_66], %add3A_65 {strides = array<i32>} : memref<4096x1xf32, #tpu.memory_space<vmem>>, vector<4096x1xf32>,
    return
  }
  func.func @transform_0(%arg0: i32) -> (i32, i32) {
    %c0_i32 = arith.constant 0 : i32
    %c0_i32_0 = arith.constant 0 : i32
    return %arg0, %c0_i32 : i32, i32
  }
  func.func @transform_1(%arg0: i32) -> (i32, i32) {
    %c0_i32 = arith.constant 0 : i32
    %c0_i32_0 = arith.constant 0 : i32
    return %arg0, %c0_i32 : i32, i32
  }
  func.func @transform_2(%arg0: i32) -> (i32, i32) {
    %c0_i32 = arith.constant 0 : i32
    %c0_i32_0 = arith.constant 0 : i32
    %c0_i32_1 = arith.constant 0 : i32
    return %c0_i32, %c0_i32_0 : i32, i32
  }
  func.func @transform_3(%arg0: i32) -> (i32, i32) {
    %c0_i32 = arith.constant 0 : i32
    %c0_i32_0 = arith.constant 0 : i32
    %c0_i32_1 = arith.constant 0 : i32
    return %c0_i32, %c0_i32_0 : i32, i32
  }
  func.func @transform_4(%arg0: i32) -> (i32, i32) {
    %c0_i32 = arith.constant 0 : i32
    %c0_i32_0 = arith.constant 0 : i32
    %c0_i32_1 = arith.constant 0 : i32
    return %c0_i32, %c0_i32_0 : i32, i32
  }
  func.func @transform_5(%arg0: i32) -> (i32, i32) {
    %c0_i32 = arith.constant 0 : i32
    %c0_i32_0 = arith.constant 0 : i32
    %c0_i32_1 = arith.constant 0 : i32
    return %c0_i32, %c0_i32_0 : i32, i32
  }
  func.func @transform_6(%arg0: i32) -> (i32, i32) {
    %c0_i32 = arith.constant 0 : i32
    %c0_i32_0 = arith.constant 0 : i32
    %c0_i32_1 = arith.constant 0 : i32
    return %c0_i32, %c0_i32_0 : i32, i32
  }
  func.func @transform_7(%arg0: i32) -> (i32, i32) {
    %c0_i32 = arith.constant 0 : i32
    %c0_i32_0 = arith.constant 0 : i32
    %c0_i32_1 = arith.constant 0 : i32
    return %c0_i32, %c0_i32_0 : i32, i32
  }
  func.func @transform_8(%arg0: i32) -> (i32, i32) {
    %c0_i32 = arith.constant 0 : i32
    %c0_i32_0 = arith.constant 0 : i32
    %c0_i32_1 = arith.constant 0 : i32
    return %c0_i32, %c0_i32_0 : i32, i32
  }
  func.func @transform_9(%arg0: i32) -> (i32, i32) {
    %c0_i32 = arith.constant 0 : i32
    %c0_i32_0 = arith.constant 0 : i32
    %c0_i32_1 = arith.constant 0 : i32
    return %c0_i32, %c0_i32_0 : i32, i32
  }
  func.func @transform_10(%arg0: i32) -> (i32, i32) {
    %c0_i32 = arith.constant 0 : i32
    %c0_i32_0 = arith.constant 0 : i32
    %c0_i32_1 = arith.constant 0 : i32
    return %c0_i32, %c0_i32_0 : i32, i32
  }
  func.func @transform_11(%arg0: i32) -> (i32, i32) {
    %c0_i32 = arith.constant 0 : i32
    %c0_i32_0 = arith.constant 0 : i32
    return %arg0, %c0_i32 : i32, i32
  }
}

module attributes {stable_mosaic.version = 14 : i64} {
  func.func @_final_body(%arg0: i32, %arg1: memref<4096x128xf32, #tpu.memory_space<vmem>>, %arg2: memref<4096x128xf32, #tpu.memory_space<vmem>>, %arg3: memref<4096x1xf32, #tpu.memory_space<vmem>>, %arg4: memref<64x1xf32, #tpu.memory_space<vmem>>, %arg5: memref<4096x1xf32, #tpu.memory_space<vmem>>) attributes {dimension_semantics = [#tpu.dimension_semantics<arbitrary>], iteration_bounds = array<i64: 4>, scalar_prefetch = 0 : i64, scratch_operands = 0 : i64, tpu.core_type = #tpu.core_type<tc>, window_params = [{transform_indices = @transform_0, window_bounds = array<i64: 4096, 128>}, {transform_indices = @transform_1, window_bounds = array<i64: 4096, 128>}, {transform_indices = @transform_2, window_bounds = array<i64: 4096, 1>}, {pipeline_mode = #tpu.pipeline_mode<synchronous>, transform_indices = @transform_3, window_bounds = array<i64: 64, 1>}, {transform_indices = @transform_4, window_bounds = array<i64: 4096, 1>}]} {
    %get3A = arith.constant 0 : index
    %get3A_0 = arith.constant 0 : index
    %get3A_1 = vector.load %arg1[%get3A, %get3A_0] : memref<4096x128xf32, #tpu.memory_space<vmem>>, vector<4096x64xf32>
    %get3A_2 = arith.constant 0 : index
    %get3A_3 = arith.constant 0 : index
    %get3A_4 = vector.load %arg2[%get3A_2, %get3A_3] : memref<4096x128xf32, #tpu.memory_space<vmem>>, vector<4096x64xf32>
    %mul3A = arith.mulf %get3A_1, %get3A_4 : vector<4096x64xf32>
    %get3A_5 = arith.constant 0 : index
    %get3A_6 = arith.constant 0 : index
    %get3A_7 = vector.load %arg4[%get3A_5, %get3A_6] : memref<64x1xf32, #tpu.memory_space<vmem>>, vector<64x1xf32>
    %convert_element_type3A = arith.truncf %mul3A : vector<4096x64xf32> to vector<4096x64xbf16>
    %convert_element_type3A_8 = arith.truncf %get3A_7 : vector<64x1xf32> to vector<64x1xbf16>
    %dot_general3A = arith.constant dense<0.000000e+00> : vector<4096x1xf32>
    %dot_general3A_9 = tpu.matmul %convert_element_type3A, %convert_element_type3A_8, %dot_general3A {dimension_numbers = #tpu.dot_dimension_numbers<[1], [0], [0], [1], [0, 0, 1, 1], [], []>, transpose_lhs_hint = false} : vector<4096x64xbf16>, vector<64x1xbf16>, vector<4096x1xf32> -> vector<4096x1xf32>
    %get3A_10 = arith.constant 0 : index
    %get3A_11 = arith.constant 0 : index
    %get3A_12 = vector.load %arg3[%get3A_10, %get3A_11] : memref<4096x1xf32, #tpu.memory_space<vmem>>, vector<4096x1xf32>
    %add3A = arith.addf %dot_general3A_9, %get3A_12 : vector<4096x1xf32>
    %swap3A = arith.constant 0 : index
    %swap3A_13 = arith.constant 0 : index
    %swap3A_14 = vector.load %arg5[%swap3A, %swap3A_13] : memref<4096x1xf32, #tpu.memory_space<vmem>>, vector<4096x1xf32>
    tpu.vector_store %arg5[%swap3A, %swap3A_13], %add3A {strides = array<i32>} : memref<4096x1xf32, #tpu.memory_space<vmem>>, vector<4096x1xf32>,
    return
  }
  func.func @transform_0(%arg0: i32) -> (i32, i32) {
    %c0_i32 = arith.constant 0 : i32
    %c0_i32_0 = arith.constant 0 : i32
    return %arg0, %c0_i32 : i32, i32
  }
  func.func @transform_1(%arg0: i32) -> (i32, i32) {
    %c0_i32 = arith.constant 0 : i32
    %c0_i32_0 = arith.constant 0 : i32
    return %arg0, %c0_i32 : i32, i32
  }
  func.func @transform_2(%arg0: i32) -> (i32, i32) {
    %c0_i32 = arith.constant 0 : i32
    %c0_i32_0 = arith.constant 0 : i32
    return %arg0, %c0_i32 : i32, i32
  }
  func.func @transform_3(%arg0: i32) -> (i32, i32) {
    %c0_i32 = arith.constant 0 : i32
    %c0_i32_0 = arith.constant 0 : i32
    %c0_i32_1 = arith.constant 0 : i32
    return %c0_i32, %c0_i32_0 : i32, i32
  }
  func.func @transform_4(%arg0: i32) -> (i32, i32) {
    %c0_i32 = arith.constant 0 : i32
    %c0_i32_0 = arith.constant 0 : i32
    return %arg0, %c0_i32 : i32, i32
  }
}

</mosaic_0001>

<sc_bundles>
// kernel: kernel.12.cloned.1.call-start
scs
__scs_entry_jumppad:
0x0: {  	(pc) =	sbr.rel $0x88, $3  }
0x1: {  	(tag) =	ssettag $0x0;
	lr =	simm.s32 $0x1  }
0x2: {  	[smem:$0x3F93] =	sst lr;
	_ =	strace $0xD0000000  }
0x3: {  	_ = 	snop  }
0x4: {  	_ = 	snop  }
0x5: {  	_ = 	snop  }
0x6: {  	_ = 	snop  }
0x7: {  	_ = 	snop  }
__scs_overlays_trampoline_lowered:
0x8: {  	[smem:$0x3FA2] =	sst s0  }
0x9: {  	[smem:$0x3FA3] =	sst s1  }
0xa: {  	[smem:$0x3FA4] =	sst s2  }
0xb: {  	[smem:$0x3FA5] =	sst s3  }
0xc: {  	[smem:$0x3FA6] =	sst s4  }
0xd: {  	[smem:$0x3FA7] =	sst s5  }
0xe: {  	[smem:$0x3FA8] =	sst s6  }
0xf: {  	[smem:$0x3FA9] =	sst s7  }
0x10: {  	[smem:$0x3FAA] =	sst s8  }
0x11: {  	[smem:$0x3FAB] =	sst s9;
	s0 =	simm.s32 @!p0 $0x0  }
0x12: {  	s1 =	sld [smem:$0x3F91];
	s0 =	simm.s32 @p0 $0x1  }
0x13: {  	[smem:$0x3FAC] =	sst s0;
	s0 =	simm.s32 @!p1 $0x0  }
0x14: {  	s2 =	sld [smem:$0x3F90];
	s0 =	simm.s32 @p1 $0x1  }
0x15: {  	[smem:$0x3FAD] =	sst s0;
	s0 =	simm.s32 @!p2 $0x0  }
0x16: {  	s3 =	sld [smem:$0x3FDB];
	s0 =	simm.s32 @p2 $0x1  }
0x17: {  	s4 =	simm.s32 $0x1BF5;
	[smem:$0x3FAF] =	sst s0  }
0x18: {  	s0 =	sld [smem:$0x3F92];
	_ =	swait.ge [sflag:s4], $0x0  }
0x19: {  	s7 =	sld [smem:$0x3F93]  }
0x1a: {  	s8 =	sadd.s32 $0xFFFFE003, lr  }
0x1b: {  	s9 =	sadd.s32 $0xFFFFFEF7, lr;
	s5 =	simm.s32 $0xFFFFFFFF;
	p2 =	slt.u32 s8, $0xFFFFF086  }
0x1c: {  	p1 =	slt.u32 s9, $0xF7A;
	s5 =	simm.s32 @!p2 $0x0  }
0x1d: {  	s5 =	simm.s32 @p1 $0x1;
	p0 =	seq.s32 s7, s2  }
0x1e: {  	s7 =	smul.u32 @!p0 $0xF7A, s2;
	p2 =	seq.s32 @!p0 s5, $0x0  }
0x1f: {  	s9 =	smul.u32 $0xF7A, s1;
	s8 =	simm.s32 @!p0 $0x1BF5;
	p2 =	por !p2, p0  }
0x20: {  	[sflag:s8] =	ssyncset.s32 @!p0 $0xFFFFF086;
	s6 =	sadd.s32 @!p0 s3, s7;
	s7 =	simm.s32 @!p0 $0x108  }
0x21: {  	s3 =	sadd.s32 s3, s9;
	s6 =	sadd.s32 @!p0 $0x88, s6;
	s7 =	simm.s32 @p2 $0x1082  }
0x22: {  	[simem:s7], [sflag:s8] =	dma.local @!p0 [hbm:s6], $0xF7A  }
0x23: {  	s9 =	sor.u32 $0xD0000000, s2;
	s6 =	simm.s32 $0x108;
	_ =	swait.ge @!p0 [sflag:s8], $0x0  }
0x24: {  	s3 =	sadd.s32 $0x88, s3;
	s6 =	simm.s32 @!p1 $0x1082;
	[sflag:s4] =	ssyncset.s32 $0xFFFFF086  }
0x25: {  	[simem:s6], [sflag:s4] =	dma.local [hbm:s3], $0xF7A  }
0x26: {  	[smem:$0x3F93] =	sst s1;
	(tag) =	ssettag s2;
	_ =	strace s9  }
0x27: {  	s1 =	sld [smem:$0x3FA3]  }
0x28: {  	s2 =	sld [smem:$0x3FA4]  }
0x29: {  	s4 =	sld [smem:$0x3FA6]  }
0x2a: {  	p0 =	seq.s32 s5, $0x0;
	s5 =	sld [smem:$0x3FA7]  }
0x2b: {  	s6 =	sld [smem:$0x3FA8]  }
0x2c: {  	s7 =	sld [smem:$0x3FA9]  }
0x2d: {  	s3 =	simm.s32 $0x108;
	s8 =	sld [smem:$0x3FAA]  }
0x2e: {  	s3 =	simm.s32 @!p0 $0x1082;
	s9 =	sld [smem:$0x3FAB]  }
0x2f: {  	lr =	sadd.s32 s0, s3;
	s0 =	sld [smem:$0x3FA2]  }
0x30: {  	s3 =	sld [smem:$0x3FA5]  }
0x31: {  	[smem:$0x3FAE] =	sst s10  }
0x32: {  	s10 =	sld [smem:$0x3FAC];
	_ =	sdelay $0x3  }
0x33: {  	p0 =	seq.s32 s10, $0x1;
	s10 =	sld [smem:$0x3FAE];
	_ =	sdelay $0x3  }
0x34: {  	[smem:$0x3FAE] =	sst s10  }
0x35: {  	s10 =	sld [smem:$0x3FAD];
	_ =	sdelay $0x3  }
0x36: {  	p1 =	seq.s32 s10, $0x1;
	s10 =	sld [smem:$0x3FAE];
	_ =	sdelay $0x3  }
0x37: {  	[smem:$0x3FAE] =	sst s10  }
0x38: {  	s10 =	sld [smem:$0x3FAF]  }
0x39: {  	_ = 	snop;
	(pc) =	sbr.ind lr, $3  }
0x3a: {  	_ = 	snop  }
0x3b: {  	_ = 	snop  }
0x3c: {  	p2 =	seq.s32 s10, $0x1;
	s10 =	sld [smem:$0x3FAE]  }
0x3d: {  	_ =	shalt  }
0x3e: {  	_ =	shalt  }
0x3f: {  	_ =	shalt  }
0x40: {  	_ =	shalt  }
0x41: {  	_ =	shalt  }
0x42: {  	_ =	shalt  }
0x43: {  	_ =	shalt  }
0x44: {  	_ =	shalt  }
0x45: {  	_ =	shalt  }
0x46: {  	_ =	shalt  }
0x47: {  	_ =	shalt  }
0x48: {  	_ =	shalt  }
0x49: {  	_ =	shalt  }
0x4a: {  	_ =	shalt  }
0x4b: {  	_ =	shalt  }
0x4c: {  	_ =	shalt  }
0x4d: {  	_ =	shalt  }
0x4e: {  	_ =	shalt  }
0x4f: {  	_ =	shalt  }
0x50: {  	_ =	shalt  }
0x51: {  	_ =	shalt  }
0x52: {  	_ =	shalt  }
0x53: {  	_ =	shalt  }
0x54: {  	_ =	shalt  }
0x55: {  	_ =	shalt  }
0x56: {  	_ =	shalt  }
0x57: {  	_ =	shalt  }
0x58: {  	_ =	shalt  }
0x59: {  	_ =	shalt  }
0x5a: {  	_ =	shalt  }
0x5b: {  	_ =	shalt  }
0x5c: {  	_ =	shalt  }
0x5d: {  	_ =	shalt  }
0x5e: {  	_ =	shalt  }
0x5f: {  	_ =	shalt  }
0x60: {  	_ =	shalt  }
0x61: {  	_ =	shalt  }
0x62: {  	_ =	shalt  }
0x63: {  	_ =	shalt  }
0x64: {  	_ =	shalt  }
0x65: {  	_ =	shalt  }
0x66: {  	_ =	shalt  }
0x67: {  	_ =	shalt  }
0x68: {  	_ =	shalt  }
0x69: {  	_ =	shalt  }
0x6a: {  	_ =	shalt  }
0x6b: {  	_ =	shalt  }
0x6c: {  	_ =	shalt  }
0x6d: {  	_ =	shalt  }
0x6e: {  	_ =	shalt  }
0x6f: {  	_ =	shalt  }
0x70: {  	_ =	shalt  }
0x71: {  	_ =	shalt  }
0x72: {  	_ =	shalt  }
0x73: {  	_ =	shalt  }
0x74: {  	_ =	shalt  }
0x75: {  	_ =	shalt  }
0x76: {  	_ =	shalt  }
0x77: {  	_ =	shalt  }
0x78: {  	_ =	shalt  }
0x79: {  	_ =	shalt  }
0x7a: {  	_ =	shalt  }
0x7b: {  	_ =	shalt  }
0x7c: {  	_ =	shalt  }
0x7d: {  	_ =	shalt  }
0x7e: {  	_ =	shalt  }
0x7f: {  	_ =	shalt  }
0x80: {  	_ =	shalt  }
0x81: {  	_ =	shalt  }
0x82: {  	_ =	shalt  }
0x83: {  	_ =	shalt  }
0x84: {  	_ =	shalt  }
0x85: {  	_ =	shalt  }
0x86: {  	_ =	shalt  }
0x87: {  	_ =	shalt  }
.Lfunc_end0:
.L_simem_size_0:
called_computation.1_lowered:
.L_overlay_start_0:
0x88: {  	s2 =	sld [smem:$0x3FD9]  }
0x89: {  	s3 =	sld [smem:$0x3FFE];
	_ =	sdelay $0x1  }
0x8a: {  	s1 =	srdreg.scid  }
0x8b: {  	s0 =	sand.u32 $0x1, s1  }
0x8c: {  	s17 =	sshll.u32 s0, $0xA;
	s2 =	sadd.s32 s3, s2  }
0x8d: {  	s2 =	sadd.s32 s2, s17  }
0x8e: {  	[smem:$0x3FBA] =	sst s2  }
0x8f: {  	_ = 	snop  }
0x90: {  	s18 =	sld [smem:$0x3FC8];
	(tm) =	ssettm $0x1  }
0x91: {  	s19 =	sld [smem:$0x3FFB];
	_ =	sdelay $0x3  }
0x92: {  	_ =	strace s19  }
0x93: {  	s2 =	sld [smem:$0x3FFC];
	_ =	sdelay $0x3  }
0x94: {  	_ =	strace s2  }
0x95: {  	s2 =	sld [smem:$0x3FFD];
	_ =	sdelay $0x3  }
0x96: {  	_ =	strace s2  }
0x97: {  	_ =	strace $0x8FFFFFFF  }
0x98: {  	s20 =	sld [smem:$0x3FDB];
	_ =	sdelay $0x1  }
0x99: {  	s4 =	simm.s32 $_scs_section_size  }
0x9a: {  	s5 =	simm.s32 $_size__tile_overlayer_lowered;
	s6 =	simm.s32 $_tile_overlayer_lowered  }
0x9b: {  	s7 =	simm.s32 $0x1BFF;
	s21 =	sshll.u32 s6, $0x1;
	s4 =	sadd.s32 s4, s20  }
0x9c: {  	s22 =	simm.s32 $0x0;
	s5 =	sshll.u32 s5, $0x1;
	s6 =	sadd.s32 s21, s4  }
0x9d: {  	[timem:s22], [sflag:s7] =	dma.local [hbm:s6], s5  }
0x9e: {  	_ =	swait.ge [sflag:s7], s5  }
0x9f: {  	s5 =	ssub.s32 $0x0, s5;
	[sflag:s7] =	ssyncset.done $0x0  }
0xa0: {  	[sflag:s7] =	ssyncadd.s32 s5;
	_ =	sdelay $0x1  }
0xa1: {  	s23 =	simm.s32 $0x1B8B  }
0xa2: {  	_ =	swait.ge [sflag:s23], $0x1  }
0xa3: {  	[sflag:s23] =	ssyncset.done $0x0  }
0xa4: {  	[sflag:s23] =	ssyncadd.s32 $0xFFFFFFFF  }
0xa5: {  	s5 =	sld [smem:$0x0]  }
0xa6: {  	s6 =	sand.u32 $0xFFFFFFFE, s1  }
0xa7: {  	p0 =	sne.s32 s1, s6  }
0xa8: {  	s6 =	sshll.u32 @p0 s6, $0xE  }
0xa9: {  	s6 =	sadd.s32 @p0 $0x11B8D, s6;
	s7 =	sshll.u32 @p0 s5, $0x11  }
0xaa: {  	s6 =	sor.u32 @p0 s7, s6  }
0xab: {  	[sflag:s6] =	ssyncadd.remote.s32 @p0 $0x1;
	_ =	sdelay $0x1  }
0xac: {  	s6 =	simm.s32 @p0 $0x1B8D  }
0xad: {  	_ =	swait.eq @p0 [sflag:s6], $0x1  }
0xae: {  	[sflag:s6] =	ssyncadd.s32 @p0 $0xFFFFFFFF  }
0xaf: {  	s7 =	sshll.u32 @!p0 s1, $0xE  }
0xb0: {  	s7 =	sor.u32 @!p0 $0x4000, s7;
	s6 =	simm.s32 @!p0 $0x1B8D  }
0xb1: {  	s5 =	sshll.u32 @!p0 s5, $0x11;
	s7 =	sadd.s32 @!p0 $0x11B8D, s7;
	_ =	swait.eq @!p0 [sflag:s6], $0x1  }
0xb2: {  	s5 =	sor.u32 @!p0 s5, s7;
	[sflag:s6] =	ssyncadd.s32 @!p0 $0xFFFFFFFF  }
0xb3: {  	s25 =	simm.s32 $0x1B8E;
	s24 =	sld [smem:$0x3FFE];
	[sflag:s5] =	ssyncadd.remote.s32 @!p0 $0x1  }
0xb4: {  	s26 =	simm.s32 $execute0_lowered;
	[smem:$0x3FD2] =	sst s25  }
0xb5: {  	s6 =	sshll.u32 s26, $0x1;
	_ =	strace $0x80000049;
	[dreg:$0x1] =	wrdreg $0xFFFFFFFF  }
0xb6: {  	s28 =	simm.s32 $_size_execute0_lowered;
	s4 =	sadd.s32 s4, s6;
	[dreg:$0x0] =	wrdreg $0x0  }
0xb7: {  	s6 =	sshll.u32 s28, $0x1;
	[dreg:$0x2] =	wrdreg s4  }
0xb8: {  	[dreg:$0x3] =	wrdreg s6  }
0xb9: {  	[dreg:$0x4] =	wrdreg $0xC0  }
0xba: {  	_ =	task [dreg:s22], $0x5FFFF  }
0xbb: {  	[dreg:$0x1] =	wrdreg $0xFFFFFFFF  }
0xbc: {  	[dreg:$0x0] =	wrdreg $0x60  }
0xbd: {  	[dreg:$0x2] =	wrdreg s18  }
0xbe: {  	[dreg:$0x3] =	wrdreg s24  }
0xbf: {  	[dreg:$0x4] =	wrdreg $0xA  }
0xc0: {  	_ =	task.clear_ibuf [dreg:s22], $0x5FFFF;
	_ =	strace $0x90000049  }
0xc1: {  	s29 =	simm.s32 $0xA;
	_ =	strace $0x8000004B  }
0xc2: {  	_ =	swait.ge [sflag:s29], $0x1  }
0xc3: {  	[sflag:s29] =	ssyncadd.s32 $0xFFFFFFFF  }
0xc4: {  	_ =	strace $0x9000004B  }
0xc5: {  	_ =	sfence  }
0xc6: {  	s30 =	sld [smem:$0x0];
	_ =	sdelay $0x2  }
0xc7: {  	s31 =	sshll.u32 s1, $0xD;
	s1 =	sshrl.u32 s1, $0x2  }
0xc8: {  	s4 =	sand.u32 $0x4000, s31;
	s1 =	sadd.s32 s1, s30  }
0xc9: {  	s0 =	sor.u32 s4, s0;
	s1 =	sshll.u32 s1, $0x11  }
0xca: {  	s0 =	sor.u32 s1, s0  }
0xcb: {  	s0 =	sadd.s32 $0x8F2B, s0  }
0xcc: {  	[sflag:s0] =	ssyncadd.remote.s32 $0x1  }
0xcd: {  	_ =	sfence.sel $0xFFFF  }
0xce: {  	[dreg:$0x0] =	wrdreg $0xFFFFFFFF;
	(pc) =	sbr.abs _section_cstart, $3  }
0xcf: {  	[dreg:$0x1] =	wrdreg $0xFFFFFFFF  }
0xd0: {  	_ =	task.clear_ibuf [dreg:s22], $0x2FFFF;
	_ =	strace $0x9FFFFFFF  }
0xd1: {  	(tm) =	ssettm $0x7FFFFFFF  }
tec
execute0_lowered:
.L_overlay_start_1:
0x0: {  	(tag) =	ssettag $0x1  }
0x1: {  	s1 =	srdreg.scid  }
0x2: {  	s2 =	stileid.u32;
	s1 =	sand.u32 $0x1, s1  }
0x3: {  	s3 =	sshll.u32 s2, $0xA;
	s4 =	sshll.u32 s1, $0x9  }
0x4: {  	s0 =	rddreg [dreg:$0x0];
	s23 =	sor.u32 s4, s3  }
0x5: {  	s22 =	rddreg [dreg:$0x1];
	s2 =	simm.s32 $0x0;
	s3 =	sshrl.u32 s23, $0x3  }
0x6: {  	[smem:$0x7FF] =	sst s2;
	s24 =	sor.u32 $0x40, s23;
	s3 =	sadd.s32 s0, s3  }
0x7: {  	_ =	strace $0x8000004A;
	s19 =	sshrl.u32 s24, $0x3;
	[dreg:$0x3] =	wrdreg s3  }
0x8: {  	s3 =	sadd.s32 s0, s19;
	s20 =	rddreg [dreg:$0x3]  }
0x9: {  	[dreg:$0x4] =	wrdreg s3;
	s3 =	simm.s32 $0x3  }
0xa: {  	[tilespmem:s2], [sflag:$0x3] =	stream.linear.gather [hbm4b:s20+s2], $0x40, $0x38;
	[tilespmem:$0x4400] =	vst v63  }
0xb: {  	_ =	swait.ge [sflag:s3], $0x40  }
0xc: {  	[sflag:s3] =	ssyncset.done $0x0  }
0xd: {  	s4 =	simm.s32 $0x80;
	s5 =	rddreg [dreg:$0x4];
	[sflag:s3] =	ssyncadd.s32 $0xFFFFFFC0  }
0xe: {  	[tilespmem:s4], [sflag:$0x3] =	stream.linear.gather [hbm4b:s5+s2], $0x40, $0x38;
	[tilespmem:$0x4400] =	vst v63  }
0xf: {  	s25 =	sor.u32 $0x80, s23;
	_ =	swait.ge [sflag:s3], $0x40  }
0x10: {  	s21 =	sshrl.u32 s25, $0x3;
	[sflag:s3] =	ssyncset.done $0x0  }
0x11: {  	s6 =	simm.s32 $0x100;
	s5 =	sadd.s32 s0, s21;
	[sflag:s3] =	ssyncadd.s32 $0xFFFFFFC0  }
0x12: {  	[tilespmem:s6], [sflag:$0x3] =	stream.linear.gather [hbm4b:s5+s2], $0x40, $0x38;
	[tilespmem:$0x4400] =	vst v63  }
0x13: {  	s26 =	sor.u32 $0xC0, s23;
	_ =	swait.ge [sflag:s3], $0x40  }
0x14: {  	s7 =	sshrl.u32 s26, $0x3;
	[sflag:s3] =	ssyncset.done $0x0  }
0x15: {  	s8 =	simm.s32 $0x180;
	s7 =	sadd.s32 s0, s7;
	[sflag:s3] =	ssyncadd.s32 $0xFFFFFFC0  }
0x16: {  	[tilespmem:s8], [sflag:$0x3] =	stream.linear.gather [hbm4b:s7+s2], $0x40, $0x38;
	[tilespmem:$0x4400] =	vst v63  }
0x17: {  	s28 =	sor.u32 $0x100, s23;
	_ =	swait.ge [sflag:s3], $0x40  }
0x18: {  	s9 =	sshrl.u32 s28, $0x3;
	[sflag:s3] =	ssyncset.done $0x0  }
0x19: {  	s10 =	simm.s32 $0x200;
	s9 =	sadd.s32 s0, s9;
	[sflag:s3] =	ssyncadd.s32 $0xFFFFFFC0  }
0x1a: {  	[tilespmem:s10], [sflag:$0x3] =	stream.linear.gather [hbm4b:s9+s2], $0x40, $0x38;
	[tilespmem:$0x4400] =	vst v63  }
0x1b: {  	s29 =	sor.u32 $0x140, s23;
	_ =	swait.ge [sflag:s3], $0x40  }
0x1c: {  	s11 =	sshrl.u32 s29, $0x3;
	[sflag:s3] =	ssyncset.done $0x0  }
0x1d: {  	s12 =	simm.s32 $0x280;
	s11 =	sadd.s32 s0, s11;
	[sflag:s3] =	ssyncadd.s32 $0xFFFFFFC0  }
0x1e: {  	[tilespmem:s12], [sflag:$0x3] =	stream.linear.gather [hbm4b:s11+s2], $0x40, $0x38;
	[tilespmem:$0x4400] =	vst v63  }
0x1f: {  	s14 =	simm.s32 $0x300;
	s30 =	sor.u32 $0x180, s23;
	_ =	swait.ge [sflag:s3], $0x40  }
0x20: {  	s15 =	sor.u32 $0x1C0, s23;
	s13 =	sshrl.u32 s30, $0x3;
	[sflag:s3] =	ssyncset.done $0x0  }
0x21: {  	s13 =	sadd.s32 s0, s13;
	[dreg:$0x5] =	wrdreg s15;
	[sflag:s3] =	ssyncadd.s32 $0xFFFFFFC0  }
0x22: {  	[tilespmem:s14], [sflag:$0x3] =	stream.linear.gather [hbm4b:s13+s2], $0x40, $0x38;
	[tilespmem:$0x4400] =	vst v63  }
0x23: {  	_ =	swait.ge [sflag:s3], $0x40  }
0x24: {  	s15 =	sshrl.u32 s15, $0x3;
	[sflag:s3] =	ssyncset.done $0x0  }
0x25: {  	s16 =	simm.s32 $0x380;
	s15 =	sadd.s32 s0, s15;
	[sflag:s3] =	ssyncadd.s32 $0xFFFFFFC0  }
0x26: {  	[tilespmem:s16], [sflag:$0x3] =	stream.linear.gather [hbm4b:s15+s2], $0x40, $0x38;
	[tilespmem:$0x4400] =	vst v63  }
0x27: {  	_ =	swait.ge [sflag:s3], $0x40  }
0x28: {  	s18 =	simm.s32 $0x40;
	[sflag:s3] =	ssyncset.done $0x0  }
0x29: {  	s17 =	sadd.s32 $0x102400, s22;
	s19 =	simm.s32 $0x400;
	[sflag:s3] =	ssyncadd.s32 $0xFFFFFFC0  }
0x2a: {  	[tilespmem:s19], [sflag:$0x1] =	stream.indirect.gather [hbm4b:s17+s18], $0x80, s2, s18, $0xb8;
	[tilespmem:$0x4400] =	vst v63  }
0x2b: {  	s20 =	simm.s32 $0x2400;
	s21 =	simm.s32 $0x1  }
0x2c: {  	[tilespmem:s20], [sflag:$0x2] =	stream.indirect.gather [hbm4b:s17+s18], $0x80, s4, s18, $0xb8;
	[tilespmem:$0x4400] =	vst v63  }
0x2d: {  	_ =	swait.ge [sflag:s21], $0x2000  }
0x2e: {  	s23 =	sshll.u32 s23, $0x4;
	s0 =	sadd.s32 $0x1E9000, s22;
	[sflag:s21] =	ssyncset.done $0x0  }
0x2f: {  	s22 =	sadd.s32 s0, s23;
	[sflag:s21] =	ssyncadd.s32 $0xFFFFE000  }
0x30: {  	[hbm4b:s22+s2] =	stream.linear.scatter [tilespmem:s19], [sflag:$0x3], $0x2000, $0x38;
	[tilespmem:$0x4400] =	vst v63  }
0x31: {  	_ =	swait.ge [sflag:s3], $0x2000  }
0x32: {  	[sflag:s3] =	ssyncset.done $0x0  }
0x33: {  	s23 =	simm.s32 $0x2;
	[sflag:s3] =	ssyncadd.s32 $0xFFFFE000  }
0x34: {  	[tilespmem:s19], [sflag:$0x1] =	stream.indirect.gather [hbm4b:s17+s18], $0x80, s6, s18, $0xb8;
	[tilespmem:$0x4400] =	vst v63  }
0x35: {  	_ =	swait.ge [sflag:s23], $0x2000  }
0x36: {  	s24 =	sshll.u32 s24, $0x4;
	[sflag:s23] =	ssyncset.done $0x0  }
0x37: {  	s24 =	sadd.s32 s0, s24;
	[sflag:s23] =	ssyncadd.s32 $0xFFFFE000  }
0x38: {  	[hbm4b:s24+s2] =	stream.linear.scatter [tilespmem:s20], [sflag:$0x3], $0x2000, $0x38;
	[tilespmem:$0x4400] =	vst v63  }
0x39: {  	_ =	swait.ge [sflag:s3], $0x2000  }
0x3a: {  	[sflag:s3] =	ssyncset.done $0x0  }
0x3b: {  	[sflag:s3] =	ssyncadd.s32 $0xFFFFE000  }
0x3c: {  	[tilespmem:s20], [sflag:$0x2] =	stream.indirect.gather [hbm4b:s17+s18], $0x80, s8, s18, $0xb8;
	[tilespmem:$0x4400] =	vst v63  }
0x3d: {  	_ =	swait.ge [sflag:s21], $0x2000  }
0x3e: {  	s25 =	sshll.u32 s25, $0x4;
	[sflag:s21] =	ssyncset.done $0x0  }
0x3f: {  	s25 =	sadd.s32 s0, s25;
	[sflag:s21] =	ssyncadd.s32 $0xFFFFE000  }
0x40: {  	[hbm4b:s25+s2] =	stream.linear.scatter [tilespmem:s19], [sflag:$0x3], $0x2000, $0x38;
	[tilespmem:$0x4400] =	vst v63  }
0x41: {  	_ =	swait.ge [sflag:s3], $0x2000  }
0x42: {  	[sflag:s3] =	ssyncset.done $0x0  }
0x43: {  	[sflag:s3] =	ssyncadd.s32 $0xFFFFE000  }
0x44: {  	[tilespmem:s19], [sflag:$0x1] =	stream.indirect.gather [hbm4b:s17+s18], $0x80, s10, s18, $0xb8;
	[tilespmem:$0x4400] =	vst v63  }
0x45: {  	_ =	swait.ge [sflag:s23], $0x2000  }
0x46: {  	s26 =	sshll.u32 s26, $0x4;
	[sflag:s23] =	ssyncset.done $0x0  }
0x47: {  	s26 =	sadd.s32 s0, s26;
	[sflag:s23] =	ssyncadd.s32 $0xFFFFE000  }
0x48: {  	[hbm4b:s26+s2] =	stream.linear.scatter [tilespmem:s20], [sflag:$0x3], $0x2000, $0x38;
	[tilespmem:$0x4400] =	vst v63  }
0x49: {  	_ =	swait.ge [sflag:s3], $0x2000  }
0x4a: {  	[sflag:s3] =	ssyncset.done $0x0  }
0x4b: {  	[sflag:s3] =	ssyncadd.s32 $0xFFFFE000  }
0x4c: {  	[tilespmem:s20], [sflag:$0x2] =	stream.indirect.gather [hbm4b:s17+s18], $0x80, s12, s18, $0xb8;
	[tilespmem:$0x4400] =	vst v63  }
0x4d: {  	_ =	swait.ge [sflag:s21], $0x2000  }
0x4e: {  	s28 =	sshll.u32 s28, $0x4;
	[sflag:s21] =	ssyncset.done $0x0  }
0x4f: {  	s28 =	sadd.s32 s0, s28;
	[sflag:s21] =	ssyncadd.s32 $0xFFFFE000  }
0x50: {  	[hbm4b:s28+s2] =	stream.linear.scatter [tilespmem:s19], [sflag:$0x3], $0x2000, $0x38;
	[tilespmem:$0x4400] =	vst v63  }
0x51: {  	_ =	swait.ge [sflag:s3], $0x2000  }
0x52: {  	[sflag:s3] =	ssyncset.done $0x0  }
0x53: {  	[sflag:s3] =	ssyncadd.s32 $0xFFFFE000  }
0x54: {  	[tilespmem:s19], [sflag:$0x1] =	stream.indirect.gather [hbm4b:s17+s18], $0x80, s14, s18, $0xb8;
	[tilespmem:$0x4400] =	vst v63  }
0x55: {  	_ =	swait.ge [sflag:s23], $0x2000  }
0x56: {  	s29 =	sshll.u32 s29, $0x4;
	[sflag:s23] =	ssyncset.done $0x0  }
0x57: {  	s29 =	sadd.s32 s0, s29;
	[sflag:s23] =	ssyncadd.s32 $0xFFFFE000  }
0x58: {  	[hbm4b:s29+s2] =	stream.linear.scatter [tilespmem:s20], [sflag:$0x3], $0x2000, $0x38;
	[tilespmem:$0x4400] =	vst v63  }
0x59: {  	_ =	swait.ge [sflag:s3], $0x2000  }
0x5a: {  	[sflag:s3] =	ssyncset.done $0x0  }
0x5b: {  	[sflag:s3] =	ssyncadd.s32 $0xFFFFE000  }
0x5c: {  	[tilespmem:s20], [sflag:$0x2] =	stream.indirect.gather [hbm4b:s17+s18], $0x80, s16, s18, $0xb8;
	[tilespmem:$0x4400] =	vst v63  }
0x5d: {  	_ =	swait.ge [sflag:s21], $0x2000  }
0x5e: {  	s30 =	sshll.u32 s30, $0x4;
	[sflag:s21] =	ssyncset.done $0x0  }
0x5f: {  	s1 =	ssub.s32 $0x2, s1;
	s30 =	sadd.s32 s0, s30;
	[sflag:s21] =	ssyncadd.s32 $0xFFFFE000  }
0x60: {  	[hbm4b:s30+s2] =	stream.linear.scatter [tilespmem:s19], [sflag:$0x3], $0x2000, $0x38;
	[tilespmem:$0x4400] =	vst v63  }
0x61: {  	s31 =	sshrl.u32 s1, $0x1;
	_ =	swait.ge [sflag:s3], $0x2000  }
0x62: {  	s1 =	ssub.s32 s1, s31;
	[sflag:s3] =	ssyncset.done $0x0  }
0x63: {  	s1 =	smax.u32 s1, $0x1;
	[sflag:s3] =	ssyncadd.s32 $0xFFFFE000  }
0x64: {  	p0 =	sne.s32 s1, $0x1;
	_ =	swait.ge [sflag:s23], $0x2000  }
.Ltmp0:
0x65: {  	s31 =	rddreg [dreg:$0x5];
	(pc) =	sbr.rel @!p0 .LBB2_2-.Ltmp0, $4  }
0x66: {  	[sflag:s23] =	ssyncset.done $0x0;
	s31 =	sshll.u32 s31, $0x4  }
0x67: {  	[sflag:s23] =	ssyncadd.s32 $0xFFFFE000;
	s31 =	sadd.s32 s0, s31  }
0x68: {  	[hbm4b:s31+s2] =	stream.linear.scatter [tilespmem:s20], [sflag:$0x3], $0x2000, $0x38;
	[tilespmem:$0x4400] =	vst v63  }
0x69: {  	s1 =	sadd.s32 $0xFFFFFFFF, s1;
	_ =	swait.ge [sflag:s3], $0x2000  }
.LBB2_1:
0x6a: {  	[sflag:s3] =	ssyncset.done $0x0  }
0x6b: {  	s0 =	rddreg [dreg:$0x3];
	[sflag:s3] =	ssyncadd.s32 $0xFFFFE000  }
0x6c: {  	[tilespmem:s2], [sflag:$0x3] =	stream.linear.gather [hbm4b:s0+s2], $0x40, $0x38;
	[tilespmem:$0x4400] =	vst v63  }
0x6d: {  	_ =	swait.ge [sflag:s3], $0x40  }
0x6e: {  	[sflag:s3] =	ssyncset.done $0x0  }
0x6f: {  	s0 =	rddreg [dreg:$0x4];
	[sflag:s3] =	ssyncadd.s32 $0xFFFFFFC0  }
0x70: {  	[tilespmem:s4], [sflag:$0x3] =	stream.linear.gather [hbm4b:s0+s2], $0x40, $0x38;
	[tilespmem:$0x4400] =	vst v63  }
0x71: {  	_ =	swait.ge [sflag:s3], $0x40  }
0x72: {  	[sflag:s3] =	ssyncset.done $0x0  }
0x73: {  	[sflag:s3] =	ssyncadd.s32 $0xFFFFFFC0  }
0x74: {  	[tilespmem:s6], [sflag:$0x3] =	stream.linear.gather [hbm4b:s5+s2], $0x40, $0x38;
	[tilespmem:$0x4400] =	vst v63  }
0x75: {  	_ =	swait.ge [sflag:s3], $0x40  }
0x76: {  	[sflag:s3] =	ssyncset.done $0x0  }
0x77: {  	[sflag:s3] =	ssyncadd.s32 $0xFFFFFFC0  }
0x78: {  	[tilespmem:s8], [sflag:$0x3] =	stream.linear.gather [hbm4b:s7+s2], $0x40, $0x38;
	[tilespmem:$0x4400] =	vst v63  }
0x79: {  	_ =	swait.ge [sflag:s3], $0x40  }
0x7a: {  	[sflag:s3] =	ssyncset.done $0x0  }
0x7b: {  	[sflag:s3] =	ssyncadd.s32 $0xFFFFFFC0  }
0x7c: {  	[tilespmem:s10], [sflag:$0x3] =	stream.linear.gather [hbm4b:s9+s2], $0x40, $0x38;
	[tilespmem:$0x4400] =	vst v63  }
0x7d: {  	_ =	swait.ge [sflag:s3], $0x40  }
0x7e: {  	[sflag:s3] =	ssyncset.done $0x0  }
0x7f: {  	[sflag:s3] =	ssyncadd.s32 $0xFFFFFFC0  }
0x80: {  	[tilespmem:s12], [sflag:$0x3] =	stream.linear.gather [hbm4b:s11+s2], $0x40, $0x38;
	[tilespmem:$0x4400] =	vst v63  }
0x81: {  	_ =	swait.ge [sflag:s3], $0x40  }
0x82: {  	[sflag:s3] =	ssyncset.done $0x0  }
0x83: {  	[sflag:s3] =	ssyncadd.s32 $0xFFFFFFC0  }
0x84: {  	[tilespmem:s14], [sflag:$0x3] =	stream.linear.gather [hbm4b:s13+s2], $0x40, $0x38;
	[tilespmem:$0x4400] =	vst v63  }
0x85: {  	_ =	swait.ge [sflag:s3], $0x40  }
0x86: {  	[sflag:s3] =	ssyncset.done $0x0  }
0x87: {  	[sflag:s3] =	ssyncadd.s32 $0xFFFFFFC0  }
0x88: {  	[tilespmem:s16], [sflag:$0x3] =	stream.linear.gather [hbm4b:s15+s2], $0x40, $0x38;
	[tilespmem:$0x4400] =	vst v63  }
0x89: {  	_ =	swait.ge [sflag:s3], $0x40  }
0x8a: {  	[sflag:s3] =	ssyncset.done $0x0  }
0x8b: {  	[sflag:s3] =	ssyncadd.s32 $0xFFFFFFC0  }
0x8c: {  	[tilespmem:s19], [sflag:$0x1] =	stream.indirect.gather [hbm4b:s17+s18], $0x80, s2, s18, $0xb8;
	[tilespmem:$0x4400] =	vst v63  }
0x8d: {  	_ = 	snop  }
0x8e: {  	[tilespmem:s20], [sflag:$0x2] =	stream.indirect.gather [hbm4b:s17+s18], $0x80, s4, s18, $0xb8;
	[tilespmem:$0x4400] =	vst v63  }
0x8f: {  	_ =	swait.ge [sflag:s21], $0x2000  }
0x90: {  	[sflag:s21] =	ssyncset.done $0x0  }
0x91: {  	[sflag:s21] =	ssyncadd.s32 $0xFFFFE000  }
0x92: {  	[hbm4b:s22+s2] =	stream.linear.scatter [tilespmem:s19], [sflag:$0x3], $0x2000, $0x38;
	[tilespmem:$0x4400] =	vst v63  }
0x93: {  	_ =	swait.ge [sflag:s3], $0x2000  }
0x94: {  	[sflag:s3] =	ssyncset.done $0x0  }
0x95: {  	[sflag:s3] =	ssyncadd.s32 $0xFFFFE000  }
0x96: {  	[tilespmem:s19], [sflag:$0x1] =	stream.indirect.gather [hbm4b:s17+s18], $0x80, s6, s18, $0xb8;
	[tilespmem:$0x4400] =	vst v63  }
0x97: {  	_ =	swait.ge [sflag:s23], $0x2000  }
0x98: {  	[sflag:s23] =	ssyncset.done $0x0  }
0x99: {  	[sflag:s23] =	ssyncadd.s32 $0xFFFFE000  }
0x9a: {  	[hbm4b:s24+s2] =	stream.linear.scatter [tilespmem:s20], [sflag:$0x3], $0x2000, $0x38;
	[tilespmem:$0x4400] =	vst v63  }
0x9b: {  	_ =	swait.ge [sflag:s3], $0x2000  }
0x9c: {  	[sflag:s3] =	ssyncset.done $0x0  }
0x9d: {  	[sflag:s3] =	ssyncadd.s32 $0xFFFFE000  }
0x9e: {  	[tilespmem:s20], [sflag:$0x2] =	stream.indirect.gather [hbm4b:s17+s18], $0x80, s8, s18, $0xb8;
	[tilespmem:$0x4400] =	vst v63  }
0x9f: {  	_ =	swait.ge [sflag:s21], $0x2000  }
0xa0: {  	[sflag:s21] =	ssyncset.done $0x0  }
0xa1: {  	[sflag:s21] =	ssyncadd.s32 $0xFFFFE000  }
0xa2: {  	[hbm4b:s25+s2] =	stream.linear.scatter [tilespmem:s19], [sflag:$0x3], $0x2000, $0x38;
	[tilespmem:$0x4400] =	vst v63  }
0xa3: {  	_ =	swait.ge [sflag:s3], $0x2000  }
0xa4: {  	[sflag:s3] =	ssyncset.done $0x0  }
0xa5: {  	[sflag:s3] =	ssyncadd.s32 $0xFFFFE000  }
0xa6: {  	[tilespmem:s19], [sflag:$0x1] =	stream.indirect.gather [hbm4b:s17+s18], $0x80, s10, s18, $0xb8;
	[tilespmem:$0x4400] =	vst v63  }
0xa7: {  	_ =	swait.ge [sflag:s23], $0x2000  }
0xa8: {  	[sflag:s23] =	ssyncset.done $0x0  }
0xa9: {  	[sflag:s23] =	ssyncadd.s32 $0xFFFFE000  }
0xaa: {  	[hbm4b:s26+s2] =	stream.linear.scatter [tilespmem:s20], [sflag:$0x3], $0x2000, $0x38;
	[tilespmem:$0x4400] =	vst v63  }
0xab: {  	_ =	swait.ge [sflag:s3], $0x2000  }
0xac: {  	[sflag:s3] =	ssyncset.done $0x0  }
0xad: {  	[sflag:s3] =	ssyncadd.s32 $0xFFFFE000  }
0xae: {  	[tilespmem:s20], [sflag:$0x2] =	stream.indirect.gather [hbm4b:s17+s18], $0x80, s12, s18, $0xb8;
	[tilespmem:$0x4400] =	vst v63  }
0xaf: {  	_ =	swait.ge [sflag:s21], $0x2000  }
0xb0: {  	[sflag:s21] =	ssyncset.done $0x0  }
0xb1: {  	[sflag:s21] =	ssyncadd.s32 $0xFFFFE000  }
0xb2: {  	[hbm4b:s28+s2] =	stream.linear.scatter [tilespmem:s19], [sflag:$0x3], $0x2000, $0x38;
	[tilespmem:$0x4400] =	vst v63  }
0xb3: {  	_ =	swait.ge [sflag:s3], $0x2000  }
0xb4: {  	[sflag:s3] =	ssyncset.done $0x0  }
0xb5: {  	[sflag:s3] =	ssyncadd.s32 $0xFFFFE000  }
0xb6: {  	[tilespmem:s19], [sflag:$0x1] =	stream.indirect.gather [hbm4b:s17+s18], $0x80, s14, s18, $0xb8;
	[tilespmem:$0x4400] =	vst v63  }
0xb7: {  	_ =	swait.ge [sflag:s23], $0x2000  }
0xb8: {  	[sflag:s23] =	ssyncset.done $0x0  }
0xb9: {  	[sflag:s23] =	ssyncadd.s32 $0xFFFFE000  }
0xba: {  	[hbm4b:s29+s2] =	stream.linear.scatter [tilespmem:s20], [sflag:$0x3], $0x2000, $0x38;
	[tilespmem:$0x4400] =	vst v63  }
0xbb: {  	_ =	swait.ge [sflag:s3], $0x2000  }
0xbc: {  	[sflag:s3] =	ssyncset.done $0x0  }
0xbd: {  	[sflag:s3] =	ssyncadd.s32 $0xFFFFE000  }
0xbe: {  	[tilespmem:s20], [sflag:$0x2] =	stream.indirect.gather [hbm4b:s17+s18], $0x80, s16, s18, $0xb8;
	[tilespmem:$0x4400] =	vst v63  }
0xbf: {  	_ =	swait.ge [sflag:s21], $0x2000  }
0xc0: {  	[sflag:s21] =	ssyncset.done $0x0  }
0xc1: {  	[sflag:s21] =	ssyncadd.s32 $0xFFFFE000  }
0xc2: {  	[hbm4b:s30+s2] =	stream.linear.scatter [tilespmem:s19], [sflag:$0x3], $0x2000, $0x38;
	[tilespmem:$0x4400] =	vst v63  }
0xc3: {  	_ =	swait.ge [sflag:s3], $0x2000  }
0xc4: {  	[sflag:s3] =	ssyncset.done $0x0  }
0xc5: {  	p0 =	sne.s32 s1, $0x1;
	[sflag:s3] =	ssyncadd.s32 $0xFFFFE000  }
.Ltmp1:
0xc6: {  	_ =	swait.ge [sflag:s23], $0x2000;
	(pc) =	sbr.rel @p0 .LBB2_1-.Ltmp1, $4  }
0xc7: {  	[sflag:s23] =	ssyncset.done $0x0  }
0xc8: {  	[sflag:s23] =	ssyncadd.s32 $0xFFFFE000  }
0xc9: {  	[hbm4b:s31+s2] =	stream.linear.scatter [tilespmem:s20], [sflag:$0x3], $0x2000, $0x38;
	[tilespmem:$0x4400] =	vst v63  }
0xca: {  	s1 =	sadd.s32 $0xFFFFFFFF, s1;
	_ =	swait.ge [sflag:s3], $0x2000  }
.LBB2_2:
0xcb: {  	[sflag:s3] =	ssyncset.done $0x0  }
0xcc: {  	[sflag:s3] =	ssyncadd.s32 $0xFFFFE000  }
0xcd: {  	_ =	sfence.sel $0x180000  }
0xce: {  	[bflag:$0x0] =	sbarrier.arrive $0xFFFF  }
0xcf: {  	_ =	strace $0x9000004A  }
0xd0: {  	s0 =	stileid.u32;
	[bflag:$0x2] =	sbarrier.arrive $0xFFFF  }
0xd1: {  	p0 =	sne.s32 s0, $0x0;
	s0 =	rddreg [dreg:$0x2]  }
0xd2: {  	s0 =	sadd.s32 @!p0 $0x100000, s0  }
0xd3: {  	[sflag:s0] =	ssyncadd.tile.s32 @!p0 $0x1;
	_ =	shalt  }
.Lfunc_end2:
_tile_overlayer_lowered:
.L_overlay_start_2:
0xd4: {  	(tag) =	ssettag $0x2  }
0xd5: {  	s0 =	rddreg [dreg:$0x0];
	s2 =	stileid.u32  }
0xd6: {  	s1 =	rddreg [dreg:$0x1];
	p0 =	sne.s32 s2, $0x0  }
0xd7: {  	s3 =	rddreg [dreg:$0x2];
	[bflag:$0x3] =	sbarrier.arrive $0xFFFF;
	s2 =	simm.s32 @!p0 $0x1C03  }
0xd8: {  	[timem:s3], [sflag:s2] =	dma.local @!p0 [hbm:s0], s1  }
0xd9: {  	s0 =	simm.s32 @!p0 $0x3  }
0xda: {  	_ =	swait.ge @!p0 [sflag:s0], s1  }
0xdb: {  	s1 =	ssub.s32 @!p0 $0x0, s1;
	[sflag:s0] =	ssyncset.done @!p0 $0x0  }
0xdc: {  	[sflag:s0] =	ssyncadd.s32 @!p0 s1  }
0xdd: {  	[bflag:$0x3] =	sbarrier.arrive $0xFFFF  }
0xde: {  	_ =	shalt  }

// kernel: kernel.15.cloned.1.call-start
scs
__scs_entry_jumppad:
0x0: {  	(pc) =	sbr.rel $0x88, $3  }
0x1: {  	(tag) =	ssettag $0x0;
	lr =	simm.s32 $0x1  }
0x2: {  	[smem:$0x3F93] =	sst lr;
	_ =	strace $0xD0000000  }
0x3: {  	_ = 	snop  }
0x4: {  	_ = 	snop  }
0x5: {  	_ = 	snop  }
0x6: {  	_ = 	snop  }
0x7: {  	_ = 	snop  }
__scs_overlays_trampoline_lowered:
0x8: {  	[smem:$0x3FA2] =	sst s0  }
0x9: {  	[smem:$0x3FA3] =	sst s1  }
0xa: {  	[smem:$0x3FA4] =	sst s2  }
0xb: {  	[smem:$0x3FA5] =	sst s3  }
0xc: {  	[smem:$0x3FA6] =	sst s4  }
0xd: {  	[smem:$0x3FA7] =	sst s5  }
0xe: {  	[smem:$0x3FA8] =	sst s6  }
0xf: {  	[smem:$0x3FA9] =	sst s7  }
0x10: {  	[smem:$0x3FAA] =	sst s8  }
0x11: {  	[smem:$0x3FAB] =	sst s9;
	s0 =	simm.s32 @!p0 $0x0  }
0x12: {  	s1 =	sld [smem:$0x3F91];
	s0 =	simm.s32 @p0 $0x1  }
0x13: {  	[smem:$0x3FAC] =	sst s0;
	s0 =	simm.s32 @!p1 $0x0  }
0x14: {  	s2 =	sld [smem:$0x3F90];
	s0 =	simm.s32 @p1 $0x1  }
0x15: {  	[smem:$0x3FAD] =	sst s0;
	s0 =	simm.s32 @!p2 $0x0  }
0x16: {  	s3 =	sld [smem:$0x3FDB];
	s0 =	simm.s32 @p2 $0x1  }
0x17: {  	s4 =	simm.s32 $0x1BF5;
	[smem:$0x3FAF] =	sst s0  }
0x18: {  	s0 =	sld [smem:$0x3F92];
	_ =	swait.ge [sflag:s4], $0x0  }
0x19: {  	s7 =	sld [smem:$0x3F93]  }
0x1a: {  	s8 =	sadd.s32 $0xFFFFE003, lr  }
0x1b: {  	s9 =	sadd.s32 $0xFFFFFEF7, lr;
	s5 =	simm.s32 $0xFFFFFFFF;
	p2 =	slt.u32 s8, $0xFFFFF086  }
0x1c: {  	p1 =	slt.u32 s9, $0xF7A;
	s5 =	simm.s32 @!p2 $0x0  }
0x1d: {  	s5 =	simm.s32 @p1 $0x1;
	p0 =	seq.s32 s7, s2  }
0x1e: {  	s7 =	smul.u32 @!p0 $0xF7A, s2;
	p2 =	seq.s32 @!p0 s5, $0x0  }
0x1f: {  	s9 =	smul.u32 $0xF7A, s1;
	s8 =	simm.s32 @!p0 $0x1BF5;
	p2 =	por !p2, p0  }
0x20: {  	[sflag:s8] =	ssyncset.s32 @!p0 $0xFFFFF086;
	s6 =	sadd.s32 @!p0 s3, s7;
	s7 =	simm.s32 @!p0 $0x108  }
0x21: {  	s3 =	sadd.s32 s3, s9;
	s6 =	sadd.s32 @!p0 $0x88, s6;
	s7 =	simm.s32 @p2 $0x1082  }
0x22: {  	[simem:s7], [sflag:s8] =	dma.local @!p0 [hbm:s6], $0xF7A  }
0x23: {  	s9 =	sor.u32 $0xD0000000, s2;
	s6 =	simm.s32 $0x108;
	_ =	swait.ge @!p0 [sflag:s8], $0x0  }
0x24: {  	s3 =	sadd.s32 $0x88, s3;
	s6 =	simm.s32 @!p1 $0x1082;
	[sflag:s4] =	ssyncset.s32 $0xFFFFF086  }
0x25: {  	[simem:s6], [sflag:s4] =	dma.local [hbm:s3], $0xF7A  }
0x26: {  	[smem:$0x3F93] =	sst s1;
	(tag) =	ssettag s2;
	_ =	strace s9  }
0x27: {  	s1 =	sld [smem:$0x3FA3]  }
0x28: {  	s2 =	sld [smem:$0x3FA4]  }
0x29: {  	s4 =	sld [smem:$0x3FA6]  }
0x2a: {  	p0 =	seq.s32 s5, $0x0;
	s5 =	sld [smem:$0x3FA7]  }
0x2b: {  	s6 =	sld [smem:$0x3FA8]  }
0x2c: {  	s7 =	sld [smem:$0x3FA9]  }
0x2d: {  	s3 =	simm.s32 $0x108;
	s8 =	sld [smem:$0x3FAA]  }
0x2e: {  	s3 =	simm.s32 @!p0 $0x1082;
	s9 =	sld [smem:$0x3FAB]  }
0x2f: {  	lr =	sadd.s32 s0, s3;
	s0 =	sld [smem:$0x3FA2]  }
0x30: {  	s3 =	sld [smem:$0x3FA5]  }
0x31: {  	[smem:$0x3FAE] =	sst s10  }
0x32: {  	s10 =	sld [smem:$0x3FAC];
	_ =	sdelay $0x3  }
0x33: {  	p0 =	seq.s32 s10, $0x1;
	s10 =	sld [smem:$0x3FAE];
	_ =	sdelay $0x3  }
0x34: {  	[smem:$0x3FAE] =	sst s10  }
0x35: {  	s10 =	sld [smem:$0x3FAD];
	_ =	sdelay $0x3  }
0x36: {  	p1 =	seq.s32 s10, $0x1;
	s10 =	sld [smem:$0x3FAE];
	_ =	sdelay $0x3  }
0x37: {  	[smem:$0x3FAE] =	sst s10  }
0x38: {  	s10 =	sld [smem:$0x3FAF]  }
0x39: {  	_ = 	snop;
	(pc) =	sbr.ind lr, $3  }
0x3a: {  	_ = 	snop  }
0x3b: {  	_ = 	snop  }
0x3c: {  	p2 =	seq.s32 s10, $0x1;
	s10 =	sld [smem:$0x3FAE]  }
0x3d: {  	_ =	shalt  }
0x3e: {  	_ =	shalt  }
0x3f: {  	_ =	shalt  }
0x40: {  	_ =	shalt  }
0x41: {  	_ =	shalt  }
0x42: {  	_ =	shalt  }
0x43: {  	_ =	shalt  }
0x44: {  	_ =	shalt  }
0x45: {  	_ =	shalt  }
0x46: {  	_ =	shalt  }
0x47: {  	_ =	shalt  }
0x48: {  	_ =	shalt  }
0x49: {  	_ =	shalt  }
0x4a: {  	_ =	shalt  }
0x4b: {  	_ =	shalt  }
0x4c: {  	_ =	shalt  }
0x4d: {  	_ =	shalt  }
0x4e: {  	_ =	shalt  }
0x4f: {  	_ =	shalt  }
0x50: {  	_ =	shalt  }
0x51: {  	_ =	shalt  }
0x52: {  	_ =	shalt  }
0x53: {  	_ =	shalt  }
0x54: {  	_ =	shalt  }
0x55: {  	_ =	shalt  }
0x56: {  	_ =	shalt  }
0x57: {  	_ =	shalt  }
0x58: {  	_ =	shalt  }
0x59: {  	_ =	shalt  }
0x5a: {  	_ =	shalt  }
0x5b: {  	_ =	shalt  }
0x5c: {  	_ =	shalt  }
0x5d: {  	_ =	shalt  }
0x5e: {  	_ =	shalt  }
0x5f: {  	_ =	shalt  }
0x60: {  	_ =	shalt  }
0x61: {  	_ =	shalt  }
0x62: {  	_ =	shalt  }
0x63: {  	_ =	shalt  }
0x64: {  	_ =	shalt  }
0x65: {  	_ =	shalt  }
0x66: {  	_ =	shalt  }
0x67: {  	_ =	shalt  }
0x68: {  	_ =	shalt  }
0x69: {  	_ =	shalt  }
0x6a: {  	_ =	shalt  }
0x6b: {  	_ =	shalt  }
0x6c: {  	_ =	shalt  }
0x6d: {  	_ =	shalt  }
0x6e: {  	_ =	shalt  }
0x6f: {  	_ =	shalt  }
0x70: {  	_ =	shalt  }
0x71: {  	_ =	shalt  }
0x72: {  	_ =	shalt  }
0x73: {  	_ =	shalt  }
0x74: {  	_ =	shalt  }
0x75: {  	_ =	shalt  }
0x76: {  	_ =	shalt  }
0x77: {  	_ =	shalt  }
0x78: {  	_ =	shalt  }
0x79: {  	_ =	shalt  }
0x7a: {  	_ =	shalt  }
0x7b: {  	_ =	shalt  }
0x7c: {  	_ =	shalt  }
0x7d: {  	_ =	shalt  }
0x7e: {  	_ =	shalt  }
0x7f: {  	_ =	shalt  }
0x80: {  	_ =	shalt  }
0x81: {  	_ =	shalt  }
0x82: {  	_ =	shalt  }
0x83: {  	_ =	shalt  }
0x84: {  	_ =	shalt  }
0x85: {  	_ =	shalt  }
0x86: {  	_ =	shalt  }
0x87: {  	_ =	shalt  }
.Lfunc_end0:
.L_simem_size_0:
called_computation.2_lowered:
.L_overlay_start_0:
0x88: {  	s2 =	sld [smem:$0x3FD9]  }
0x89: {  	s3 =	sld [smem:$0x3FFE];
	_ =	sdelay $0x1  }
0x8a: {  	s1 =	srdreg.scid  }
0x8b: {  	s0 =	sand.u32 $0x1, s1  }
0x8c: {  	s17 =	sshll.u32 s0, $0xA;
	s2 =	sadd.s32 s3, s2  }
0x8d: {  	s2 =	sadd.s32 s2, s17  }
0x8e: {  	[smem:$0x3FBA] =	sst s2  }
0x8f: {  	_ = 	snop  }
0x90: {  	s18 =	sld [smem:$0x3FC9];
	(tm) =	ssettm $0x1  }
0x91: {  	s19 =	sld [smem:$0x3FFB];
	_ =	sdelay $0x3  }
0x92: {  	_ =	strace s19  }
0x93: {  	s2 =	sld [smem:$0x3FFC];
	_ =	sdelay $0x3  }
0x94: {  	_ =	strace s2  }
0x95: {  	s2 =	sld [smem:$0x3FFD];
	_ =	sdelay $0x3  }
0x96: {  	_ =	strace s2  }
0x97: {  	_ =	strace $0x8FFFFFFF  }
0x98: {  	s20 =	sld [smem:$0x3FDB];
	_ =	sdelay $0x1  }
0x99: {  	s4 =	simm.s32 $_scs_section_size  }
0x9a: {  	s5 =	simm.s32 $_size__tile_overlayer_lowered;
	s6 =	simm.s32 $_tile_overlayer_lowered  }
0x9b: {  	s7 =	simm.s32 $0x1BFF;
	s21 =	sshll.u32 s6, $0x1;
	s4 =	sadd.s32 s4, s20  }
0x9c: {  	s22 =	simm.s32 $0x0;
	s5 =	sshll.u32 s5, $0x1;
	s6 =	sadd.s32 s21, s4  }
0x9d: {  	[timem:s22], [sflag:s7] =	dma.local [hbm:s6], s5  }
0x9e: {  	_ =	swait.ge [sflag:s7], s5  }
0x9f: {  	s5 =	ssub.s32 $0x0, s5;
	[sflag:s7] =	ssyncset.done $0x0  }
0xa0: {  	[sflag:s7] =	ssyncadd.s32 s5;
	_ =	sdelay $0x1  }
0xa1: {  	s23 =	simm.s32 $0x1B8B  }
0xa2: {  	_ =	swait.ge [sflag:s23], $0x1  }
0xa3: {  	[sflag:s23] =	ssyncset.done $0x0  }
0xa4: {  	[sflag:s23] =	ssyncadd.s32 $0xFFFFFFFF  }
0xa5: {  	s5 =	sld [smem:$0x0]  }
0xa6: {  	s6 =	sand.u32 $0xFFFFFFFE, s1  }
0xa7: {  	p0 =	sne.s32 s1, s6  }
0xa8: {  	s6 =	sshll.u32 @p0 s6, $0xE  }
0xa9: {  	s6 =	sadd.s32 @p0 $0x11B8D, s6;
	s7 =	sshll.u32 @p0 s5, $0x11  }
0xaa: {  	s6 =	sor.u32 @p0 s7, s6  }
0xab: {  	[sflag:s6] =	ssyncadd.remote.s32 @p0 $0x1;
	_ =	sdelay $0x1  }
0xac: {  	s6 =	simm.s32 @p0 $0x1B8D  }
0xad: {  	_ =	swait.eq @p0 [sflag:s6], $0x1  }
0xae: {  	[sflag:s6] =	ssyncadd.s32 @p0 $0xFFFFFFFF  }
0xaf: {  	s7 =	sshll.u32 @!p0 s1, $0xE  }
0xb0: {  	s7 =	sor.u32 @!p0 $0x4000, s7;
	s6 =	simm.s32 @!p0 $0x1B8D  }
0xb1: {  	s5 =	sshll.u32 @!p0 s5, $0x11;
	s7 =	sadd.s32 @!p0 $0x11B8D, s7;
	_ =	swait.eq @!p0 [sflag:s6], $0x1  }
0xb2: {  	s5 =	sor.u32 @!p0 s5, s7;
	[sflag:s6] =	ssyncadd.s32 @!p0 $0xFFFFFFFF  }
0xb3: {  	s25 =	simm.s32 $0x1B8E;
	s24 =	sld [smem:$0x3FFE];
	[sflag:s5] =	ssyncadd.remote.s32 @!p0 $0x1  }
0xb4: {  	s26 =	simm.s32 $execute0_lowered;
	[smem:$0x3FD2] =	sst s25  }
0xb5: {  	s6 =	sshll.u32 s26, $0x1;
	_ =	strace $0x8000004C;
	[dreg:$0x1] =	wrdreg $0xFFFFFFFF  }
0xb6: {  	s28 =	simm.s32 $_size_execute0_lowered;
	s4 =	sadd.s32 s4, s6;
	[dreg:$0x0] =	wrdreg $0x0  }
0xb7: {  	s6 =	sshll.u32 s28, $0x1;
	[dreg:$0x2] =	wrdreg s4  }
0xb8: {  	[dreg:$0x3] =	wrdreg s6  }
0xb9: {  	[dreg:$0x4] =	wrdreg $0xC0  }
0xba: {  	_ =	task [dreg:s22], $0x5FFFF  }
0xbb: {  	[dreg:$0x1] =	wrdreg $0xFFFFFFFF  }
0xbc: {  	[dreg:$0x0] =	wrdreg $0x60  }
0xbd: {  	[dreg:$0x2] =	wrdreg s18  }
0xbe: {  	[dreg:$0x3] =	wrdreg s24  }
0xbf: {  	[dreg:$0x4] =	wrdreg $0xB  }
0xc0: {  	_ =	task.clear_ibuf [dreg:s22], $0x5FFFF;
	_ =	strace $0x9000004C  }
0xc1: {  	s29 =	simm.s32 $0xB;
	_ =	strace $0x8000004E  }
0xc2: {  	_ =	swait.ge [sflag:s29], $0x1  }
0xc3: {  	[sflag:s29] =	ssyncadd.s32 $0xFFFFFFFF  }
0xc4: {  	_ =	strace $0x9000004E  }
0xc5: {  	_ =	sfence  }
0xc6: {  	s30 =	sld [smem:$0x0];
	_ =	sdelay $0x2  }
0xc7: {  	s31 =	sshll.u32 s1, $0xD;
	s1 =	sshrl.u32 s1, $0x2  }
0xc8: {  	s4 =	sand.u32 $0x4000, s31;
	s1 =	sadd.s32 s1, s30  }
0xc9: {  	s0 =	sor.u32 s4, s0;
	s1 =	sshll.u32 s1, $0x11  }
0xca: {  	s0 =	sor.u32 s1, s0  }
0xcb: {  	s0 =	sadd.s32 $0x8F2B, s0  }
0xcc: {  	[sflag:s0] =	ssyncadd.remote.s32 $0x1  }
0xcd: {  	_ =	sfence.sel $0xFFFF  }
0xce: {  	[dreg:$0x0] =	wrdreg $0xFFFFFFFF;
	(pc) =	sbr.abs _section_cstart, $3  }
0xcf: {  	[dreg:$0x1] =	wrdreg $0xFFFFFFFF  }
0xd0: {  	_ =	task.clear_ibuf [dreg:s22], $0x2FFFF;
	_ =	strace $0x9FFFFFFF  }
0xd1: {  	(tm) =	ssettm $0x7FFFFFFF  }
tec
execute0_lowered:
.L_overlay_start_1:
0x0: {  	(tag) =	ssettag $0x1  }
0x1: {  	s1 =	srdreg.scid  }
0x2: {  	s2 =	stileid.u32;
	s1 =	sand.u32 $0x1, s1  }
0x3: {  	s3 =	sshll.u32 s2, $0xA;
	s4 =	sshll.u32 s1, $0x9  }
0x4: {  	s0 =	rddreg [dreg:$0x0];
	s23 =	sor.u32 s4, s3  }
0x5: {  	s22 =	rddreg [dreg:$0x1];
	s2 =	simm.s32 $0x0;
	s3 =	sshrl.u32 s23, $0x3  }
0x6: {  	[smem:$0x7FF] =	sst s2;
	s24 =	sor.u32 $0x40, s23;
	s3 =	sadd.s32 s0, s3  }
0x7: {  	_ =	strace $0x8000004D;
	s19 =	sshrl.u32 s24, $0x3;
	[dreg:$0x3] =	wrdreg s3  }
0x8: {  	s3 =	sadd.s32 s0, s19;
	s20 =	rddreg [dreg:$0x3]  }
0x9: {  	[dreg:$0x4] =	wrdreg s3;
	s3 =	simm.s32 $0x3  }
0xa: {  	[tilespmem:s2], [sflag:$0x3] =	stream.linear.gather [hbm4b:s20+s2], $0x40, $0x38;
	[tilespmem:$0x4400] =	vst v63  }
0xb: {  	_ =	swait.ge [sflag:s3], $0x40  }
0xc: {  	[sflag:s3] =	ssyncset.done $0x0  }
0xd: {  	s4 =	simm.s32 $0x80;
	s5 =	rddreg [dreg:$0x4];
	[sflag:s3] =	ssyncadd.s32 $0xFFFFFFC0  }
0xe: {  	[tilespmem:s4], [sflag:$0x3] =	stream.linear.gather [hbm4b:s5+s2], $0x40, $0x38;
	[tilespmem:$0x4400] =	vst v63  }
0xf: {  	s25 =	sor.u32 $0x80, s23;
	_ =	swait.ge [sflag:s3], $0x40  }
0x10: {  	s21 =	sshrl.u32 s25, $0x3;
	[sflag:s3] =	ssyncset.done $0x0  }
0x11: {  	s6 =	simm.s32 $0x100;
	s5 =	sadd.s32 s0, s21;
	[sflag:s3] =	ssyncadd.s32 $0xFFFFFFC0  }
0x12: {  	[tilespmem:s6], [sflag:$0x3] =	stream.linear.gather [hbm4b:s5+s2], $0x40, $0x38;
	[tilespmem:$0x4400] =	vst v63  }
0x13: {  	s26 =	sor.u32 $0xC0, s23;
	_ =	swait.ge [sflag:s3], $0x40  }
0x14: {  	s7 =	sshrl.u32 s26, $0x3;
	[sflag:s3] =	ssyncset.done $0x0  }
0x15: {  	s8 =	simm.s32 $0x180;
	s7 =	sadd.s32 s0, s7;
	[sflag:s3] =	ssyncadd.s32 $0xFFFFFFC0  }
0x16: {  	[tilespmem:s8], [sflag:$0x3] =	stream.linear.gather [hbm4b:s7+s2], $0x40, $0x38;
	[tilespmem:$0x4400] =	vst v63  }
0x17: {  	s28 =	sor.u32 $0x100, s23;
	_ =	swait.ge [sflag:s3], $0x40  }
0x18: {  	s9 =	sshrl.u32 s28, $0x3;
	[sflag:s3] =	ssyncset.done $0x0  }
0x19: {  	s10 =	simm.s32 $0x200;
	s9 =	sadd.s32 s0, s9;
	[sflag:s3] =	ssyncadd.s32 $0xFFFFFFC0  }
0x1a: {  	[tilespmem:s10], [sflag:$0x3] =	stream.linear.gather [hbm4b:s9+s2], $0x40, $0x38;
	[tilespmem:$0x4400] =	vst v63  }
0x1b: {  	s29 =	sor.u32 $0x140, s23;
	_ =	swait.ge [sflag:s3], $0x40  }
0x1c: {  	s11 =	sshrl.u32 s29, $0x3;
	[sflag:s3] =	ssyncset.done $0x0  }
0x1d: {  	s12 =	simm.s32 $0x280;
	s11 =	sadd.s32 s0, s11;
	[sflag:s3] =	ssyncadd.s32 $0xFFFFFFC0  }
0x1e: {  	[tilespmem:s12], [sflag:$0x3] =	stream.linear.gather [hbm4b:s11+s2], $0x40, $0x38;
	[tilespmem:$0x4400] =	vst v63  }
0x1f: {  	s14 =	simm.s32 $0x300;
	s30 =	sor.u32 $0x180, s23;
	_ =	swait.ge [sflag:s3], $0x40  }
0x20: {  	s15 =	sor.u32 $0x1C0, s23;
	s13 =	sshrl.u32 s30, $0x3;
	[sflag:s3] =	ssyncset.done $0x0  }
0x21: {  	s13 =	sadd.s32 s0, s13;
	[dreg:$0x5] =	wrdreg s15;
	[sflag:s3] =	ssyncadd.s32 $0xFFFFFFC0  }
0x22: {  	[tilespmem:s14], [sflag:$0x3] =	stream.linear.gather [hbm4b:s13+s2], $0x40, $0x38;
	[tilespmem:$0x4400] =	vst v63  }
0x23: {  	_ =	swait.ge [sflag:s3], $0x40  }
0x24: {  	s15 =	sshrl.u32 s15, $0x3;
	[sflag:s3] =	ssyncset.done $0x0  }
0x25: {  	s16 =	simm.s32 $0x380;
	s15 =	sadd.s32 s0, s15;
	[sflag:s3] =	ssyncadd.s32 $0xFFFFFFC0  }
0x26: {  	[tilespmem:s16], [sflag:$0x3] =	stream.linear.gather [hbm4b:s15+s2], $0x40, $0x38;
	[tilespmem:$0x4400] =	vst v63  }
0x27: {  	_ =	swait.ge [sflag:s3], $0x40  }
0x28: {  	s18 =	simm.s32 $0x40;
	[sflag:s3] =	ssyncset.done $0x0  }
0x29: {  	s17 =	sadd.s32 $0x229000, s22;
	s19 =	simm.s32 $0x400;
	[sflag:s3] =	ssyncadd.s32 $0xFFFFFFC0  }
0x2a: {  	[tilespmem:s19], [sflag:$0x1] =	stream.indirect.gather [hbm4b:s17+s18], $0x80, s2, s18, $0xb8;
	[tilespmem:$0x4400] =	vst v63  }
0x2b: {  	s20 =	simm.s32 $0x2400;
	s21 =	simm.s32 $0x1  }
0x2c: {  	[tilespmem:s20], [sflag:$0x2] =	stream.indirect.gather [hbm4b:s17+s18], $0x80, s4, s18, $0xb8;
	[tilespmem:$0x4400] =	vst v63  }
0x2d: {  	_ =	swait.ge [sflag:s21], $0x2000  }
0x2e: {  	s23 =	sshll.u32 s23, $0x4;
	s0 =	sadd.s32 $0x4A4000, s22;
	[sflag:s21] =	ssyncset.done $0x0  }
0x2f: {  	s22 =	sadd.s32 s0, s23;
	[sflag:s21] =	ssyncadd.s32 $0xFFFFE000  }
0x30: {  	[hbm4b:s22+s2] =	stream.linear.scatter [tilespmem:s19], [sflag:$0x3], $0x2000, $0x38;
	[tilespmem:$0x4400] =	vst v63  }
0x31: {  	_ =	swait.ge [sflag:s3], $0x2000  }
0x32: {  	[sflag:s3] =	ssyncset.done $0x0  }
0x33: {  	s23 =	simm.s32 $0x2;
	[sflag:s3] =	ssyncadd.s32 $0xFFFFE000  }
0x34: {  	[tilespmem:s19], [sflag:$0x1] =	stream.indirect.gather [hbm4b:s17+s18], $0x80, s6, s18, $0xb8;
	[tilespmem:$0x4400] =	vst v63  }
0x35: {  	_ =	swait.ge [sflag:s23], $0x2000  }
0x36: {  	s24 =	sshll.u32 s24, $0x4;
	[sflag:s23] =	ssyncset.done $0x0  }
0x37: {  	s24 =	sadd.s32 s0, s24;
	[sflag:s23] =	ssyncadd.s32 $0xFFFFE000  }
0x38: {  	[hbm4b:s24+s2] =	stream.linear.scatter [tilespmem:s20], [sflag:$0x3], $0x2000, $0x38;
	[tilespmem:$0x4400] =	vst v63  }
0x39: {  	_ =	swait.ge [sflag:s3], $0x2000  }
0x3a: {  	[sflag:s3] =	ssyncset.done $0x0  }
0x3b: {  	[sflag:s3] =	ssyncadd.s32 $0xFFFFE000  }
0x3c: {  	[tilespmem:s20], [sflag:$0x2] =	stream.indirect.gather [hbm4b:s17+s18], $0x80, s8, s18, $0xb8;
	[tilespmem:$0x4400] =	vst v63  }
0x3d: {  	_ =	swait.ge [sflag:s21], $0x2000  }
0x3e: {  	s25 =	sshll.u32 s25, $0x4;
	[sflag:s21] =	ssyncset.done $0x0  }
0x3f: {  	s25 =	sadd.s32 s0, s25;
	[sflag:s21] =	ssyncadd.s32 $0xFFFFE000  }
0x40: {  	[hbm4b:s25+s2] =	stream.linear.scatter [tilespmem:s19], [sflag:$0x3], $0x2000, $0x38;
	[tilespmem:$0x4400] =	vst v63  }
0x41: {  	_ =	swait.ge [sflag:s3], $0x2000  }
0x42: {  	[sflag:s3] =	ssyncset.done $0x0  }
0x43: {  	[sflag:s3] =	ssyncadd.s32 $0xFFFFE000  }
0x44: {  	[tilespmem:s19], [sflag:$0x1] =	stream.indirect.gather [hbm4b:s17+s18], $0x80, s10, s18, $0xb8;
	[tilespmem:$0x4400] =	vst v63  }
0x45: {  	_ =	swait.ge [sflag:s23], $0x2000  }
0x46: {  	s26 =	sshll.u32 s26, $0x4;
	[sflag:s23] =	ssyncset.done $0x0  }
0x47: {  	s26 =	sadd.s32 s0, s26;
	[sflag:s23] =	ssyncadd.s32 $0xFFFFE000  }
0x48: {  	[hbm4b:s26+s2] =	stream.linear.scatter [tilespmem:s20], [sflag:$0x3], $0x2000, $0x38;
	[tilespmem:$0x4400] =	vst v63  }
0x49: {  	_ =	swait.ge [sflag:s3], $0x2000  }
0x4a: {  	[sflag:s3] =	ssyncset.done $0x0  }
0x4b: {  	[sflag:s3] =	ssyncadd.s32 $0xFFFFE000  }
0x4c: {  	[tilespmem:s20], [sflag:$0x2] =	stream.indirect.gather [hbm4b:s17+s18], $0x80, s12, s18, $0xb8;
	[tilespmem:$0x4400] =	vst v63  }
0x4d: {  	_ =	swait.ge [sflag:s21], $0x2000  }
0x4e: {  	s28 =	sshll.u32 s28, $0x4;
	[sflag:s21] =	ssyncset.done $0x0  }
0x4f: {  	s28 =	sadd.s32 s0, s28;
	[sflag:s21] =	ssyncadd.s32 $0xFFFFE000  }
0x50: {  	[hbm4b:s28+s2] =	stream.linear.scatter [tilespmem:s19], [sflag:$0x3], $0x2000, $0x38;
	[tilespmem:$0x4400] =	vst v63  }
0x51: {  	_ =	swait.ge [sflag:s3], $0x2000  }
0x52: {  	[sflag:s3] =	ssyncset.done $0x0  }
0x53: {  	[sflag:s3] =	ssyncadd.s32 $0xFFFFE000  }
0x54: {  	[tilespmem:s19], [sflag:$0x1] =	stream.indirect.gather [hbm4b:s17+s18], $0x80, s14, s18, $0xb8;
	[tilespmem:$0x4400] =	vst v63  }
0x55: {  	_ =	swait.ge [sflag:s23], $0x2000  }
0x56: {  	s29 =	sshll.u32 s29, $0x4;
	[sflag:s23] =	ssyncset.done $0x0  }
0x57: {  	s29 =	sadd.s32 s0, s29;
	[sflag:s23] =	ssyncadd.s32 $0xFFFFE000  }
0x58: {  	[hbm4b:s29+s2] =	stream.linear.scatter [tilespmem:s20], [sflag:$0x3], $0x2000, $0x38;
	[tilespmem:$0x4400] =	vst v63  }
0x59: {  	_ =	swait.ge [sflag:s3], $0x2000  }
0x5a: {  	[sflag:s3] =	ssyncset.done $0x0  }
0x5b: {  	[sflag:s3] =	ssyncadd.s32 $0xFFFFE000  }
0x5c: {  	[tilespmem:s20], [sflag:$0x2] =	stream.indirect.gather [hbm4b:s17+s18], $0x80, s16, s18, $0xb8;
	[tilespmem:$0x4400] =	vst v63  }
0x5d: {  	_ =	swait.ge [sflag:s21], $0x2000  }
0x5e: {  	s30 =	sshll.u32 s30, $0x4;
	[sflag:s21] =	ssyncset.done $0x0  }
0x5f: {  	s1 =	ssub.s32 $0x2, s1;
	s30 =	sadd.s32 s0, s30;
	[sflag:s21] =	ssyncadd.s32 $0xFFFFE000  }
0x60: {  	[hbm4b:s30+s2] =	stream.linear.scatter [tilespmem:s19], [sflag:$0x3], $0x2000, $0x38;
	[tilespmem:$0x4400] =	vst v63  }
0x61: {  	s31 =	sshrl.u32 s1, $0x1;
	_ =	swait.ge [sflag:s3], $0x2000  }
0x62: {  	s1 =	ssub.s32 s1, s31;
	[sflag:s3] =	ssyncset.done $0x0  }
0x63: {  	s1 =	smax.u32 s1, $0x1;
	[sflag:s3] =	ssyncadd.s32 $0xFFFFE000  }
0x64: {  	p0 =	sne.s32 s1, $0x1;
	_ =	swait.ge [sflag:s23], $0x2000  }
.Ltmp0:
0x65: {  	s31 =	rddreg [dreg:$0x5];
	(pc) =	sbr.rel @!p0 .LBB2_2-.Ltmp0, $4  }
0x66: {  	[sflag:s23] =	ssyncset.done $0x0;
	s31 =	sshll.u32 s31, $0x4  }
0x67: {  	[sflag:s23] =	ssyncadd.s32 $0xFFFFE000;
	s31 =	sadd.s32 s0, s31  }
0x68: {  	[hbm4b:s31+s2] =	stream.linear.scatter [tilespmem:s20], [sflag:$0x3], $0x2000, $0x38;
	[tilespmem:$0x4400] =	vst v63  }
0x69: {  	s1 =	sadd.s32 $0xFFFFFFFF, s1;
	_ =	swait.ge [sflag:s3], $0x2000  }
.LBB2_1:
0x6a: {  	[sflag:s3] =	ssyncset.done $0x0  }
0x6b: {  	s0 =	rddreg [dreg:$0x3];
	[sflag:s3] =	ssyncadd.s32 $0xFFFFE000  }
0x6c: {  	[tilespmem:s2], [sflag:$0x3] =	stream.linear.gather [hbm4b:s0+s2], $0x40, $0x38;
	[tilespmem:$0x4400] =	vst v63  }
0x6d: {  	_ =	swait.ge [sflag:s3], $0x40  }
0x6e: {  	[sflag:s3] =	ssyncset.done $0x0  }
0x6f: {  	s0 =	rddreg [dreg:$0x4];
	[sflag:s3] =	ssyncadd.s32 $0xFFFFFFC0  }
0x70: {  	[tilespmem:s4], [sflag:$0x3] =	stream.linear.gather [hbm4b:s0+s2], $0x40, $0x38;
	[tilespmem:$0x4400] =	vst v63  }
0x71: {  	_ =	swait.ge [sflag:s3], $0x40  }
0x72: {  	[sflag:s3] =	ssyncset.done $0x0  }
0x73: {  	[sflag:s3] =	ssyncadd.s32 $0xFFFFFFC0  }
0x74: {  	[tilespmem:s6], [sflag:$0x3] =	stream.linear.gather [hbm4b:s5+s2], $0x40, $0x38;
	[tilespmem:$0x4400] =	vst v63  }
0x75: {  	_ =	swait.ge [sflag:s3], $0x40  }
0x76: {  	[sflag:s3] =	ssyncset.done $0x0  }
0x77: {  	[sflag:s3] =	ssyncadd.s32 $0xFFFFFFC0  }
0x78: {  	[tilespmem:s8], [sflag:$0x3] =	stream.linear.gather [hbm4b:s7+s2], $0x40, $0x38;
	[tilespmem:$0x4400] =	vst v63  }
0x79: {  	_ =	swait.ge [sflag:s3], $0x40  }
0x7a: {  	[sflag:s3] =	ssyncset.done $0x0  }
0x7b: {  	[sflag:s3] =	ssyncadd.s32 $0xFFFFFFC0  }
0x7c: {  	[tilespmem:s10], [sflag:$0x3] =	stream.linear.gather [hbm4b:s9+s2], $0x40, $0x38;
	[tilespmem:$0x4400] =	vst v63  }
0x7d: {  	_ =	swait.ge [sflag:s3], $0x40  }
0x7e: {  	[sflag:s3] =	ssyncset.done $0x0  }
0x7f: {  	[sflag:s3] =	ssyncadd.s32 $0xFFFFFFC0  }
0x80: {  	[tilespmem:s12], [sflag:$0x3] =	stream.linear.gather [hbm4b:s11+s2], $0x40, $0x38;
	[tilespmem:$0x4400] =	vst v63  }
0x81: {  	_ =	swait.ge [sflag:s3], $0x40  }
0x82: {  	[sflag:s3] =	ssyncset.done $0x0  }
0x83: {  	[sflag:s3] =	ssyncadd.s32 $0xFFFFFFC0  }
0x84: {  	[tilespmem:s14], [sflag:$0x3] =	stream.linear.gather [hbm4b:s13+s2], $0x40, $0x38;
	[tilespmem:$0x4400] =	vst v63  }
0x85: {  	_ =	swait.ge [sflag:s3], $0x40  }
0x86: {  	[sflag:s3] =	ssyncset.done $0x0  }
0x87: {  	[sflag:s3] =	ssyncadd.s32 $0xFFFFFFC0  }
0x88: {  	[tilespmem:s16], [sflag:$0x3] =	stream.linear.gather [hbm4b:s15+s2], $0x40, $0x38;
	[tilespmem:$0x4400] =	vst v63  }
0x89: {  	_ =	swait.ge [sflag:s3], $0x40  }
0x8a: {  	[sflag:s3] =	ssyncset.done $0x0  }
0x8b: {  	[sflag:s3] =	ssyncadd.s32 $0xFFFFFFC0  }
0x8c: {  	[tilespmem:s19], [sflag:$0x1] =	stream.indirect.gather [hbm4b:s17+s18], $0x80, s2, s18, $0xb8;
	[tilespmem:$0x4400] =	vst v63  }
0x8d: {  	_ = 	snop  }
0x8e: {  	[tilespmem:s20], [sflag:$0x2] =	stream.indirect.gather [hbm4b:s17+s18], $0x80, s4, s18, $0xb8;
	[tilespmem:$0x4400] =	vst v63  }
0x8f: {  	_ =	swait.ge [sflag:s21], $0x2000  }
0x90: {  	[sflag:s21] =	ssyncset.done $0x0  }
0x91: {  	[sflag:s21] =	ssyncadd.s32 $0xFFFFE000  }
0x92: {  	[hbm4b:s22+s2] =	stream.linear.scatter [tilespmem:s19], [sflag:$0x3], $0x2000, $0x38;
	[tilespmem:$0x4400] =	vst v63  }
0x93: {  	_ =	swait.ge [sflag:s3], $0x2000  }
0x94: {  	[sflag:s3] =	ssyncset.done $0x0  }
0x95: {  	[sflag:s3] =	ssyncadd.s32 $0xFFFFE000  }
0x96: {  	[tilespmem:s19], [sflag:$0x1] =	stream.indirect.gather [hbm4b:s17+s18], $0x80, s6, s18, $0xb8;
	[tilespmem:$0x4400] =	vst v63  }
0x97: {  	_ =	swait.ge [sflag:s23], $0x2000  }
0x98: {  	[sflag:s23] =	ssyncset.done $0x0  }
0x99: {  	[sflag:s23] =	ssyncadd.s32 $0xFFFFE000  }
0x9a: {  	[hbm4b:s24+s2] =	stream.linear.scatter [tilespmem:s20], [sflag:$0x3], $0x2000, $0x38;
	[tilespmem:$0x4400] =	vst v63  }
0x9b: {  	_ =	swait.ge [sflag:s3], $0x2000  }
0x9c: {  	[sflag:s3] =	ssyncset.done $0x0  }
0x9d: {  	[sflag:s3] =	ssyncadd.s32 $0xFFFFE000  }
0x9e: {  	[tilespmem:s20], [sflag:$0x2] =	stream.indirect.gather [hbm4b:s17+s18], $0x80, s8, s18, $0xb8;
	[tilespmem:$0x4400] =	vst v63  }
0x9f: {  	_ =	swait.ge [sflag:s21], $0x2000  }
0xa0: {  	[sflag:s21] =	ssyncset.done $0x0  }
0xa1: {  	[sflag:s21] =	ssyncadd.s32 $0xFFFFE000  }
0xa2: {  	[hbm4b:s25+s2] =	stream.linear.scatter [tilespmem:s19], [sflag:$0x3], $0x2000, $0x38;
	[tilespmem:$0x4400] =	vst v63  }
0xa3: {  	_ =	swait.ge [sflag:s3], $0x2000  }
0xa4: {  	[sflag:s3] =	ssyncset.done $0x0  }
0xa5: {  	[sflag:s3] =	ssyncadd.s32 $0xFFFFE000  }
0xa6: {  	[tilespmem:s19], [sflag:$0x1] =	stream.indirect.gather [hbm4b:s17+s18], $0x80, s10, s18, $0xb8;
	[tilespmem:$0x4400] =	vst v63  }
0xa7: {  	_ =	swait.ge [sflag:s23], $0x2000  }
0xa8: {  	[sflag:s23] =	ssyncset.done $0x0  }
0xa9: {  	[sflag:s23] =	ssyncadd.s32 $0xFFFFE000  }
0xaa: {  	[hbm4b:s26+s2] =	stream.linear.scatter [tilespmem:s20], [sflag:$0x3], $0x2000, $0x38;
	[tilespmem:$0x4400] =	vst v63  }
0xab: {  	_ =	swait.ge [sflag:s3], $0x2000  }
0xac: {  	[sflag:s3] =	ssyncset.done $0x0  }
0xad: {  	[sflag:s3] =	ssyncadd.s32 $0xFFFFE000  }
0xae: {  	[tilespmem:s20], [sflag:$0x2] =	stream.indirect.gather [hbm4b:s17+s18], $0x80, s12, s18, $0xb8;
	[tilespmem:$0x4400] =	vst v63  }
0xaf: {  	_ =	swait.ge [sflag:s21], $0x2000  }
0xb0: {  	[sflag:s21] =	ssyncset.done $0x0  }
0xb1: {  	[sflag:s21] =	ssyncadd.s32 $0xFFFFE000  }
0xb2: {  	[hbm4b:s28+s2] =	stream.linear.scatter [tilespmem:s19], [sflag:$0x3], $0x2000, $0x38;
	[tilespmem:$0x4400] =	vst v63  }
0xb3: {  	_ =	swait.ge [sflag:s3], $0x2000  }
0xb4: {  	[sflag:s3] =	ssyncset.done $0x0  }
0xb5: {  	[sflag:s3] =	ssyncadd.s32 $0xFFFFE000  }
0xb6: {  	[tilespmem:s19], [sflag:$0x1] =	stream.indirect.gather [hbm4b:s17+s18], $0x80, s14, s18, $0xb8;
	[tilespmem:$0x4400] =	vst v63  }
0xb7: {  	_ =	swait.ge [sflag:s23], $0x2000  }
0xb8: {  	[sflag:s23] =	ssyncset.done $0x0  }
0xb9: {  	[sflag:s23] =	ssyncadd.s32 $0xFFFFE000  }
0xba: {  	[hbm4b:s29+s2] =	stream.linear.scatter [tilespmem:s20], [sflag:$0x3], $0x2000, $0x38;
	[tilespmem:$0x4400] =	vst v63  }
0xbb: {  	_ =	swait.ge [sflag:s3], $0x2000  }
0xbc: {  	[sflag:s3] =	ssyncset.done $0x0  }
0xbd: {  	[sflag:s3] =	ssyncadd.s32 $0xFFFFE000  }
0xbe: {  	[tilespmem:s20], [sflag:$0x2] =	stream.indirect.gather [hbm4b:s17+s18], $0x80, s16, s18, $0xb8;
	[tilespmem:$0x4400] =	vst v63  }
0xbf: {  	_ =	swait.ge [sflag:s21], $0x2000  }
0xc0: {  	[sflag:s21] =	ssyncset.done $0x0  }
0xc1: {  	[sflag:s21] =	ssyncadd.s32 $0xFFFFE000  }
0xc2: {  	[hbm4b:s30+s2] =	stream.linear.scatter [tilespmem:s19], [sflag:$0x3], $0x2000, $0x38;
	[tilespmem:$0x4400] =	vst v63  }
0xc3: {  	_ =	swait.ge [sflag:s3], $0x2000  }
0xc4: {  	[sflag:s3] =	ssyncset.done $0x0  }
0xc5: {  	p0 =	sne.s32 s1, $0x1;
	[sflag:s3] =	ssyncadd.s32 $0xFFFFE000  }
.Ltmp1:
0xc6: {  	_ =	swait.ge [sflag:s23], $0x2000;
	(pc) =	sbr.rel @p0 .LBB2_1-.Ltmp1, $4  }
0xc7: {  	[sflag:s23] =	ssyncset.done $0x0  }
0xc8: {  	[sflag:s23] =	ssyncadd.s32 $0xFFFFE000  }
0xc9: {  	[hbm4b:s31+s2] =	stream.linear.scatter [tilespmem:s20], [sflag:$0x3], $0x2000, $0x38;
	[tilespmem:$0x4400] =	vst v63  }
0xca: {  	s1 =	sadd.s32 $0xFFFFFFFF, s1;
	_ =	swait.ge [sflag:s3], $0x2000  }
.LBB2_2:
0xcb: {  	[sflag:s3] =	ssyncset.done $0x0  }
0xcc: {  	[sflag:s3] =	ssyncadd.s32 $0xFFFFE000  }
0xcd: {  	_ =	sfence.sel $0x180000  }
0xce: {  	[bflag:$0x0] =	sbarrier.arrive $0xFFFF  }
0xcf: {  	_ =	strace $0x9000004D  }
0xd0: {  	s0 =	stileid.u32;
	[bflag:$0x2] =	sbarrier.arrive $0xFFFF  }
0xd1: {  	p0 =	sne.s32 s0, $0x0;
	s0 =	rddreg [dreg:$0x2]  }
0xd2: {  	s0 =	sadd.s32 @!p0 $0x100000, s0  }
0xd3: {  	[sflag:s0] =	ssyncadd.tile.s32 @!p0 $0x1;
	_ =	shalt  }
.Lfunc_end2:
_tile_overlayer_lowered:
.L_overlay_start_2:
0xd4: {  	(tag) =	ssettag $0x2  }
0xd5: {  	s0 =	rddreg [dreg:$0x0];
	s2 =	stileid.u32  }
0xd6: {  	s1 =	rddreg [dreg:$0x1];
	p0 =	sne.s32 s2, $0x0  }
0xd7: {  	s3 =	rddreg [dreg:$0x2];
	[bflag:$0x3] =	sbarrier.arrive $0xFFFF;
	s2 =	simm.s32 @!p0 $0x1C03  }
0xd8: {  	[timem:s3], [sflag:s2] =	dma.local @!p0 [hbm:s0], s1  }
0xd9: {  	s0 =	simm.s32 @!p0 $0x3  }
0xda: {  	_ =	swait.ge @!p0 [sflag:s0], s1  }
0xdb: {  	s1 =	ssub.s32 @!p0 $0x0, s1;
	[sflag:s0] =	ssyncset.done @!p0 $0x0  }
0xdc: {  	[sflag:s0] =	ssyncadd.s32 @!p0 s1  }
0xdd: {  	[bflag:$0x3] =	sbarrier.arrive $0xFFFF  }
0xde: {  	_ =	shalt  }

// kernel: kernel.9.cloned.1.call-start
scs
__scs_entry_jumppad:
0x0: {  	(pc) =	sbr.rel $0x88, $3  }
0x1: {  	(tag) =	ssettag $0x0;
	lr =	simm.s32 $0x1  }
0x2: {  	[smem:$0x3F93] =	sst lr;
	_ =	strace $0xD0000000  }
0x3: {  	_ = 	snop  }
0x4: {  	_ = 	snop  }
0x5: {  	_ = 	snop  }
0x6: {  	_ = 	snop  }
0x7: {  	_ = 	snop  }
__scs_overlays_trampoline_lowered:
0x8: {  	[smem:$0x3FA2] =	sst s0  }
0x9: {  	[smem:$0x3FA3] =	sst s1  }
0xa: {  	[smem:$0x3FA4] =	sst s2  }
0xb: {  	[smem:$0x3FA5] =	sst s3  }
0xc: {  	[smem:$0x3FA6] =	sst s4  }
0xd: {  	[smem:$0x3FA7] =	sst s5  }
0xe: {  	[smem:$0x3FA8] =	sst s6  }
0xf: {  	[smem:$0x3FA9] =	sst s7  }
0x10: {  	[smem:$0x3FAA] =	sst s8  }
0x11: {  	[smem:$0x3FAB] =	sst s9;
	s0 =	simm.s32 @!p0 $0x0  }
0x12: {  	s1 =	sld [smem:$0x3F91];
	s0 =	simm.s32 @p0 $0x1  }
0x13: {  	[smem:$0x3FAC] =	sst s0;
	s0 =	simm.s32 @!p1 $0x0  }
0x14: {  	s2 =	sld [smem:$0x3F90];
	s0 =	simm.s32 @p1 $0x1  }
0x15: {  	[smem:$0x3FAD] =	sst s0;
	s0 =	simm.s32 @!p2 $0x0  }
0x16: {  	s3 =	sld [smem:$0x3FDB];
	s0 =	simm.s32 @p2 $0x1  }
0x17: {  	s4 =	simm.s32 $0x1BF5;
	[smem:$0x3FAF] =	sst s0  }
0x18: {  	s0 =	sld [smem:$0x3F92];
	_ =	swait.ge [sflag:s4], $0x0  }
0x19: {  	s7 =	sld [smem:$0x3F93]  }
0x1a: {  	s8 =	sadd.s32 $0xFFFFE003, lr  }
0x1b: {  	s9 =	sadd.s32 $0xFFFFFEF7, lr;
	s5 =	simm.s32 $0xFFFFFFFF;
	p2 =	slt.u32 s8, $0xFFFFF086  }
0x1c: {  	p1 =	slt.u32 s9, $0xF7A;
	s5 =	simm.s32 @!p2 $0x0  }
0x1d: {  	s5 =	simm.s32 @p1 $0x1;
	p0 =	seq.s32 s7, s2  }
0x1e: {  	s7 =	smul.u32 @!p0 $0xF7A, s2;
	p2 =	seq.s32 @!p0 s5, $0x0  }
0x1f: {  	s9 =	smul.u32 $0xF7A, s1;
	s8 =	simm.s32 @!p0 $0x1BF5;
	p2 =	por !p2, p0  }
0x20: {  	[sflag:s8] =	ssyncset.s32 @!p0 $0xFFFFF086;
	s6 =	sadd.s32 @!p0 s3, s7;
	s7 =	simm.s32 @!p0 $0x108  }
0x21: {  	s3 =	sadd.s32 s3, s9;
	s6 =	sadd.s32 @!p0 $0x88, s6;
	s7 =	simm.s32 @p2 $0x1082  }
0x22: {  	[simem:s7], [sflag:s8] =	dma.local @!p0 [hbm:s6], $0xF7A  }
0x23: {  	s9 =	sor.u32 $0xD0000000, s2;
	s6 =	simm.s32 $0x108;
	_ =	swait.ge @!p0 [sflag:s8], $0x0  }
0x24: {  	s3 =	sadd.s32 $0x88, s3;
	s6 =	simm.s32 @!p1 $0x1082;
	[sflag:s4] =	ssyncset.s32 $0xFFFFF086  }
0x25: {  	[simem:s6], [sflag:s4] =	dma.local [hbm:s3], $0xF7A  }
0x26: {  	[smem:$0x3F93] =	sst s1;
	(tag) =	ssettag s2;
	_ =	strace s9  }
0x27: {  	s1 =	sld [smem:$0x3FA3]  }
0x28: {  	s2 =	sld [smem:$0x3FA4]  }
0x29: {  	s4 =	sld [smem:$0x3FA6]  }
0x2a: {  	p0 =	seq.s32 s5, $0x0;
	s5 =	sld [smem:$0x3FA7]  }
0x2b: {  	s6 =	sld [smem:$0x3FA8]  }
0x2c: {  	s7 =	sld [smem:$0x3FA9]  }
0x2d: {  	s3 =	simm.s32 $0x108;
	s8 =	sld [smem:$0x3FAA]  }
0x2e: {  	s3 =	simm.s32 @!p0 $0x1082;
	s9 =	sld [smem:$0x3FAB]  }
0x2f: {  	lr =	sadd.s32 s0, s3;
	s0 =	sld [smem:$0x3FA2]  }
0x30: {  	s3 =	sld [smem:$0x3FA5]  }
0x31: {  	[smem:$0x3FAE] =	sst s10  }
0x32: {  	s10 =	sld [smem:$0x3FAC];
	_ =	sdelay $0x3  }
0x33: {  	p0 =	seq.s32 s10, $0x1;
	s10 =	sld [smem:$0x3FAE];
	_ =	sdelay $0x3  }
0x34: {  	[smem:$0x3FAE] =	sst s10  }
0x35: {  	s10 =	sld [smem:$0x3FAD];
	_ =	sdelay $0x3  }
0x36: {  	p1 =	seq.s32 s10, $0x1;
	s10 =	sld [smem:$0x3FAE];
	_ =	sdelay $0x3  }
0x37: {  	[smem:$0x3FAE] =	sst s10  }
0x38: {  	s10 =	sld [smem:$0x3FAF]  }
0x39: {  	_ = 	snop;
	(pc) =	sbr.ind lr, $3  }
0x3a: {  	_ = 	snop  }
0x3b: {  	_ = 	snop  }
0x3c: {  	p2 =	seq.s32 s10, $0x1;
	s10 =	sld [smem:$0x3FAE]  }
0x3d: {  	_ =	shalt  }
0x3e: {  	_ =	shalt  }
0x3f: {  	_ =	shalt  }
0x40: {  	_ =	shalt  }
0x41: {  	_ =	shalt  }
0x42: {  	_ =	shalt  }
0x43: {  	_ =	shalt  }
0x44: {  	_ =	shalt  }
0x45: {  	_ =	shalt  }
0x46: {  	_ =	shalt  }
0x47: {  	_ =	shalt  }
0x48: {  	_ =	shalt  }
0x49: {  	_ =	shalt  }
0x4a: {  	_ =	shalt  }
0x4b: {  	_ =	shalt  }
0x4c: {  	_ =	shalt  }
0x4d: {  	_ =	shalt  }
0x4e: {  	_ =	shalt  }
0x4f: {  	_ =	shalt  }
0x50: {  	_ =	shalt  }
0x51: {  	_ =	shalt  }
0x52: {  	_ =	shalt  }
0x53: {  	_ =	shalt  }
0x54: {  	_ =	shalt  }
0x55: {  	_ =	shalt  }
0x56: {  	_ =	shalt  }
0x57: {  	_ =	shalt  }
0x58: {  	_ =	shalt  }
0x59: {  	_ =	shalt  }
0x5a: {  	_ =	shalt  }
0x5b: {  	_ =	shalt  }
0x5c: {  	_ =	shalt  }
0x5d: {  	_ =	shalt  }
0x5e: {  	_ =	shalt  }
0x5f: {  	_ =	shalt  }
0x60: {  	_ =	shalt  }
0x61: {  	_ =	shalt  }
0x62: {  	_ =	shalt  }
0x63: {  	_ =	shalt  }
0x64: {  	_ =	shalt  }
0x65: {  	_ =	shalt  }
0x66: {  	_ =	shalt  }
0x67: {  	_ =	shalt  }
0x68: {  	_ =	shalt  }
0x69: {  	_ =	shalt  }
0x6a: {  	_ =	shalt  }
0x6b: {  	_ =	shalt  }
0x6c: {  	_ =	shalt  }
0x6d: {  	_ =	shalt  }
0x6e: {  	_ =	shalt  }
0x6f: {  	_ =	shalt  }
0x70: {  	_ =	shalt  }
0x71: {  	_ =	shalt  }
0x72: {  	_ =	shalt  }
0x73: {  	_ =	shalt  }
0x74: {  	_ =	shalt  }
0x75: {  	_ =	shalt  }
0x76: {  	_ =	shalt  }
0x77: {  	_ =	shalt  }
0x78: {  	_ =	shalt  }
0x79: {  	_ =	shalt  }
0x7a: {  	_ =	shalt  }
0x7b: {  	_ =	shalt  }
0x7c: {  	_ =	shalt  }
0x7d: {  	_ =	shalt  }
0x7e: {  	_ =	shalt  }
0x7f: {  	_ =	shalt  }
0x80: {  	_ =	shalt  }
0x81: {  	_ =	shalt  }
0x82: {  	_ =	shalt  }
0x83: {  	_ =	shalt  }
0x84: {  	_ =	shalt  }
0x85: {  	_ =	shalt  }
0x86: {  	_ =	shalt  }
0x87: {  	_ =	shalt  }
.Lfunc_end0:
.L_simem_size_0:
called_computation_lowered:
.L_overlay_start_0:
0x88: {  	s2 =	sld [smem:$0x3FD9]  }
0x89: {  	s3 =	sld [smem:$0x3FFE];
	_ =	sdelay $0x1  }
0x8a: {  	s1 =	srdreg.scid  }
0x8b: {  	s0 =	sand.u32 $0x1, s1  }
0x8c: {  	s17 =	sshll.u32 s0, $0xA;
	s2 =	sadd.s32 s3, s2  }
0x8d: {  	s2 =	sadd.s32 s2, s17  }
0x8e: {  	[smem:$0x3FBA] =	sst s2  }
0x8f: {  	_ = 	snop  }
0x90: {  	s2 =	sld [smem:$0x3FC9]  }
0x91: {  	s18 =	sld [smem:$0x3FC8]  }
0x92: {  	s4 =	sld [smem:$0x3FC6]  }
0x93: {  	s5 =	sld [smem:$0x3FC4];
	(tm) =	ssettm $0x1  }
0x94: {  	s6 =	sld [smem:$0x3FFB];
	_ =	sdelay $0x3  }
0x95: {  	_ =	strace s6  }
0x96: {  	s6 =	sld [smem:$0x3FFC];
	_ =	sdelay $0x3  }
0x97: {  	_ =	strace s6  }
0x98: {  	s6 =	sld [smem:$0x3FFD];
	_ =	sdelay $0x3  }
0x99: {  	_ =	strace s6  }
0x9a: {  	_ =	strace $0x8FFFFFFF  }
0x9b: {  	s19 =	sld [smem:$0x3FDB];
	_ =	sdelay $0x1  }
0x9c: {  	s7 =	simm.s32 $_scs_section_size  }
0x9d: {  	s8 =	simm.s32 $_size__tile_overlayer_lowered;
	s9 =	simm.s32 $_tile_overlayer_lowered  }
0x9e: {  	s22 =	simm.s32 $0x1BFF;
	s21 =	sshll.u32 s9, $0x1;
	s6 =	sadd.s32 s7, s19  }
0x9f: {  	s10 =	simm.s32 $0x0;
	s20 =	sshll.u32 s8, $0x1;
	s8 =	sadd.s32 s21, s6  }
0xa0: {  	[timem:s10], [sflag:s22] =	dma.local [hbm:s8], s20  }
0xa1: {  	_ =	swait.ge [sflag:s22], s20  }
0xa2: {  	s7 =	ssub.s32 $0x0, s20;
	[sflag:s22] =	ssyncset.done $0x0  }
0xa3: {  	[sflag:s22] =	ssyncadd.s32 s7;
	_ =	sdelay $0x1  }
0xa4: {  	s23 =	simm.s32 $0x1B8B  }
0xa5: {  	_ =	swait.ge [sflag:s23], $0x1  }
0xa6: {  	[sflag:s23] =	ssyncset.done $0x0  }
0xa7: {  	s25 =	simm.s32 $0x1B8E;
	s24 =	sld [smem:$0x3FFE];
	[sflag:s23] =	ssyncadd.s32 $0xFFFFFFFF  }
0xa8: {  	s26 =	simm.s32 $execute0_lowered;
	[smem:$0x3FD2] =	sst s25  }
0xa9: {  	s8 =	sshll.u32 s26, $0x1;
	_ =	strace $0x80000046;
	[dreg:$0x1] =	wrdreg $0xFFFFFFFF  }
0xaa: {  	s28 =	simm.s32 $_size_execute0_lowered;
	s6 =	sadd.s32 s6, s8;
	[dreg:$0x0] =	wrdreg $0x0  }
0xab: {  	s8 =	sshll.u32 s28, $0x1;
	[dreg:$0x2] =	wrdreg s6  }
0xac: {  	[dreg:$0x3] =	wrdreg s8  }
0xad: {  	[dreg:$0x4] =	wrdreg $0xC0  }
0xae: {  	_ =	task [dreg:s10], $0x5FFFF  }
0xaf: {  	[dreg:$0x1] =	wrdreg $0xFFFFFFFF  }
0xb0: {  	[dreg:$0x0] =	wrdreg $0x60  }
0xb1: {  	[dreg:$0x2] =	wrdreg s2  }
0xb2: {  	[dreg:$0x3] =	wrdreg s18  }
0xb3: {  	[dreg:$0x4] =	wrdreg s4  }
0xb4: {  	[dreg:$0x5] =	wrdreg s5  }
0xb5: {  	[dreg:$0x6] =	wrdreg s24  }
0xb6: {  	[dreg:$0x7] =	wrdreg $0x9  }
0xb7: {  	_ =	task.clear_ibuf [dreg:s10], $0x8FFFF;
	_ =	strace $0x90000046  }
0xb8: {  	s29 =	simm.s32 $0x9;
	_ =	strace $0x80000048  }
0xb9: {  	_ =	swait.ge [sflag:s29], $0x1  }
0xba: {  	[sflag:s29] =	ssyncadd.s32 $0xFFFFFFFF  }
0xbb: {  	_ =	strace $0x90000048  }
0xbc: {  	_ =	sfence  }
0xbd: {  	s30 =	sld [smem:$0x0];
	_ =	sdelay $0x2  }
0xbe: {  	s31 =	sshll.u32 s1, $0xD;
	s1 =	sshrl.u32 s1, $0x2  }
0xbf: {  	s3 =	sand.u32 $0x4000, s31;
	s1 =	sadd.s32 s1, s30  }
0xc0: {  	s0 =	sor.u32 s3, s0;
	s1 =	sshll.u32 s1, $0x11  }
0xc1: {  	s0 =	sor.u32 s1, s0  }
0xc2: {  	s0 =	sadd.s32 $0x8F2B, s0  }
0xc3: {  	[sflag:s0] =	ssyncadd.remote.s32 $0x1  }
0xc4: {  	_ =	sfence.sel $0xFFFF  }
0xc5: {  	[dreg:$0x0] =	wrdreg $0xFFFFFFFF;
	(pc) =	sbr.abs _section_cstart, $3  }
0xc6: {  	[dreg:$0x1] =	wrdreg $0xFFFFFFFF  }
0xc7: {  	_ =	task.clear_ibuf [dreg:s10], $0x2FFFF;
	_ =	strace $0x9FFFFFFF  }
0xc8: {  	(tm) =	ssettm $0x7FFFFFFF  }
0xc9: {  	_ =	shalt  }
tec
execute0_lowered:
.L_overlay_start_1:
0x0: {  	(tag) =	ssettag $0x1  }
0x1: {  	s2 =	rddreg [dreg:$0x0]  }
0x2: {  	s5 =	rddreg [dreg:$0x1];
	s0 =	srdreg.scid  }
0x3: {  	s1 =	rddreg [dreg:$0x2];
	s4 =	stileid.u32;
	s0 =	sand.u32 $0x1, s0  }
0x4: {  	s3 =	rddreg [dreg:$0x3];
	s7 =	sshll.u32 s4, $0xA;
	s8 =	sshll.u32 s0, $0x9  }
0x5: {  	s6 =	rddreg [dreg:$0x4];
	s4 =	simm.s32 $0x0;
	s7 =	sor.u32 s8, s7  }
0x6: {  	[smem:$0x7FF] =	sst s4;
	s8 =	sshrl.u32 s7, $0x3  }
0x7: {  	_ =	strace $0x80000047;
	s10 =	sor.u32 $0x40, s7;
	s9 =	sadd.s32 s2, s8  }
0x8: {  	s8 =	sadd.s32 s5, s8;
	s12 =	sshrl.u32 s10, $0x3;
	[dreg:$0x6] =	wrdreg s9  }
0x9: {  	s11 =	sor.u32 $0x80, s7;
	[dreg:$0x7] =	wrdreg s8;
	s13 =	sadd.s32 s2, s12  }
0xa: {  	s15 =	sshrl.u32 s11, $0x3;
	s14 =	sadd.s32 s5, s12;
	[dreg:$0x8] =	wrdreg s13  }
0xb: {  	s16 =	sadd.s32 s2, s15;
	s12 =	sor.u32 $0xC0, s7;
	[dreg:$0x9] =	wrdreg s14  }
0xc: {  	s17 =	sadd.s32 s5, s15;
	s15 =	sor.u32 $0x180, s7;
	[dreg:$0xa] =	wrdreg s16  }
0xd: {  	s18 =	sshrl.u32 s12, $0x3;
	[dreg:$0xb] =	wrdreg s17;
	s13 =	sor.u32 $0x100, s7  }
0xe: {  	s14 =	sor.u32 $0x140, s7;
	s28 =	sshrl.u32 s15, $0x3;
	s19 =	sadd.s32 s2, s18  }
0xf: {  	s16 =	sor.u32 $0x1C0, s7;
	s20 =	sadd.s32 s5, s18;
	[dreg:$0xc] =	wrdreg s19  }
0x10: {  	s17 =	sadd.s32 $0x2400, s6;
	s29 =	sadd.s32 s2, s28;
	[dreg:$0xd] =	wrdreg s20  }
0x11: {  	s7 =	sshll.u32 s7, $0x5;
	s30 =	sadd.s32 s5, s28;
	[dreg:$0x12] =	wrdreg s29  }
0x12: {  	s6 =	sadd.s32 $0x82400, s6;
	s8 =	sadd.s32 s17, s7;
	[dreg:$0x13] =	wrdreg s30  }
0x13: {  	s21 =	sshrl.u32 s13, $0x3;
	s9 =	sadd.s32 s6, s7;
	[dreg:$0x16] =	wrdreg s8  }
0x14: {  	s22 =	sadd.s32 s2, s21;
	[dreg:$0x17] =	wrdreg s9  }
0x15: {  	s24 =	sshrl.u32 s14, $0x3;
	s23 =	sadd.s32 s5, s21;
	[dreg:$0xe] =	wrdreg s22  }
0x16: {  	s25 =	sadd.s32 s2, s24;
	[dreg:$0xf] =	wrdreg s23  }
0x17: {  	s31 =	sshrl.u32 s16, $0x3;
	s26 =	sadd.s32 s5, s24;
	[dreg:$0x10] =	wrdreg s25  }
0x18: {  	s2 =	sadd.s32 s2, s31;
	[dreg:$0x11] =	wrdreg s26  }
0x19: {  	s18 =	sshll.u32 s10, $0x5;
	s5 =	sadd.s32 s5, s31;
	[dreg:$0x14] =	wrdreg s2  }
0x1a: {  	s19 =	sadd.s32 s17, s18;
	[dreg:$0x15] =	wrdreg s5  }
0x1b: {  	s28 =	sshll.u32 s13, $0x5;
	s20 =	sadd.s32 s6, s18;
	[dreg:$0x18] =	wrdreg s19  }
0x1c: {  	s29 =	sadd.s32 s17, s28;
	[dreg:$0x19] =	wrdreg s20  }
0x1d: {  	s24 =	sshll.u32 s12, $0x5;
	s30 =	sadd.s32 s6, s28;
	[dreg:$0x1e] =	wrdreg s29  }
0x1e: {  	s9 =	sshll.u32 s15, $0x5;
	s15 =	simm.s32 $0x400;
	[dreg:$0x1f] =	wrdreg s30  }
0x1f: {  	s12 =	sshll.u32 s16, $0x5;
	s16 =	simm.s32 $0x80;
	[smem:$0x7EF] =	sst s15  }
0x20: {  	s18 =	simm.s32 $0x100;
	[smem:$0x7F0] =	sst s16  }
0x21: {  	s21 =	sshll.u32 s11, $0x5;
	s28 =	simm.s32 $0x700;
	[smem:$0x7F2] =	sst s18  }
0x22: {  	s22 =	sadd.s32 s17, s21;
	[smem:$0x7FB] =	sst s28  }
0x23: {  	s23 =	sadd.s32 s6, s21;
	[dreg:$0x1a] =	wrdreg s22  }
0x24: {  	s25 =	sadd.s32 s17, s24;
	[dreg:$0x1b] =	wrdreg s23  }
0x25: {  	s31 =	sshll.u32 s14, $0x5;
	s26 =	sadd.s32 s6, s24;
	[dreg:$0x1c] =	wrdreg s25  }
0x26: {  	s7 =	sadd.s32 s17, s31;
	[dreg:$0x1d] =	wrdreg s26  }
0x27: {  	s8 =	sadd.s32 s6, s31;
	[smem:$0x7E9] =	sst s7  }
0x28: {  	s10 =	sadd.s32 s17, s9;
	[smem:$0x7EA] =	sst s8  }
0x29: {  	s11 =	sadd.s32 s6, s9;
	[smem:$0x7EB] =	sst s10  }
0x2a: {  	s13 =	sadd.s32 s17, s12;
	[smem:$0x7EC] =	sst s11  }
0x2b: {  	s14 =	sadd.s32 s6, s12;
	[smem:$0x7ED] =	sst s13  }
0x2c: {  	s17 =	simm.s32 $0x480;
	[smem:$0x7EE] =	sst s14  }
0x2d: {  	s0 =	ssub.s32 $0x2, s0;
	s19 =	simm.s32 $0x500;
	[smem:$0x7F1] =	sst s17  }
0x2e: {  	s20 =	simm.s32 $0x180;
	s21 =	simm.s32 $0x580;
	[smem:$0x7F3] =	sst s19  }
0x2f: {  	s24 =	simm.s32 $0x280;
	s29 =	sshrl.u32 s0, $0x1;
	[smem:$0x7F4] =	sst s20  }
0x30: {  	s30 =	simm.s32 $0x380;
	s31 =	simm.s32 $0x780;
	[smem:$0x7F5] =	sst s21  }
0x31: {  	s6 =	simm.s32 $0x5;
	s16 =	simm.s32 $0x3;
	[smem:$0x7F8] =	sst s24  }
0x32: {  	s18 =	simm.s32 $0x4;
	s15 =	simm.s32 $0x800;
	[smem:$0x7FC] =	sst s30  }
0x33: {  	s2 =	simm.s32 $0x4800;
	s22 =	simm.s32 $0x200;
	[smem:$0x7FD] =	sst s31  }
0x34: {  	s23 =	simm.s32 $0x600;
	s25 =	simm.s32 $0x680;
	[smem:$0x7F6] =	sst s22  }
0x35: {  	v2 =	vlaneseq.u32;
	s26 =	simm.s32 $0x300;
	s0 =	ssub.s32 s0, s29;
	[smem:$0x7F7] =	sst s23  }
0x36: {  	vm0 =	vmmov $0xffff;
	v1 =	vshrl.u32 v2, $0x3;
	s13 =	simm.s32 $0x1;
	s17 =	simm.s32 $0x2;
	[smem:$0x7F9] =	sst s25  }
0x37: {  	v0 =	vand.u32 $0x7, v2;
	v2 =	vor.u32 $0x8, v2;
	v1 =	vmul.u32 $0x8, v1;
	[smem:$0x7FA] =	sst s26;
	s5 =	smax.u32 s0, $0x1;
	s23 =	simm.s32 $0x8800  }
.LBB2_1:
0x38: {  	s19 =	rddreg [dreg:$0x6]  }
0x39: {  	[tilespmem:s4], [sflag:$0x5] =	stream.linear.gather [hbm4b:s19+s4], $0x40, $0x38;
	[tilespmem:$0x10800] =	vst v63  }
0x3a: {  	_ =	swait.ge [sflag:s6], $0x40  }
0x3b: {  	s20 =	sld [smem:$0x7EF]  }
0x3c: {  	[sflag:s6] =	ssyncset.done $0x0  }
0x3d: {  	s24 =	rddreg [dreg:$0x7];
	[sflag:s6] =	ssyncadd.s32 $0xFFFFFFC0  }
0x3e: {  	[tilespmem:s20], [sflag:$0x5] =	stream.linear.gather [hbm4b:s24+s4], $0x40, $0x38;
	[tilespmem:$0x10800] =	vst v63  }
0x3f: {  	_ =	swait.ge [sflag:s6], $0x40  }
0x40: {  	s26 =	sld [smem:$0x7F0]  }
0x41: {  	[sflag:s6] =	ssyncset.done $0x0  }
0x42: {  	s25 =	rddreg [dreg:$0x8];
	[sflag:s6] =	ssyncadd.s32 $0xFFFFFFC0  }
0x43: {  	[tilespmem:s26], [sflag:$0x5] =	stream.linear.gather [hbm4b:s25+s4], $0x40, $0x38;
	[tilespmem:$0x10800] =	vst v63  }
0x44: {  	_ =	swait.ge [sflag:s6], $0x40  }
0x45: {  	s29 =	sld [smem:$0x7F1]  }
0x46: {  	[sflag:s6] =	ssyncset.done $0x0  }
0x47: {  	s28 =	rddreg [dreg:$0x9];
	[sflag:s6] =	ssyncadd.s32 $0xFFFFFFC0  }
0x48: {  	[tilespmem:s29], [sflag:$0x5] =	stream.linear.gather [hbm4b:s28+s4], $0x40, $0x38;
	[tilespmem:$0x10800] =	vst v63  }
0x49: {  	_ =	swait.ge [sflag:s6], $0x40  }
0x4a: {  	s31 =	sld [smem:$0x7F2]  }
0x4b: {  	[sflag:s6] =	ssyncset.done $0x0  }
0x4c: {  	s30 =	rddreg [dreg:$0xa];
	[sflag:s6] =	ssyncadd.s32 $0xFFFFFFC0  }
0x4d: {  	[tilespmem:s31], [sflag:$0x5] =	stream.linear.gather [hbm4b:s30+s4], $0x40, $0x38;
	[tilespmem:$0x10800] =	vst v63  }
0x4e: {  	_ =	swait.ge [sflag:s6], $0x40  }
0x4f: {  	s7 =	sld [smem:$0x7F3]  }
0x50: {  	[sflag:s6] =	ssyncset.done $0x0  }
0x51: {  	s0 =	rddreg [dreg:$0xb];
	[sflag:s6] =	ssyncadd.s32 $0xFFFFFFC0  }
0x52: {  	[tilespmem:s7], [sflag:$0x5] =	stream.linear.gather [hbm4b:s0+s4], $0x40, $0x38;
	[tilespmem:$0x10800] =	vst v63  }
0x53: {  	_ =	swait.ge [sflag:s6], $0x40  }
0x54: {  	s9 =	sld [smem:$0x7F4]  }
0x55: {  	[sflag:s6] =	ssyncset.done $0x0  }
0x56: {  	s8 =	rddreg [dreg:$0xc];
	[sflag:s6] =	ssyncadd.s32 $0xFFFFFFC0  }
0x57: {  	[tilespmem:s9], [sflag:$0x5] =	stream.linear.gather [hbm4b:s8+s4], $0x40, $0x38;
	[tilespmem:$0x10800] =	vst v63  }
0x58: {  	_ =	swait.ge [sflag:s6], $0x40  }
0x59: {  	s11 =	sld [smem:$0x7F5]  }
0x5a: {  	[sflag:s6] =	ssyncset.done $0x0  }
0x5b: {  	s10 =	rddreg [dreg:$0xd];
	[sflag:s6] =	ssyncadd.s32 $0xFFFFFFC0  }
0x5c: {  	[tilespmem:s11], [sflag:$0x5] =	stream.linear.gather [hbm4b:s10+s4], $0x40, $0x38;
	[tilespmem:$0x10800] =	vst v63  }
0x5d: {  	_ =	swait.ge [sflag:s6], $0x40  }
0x5e: {  	s14 =	sld [smem:$0x7F6]  }
0x5f: {  	[sflag:s6] =	ssyncset.done $0x0  }
0x60: {  	s12 =	rddreg [dreg:$0xe];
	[sflag:s6] =	ssyncadd.s32 $0xFFFFFFC0  }
0x61: {  	[tilespmem:s14], [sflag:$0x5] =	stream.linear.gather [hbm4b:s12+s4], $0x40, $0x38;
	[tilespmem:$0x10800] =	vst v63  }
0x62: {  	_ =	swait.ge [sflag:s6], $0x40  }
0x63: {  	s21 =	sld [smem:$0x7F7]  }
0x64: {  	[sflag:s6] =	ssyncset.done $0x0  }
0x65: {  	s20 =	rddreg [dreg:$0xf];
	[sflag:s6] =	ssyncadd.s32 $0xFFFFFFC0  }
0x66: {  	[tilespmem:s21], [sflag:$0x5] =	stream.linear.gather [hbm4b:s20+s4], $0x40, $0x38;
	[tilespmem:$0x10800] =	vst v63  }
0x67: {  	_ =	swait.ge [sflag:s6], $0x40  }
0x68: {  	s24 =	sld [smem:$0x7F8]  }
0x69: {  	[sflag:s6] =	ssyncset.done $0x0  }
0x6a: {  	s22 =	rddreg [dreg:$0x10];
	[sflag:s6] =	ssyncadd.s32 $0xFFFFFFC0  }
0x6b: {  	[tilespmem:s24], [sflag:$0x5] =	stream.linear.gather [hbm4b:s22+s4], $0x40, $0x38;
	[tilespmem:$0x10800] =	vst v63  }
0x6c: {  	_ =	swait.ge [sflag:s6], $0x40  }
0x6d: {  	s26 =	sld [smem:$0x7F9]  }
0x6e: {  	[sflag:s6] =	ssyncset.done $0x0  }
0x6f: {  	s25 =	rddreg [dreg:$0x11];
	[sflag:s6] =	ssyncadd.s32 $0xFFFFFFC0  }
0x70: {  	[tilespmem:s26], [sflag:$0x5] =	stream.linear.gather [hbm4b:s25+s4], $0x40, $0x38;
	[tilespmem:$0x10800] =	vst v63  }
0x71: {  	_ =	swait.ge [sflag:s6], $0x40  }
0x72: {  	s29 =	sld [smem:$0x7FA]  }
0x73: {  	[sflag:s6] =	ssyncset.done $0x0  }
0x74: {  	s28 =	rddreg [dreg:$0x12];
	[sflag:s6] =	ssyncadd.s32 $0xFFFFFFC0  }
0x75: {  	[tilespmem:s29], [sflag:$0x5] =	stream.linear.gather [hbm4b:s28+s4], $0x40, $0x38;
	[tilespmem:$0x10800] =	vst v63  }
0x76: {  	_ =	swait.ge [sflag:s6], $0x40  }
0x77: {  	s31 =	sld [smem:$0x7FB]  }
0x78: {  	[sflag:s6] =	ssyncset.done $0x0  }
0x79: {  	s30 =	rddreg [dreg:$0x13];
	[sflag:s6] =	ssyncadd.s32 $0xFFFFFFC0  }
0x7a: {  	[tilespmem:s31], [sflag:$0x5] =	stream.linear.gather [hbm4b:s30+s4], $0x40, $0x38;
	[tilespmem:$0x10800] =	vst v63  }
0x7b: {  	_ =	swait.ge [sflag:s6], $0x40  }
0x7c: {  	s7 =	sld [smem:$0x7FC]  }
0x7d: {  	[sflag:s6] =	ssyncset.done $0x0  }
0x7e: {  	s0 =	rddreg [dreg:$0x14];
	[sflag:s6] =	ssyncadd.s32 $0xFFFFFFC0  }
0x7f: {  	[tilespmem:s7], [sflag:$0x5] =	stream.linear.gather [hbm4b:s0+s4], $0x40, $0x38;
	[tilespmem:$0x10800] =	vst v63  }
0x80: {  	_ =	swait.ge [sflag:s6], $0x40  }
0x81: {  	s9 =	sld [smem:$0x7FD]  }
0x82: {  	[sflag:s6] =	ssyncset.done $0x0  }
0x83: {  	s8 =	rddreg [dreg:$0x15];
	[sflag:s6] =	ssyncadd.s32 $0xFFFFFFC0  }
0x84: {  	[tilespmem:s9], [sflag:$0x5] =	stream.linear.gather [hbm4b:s8+s4], $0x40, $0x38;
	[tilespmem:$0x10800] =	vst v63  }
0x85: {  	_ =	swait.ge [sflag:s6], $0x40  }
0x86: {  	[sflag:s6] =	ssyncset.done $0x0  }
0x87: {  	[sflag:s6] =	ssyncadd.s32 $0xFFFFFFC0  }
0x88: {  	v3 =	vld [tilespmem:$0x0];
	_ =	sdelay $0x4  }
0x89: {  	v4 =	vshll.u32 v3, $0x1  }
0x8a: {  	v3 =	vand.u32 $0x7, v3;
	v4 =	vand.u32 $0xFFFFFFF0, v4  }
0x8b: {  	v3 =	vor.u32 v3, v4  }
0x8c: {  	v4 =	vperm.xlane v3, v0;
	_ =	sdelay $0x1  }
0x8d: {  	v3 =	vperm.xlane v3, v2;
	v4 =	vadd.s32 v1, v4;
	_ =	sdelay $0x1  }
0x8e: {  	v3 =	vadd.s32 v1, v3;
	_ =	sdelay $0x2  }
0x8f: {  	[tilespmem:s15], [sflag:$0x1] =	stream.indirect_vreg.gather [hbm4b:s1+s4], $0x80, v4, vm0, $0xb8;
	[tilespmem:$0x10800] =	vst v63  }
0x90: {  	s0 =	simm.s32 $0x1000  }
0x91: {  	[tilespmem:s0], [sflag:$0x1] =	stream.indirect_vreg.gather [hbm4b:s1+s4], $0x80, v3, vm0, $0xb8;
	[tilespmem:$0x10800] =	vst v63  }
0x92: {  	v3 =	vld [tilespmem:$0x10];
	_ =	sdelay $0x4  }
0x93: {  	v57 =	vshll.u32 v3, $0x1  }
0x94: {  	v3 =	vand.u32 $0x7, v3;
	v4 =	vand.u32 $0xFFFFFFF0, v57  }
0x95: {  	v3 =	vor.u32 v3, v4  }
0x96: {  	v4 =	vperm.xlane v3, v0;
	_ =	sdelay $0x1  }
0x97: {  	v3 =	vperm.xlane v3, v2;
	v4 =	vadd.s32 v1, v4;
	_ =	sdelay $0x1  }
0x98: {  	v3 =	vadd.s32 v1, v3;
	_ =	sdelay $0x1  }
0x99: {  	s10 =	simm.s32 $0x1800  }
0x9a: {  	[tilespmem:s10], [sflag:$0x1] =	stream.indirect_vreg.gather [hbm4b:s1+s4], $0x80, v4, vm0, $0xb8;
	[tilespmem:$0x10800] =	vst v63  }
0x9b: {  	s11 =	simm.s32 $0x2000  }
0x9c: {  	[tilespmem:s11], [sflag:$0x1] =	stream.indirect_vreg.gather [hbm4b:s1+s4], $0x80, v3, vm0, $0xb8;
	[tilespmem:$0x10800] =	vst v63  }
0x9d: {  	v3 =	vld [tilespmem:$0x20];
	_ =	sdelay $0x4  }
0x9e: {  	v58 =	vshll.u32 v3, $0x1  }
0x9f: {  	v3 =	vand.u32 $0x7, v3;
	v4 =	vand.u32 $0xFFFFFFF0, v58  }
0xa0: {  	v3 =	vor.u32 v3, v4  }
0xa1: {  	v4 =	vperm.xlane v3, v0;
	_ =	sdelay $0x1  }
0xa2: {  	v3 =	vperm.xlane v3, v2;
	v4 =	vadd.s32 v1, v4;
	_ =	sdelay $0x1  }
0xa3: {  	v3 =	vadd.s32 v1, v3;
	_ =	sdelay $0x1  }
0xa4: {  	s12 =	simm.s32 $0x2800  }
0xa5: {  	[tilespmem:s12], [sflag:$0x1] =	stream.indirect_vreg.gather [hbm4b:s1+s4], $0x80, v4, vm0, $0xb8;
	[tilespmem:$0x10800] =	vst v63  }
0xa6: {  	s14 =	simm.s32 $0x3000  }
0xa7: {  	[tilespmem:s14], [sflag:$0x1] =	stream.indirect_vreg.gather [hbm4b:s1+s4], $0x80, v3, vm0, $0xb8;
	[tilespmem:$0x10800] =	vst v63  }
0xa8: {  	v3 =	vld [tilespmem:$0x30];
	_ =	sdelay $0x4  }
0xa9: {  	v59 =	vshll.u32 v3, $0x1  }
0xaa: {  	v3 =	vand.u32 $0x7, v3;
	v4 =	vand.u32 $0xFFFFFFF0, v59  }
0xab: {  	v3 =	vor.u32 v3, v4  }
0xac: {  	v4 =	vperm.xlane v3, v0;
	_ =	sdelay $0x1  }
0xad: {  	v3 =	vperm.xlane v3, v2;
	v4 =	vadd.s32 v1, v4;
	_ =	sdelay $0x1  }
0xae: {  	v3 =	vadd.s32 v1, v3;
	_ =	sdelay $0x1  }
0xaf: {  	s19 =	simm.s32 $0x3800  }
0xb0: {  	[tilespmem:s19], [sflag:$0x1] =	stream.indirect_vreg.gather [hbm4b:s1+s4], $0x80, v4, vm0, $0xb8;
	[tilespmem:$0x10800] =	vst v63  }
0xb1: {  	s20 =	simm.s32 $0x4000  }
0xb2: {  	[tilespmem:s20], [sflag:$0x1] =	stream.indirect_vreg.gather [hbm4b:s1+s4], $0x80, v3, vm0, $0xb8;
	[tilespmem:$0x10800] =	vst v63  }
0xb3: {  	v3 =	vld [tilespmem:$0x400];
	_ =	sdelay $0x4  }
0xb4: {  	v60 =	vshll.u32 v3, $0x1  }
0xb5: {  	v3 =	vand.u32 $0x7, v3;
	v4 =	vand.u32 $0xFFFFFFF0, v60  }
0xb6: {  	v3 =	vor.u32 v3, v4  }
0xb7: {  	v4 =	vperm.xlane v3, v0;
	_ =	sdelay $0x1  }
0xb8: {  	v3 =	vperm.xlane v3, v2;
	v4 =	vadd.s32 v1, v4;
	_ =	sdelay $0x1  }
0xb9: {  	v3 =	vadd.s32 v1, v3;
	_ =	sdelay $0x2  }
0xba: {  	[tilespmem:s23], [sflag:$0x3] =	stream.indirect_vreg.gather [hbm4b:s3+s4], $0x80, v4, vm0, $0xb8;
	[tilespmem:$0x10800] =	vst v63  }
0xbb: {  	s21 =	simm.s32 $0x9000  }
0xbc: {  	[tilespmem:s21], [sflag:$0x3] =	stream.indirect_vreg.gather [hbm4b:s3+s4], $0x80, v3, vm0, $0xb8;
	[tilespmem:$0x10800] =	vst v63  }
0xbd: {  	v3 =	vld [tilespmem:$0x410];
	_ =	sdelay $0x4  }
0xbe: {  	v61 =	vshll.u32 v3, $0x1  }
0xbf: {  	v3 =	vand.u32 $0x7, v3;
	v4 =	vand.u32 $0xFFFFFFF0, v61  }
0xc0: {  	v3 =	vor.u32 v3, v4  }
0xc1: {  	v4 =	vperm.xlane v3, v0;
	_ =	sdelay $0x1  }
0xc2: {  	v3 =	vperm.xlane v3, v2;
	v4 =	vadd.s32 v1, v4;
	_ =	sdelay $0x1  }
0xc3: {  	v3 =	vadd.s32 v1, v3;
	_ =	sdelay $0x1  }
0xc4: {  	s22 =	simm.s32 $0x9800  }
0xc5: {  	[tilespmem:s22], [sflag:$0x3] =	stream.indirect_vreg.gather [hbm4b:s3+s4], $0x80, v4, vm0, $0xb8;
	[tilespmem:$0x10800] =	vst v63  }
0xc6: {  	s24 =	simm.s32 $0xA000  }
0xc7: {  	[tilespmem:s24], [sflag:$0x3] =	stream.indirect_vreg.gather [hbm4b:s3+s4], $0x80, v3, vm0, $0xb8;
	[tilespmem:$0x10800] =	vst v63  }
0xc8: {  	v3 =	vld [tilespmem:$0x420];
	_ =	sdelay $0x4  }
0xc9: {  	v62 =	vshll.u32 v3, $0x1  }
0xca: {  	v3 =	vand.u32 $0x7, v3;
	v4 =	vand.u32 $0xFFFFFFF0, v62  }
0xcb: {  	v3 =	vor.u32 v3, v4  }
0xcc: {  	v4 =	vperm.xlane v3, v0;
	_ =	sdelay $0x1  }
0xcd: {  	v3 =	vperm.xlane v3, v2;
	v4 =	vadd.s32 v1, v4;
	_ =	sdelay $0x1  }
0xce: {  	v3 =	vadd.s32 v1, v3;
	_ =	sdelay $0x1  }
0xcf: {  	s25 =	simm.s32 $0xA800  }
0xd0: {  	[tilespmem:s25], [sflag:$0x3] =	stream.indirect_vreg.gather [hbm4b:s3+s4], $0x80, v4, vm0, $0xb8;
	[tilespmem:$0x10800] =	vst v63  }
0xd1: {  	s26 =	simm.s32 $0xB000  }
0xd2: {  	[tilespmem:s26], [sflag:$0x3] =	stream.indirect_vreg.gather [hbm4b:s3+s4], $0x80, v3, vm0, $0xb8;
	[tilespmem:$0x10800] =	vst v63  }
0xd3: {  	v3 =	vld [tilespmem:$0x430];
	_ =	sdelay $0x4  }
0xd4: {  	v63 =	vshll.u32 v3, $0x1  }
0xd5: {  	v3 =	vand.u32 $0x7, v3;
	v4 =	vand.u32 $0xFFFFFFF0, v63  }
0xd6: {  	v3 =	vor.u32 v3, v4  }
0xd7: {  	v4 =	vperm.xlane v3, v0;
	_ =	sdelay $0x1  }
0xd8: {  	v3 =	vperm.xlane v3, v2;
	v4 =	vadd.s32 v1, v4;
	_ =	sdelay $0x1  }
0xd9: {  	v3 =	vadd.s32 v1, v3;
	_ =	sdelay $0x1  }
0xda: {  	s8 =	simm.s32 $0xB800  }
0xdb: {  	[tilespmem:s8], [sflag:$0x3] =	stream.indirect_vreg.gather [hbm4b:s3+s4], $0x80, v4, vm0, $0xb8;
	[tilespmem:$0x10800] =	vst v63  }
0xdc: {  	s9 =	simm.s32 $0xC000  }
0xdd: {  	[tilespmem:s9], [sflag:$0x3] =	stream.indirect_vreg.gather [hbm4b:s3+s4], $0x80, v3, vm0, $0xb8;
	[tilespmem:$0x10800] =	vst v63  }
0xde: {  	v3 =	vld [tilespmem:$0x80];
	_ =	sdelay $0x4  }
0xdf: {  	v8 =	vshll.u32 v3, $0x1  }
0xe0: {  	v3 =	vand.u32 $0x7, v3;
	v4 =	vand.u32 $0xFFFFFFF0, v8  }
0xe1: {  	v3 =	vor.u32 v3, v4  }
0xe2: {  	v4 =	vperm.xlane v3, v0;
	_ =	sdelay $0x1  }
0xe3: {  	v3 =	vperm.xlane v3, v2;
	v4 =	vadd.s32 v1, v4;
	_ =	sdelay $0x1  }
0xe4: {  	v3 =	vadd.s32 v1, v3;
	_ =	sdelay $0x2  }
0xe5: {  	[tilespmem:s2], [sflag:$0x2] =	stream.indirect_vreg.gather [hbm4b:s1+s4], $0x80, v4, vm0, $0xb8;
	[tilespmem:$0x10800] =	vst v63  }
0xe6: {  	s10 =	simm.s32 $0x5000  }
0xe7: {  	[tilespmem:s10], [sflag:$0x2] =	stream.indirect_vreg.gather [hbm4b:s1+s4], $0x80, v3, vm0, $0xb8;
	[tilespmem:$0x10800] =	vst v63  }
0xe8: {  	v3 =	vld [tilespmem:$0x90];
	_ =	sdelay $0x4  }
0xe9: {  	v9 =	vshll.u32 v3, $0x1  }
0xea: {  	v3 =	vand.u32 $0x7, v3;
	v4 =	vand.u32 $0xFFFFFFF0, v9  }
0xeb: {  	v3 =	vor.u32 v3, v4  }
0xec: {  	v4 =	vperm.xlane v3, v0;
	_ =	sdelay $0x1  }
0xed: {  	v3 =	vperm.xlane v3, v2;
	v4 =	vadd.s32 v1, v4;
	_ =	sdelay $0x1  }
0xee: {  	v3 =	vadd.s32 v1, v3;
	_ =	sdelay $0x1  }
0xef: {  	s11 =	simm.s32 $0x5800  }
0xf0: {  	[tilespmem:s11], [sflag:$0x2] =	stream.indirect_vreg.gather [hbm4b:s1+s4], $0x80, v4, vm0, $0xb8;
	[tilespmem:$0x10800] =	vst v63  }
0xf1: {  	s19 =	simm.s32 $0x6000  }
0xf2: {  	[tilespmem:s19], [sflag:$0x2] =	stream.indirect_vreg.gather [hbm4b:s1+s4], $0x80, v3, vm0, $0xb8;
	[tilespmem:$0x10800] =	vst v63  }
0xf3: {  	v3 =	vld [tilespmem:$0xA0];
	_ =	sdelay $0x4  }
0xf4: {  	v10 =	vshll.u32 v3, $0x1  }
0xf5: {  	v3 =	vand.u32 $0x7, v3;
	v4 =	vand.u32 $0xFFFFFFF0, v10  }
0xf6: {  	v3 =	vor.u32 v3, v4  }
0xf7: {  	v4 =	vperm.xlane v3, v0;
	_ =	sdelay $0x1  }
0xf8: {  	v3 =	vperm.xlane v3, v2;
	v4 =	vadd.s32 v1, v4;
	_ =	sdelay $0x1  }
0xf9: {  	v3 =	vadd.s32 v1, v3;
	_ =	sdelay $0x1  }
0xfa: {  	s20 =	simm.s32 $0x6800  }
0xfb: {  	[tilespmem:s20], [sflag:$0x2] =	stream.indirect_vreg.gather [hbm4b:s1+s4], $0x80, v4, vm0, $0xb8;
	[tilespmem:$0x10800] =	vst v63  }
0xfc: {  	s21 =	simm.s32 $0x7000  }
0xfd: {  	[tilespmem:s21], [sflag:$0x2] =	stream.indirect_vreg.gather [hbm4b:s1+s4], $0x80, v3, vm0, $0xb8;
	[tilespmem:$0x10800] =	vst v63  }
0xfe: {  	v3 =	vld [tilespmem:$0xB0];
	_ =	sdelay $0x4  }
0xff: {  	v11 =	vshll.u32 v3, $0x1  }
0x100: {  	v3 =	vand.u32 $0x7, v3;
	v4 =	vand.u32 $0xFFFFFFF0, v11  }
0x101: {  	v3 =	vor.u32 v3, v4  }
0x102: {  	v4 =	vperm.xlane v3, v0;
	_ =	sdelay $0x1  }
0x103: {  	v3 =	vperm.xlane v3, v2;
	v4 =	vadd.s32 v1, v4;
	_ =	sdelay $0x1  }
0x104: {  	v3 =	vadd.s32 v1, v3;
	_ =	sdelay $0x1  }
0x105: {  	s22 =	simm.s32 $0x7800  }
0x106: {  	[tilespmem:s22], [sflag:$0x2] =	stream.indirect_vreg.gather [hbm4b:s1+s4], $0x80, v4, vm0, $0xb8;
	[tilespmem:$0x10800] =	vst v63  }
0x107: {  	s24 =	simm.s32 $0x8000  }
0x108: {  	[tilespmem:s24], [sflag:$0x2] =	stream.indirect_vreg.gather [hbm4b:s1+s4], $0x80, v3, vm0, $0xb8;
	[tilespmem:$0x10800] =	vst v63  }
0x109: {  	v3 =	vld [tilespmem:$0x480];
	_ =	sdelay $0x4  }
0x10a: {  	v12 =	vshll.u32 v3, $0x1  }
0x10b: {  	v3 =	vand.u32 $0x7, v3;
	v4 =	vand.u32 $0xFFFFFFF0, v12  }
0x10c: {  	v3 =	vor.u32 v3, v4  }
0x10d: {  	v4 =	vperm.xlane v3, v0;
	_ =	sdelay $0x1  }
0x10e: {  	v3 =	vperm.xlane v3, v2;
	v4 =	vadd.s32 v1, v4;
	_ =	sdelay $0x1  }
0x10f: {  	v3 =	vadd.s32 v1, v3;
	_ =	sdelay $0x1  }
0x110: {  	s0 =	simm.s32 $0xC800  }
0x111: {  	[tilespmem:s0], [sflag:$0x4] =	stream.indirect_vreg.gather [hbm4b:s3+s4], $0x80, v4, vm0, $0xb8;
	[tilespmem:$0x10800] =	vst v63  }
0x112: {  	s25 =	simm.s32 $0xD000  }
0x113: {  	[tilespmem:s25], [sflag:$0x4] =	stream.indirect_vreg.gather [hbm4b:s3+s4], $0x80, v3, vm0, $0xb8;
	[tilespmem:$0x10800] =	vst v63  }
0x114: {  	v3 =	vld [tilespmem:$0x490];
	_ =	sdelay $0x4  }
0x115: {  	v13 =	vshll.u32 v3, $0x1  }
0x116: {  	v3 =	vand.u32 $0x7, v3;
	v4 =	vand.u32 $0xFFFFFFF0, v13  }
0x117: {  	v3 =	vor.u32 v3, v4  }
0x118: {  	v4 =	vperm.xlane v3, v0;
	_ =	sdelay $0x1  }
0x119: {  	v3 =	vperm.xlane v3, v2;
	v4 =	vadd.s32 v1, v4;
	_ =	sdelay $0x1  }
0x11a: {  	v3 =	vadd.s32 v1, v3;
	_ =	sdelay $0x1  }
0x11b: {  	s8 =	simm.s32 $0xD800  }
0x11c: {  	[tilespmem:s8], [sflag:$0x4] =	stream.indirect_vreg.gather [hbm4b:s3+s4], $0x80, v4, vm0, $0xb8;
	[tilespmem:$0x10800] =	vst v63  }
0x11d: {  	s22 =	simm.s32 $0xE000  }
0x11e: {  	[tilespmem:s22], [sflag:$0x4] =	stream.indirect_vreg.gather [hbm4b:s3+s4], $0x80, v3, vm0, $0xb8;
	[tilespmem:$0x10800] =	vst v63  }
0x11f: {  	v3 =	vld [tilespmem:$0x4A0];
	_ =	sdelay $0x4  }
0x120: {  	v14 =	vshll.u32 v3, $0x1  }
0x121: {  	v3 =	vand.u32 $0x7, v3;
	v4 =	vand.u32 $0xFFFFFFF0, v14  }
0x122: {  	v3 =	vor.u32 v3, v4  }
0x123: {  	v4 =	vperm.xlane v3, v0;
	_ =	sdelay $0x1  }
0x124: {  	v3 =	vperm.xlane v3, v2;
	v4 =	vadd.s32 v1, v4;
	_ =	sdelay $0x1  }
0x125: {  	v3 =	vadd.s32 v1, v3;
	_ =	sdelay $0x1  }
0x126: {  	s24 =	simm.s32 $0xE800  }
0x127: {  	[tilespmem:s24], [sflag:$0x4] =	stream.indirect_vreg.gather [hbm4b:s3+s4], $0x80, v4, vm0, $0xb8;
	[tilespmem:$0x10800] =	vst v63  }
0x128: {  	s25 =	simm.s32 $0xF000  }
0x129: {  	[tilespmem:s25], [sflag:$0x4] =	stream.indirect_vreg.gather [hbm4b:s3+s4], $0x80, v3, vm0, $0xb8;
	[tilespmem:$0x10800] =	vst v63  }
0x12a: {  	v3 =	vld [tilespmem:$0x4B0];
	_ =	sdelay $0x4  }
0x12b: {  	v15 =	vshll.u32 v3, $0x1  }
0x12c: {  	v3 =	vand.u32 $0x7, v3;
	v4 =	vand.u32 $0xFFFFFFF0, v15  }
0x12d: {  	v3 =	vor.u32 v3, v4  }
0x12e: {  	v4 =	vperm.xlane v3, v0;
	_ =	sdelay $0x1  }
0x12f: {  	v3 =	vperm.xlane v3, v2;
	v4 =	vadd.s32 v1, v4;
	_ =	sdelay $0x1  }
0x130: {  	v3 =	vadd.s32 v1, v3;
	_ =	sdelay $0x1  }
0x131: {  	s8 =	simm.s32 $0xF800  }
0x132: {  	[tilespmem:s8], [sflag:$0x4] =	stream.indirect_vreg.gather [hbm4b:s3+s4], $0x80, v4, vm0, $0xb8;
	[tilespmem:$0x10800] =	vst v63  }
0x133: {  	s25 =	simm.s32 $0x10000  }
0x134: {  	[tilespmem:s25], [sflag:$0x4] =	stream.indirect_vreg.gather [hbm4b:s3+s4], $0x80, v3, vm0, $0xb8;
	[tilespmem:$0x10800] =	vst v63  }
0x135: {  	_ =	swait.ge [sflag:s13], $0x4000  }
0x136: {  	[sflag:s13] =	ssyncset.done $0x0  }
0x137: {  	s8 =	rddreg [dreg:$0x16];
	[sflag:s13] =	ssyncadd.s32 $0xFFFFC000  }
0x138: {  	[hbm4b:s8+s4] =	stream.linear.scatter [tilespmem:s15], [sflag:$0x5], $0x4000, $0x38;
	[tilespmem:$0x10800] =	vst v63  }
0x139: {  	_ =	swait.ge [sflag:s6], $0x4000  }
0x13a: {  	[sflag:s6] =	ssyncset.done $0x0  }
0x13b: {  	[sflag:s6] =	ssyncadd.s32 $0xFFFFC000  }
0x13c: {  	_ =	swait.ge [sflag:s16], $0x4000  }
0x13d: {  	[sflag:s16] =	ssyncset.done $0x0  }
0x13e: {  	s8 =	rddreg [dreg:$0x17];
	[sflag:s16] =	ssyncadd.s32 $0xFFFFC000  }
0x13f: {  	[hbm4b:s8+s4] =	stream.linear.scatter [tilespmem:s23], [sflag:$0x5], $0x4000, $0x38;
	[tilespmem:$0x10800] =	vst v63  }
0x140: {  	_ =	swait.ge [sflag:s6], $0x4000  }
0x141: {  	[sflag:s6] =	ssyncset.done $0x0  }
0x142: {  	[sflag:s6] =	ssyncadd.s32 $0xFFFFC000  }
0x143: {  	v3 =	vld [tilespmem:$0x100];
	_ =	sdelay $0x4  }
0x144: {  	v16 =	vshll.u32 v3, $0x1  }
0x145: {  	v3 =	vand.u32 $0x7, v3;
	v4 =	vand.u32 $0xFFFFFFF0, v16  }
0x146: {  	v3 =	vor.u32 v3, v4  }
0x147: {  	v4 =	vperm.xlane v3, v0;
	_ =	sdelay $0x1  }
0x148: {  	v3 =	vperm.xlane v3, v2;
	v4 =	vadd.s32 v1, v4;
	_ =	sdelay $0x1  }
0x149: {  	v3 =	vadd.s32 v1, v3;
	_ =	sdelay $0x2  }
0x14a: {  	[tilespmem:s15], [sflag:$0x1] =	stream.indirect_vreg.gather [hbm4b:s1+s4], $0x80, v4, vm0, $0xb8;
	[tilespmem:$0x10800] =	vst v63  }
0x14b: {  	s28 =	simm.s32 $0x1000  }
0x14c: {  	[tilespmem:s28], [sflag:$0x1] =	stream.indirect_vreg.gather [hbm4b:s1+s4], $0x80, v3, vm0, $0xb8;
	[tilespmem:$0x10800] =	vst v63  }
0x14d: {  	v3 =	vld [tilespmem:$0x110];
	_ =	sdelay $0x4  }
0x14e: {  	v17 =	vshll.u32 v3, $0x1  }
0x14f: {  	v3 =	vand.u32 $0x7, v3;
	v4 =	vand.u32 $0xFFFFFFF0, v17  }
0x150: {  	v3 =	vor.u32 v3, v4  }
0x151: {  	v4 =	vperm.xlane v3, v0;
	_ =	sdelay $0x1  }
0x152: {  	v3 =	vperm.xlane v3, v2;
	v4 =	vadd.s32 v1, v4;
	_ =	sdelay $0x1  }
0x153: {  	v3 =	vadd.s32 v1, v3;
	_ =	sdelay $0x1  }
0x154: {  	s28 =	simm.s32 $0x1800  }
0x155: {  	[tilespmem:s28], [sflag:$0x1] =	stream.indirect_vreg.gather [hbm4b:s1+s4], $0x80, v4, vm0, $0xb8;
	[tilespmem:$0x10800] =	vst v63  }
0x156: {  	s29 =	simm.s32 $0x2000  }
0x157: {  	[tilespmem:s29], [sflag:$0x1] =	stream.indirect_vreg.gather [hbm4b:s1+s4], $0x80, v3, vm0, $0xb8;
	[tilespmem:$0x10800] =	vst v63  }
0x158: {  	v3 =	vld [tilespmem:$0x120];
	_ =	sdelay $0x4  }
0x159: {  	v18 =	vshll.u32 v3, $0x1  }
0x15a: {  	v3 =	vand.u32 $0x7, v3;
	v4 =	vand.u32 $0xFFFFFFF0, v18  }
0x15b: {  	v3 =	vor.u32 v3, v4  }
0x15c: {  	v4 =	vperm.xlane v3, v0;
	_ =	sdelay $0x1  }
0x15d: {  	v3 =	vperm.xlane v3, v2;
	v4 =	vadd.s32 v1, v4;
	_ =	sdelay $0x1  }
0x15e: {  	v3 =	vadd.s32 v1, v3;
	_ =	sdelay $0x1  }
0x15f: {  	s29 =	simm.s32 $0x2800  }
0x160: {  	[tilespmem:s29], [sflag:$0x1] =	stream.indirect_vreg.gather [hbm4b:s1+s4], $0x80, v4, vm0, $0xb8;
	[tilespmem:$0x10800] =	vst v63  }
0x161: {  	s30 =	simm.s32 $0x3000  }
0x162: {  	[tilespmem:s30], [sflag:$0x1] =	stream.indirect_vreg.gather [hbm4b:s1+s4], $0x80, v3, vm0, $0xb8;
	[tilespmem:$0x10800] =	vst v63  }
0x163: {  	v3 =	vld [tilespmem:$0x130];
	_ =	sdelay $0x4  }
0x164: {  	v19 =	vshll.u32 v3, $0x1  }
0x165: {  	v3 =	vand.u32 $0x7, v3;
	v4 =	vand.u32 $0xFFFFFFF0, v19  }
0x166: {  	v3 =	vor.u32 v3, v4  }
0x167: {  	v4 =	vperm.xlane v3, v0;
	_ =	sdelay $0x1  }
0x168: {  	v3 =	vperm.xlane v3, v2;
	v4 =	vadd.s32 v1, v4;
	_ =	sdelay $0x1  }
0x169: {  	v3 =	vadd.s32 v1, v3;
	_ =	sdelay $0x1  }
0x16a: {  	s30 =	simm.s32 $0x3800  }
0x16b: {  	[tilespmem:s30], [sflag:$0x1] =	stream.indirect_vreg.gather [hbm4b:s1+s4], $0x80, v4, vm0, $0xb8;
	[tilespmem:$0x10800] =	vst v63  }
0x16c: {  	s31 =	simm.s32 $0x4000  }
0x16d: {  	[tilespmem:s31], [sflag:$0x1] =	stream.indirect_vreg.gather [hbm4b:s1+s4], $0x80, v3, vm0, $0xb8;
	[tilespmem:$0x10800] =	vst v63  }
0x16e: {  	v3 =	vld [tilespmem:$0x500];
	_ =	sdelay $0x4  }
0x16f: {  	v20 =	vshll.u32 v3, $0x1  }
0x170: {  	v3 =	vand.u32 $0x7, v3;
	v4 =	vand.u32 $0xFFFFFFF0, v20  }
0x171: {  	v3 =	vor.u32 v3, v4  }
0x172: {  	v4 =	vperm.xlane v3, v0;
	_ =	sdelay $0x1  }
0x173: {  	v3 =	vperm.xlane v3, v2;
	v4 =	vadd.s32 v1, v4;
	_ =	sdelay $0x1  }
0x174: {  	v3 =	vadd.s32 v1, v3;
	_ =	sdelay $0x2  }
0x175: {  	[tilespmem:s23], [sflag:$0x3] =	stream.indirect_vreg.gather [hbm4b:s3+s4], $0x80, v4, vm0, $0xb8;
	[tilespmem:$0x10800] =	vst v63  }
0x176: {  	s7 =	simm.s32 $0x9000  }
0x177: {  	[tilespmem:s7], [sflag:$0x3] =	stream.indirect_vreg.gather [hbm4b:s3+s4], $0x80, v3, vm0, $0xb8;
	[tilespmem:$0x10800] =	vst v63  }
0x178: {  	v3 =	vld [tilespmem:$0x510];
	_ =	sdelay $0x4  }
0x179: {  	v21 =	vshll.u32 v3, $0x1  }
0x17a: {  	v3 =	vand.u32 $0x7, v3;
	v4 =	vand.u32 $0xFFFFFFF0, v21  }
0x17b: {  	v3 =	vor.u32 v3, v4  }
0x17c: {  	v4 =	vperm.xlane v3, v0;
	_ =	sdelay $0x1  }
0x17d: {  	v3 =	vperm.xlane v3, v2;
	v4 =	vadd.s32 v1, v4;
	_ =	sdelay $0x1  }
0x17e: {  	v3 =	vadd.s32 v1, v3;
	_ =	sdelay $0x1  }
0x17f: {  	s14 =	simm.s32 $0x9800  }
0x180: {  	[tilespmem:s14], [sflag:$0x3] =	stream.indirect_vreg.gather [hbm4b:s3+s4], $0x80, v4, vm0, $0xb8;
	[tilespmem:$0x10800] =	vst v63  }
0x181: {  	s12 =	simm.s32 $0xA000  }
0x182: {  	[tilespmem:s12], [sflag:$0x3] =	stream.indirect_vreg.gather [hbm4b:s3+s4], $0x80, v3, vm0, $0xb8;
	[tilespmem:$0x10800] =	vst v63  }
0x183: {  	v3 =	vld [tilespmem:$0x520];
	_ =	sdelay $0x4  }
0x184: {  	v22 =	vshll.u32 v3, $0x1  }
0x185: {  	v3 =	vand.u32 $0x7, v3;
	v4 =	vand.u32 $0xFFFFFFF0, v22  }
0x186: {  	v3 =	vor.u32 v3, v4  }
0x187: {  	v4 =	vperm.xlane v3, v0;
	_ =	sdelay $0x1  }
0x188: {  	v3 =	vperm.xlane v3, v2;
	v4 =	vadd.s32 v1, v4;
	_ =	sdelay $0x1  }
0x189: {  	v3 =	vadd.s32 v1, v3;
	_ =	sdelay $0x1  }
0x18a: {  	s31 =	simm.s32 $0xA800  }
0x18b: {  	[tilespmem:s31], [sflag:$0x3] =	stream.indirect_vreg.gather [hbm4b:s3+s4], $0x80, v4, vm0, $0xb8;
	[tilespmem:$0x10800] =	vst v63  }
0x18c: {  	s7 =	simm.s32 $0xB000  }
0x18d: {  	[tilespmem:s7], [sflag:$0x3] =	stream.indirect_vreg.gather [hbm4b:s3+s4], $0x80, v3, vm0, $0xb8;
	[tilespmem:$0x10800] =	vst v63  }
0x18e: {  	v3 =	vld [tilespmem:$0x530];
	_ =	sdelay $0x4  }
0x18f: {  	v23 =	vshll.u32 v3, $0x1  }
0x190: {  	v3 =	vand.u32 $0x7, v3;
	v4 =	vand.u32 $0xFFFFFFF0, v23  }
0x191: {  	v3 =	vor.u32 v3, v4  }
0x192: {  	v4 =	vperm.xlane v3, v0;
	_ =	sdelay $0x1  }
0x193: {  	v3 =	vperm.xlane v3, v2;
	v4 =	vadd.s32 v1, v4;
	_ =	sdelay $0x1  }
0x194: {  	v3 =	vadd.s32 v1, v3;
	_ =	sdelay $0x1  }
0x195: {  	s14 =	simm.s32 $0xB800  }
0x196: {  	[tilespmem:s14], [sflag:$0x3] =	stream.indirect_vreg.gather [hbm4b:s3+s4], $0x80, v4, vm0, $0xb8;
	[tilespmem:$0x10800] =	vst v63  }
0x197: {  	s12 =	simm.s32 $0xC000  }
0x198: {  	[tilespmem:s12], [sflag:$0x3] =	stream.indirect_vreg.gather [hbm4b:s3+s4], $0x80, v3, vm0, $0xb8;
	[tilespmem:$0x10800] =	vst v63  }
0x199: {  	_ =	swait.ge [sflag:s17], $0x4000  }
0x19a: {  	[sflag:s17] =	ssyncset.done $0x0  }
0x19b: {  	s8 =	rddreg [dreg:$0x18];
	[sflag:s17] =	ssyncadd.s32 $0xFFFFC000  }
0x19c: {  	[hbm4b:s8+s4] =	stream.linear.scatter [tilespmem:s2], [sflag:$0x5], $0x4000, $0x38;
	[tilespmem:$0x10800] =	vst v63  }
0x19d: {  	_ =	swait.ge [sflag:s6], $0x4000  }
0x19e: {  	[sflag:s6] =	ssyncset.done $0x0  }
0x19f: {  	[sflag:s6] =	ssyncadd.s32 $0xFFFFC000  }
0x1a0: {  	_ =	swait.ge [sflag:s18], $0x4000  }
0x1a1: {  	[sflag:s18] =	ssyncset.done $0x0  }
0x1a2: {  	s8 =	rddreg [dreg:$0x19];
	[sflag:s18] =	ssyncadd.s32 $0xFFFFC000  }
0x1a3: {  	[hbm4b:s8+s4] =	stream.linear.scatter [tilespmem:s0], [sflag:$0x5], $0x4000, $0x38;
	[tilespmem:$0x10800] =	vst v63  }
0x1a4: {  	_ =	swait.ge [sflag:s6], $0x4000  }
0x1a5: {  	[sflag:s6] =	ssyncset.done $0x0  }
0x1a6: {  	[sflag:s6] =	ssyncadd.s32 $0xFFFFC000  }
0x1a7: {  	v3 =	vld [tilespmem:$0x180];
	_ =	sdelay $0x4  }
0x1a8: {  	v24 =	vshll.u32 v3, $0x1  }
0x1a9: {  	v3 =	vand.u32 $0x7, v3;
	v4 =	vand.u32 $0xFFFFFFF0, v24  }
0x1aa: {  	v3 =	vor.u32 v3, v4  }
0x1ab: {  	v4 =	vperm.xlane v3, v0;
	_ =	sdelay $0x1  }
0x1ac: {  	v3 =	vperm.xlane v3, v2;
	v4 =	vadd.s32 v1, v4;
	_ =	sdelay $0x1  }
0x1ad: {  	v3 =	vadd.s32 v1, v3;
	_ =	sdelay $0x2  }
0x1ae: {  	[tilespmem:s2], [sflag:$0x2] =	stream.indirect_vreg.gather [hbm4b:s1+s4], $0x80, v4, vm0, $0xb8;
	[tilespmem:$0x10800] =	vst v63  }
0x1af: {  	s9 =	simm.s32 $0x5000  }
0x1b0: {  	[tilespmem:s9], [sflag:$0x2] =	stream.indirect_vreg.gather [hbm4b:s1+s4], $0x80, v3, vm0, $0xb8;
	[tilespmem:$0x10800] =	vst v63  }
0x1b1: {  	v3 =	vld [tilespmem:$0x190];
	_ =	sdelay $0x4  }
0x1b2: {  	v25 =	vshll.u32 v3, $0x1  }
0x1b3: {  	v3 =	vand.u32 $0x7, v3;
	v4 =	vand.u32 $0xFFFFFFF0, v25  }
0x1b4: {  	v3 =	vor.u32 v3, v4  }
0x1b5: {  	v4 =	vperm.xlane v3, v0;
	_ =	sdelay $0x1  }
0x1b6: {  	v3 =	vperm.xlane v3, v2;
	v4 =	vadd.s32 v1, v4;
	_ =	sdelay $0x1  }
0x1b7: {  	v3 =	vadd.s32 v1, v3;
	_ =	sdelay $0x1  }
0x1b8: {  	s9 =	simm.s32 $0x5800  }
0x1b9: {  	[tilespmem:s9], [sflag:$0x2] =	stream.indirect_vreg.gather [hbm4b:s1+s4], $0x80, v4, vm0, $0xb8;
	[tilespmem:$0x10800] =	vst v63  }
0x1ba: {  	s26 =	simm.s32 $0x6000  }
0x1bb: {  	[tilespmem:s26], [sflag:$0x2] =	stream.indirect_vreg.gather [hbm4b:s1+s4], $0x80, v3, vm0, $0xb8;
	[tilespmem:$0x10800] =	vst v63  }
0x1bc: {  	v3 =	vld [tilespmem:$0x1A0];
	_ =	sdelay $0x4  }
0x1bd: {  	v26 =	vshll.u32 v3, $0x1  }
0x1be: {  	v3 =	vand.u32 $0x7, v3;
	v4 =	vand.u32 $0xFFFFFFF0, v26  }
0x1bf: {  	v3 =	vor.u32 v3, v4  }
0x1c0: {  	v4 =	vperm.xlane v3, v0;
	_ =	sdelay $0x1  }
0x1c1: {  	v3 =	vperm.xlane v3, v2;
	v4 =	vadd.s32 v1, v4;
	_ =	sdelay $0x1  }
0x1c2: {  	v3 =	vadd.s32 v1, v3;
	_ =	sdelay $0x1  }
0x1c3: {  	s20 =	simm.s32 $0x6800  }
0x1c4: {  	[tilespmem:s20], [sflag:$0x2] =	stream.indirect_vreg.gather [hbm4b:s1+s4], $0x80, v4, vm0, $0xb8;
	[tilespmem:$0x10800] =	vst v63  }
0x1c5: {  	s10 =	simm.s32 $0x7000  }
0x1c6: {  	[tilespmem:s10], [sflag:$0x2] =	stream.indirect_vreg.gather [hbm4b:s1+s4], $0x80, v3, vm0, $0xb8;
	[tilespmem:$0x10800] =	vst v63  }
0x1c7: {  	v3 =	vld [tilespmem:$0x1B0];
	_ =	sdelay $0x4  }
0x1c8: {  	v27 =	vshll.u32 v3, $0x1  }
0x1c9: {  	v3 =	vand.u32 $0x7, v3;
	v4 =	vand.u32 $0xFFFFFFF0, v27  }
0x1ca: {  	v3 =	vor.u32 v3, v4  }
0x1cb: {  	v4 =	vperm.xlane v3, v0;
	_ =	sdelay $0x1  }
0x1cc: {  	v3 =	vperm.xlane v3, v2;
	v4 =	vadd.s32 v1, v4;
	_ =	sdelay $0x1  }
0x1cd: {  	v3 =	vadd.s32 v1, v3;
	_ =	sdelay $0x1  }
0x1ce: {  	s26 =	simm.s32 $0x7800  }
0x1cf: {  	[tilespmem:s26], [sflag:$0x2] =	stream.indirect_vreg.gather [hbm4b:s1+s4], $0x80, v4, vm0, $0xb8;
	[tilespmem:$0x10800] =	vst v63  }
0x1d0: {  	s11 =	simm.s32 $0x8000  }
0x1d1: {  	[tilespmem:s11], [sflag:$0x2] =	stream.indirect_vreg.gather [hbm4b:s1+s4], $0x80, v3, vm0, $0xb8;
	[tilespmem:$0x10800] =	vst v63  }
0x1d2: {  	v3 =	vld [tilespmem:$0x580];
	_ =	sdelay $0x4  }
0x1d3: {  	v28 =	vshll.u32 v3, $0x1  }
0x1d4: {  	v3 =	vand.u32 $0x7, v3;
	v4 =	vand.u32 $0xFFFFFFF0, v28  }
0x1d5: {  	v3 =	vor.u32 v3, v4  }
0x1d6: {  	v4 =	vperm.xlane v3, v0;
	_ =	sdelay $0x1  }
0x1d7: {  	v3 =	vperm.xlane v3, v2;
	v4 =	vadd.s32 v1, v4;
	_ =	sdelay $0x1  }
0x1d8: {  	v3 =	vadd.s32 v1, v3;
	_ =	sdelay $0x2  }
0x1d9: {  	[tilespmem:s0], [sflag:$0x4] =	stream.indirect_vreg.gather [hbm4b:s3+s4], $0x80, v4, vm0, $0xb8;
	[tilespmem:$0x10800] =	vst v63  }
0x1da: {  	s21 =	simm.s32 $0xD000  }
0x1db: {  	[tilespmem:s21], [sflag:$0x4] =	stream.indirect_vreg.gather [hbm4b:s3+s4], $0x80, v3, vm0, $0xb8;
	[tilespmem:$0x10800] =	vst v63  }
0x1dc: {  	v3 =	vld [tilespmem:$0x590];
	_ =	sdelay $0x4  }
0x1dd: {  	v29 =	vshll.u32 v3, $0x1  }
0x1de: {  	v3 =	vand.u32 $0x7, v3;
	v4 =	vand.u32 $0xFFFFFFF0, v29  }
0x1df: {  	v3 =	vor.u32 v3, v4  }
0x1e0: {  	v4 =	vperm.xlane v3, v0;
	_ =	sdelay $0x1  }
0x1e1: {  	v3 =	vperm.xlane v3, v2;
	v4 =	vadd.s32 v1, v4;
	_ =	sdelay $0x1  }
0x1e2: {  	v3 =	vadd.s32 v1, v3;
	_ =	sdelay $0x1  }
0x1e3: {  	s19 =	simm.s32 $0xD800  }
0x1e4: {  	[tilespmem:s19], [sflag:$0x4] =	stream.indirect_vreg.gather [hbm4b:s3+s4], $0x80, v4, vm0, $0xb8;
	[tilespmem:$0x10800] =	vst v63  }
0x1e5: {  	s22 =	simm.s32 $0xE000  }
0x1e6: {  	[tilespmem:s22], [sflag:$0x4] =	stream.indirect_vreg.gather [hbm4b:s3+s4], $0x80, v3, vm0, $0xb8;
	[tilespmem:$0x10800] =	vst v63  }
0x1e7: {  	v3 =	vld [tilespmem:$0x5A0];
	_ =	sdelay $0x4  }
0x1e8: {  	v30 =	vshll.u32 v3, $0x1  }
0x1e9: {  	v3 =	vand.u32 $0x7, v3;
	v4 =	vand.u32 $0xFFFFFFF0, v30  }
0x1ea: {  	v3 =	vor.u32 v3, v4  }
0x1eb: {  	v4 =	vperm.xlane v3, v0;
	_ =	sdelay $0x1  }
0x1ec: {  	v3 =	vperm.xlane v3, v2;
	v4 =	vadd.s32 v1, v4;
	_ =	sdelay $0x1  }
0x1ed: {  	v3 =	vadd.s32 v1, v3;
	_ =	sdelay $0x1  }
0x1ee: {  	s21 =	simm.s32 $0xE800  }
0x1ef: {  	[tilespmem:s21], [sflag:$0x4] =	stream.indirect_vreg.gather [hbm4b:s3+s4], $0x80, v4, vm0, $0xb8;
	[tilespmem:$0x10800] =	vst v63  }
0x1f0: {  	s24 =	simm.s32 $0xF000  }
0x1f1: {  	[tilespmem:s24], [sflag:$0x4] =	stream.indirect_vreg.gather [hbm4b:s3+s4], $0x80, v3, vm0, $0xb8;
	[tilespmem:$0x10800] =	vst v63  }
0x1f2: {  	v3 =	vld [tilespmem:$0x5B0];
	_ =	sdelay $0x4  }
0x1f3: {  	v31 =	vshll.u32 v3, $0x1  }
0x1f4: {  	v3 =	vand.u32 $0x7, v3;
	v4 =	vand.u32 $0xFFFFFFF0, v31  }
0x1f5: {  	v3 =	vor.u32 v3, v4  }
0x1f6: {  	v4 =	vperm.xlane v3, v0;
	_ =	sdelay $0x1  }
0x1f7: {  	v3 =	vperm.xlane v3, v2;
	v4 =	vadd.s32 v1, v4;
	_ =	sdelay $0x1  }
0x1f8: {  	v3 =	vadd.s32 v1, v3;
	_ =	sdelay $0x1  }
0x1f9: {  	s22 =	simm.s32 $0xF800  }
0x1fa: {  	[tilespmem:s22], [sflag:$0x4] =	stream.indirect_vreg.gather [hbm4b:s3+s4], $0x80, v4, vm0, $0xb8;
	[tilespmem:$0x10800] =	vst v63  }
0x1fb: {  	s25 =	simm.s32 $0x10000  }
0x1fc: {  	[tilespmem:s25], [sflag:$0x4] =	stream.indirect_vreg.gather [hbm4b:s3+s4], $0x80, v3, vm0, $0xb8;
	[tilespmem:$0x10800] =	vst v63  }
0x1fd: {  	_ =	swait.ge [sflag:s13], $0x4000  }
0x1fe: {  	[sflag:s13] =	ssyncset.done $0x0  }
0x1ff: {  	s24 =	rddreg [dreg:$0x1a];
	[sflag:s13] =	ssyncadd.s32 $0xFFFFC000  }
0x200: {  	[hbm4b:s24+s4] =	stream.linear.scatter [tilespmem:s15], [sflag:$0x5], $0x4000, $0x38;
	[tilespmem:$0x10800] =	vst v63  }
0x201: {  	_ =	swait.ge [sflag:s6], $0x4000  }
0x202: {  	[sflag:s6] =	ssyncset.done $0x0  }
0x203: {  	[sflag:s6] =	ssyncadd.s32 $0xFFFFC000  }
0x204: {  	_ =	swait.ge [sflag:s16], $0x4000  }
0x205: {  	[sflag:s16] =	ssyncset.done $0x0  }
0x206: {  	s25 =	rddreg [dreg:$0x1b];
	[sflag:s16] =	ssyncadd.s32 $0xFFFFC000  }
0x207: {  	[hbm4b:s25+s4] =	stream.linear.scatter [tilespmem:s23], [sflag:$0x5], $0x4000, $0x38;
	[tilespmem:$0x10800] =	vst v63  }
0x208: {  	_ =	swait.ge [sflag:s6], $0x4000  }
0x209: {  	[sflag:s6] =	ssyncset.done $0x0  }
0x20a: {  	[sflag:s6] =	ssyncadd.s32 $0xFFFFC000  }
0x20b: {  	v3 =	vld [tilespmem:$0x200];
	_ =	sdelay $0x4  }
0x20c: {  	v32 =	vshll.u32 v3, $0x1  }
0x20d: {  	v3 =	vand.u32 $0x7, v3;
	v4 =	vand.u32 $0xFFFFFFF0, v32  }
0x20e: {  	v3 =	vor.u32 v3, v4  }
0x20f: {  	v4 =	vperm.xlane v3, v0;
	_ =	sdelay $0x1  }
0x210: {  	v3 =	vperm.xlane v3, v2;
	v4 =	vadd.s32 v1, v4;
	_ =	sdelay $0x1  }
0x211: {  	v3 =	vadd.s32 v1, v3;
	_ =	sdelay $0x2  }
0x212: {  	[tilespmem:s15], [sflag:$0x1] =	stream.indirect_vreg.gather [hbm4b:s1+s4], $0x80, v4, vm0, $0xb8;
	[tilespmem:$0x10800] =	vst v63  }
0x213: {  	s26 =	simm.s32 $0x1000  }
0x214: {  	[tilespmem:s26], [sflag:$0x1] =	stream.indirect_vreg.gather [hbm4b:s1+s4], $0x80, v3, vm0, $0xb8;
	[tilespmem:$0x10800] =	vst v63  }
0x215: {  	v3 =	vld [tilespmem:$0x210];
	_ =	sdelay $0x4  }
0x216: {  	v33 =	vshll.u32 v3, $0x1  }
0x217: {  	v3 =	vand.u32 $0x7, v3;
	v4 =	vand.u32 $0xFFFFFFF0, v33  }
0x218: {  	v3 =	vor.u32 v3, v4  }
0x219: {  	v4 =	vperm.xlane v3, v0;
	_ =	sdelay $0x1  }
0x21a: {  	v3 =	vperm.xlane v3, v2;
	v4 =	vadd.s32 v1, v4;
	_ =	sdelay $0x1  }
0x21b: {  	v3 =	vadd.s32 v1, v3;
	_ =	sdelay $0x2  }
0x21c: {  	[tilespmem:s28], [sflag:$0x1] =	stream.indirect_vreg.gather [hbm4b:s1+s4], $0x80, v4, vm0, $0xb8;
	[tilespmem:$0x10800] =	vst v63  }
0x21d: {  	s28 =	simm.s32 $0x2000  }
0x21e: {  	[tilespmem:s28], [sflag:$0x1] =	stream.indirect_vreg.gather [hbm4b:s1+s4], $0x80, v3, vm0, $0xb8;
	[tilespmem:$0x10800] =	vst v63  }
0x21f: {  	v3 =	vld [tilespmem:$0x220];
	_ =	sdelay $0x4  }
0x220: {  	v34 =	vshll.u32 v3, $0x1  }
0x221: {  	v3 =	vand.u32 $0x7, v3;
	v4 =	vand.u32 $0xFFFFFFF0, v34  }
0x222: {  	v3 =	vor.u32 v3, v4  }
0x223: {  	v4 =	vperm.xlane v3, v0;
	_ =	sdelay $0x1  }
0x224: {  	v3 =	vperm.xlane v3, v2;
	v4 =	vadd.s32 v1, v4;
	_ =	sdelay $0x1  }
0x225: {  	v3 =	vadd.s32 v1, v3;
	_ =	sdelay $0x2  }
0x226: {  	[tilespmem:s29], [sflag:$0x1] =	stream.indirect_vreg.gather [hbm4b:s1+s4], $0x80, v4, vm0, $0xb8;
	[tilespmem:$0x10800] =	vst v63  }
0x227: {  	s29 =	simm.s32 $0x3000  }
0x228: {  	[tilespmem:s29], [sflag:$0x1] =	stream.indirect_vreg.gather [hbm4b:s1+s4], $0x80, v3, vm0, $0xb8;
	[tilespmem:$0x10800] =	vst v63  }
0x229: {  	v3 =	vld [tilespmem:$0x230];
	_ =	sdelay $0x4  }
0x22a: {  	v35 =	vshll.u32 v3, $0x1  }
0x22b: {  	v3 =	vand.u32 $0x7, v3;
	v4 =	vand.u32 $0xFFFFFFF0, v35  }
0x22c: {  	v3 =	vor.u32 v3, v4  }
0x22d: {  	v4 =	vperm.xlane v3, v0;
	_ =	sdelay $0x1  }
0x22e: {  	v3 =	vperm.xlane v3, v2;
	v4 =	vadd.s32 v1, v4;
	_ =	sdelay $0x1  }
0x22f: {  	v3 =	vadd.s32 v1, v3;
	_ =	sdelay $0x2  }
0x230: {  	[tilespmem:s30], [sflag:$0x1] =	stream.indirect_vreg.gather [hbm4b:s1+s4], $0x80, v4, vm0, $0xb8;
	[tilespmem:$0x10800] =	vst v63  }
0x231: {  	s30 =	simm.s32 $0x4000  }
0x232: {  	[tilespmem:s30], [sflag:$0x1] =	stream.indirect_vreg.gather [hbm4b:s1+s4], $0x80, v3, vm0, $0xb8;
	[tilespmem:$0x10800] =	vst v63  }
0x233: {  	v3 =	vld [tilespmem:$0x600];
	_ =	sdelay $0x4  }
0x234: {  	v36 =	vshll.u32 v3, $0x1  }
0x235: {  	v3 =	vand.u32 $0x7, v3;
	v4 =	vand.u32 $0xFFFFFFF0, v36  }
0x236: {  	v3 =	vor.u32 v3, v4  }
0x237: {  	v4 =	vperm.xlane v3, v0;
	_ =	sdelay $0x1  }
0x238: {  	v3 =	vperm.xlane v3, v2;
	v4 =	vadd.s32 v1, v4;
	_ =	sdelay $0x1  }
0x239: {  	v3 =	vadd.s32 v1, v3;
	_ =	sdelay $0x2  }
0x23a: {  	[tilespmem:s23], [sflag:$0x3] =	stream.indirect_vreg.gather [hbm4b:s3+s4], $0x80, v4, vm0, $0xb8;
	[tilespmem:$0x10800] =	vst v63  }
0x23b: {  	s24 =	simm.s32 $0x9000  }
0x23c: {  	[tilespmem:s24], [sflag:$0x3] =	stream.indirect_vreg.gather [hbm4b:s3+s4], $0x80, v3, vm0, $0xb8;
	[tilespmem:$0x10800] =	vst v63  }
0x23d: {  	v3 =	vld [tilespmem:$0x610];
	_ =	sdelay $0x4  }
0x23e: {  	v37 =	vshll.u32 v3, $0x1  }
0x23f: {  	v3 =	vand.u32 $0x7, v3;
	v4 =	vand.u32 $0xFFFFFFF0, v37  }
0x240: {  	v3 =	vor.u32 v3, v4  }
0x241: {  	v4 =	vperm.xlane v3, v0;
	_ =	sdelay $0x1  }
0x242: {  	v3 =	vperm.xlane v3, v2;
	v4 =	vadd.s32 v1, v4;
	_ =	sdelay $0x1  }
0x243: {  	v3 =	vadd.s32 v1, v3;
	_ =	sdelay $0x1  }
0x244: {  	s29 =	simm.s32 $0x9800  }
0x245: {  	[tilespmem:s29], [sflag:$0x3] =	stream.indirect_vreg.gather [hbm4b:s3+s4], $0x80, v4, vm0, $0xb8;
	[tilespmem:$0x10800] =	vst v63  }
0x246: {  	s30 =	simm.s32 $0xA000  }
0x247: {  	[tilespmem:s30], [sflag:$0x3] =	stream.indirect_vreg.gather [hbm4b:s3+s4], $0x80, v3, vm0, $0xb8;
	[tilespmem:$0x10800] =	vst v63  }
0x248: {  	v3 =	vld [tilespmem:$0x620];
	_ =	sdelay $0x4  }
0x249: {  	v38 =	vshll.u32 v3, $0x1  }
0x24a: {  	v3 =	vand.u32 $0x7, v3;
	v4 =	vand.u32 $0xFFFFFFF0, v38  }
0x24b: {  	v3 =	vor.u32 v3, v4  }
0x24c: {  	v4 =	vperm.xlane v3, v0;
	_ =	sdelay $0x1  }
0x24d: {  	v3 =	vperm.xlane v3, v2;
	v4 =	vadd.s32 v1, v4;
	_ =	sdelay $0x1  }
0x24e: {  	v3 =	vadd.s32 v1, v3;
	_ =	sdelay $0x2  }
0x24f: {  	[tilespmem:s31], [sflag:$0x3] =	stream.indirect_vreg.gather [hbm4b:s3+s4], $0x80, v4, vm0, $0xb8;
	[tilespmem:$0x10800] =	vst v63  }
0x250: {  	_ = 	snop  }
0x251: {  	[tilespmem:s7], [sflag:$0x3] =	stream.indirect_vreg.gather [hbm4b:s3+s4], $0x80, v3, vm0, $0xb8;
	[tilespmem:$0x10800] =	vst v63  }
0x252: {  	v3 =	vld [tilespmem:$0x630];
	_ =	sdelay $0x4  }
0x253: {  	v39 =	vshll.u32 v3, $0x1  }
0x254: {  	v3 =	vand.u32 $0x7, v3;
	v4 =	vand.u32 $0xFFFFFFF0, v39  }
0x255: {  	v3 =	vor.u32 v3, v4  }
0x256: {  	v4 =	vperm.xlane v3, v0;
	_ =	sdelay $0x1  }
0x257: {  	v3 =	vperm.xlane v3, v2;
	v4 =	vadd.s32 v1, v4;
	_ =	sdelay $0x1  }
0x258: {  	v3 =	vadd.s32 v1, v3;
	_ =	sdelay $0x2  }
0x259: {  	[tilespmem:s14], [sflag:$0x3] =	stream.indirect_vreg.gather [hbm4b:s3+s4], $0x80, v4, vm0, $0xb8;
	[tilespmem:$0x10800] =	vst v63  }
0x25a: {  	_ = 	snop  }
0x25b: {  	[tilespmem:s12], [sflag:$0x3] =	stream.indirect_vreg.gather [hbm4b:s3+s4], $0x80, v3, vm0, $0xb8;
	[tilespmem:$0x10800] =	vst v63  }
0x25c: {  	_ =	swait.ge [sflag:s17], $0x4000  }
0x25d: {  	[sflag:s17] =	ssyncset.done $0x0  }
0x25e: {  	s31 =	rddreg [dreg:$0x1c];
	[sflag:s17] =	ssyncadd.s32 $0xFFFFC000  }
0x25f: {  	[hbm4b:s31+s4] =	stream.linear.scatter [tilespmem:s2], [sflag:$0x5], $0x4000, $0x38;
	[tilespmem:$0x10800] =	vst v63  }
0x260: {  	_ =	swait.ge [sflag:s6], $0x4000  }
0x261: {  	[sflag:s6] =	ssyncset.done $0x0  }
0x262: {  	[sflag:s6] =	ssyncadd.s32 $0xFFFFC000  }
0x263: {  	_ =	swait.ge [sflag:s18], $0x4000  }
0x264: {  	[sflag:s18] =	ssyncset.done $0x0  }
0x265: {  	s24 =	rddreg [dreg:$0x1d];
	[sflag:s18] =	ssyncadd.s32 $0xFFFFC000  }
0x266: {  	[hbm4b:s24+s4] =	stream.linear.scatter [tilespmem:s0], [sflag:$0x5], $0x4000, $0x38;
	[tilespmem:$0x10800] =	vst v63  }
0x267: {  	_ =	swait.ge [sflag:s6], $0x4000  }
0x268: {  	[sflag:s6] =	ssyncset.done $0x0  }
0x269: {  	[sflag:s6] =	ssyncadd.s32 $0xFFFFC000  }
0x26a: {  	v3 =	vld [tilespmem:$0x280];
	_ =	sdelay $0x4  }
0x26b: {  	v40 =	vshll.u32 v3, $0x1  }
0x26c: {  	v3 =	vand.u32 $0x7, v3;
	v4 =	vand.u32 $0xFFFFFFF0, v40  }
0x26d: {  	v3 =	vor.u32 v3, v4  }
0x26e: {  	v4 =	vperm.xlane v3, v0;
	_ =	sdelay $0x1  }
0x26f: {  	v3 =	vperm.xlane v3, v2;
	v4 =	vadd.s32 v1, v4;
	_ =	sdelay $0x1  }
0x270: {  	v3 =	vadd.s32 v1, v3;
	_ =	sdelay $0x2  }
0x271: {  	[tilespmem:s2], [sflag:$0x2] =	stream.indirect_vreg.gather [hbm4b:s1+s4], $0x80, v4, vm0, $0xb8;
	[tilespmem:$0x10800] =	vst v63  }
0x272: {  	s8 =	simm.s32 $0x5000  }
0x273: {  	[tilespmem:s8], [sflag:$0x2] =	stream.indirect_vreg.gather [hbm4b:s1+s4], $0x80, v3, vm0, $0xb8;
	[tilespmem:$0x10800] =	vst v63  }
0x274: {  	v3 =	vld [tilespmem:$0x290];
	_ =	sdelay $0x4  }
0x275: {  	v41 =	vshll.u32 v3, $0x1  }
0x276: {  	v3 =	vand.u32 $0x7, v3;
	v4 =	vand.u32 $0xFFFFFFF0, v41  }
0x277: {  	v3 =	vor.u32 v3, v4  }
0x278: {  	v4 =	vperm.xlane v3, v0;
	_ =	sdelay $0x1  }
0x279: {  	v3 =	vperm.xlane v3, v2;
	v4 =	vadd.s32 v1, v4;
	_ =	sdelay $0x1  }
0x27a: {  	v3 =	vadd.s32 v1, v3;
	_ =	sdelay $0x2  }
0x27b: {  	[tilespmem:s9], [sflag:$0x2] =	stream.indirect_vreg.gather [hbm4b:s1+s4], $0x80, v4, vm0, $0xb8;
	[tilespmem:$0x10800] =	vst v63  }
0x27c: {  	s30 =	simm.s32 $0x6000  }
0x27d: {  	[tilespmem:s30], [sflag:$0x2] =	stream.indirect_vreg.gather [hbm4b:s1+s4], $0x80, v3, vm0, $0xb8;
	[tilespmem:$0x10800] =	vst v63  }
0x27e: {  	v3 =	vld [tilespmem:$0x2A0];
	_ =	sdelay $0x4  }
0x27f: {  	v42 =	vshll.u32 v3, $0x1  }
0x280: {  	v3 =	vand.u32 $0x7, v3;
	v4 =	vand.u32 $0xFFFFFFF0, v42  }
0x281: {  	v3 =	vor.u32 v3, v4  }
0x282: {  	v4 =	vperm.xlane v3, v0;
	_ =	sdelay $0x1  }
0x283: {  	v3 =	vperm.xlane v3, v2;
	v4 =	vadd.s32 v1, v4;
	_ =	sdelay $0x1  }
0x284: {  	v3 =	vadd.s32 v1, v3;
	_ =	sdelay $0x1  }
0x285: {  	s20 =	simm.s32 $0x6800  }
0x286: {  	[tilespmem:s20], [sflag:$0x2] =	stream.indirect_vreg.gather [hbm4b:s1+s4], $0x80, v4, vm0, $0xb8;
	[tilespmem:$0x10800] =	vst v63  }
0x287: {  	s31 =	simm.s32 $0x7000  }
0x288: {  	[tilespmem:s31], [sflag:$0x2] =	stream.indirect_vreg.gather [hbm4b:s1+s4], $0x80, v3, vm0, $0xb8;
	[tilespmem:$0x10800] =	vst v63  }
0x289: {  	v3 =	vld [tilespmem:$0x2B0];
	_ =	sdelay $0x4  }
0x28a: {  	v43 =	vshll.u32 v3, $0x1  }
0x28b: {  	v3 =	vand.u32 $0x7, v3;
	v4 =	vand.u32 $0xFFFFFFF0, v43  }
0x28c: {  	v3 =	vor.u32 v3, v4  }
0x28d: {  	v4 =	vperm.xlane v3, v0;
	_ =	sdelay $0x1  }
0x28e: {  	v3 =	vperm.xlane v3, v2;
	v4 =	vadd.s32 v1, v4;
	_ =	sdelay $0x1  }
0x28f: {  	v3 =	vadd.s32 v1, v3;
	_ =	sdelay $0x1  }
0x290: {  	s10 =	simm.s32 $0x7800  }
0x291: {  	[tilespmem:s10], [sflag:$0x2] =	stream.indirect_vreg.gather [hbm4b:s1+s4], $0x80, v4, vm0, $0xb8;
	[tilespmem:$0x10800] =	vst v63  }
0x292: {  	s19 =	simm.s32 $0x8000  }
0x293: {  	[tilespmem:s19], [sflag:$0x2] =	stream.indirect_vreg.gather [hbm4b:s1+s4], $0x80, v3, vm0, $0xb8;
	[tilespmem:$0x10800] =	vst v63  }
0x294: {  	v3 =	vld [tilespmem:$0x680];
	_ =	sdelay $0x4  }
0x295: {  	v44 =	vshll.u32 v3, $0x1  }
0x296: {  	v3 =	vand.u32 $0x7, v3;
	v4 =	vand.u32 $0xFFFFFFF0, v44  }
0x297: {  	v3 =	vor.u32 v3, v4  }
0x298: {  	v4 =	vperm.xlane v3, v0;
	_ =	sdelay $0x1  }
0x299: {  	v3 =	vperm.xlane v3, v2;
	v4 =	vadd.s32 v1, v4;
	_ =	sdelay $0x1  }
0x29a: {  	v3 =	vadd.s32 v1, v3;
	_ =	sdelay $0x2  }
0x29b: {  	[tilespmem:s0], [sflag:$0x4] =	stream.indirect_vreg.gather [hbm4b:s3+s4], $0x80, v4, vm0, $0xb8;
	[tilespmem:$0x10800] =	vst v63  }
0x29c: {  	s24 =	simm.s32 $0xD000  }
0x29d: {  	[tilespmem:s24], [sflag:$0x4] =	stream.indirect_vreg.gather [hbm4b:s3+s4], $0x80, v3, vm0, $0xb8;
	[tilespmem:$0x10800] =	vst v63  }
0x29e: {  	v3 =	vld [tilespmem:$0x690];
	_ =	sdelay $0x4  }
0x29f: {  	v45 =	vshll.u32 v3, $0x1  }
0x2a0: {  	v3 =	vand.u32 $0x7, v3;
	v4 =	vand.u32 $0xFFFFFFF0, v45  }
0x2a1: {  	v3 =	vor.u32 v3, v4  }
0x2a2: {  	v4 =	vperm.xlane v3, v0;
	_ =	sdelay $0x1  }
0x2a3: {  	v3 =	vperm.xlane v3, v2;
	v4 =	vadd.s32 v1, v4;
	_ =	sdelay $0x1  }
0x2a4: {  	v3 =	vadd.s32 v1, v3;
	_ =	sdelay $0x1  }
0x2a5: {  	s11 =	simm.s32 $0xD800  }
0x2a6: {  	[tilespmem:s11], [sflag:$0x4] =	stream.indirect_vreg.gather [hbm4b:s3+s4], $0x80, v4, vm0, $0xb8;
	[tilespmem:$0x10800] =	vst v63  }
0x2a7: {  	s19 =	simm.s32 $0xE000  }
0x2a8: {  	[tilespmem:s19], [sflag:$0x4] =	stream.indirect_vreg.gather [hbm4b:s3+s4], $0x80, v3, vm0, $0xb8;
	[tilespmem:$0x10800] =	vst v63  }
0x2a9: {  	v3 =	vld [tilespmem:$0x6A0];
	_ =	sdelay $0x4  }
0x2aa: {  	v46 =	vshll.u32 v3, $0x1  }
0x2ab: {  	v3 =	vand.u32 $0x7, v3;
	v4 =	vand.u32 $0xFFFFFFF0, v46  }
0x2ac: {  	v3 =	vor.u32 v3, v4  }
0x2ad: {  	v4 =	vperm.xlane v3, v0;
	_ =	sdelay $0x1  }
0x2ae: {  	v3 =	vperm.xlane v3, v2;
	v4 =	vadd.s32 v1, v4;
	_ =	sdelay $0x1  }
0x2af: {  	v3 =	vadd.s32 v1, v3;
	_ =	sdelay $0x1  }
0x2b0: {  	s21 =	simm.s32 $0xE800  }
0x2b1: {  	[tilespmem:s21], [sflag:$0x4] =	stream.indirect_vreg.gather [hbm4b:s3+s4], $0x80, v4, vm0, $0xb8;
	[tilespmem:$0x10800] =	vst v63  }
0x2b2: {  	s21 =	simm.s32 $0xF000  }
0x2b3: {  	[tilespmem:s21], [sflag:$0x4] =	stream.indirect_vreg.gather [hbm4b:s3+s4], $0x80, v3, vm0, $0xb8;
	[tilespmem:$0x10800] =	vst v63  }
0x2b4: {  	v3 =	vld [tilespmem:$0x6B0];
	_ =	sdelay $0x4  }
0x2b5: {  	v47 =	vshll.u32 v3, $0x1  }
0x2b6: {  	v3 =	vand.u32 $0x7, v3;
	v4 =	vand.u32 $0xFFFFFFF0, v47  }
0x2b7: {  	v3 =	vor.u32 v3, v4  }
0x2b8: {  	v4 =	vperm.xlane v3, v0;
	_ =	sdelay $0x1  }
0x2b9: {  	v3 =	vperm.xlane v3, v2;
	v4 =	vadd.s32 v1, v4;
	_ =	sdelay $0x1  }
0x2ba: {  	v3 =	vadd.s32 v1, v3;
	_ =	sdelay $0x1  }
0x2bb: {  	s22 =	simm.s32 $0xF800  }
0x2bc: {  	[tilespmem:s22], [sflag:$0x4] =	stream.indirect_vreg.gather [hbm4b:s3+s4], $0x80, v4, vm0, $0xb8;
	[tilespmem:$0x10800] =	vst v63  }
0x2bd: {  	s22 =	simm.s32 $0x10000  }
0x2be: {  	[tilespmem:s22], [sflag:$0x4] =	stream.indirect_vreg.gather [hbm4b:s3+s4], $0x80, v3, vm0, $0xb8;
	[tilespmem:$0x10800] =	vst v63  }
0x2bf: {  	_ =	swait.ge [sflag:s13], $0x4000  }
0x2c0: {  	[sflag:s13] =	ssyncset.done $0x0  }
0x2c1: {  	s19 =	rddreg [dreg:$0x1e];
	[sflag:s13] =	ssyncadd.s32 $0xFFFFC000  }
0x2c2: {  	[hbm4b:s19+s4] =	stream.linear.scatter [tilespmem:s15], [sflag:$0x5], $0x4000, $0x38;
	[tilespmem:$0x10800] =	vst v63  }
0x2c3: {  	_ =	swait.ge [sflag:s6], $0x4000  }
0x2c4: {  	[sflag:s6] =	ssyncset.done $0x0  }
0x2c5: {  	[sflag:s6] =	ssyncadd.s32 $0xFFFFC000  }
0x2c6: {  	_ =	swait.ge [sflag:s16], $0x4000  }
0x2c7: {  	[sflag:s16] =	ssyncset.done $0x0  }
0x2c8: {  	s19 =	rddreg [dreg:$0x1f];
	[sflag:s16] =	ssyncadd.s32 $0xFFFFC000  }
0x2c9: {  	[hbm4b:s19+s4] =	stream.linear.scatter [tilespmem:s23], [sflag:$0x5], $0x4000, $0x38;
	[tilespmem:$0x10800] =	vst v63  }
0x2ca: {  	_ =	swait.ge [sflag:s6], $0x4000  }
0x2cb: {  	[sflag:s6] =	ssyncset.done $0x0  }
0x2cc: {  	[sflag:s6] =	ssyncadd.s32 $0xFFFFC000  }
0x2cd: {  	v3 =	vld [tilespmem:$0x300];
	_ =	sdelay $0x4  }
0x2ce: {  	v48 =	vshll.u32 v3, $0x1  }
0x2cf: {  	v3 =	vand.u32 $0x7, v3;
	v4 =	vand.u32 $0xFFFFFFF0, v48  }
0x2d0: {  	v3 =	vor.u32 v3, v4  }
0x2d1: {  	v4 =	vperm.xlane v3, v0;
	_ =	sdelay $0x1  }
0x2d2: {  	v3 =	vperm.xlane v3, v2;
	v4 =	vadd.s32 v1, v4;
	_ =	sdelay $0x1  }
0x2d3: {  	v3 =	vadd.s32 v1, v3;
	_ =	sdelay $0x2  }
0x2d4: {  	[tilespmem:s15], [sflag:$0x1] =	stream.indirect_vreg.gather [hbm4b:s1+s4], $0x80, v4, vm0, $0xb8;
	[tilespmem:$0x10800] =	vst v63  }
0x2d5: {  	s19 =	simm.s32 $0x1000  }
0x2d6: {  	[tilespmem:s19], [sflag:$0x1] =	stream.indirect_vreg.gather [hbm4b:s1+s4], $0x80, v3, vm0, $0xb8;
	[tilespmem:$0x10800] =	vst v63  }
0x2d7: {  	v3 =	vld [tilespmem:$0x310];
	_ =	sdelay $0x4  }
0x2d8: {  	v49 =	vshll.u32 v3, $0x1  }
0x2d9: {  	v3 =	vand.u32 $0x7, v3;
	v4 =	vand.u32 $0xFFFFFFF0, v49  }
0x2da: {  	v3 =	vor.u32 v3, v4  }
0x2db: {  	v4 =	vperm.xlane v3, v0;
	_ =	sdelay $0x1  }
0x2dc: {  	v3 =	vperm.xlane v3, v2;
	v4 =	vadd.s32 v1, v4;
	_ =	sdelay $0x1  }
0x2dd: {  	v3 =	vadd.s32 v1, v3;
	_ =	sdelay $0x1  }
0x2de: {  	s25 =	simm.s32 $0x1800  }
0x2df: {  	[tilespmem:s25], [sflag:$0x1] =	stream.indirect_vreg.gather [hbm4b:s1+s4], $0x80, v4, vm0, $0xb8;
	[tilespmem:$0x10800] =	vst v63  }
0x2e0: {  	s25 =	simm.s32 $0x2000  }
0x2e1: {  	[tilespmem:s25], [sflag:$0x1] =	stream.indirect_vreg.gather [hbm4b:s1+s4], $0x80, v3, vm0, $0xb8;
	[tilespmem:$0x10800] =	vst v63  }
0x2e2: {  	v3 =	vld [tilespmem:$0x320];
	_ =	sdelay $0x4  }
0x2e3: {  	v50 =	vshll.u32 v3, $0x1  }
0x2e4: {  	v3 =	vand.u32 $0x7, v3;
	v4 =	vand.u32 $0xFFFFFFF0, v50  }
0x2e5: {  	v3 =	vor.u32 v3, v4  }
0x2e6: {  	v4 =	vperm.xlane v3, v0;
	_ =	sdelay $0x1  }
0x2e7: {  	v3 =	vperm.xlane v3, v2;
	v4 =	vadd.s32 v1, v4;
	_ =	sdelay $0x1  }
0x2e8: {  	v3 =	vadd.s32 v1, v3;
	_ =	sdelay $0x1  }
0x2e9: {  	s26 =	simm.s32 $0x2800  }
0x2ea: {  	[tilespmem:s26], [sflag:$0x1] =	stream.indirect_vreg.gather [hbm4b:s1+s4], $0x80, v4, vm0, $0xb8;
	[tilespmem:$0x10800] =	vst v63  }
0x2eb: {  	s26 =	simm.s32 $0x3000  }
0x2ec: {  	[tilespmem:s26], [sflag:$0x1] =	stream.indirect_vreg.gather [hbm4b:s1+s4], $0x80, v3, vm0, $0xb8;
	[tilespmem:$0x10800] =	vst v63  }
0x2ed: {  	v3 =	vld [tilespmem:$0x330];
	_ =	sdelay $0x4  }
0x2ee: {  	v51 =	vshll.u32 v3, $0x1  }
0x2ef: {  	v3 =	vand.u32 $0x7, v3;
	v4 =	vand.u32 $0xFFFFFFF0, v51  }
0x2f0: {  	v3 =	vor.u32 v3, v4  }
0x2f1: {  	v4 =	vperm.xlane v3, v0;
	_ =	sdelay $0x1  }
0x2f2: {  	v3 =	vperm.xlane v3, v2;
	v4 =	vadd.s32 v1, v4;
	_ =	sdelay $0x1  }
0x2f3: {  	v3 =	vadd.s32 v1, v3;
	_ =	sdelay $0x1  }
0x2f4: {  	s28 =	simm.s32 $0x3800  }
0x2f5: {  	[tilespmem:s28], [sflag:$0x1] =	stream.indirect_vreg.gather [hbm4b:s1+s4], $0x80, v4, vm0, $0xb8;
	[tilespmem:$0x10800] =	vst v63  }
0x2f6: {  	s28 =	simm.s32 $0x4000  }
0x2f7: {  	[tilespmem:s28], [sflag:$0x1] =	stream.indirect_vreg.gather [hbm4b:s1+s4], $0x80, v3, vm0, $0xb8;
	[tilespmem:$0x10800] =	vst v63  }
0x2f8: {  	v3 =	vld [tilespmem:$0x700];
	_ =	sdelay $0x4  }
0x2f9: {  	v52 =	vshll.u32 v3, $0x1  }
0x2fa: {  	v3 =	vand.u32 $0x7, v3;
	v4 =	vand.u32 $0xFFFFFFF0, v52  }
0x2fb: {  	v3 =	vor.u32 v3, v4  }
0x2fc: {  	v4 =	vperm.xlane v3, v0;
	_ =	sdelay $0x1  }
0x2fd: {  	v3 =	vperm.xlane v3, v2;
	v4 =	vadd.s32 v1, v4;
	_ =	sdelay $0x1  }
0x2fe: {  	v3 =	vadd.s32 v1, v3;
	_ =	sdelay $0x2  }
0x2ff: {  	[tilespmem:s23], [sflag:$0x3] =	stream.indirect_vreg.gather [hbm4b:s3+s4], $0x80, v4, vm0, $0xb8;
	[tilespmem:$0x10800] =	vst v63  }
0x300: {  	s25 =	simm.s32 $0x9000  }
0x301: {  	[tilespmem:s25], [sflag:$0x3] =	stream.indirect_vreg.gather [hbm4b:s3+s4], $0x80, v3, vm0, $0xb8;
	[tilespmem:$0x10800] =	vst v63  }
0x302: {  	v3 =	vld [tilespmem:$0x710];
	_ =	sdelay $0x4  }
0x303: {  	v53 =	vshll.u32 v3, $0x1  }
0x304: {  	v3 =	vand.u32 $0x7, v3;
	v4 =	vand.u32 $0xFFFFFFF0, v53  }
0x305: {  	v3 =	vor.u32 v3, v4  }
0x306: {  	v4 =	vperm.xlane v3, v0;
	_ =	sdelay $0x1  }
0x307: {  	v3 =	vperm.xlane v3, v2;
	v4 =	vadd.s32 v1, v4;
	_ =	sdelay $0x1  }
0x308: {  	v3 =	vadd.s32 v1, v3;
	_ =	sdelay $0x1  }
0x309: {  	s26 =	simm.s32 $0x9800  }
0x30a: {  	[tilespmem:s26], [sflag:$0x3] =	stream.indirect_vreg.gather [hbm4b:s3+s4], $0x80, v4, vm0, $0xb8;
	[tilespmem:$0x10800] =	vst v63  }
0x30b: {  	s28 =	simm.s32 $0xA000  }
0x30c: {  	[tilespmem:s28], [sflag:$0x3] =	stream.indirect_vreg.gather [hbm4b:s3+s4], $0x80, v3, vm0, $0xb8;
	[tilespmem:$0x10800] =	vst v63  }
0x30d: {  	v3 =	vld [tilespmem:$0x720];
	_ =	sdelay $0x4  }
0x30e: {  	v54 =	vshll.u32 v3, $0x1  }
0x30f: {  	v3 =	vand.u32 $0x7, v3;
	v4 =	vand.u32 $0xFFFFFFF0, v54  }
0x310: {  	v3 =	vor.u32 v3, v4  }
0x311: {  	v4 =	vperm.xlane v3, v0;
	_ =	sdelay $0x1  }
0x312: {  	v3 =	vperm.xlane v3, v2;
	v4 =	vadd.s32 v1, v4;
	_ =	sdelay $0x1  }
0x313: {  	v3 =	vadd.s32 v1, v3;
	_ =	sdelay $0x1  }
0x314: {  	s29 =	simm.s32 $0xA800  }
0x315: {  	[tilespmem:s29], [sflag:$0x3] =	stream.indirect_vreg.gather [hbm4b:s3+s4], $0x80, v4, vm0, $0xb8;
	[tilespmem:$0x10800] =	vst v63  }
0x316: {  	s7 =	simm.s32 $0xB000  }
0x317: {  	[tilespmem:s7], [sflag:$0x3] =	stream.indirect_vreg.gather [hbm4b:s3+s4], $0x80, v3, vm0, $0xb8;
	[tilespmem:$0x10800] =	vst v63  }
0x318: {  	v3 =	vld [tilespmem:$0x730];
	_ =	sdelay $0x4  }
0x319: {  	v55 =	vshll.u32 v3, $0x1  }
0x31a: {  	v3 =	vand.u32 $0x7, v3;
	v4 =	vand.u32 $0xFFFFFFF0, v55  }
0x31b: {  	v3 =	vor.u32 v3, v4  }
0x31c: {  	v4 =	vperm.xlane v3, v0;
	_ =	sdelay $0x1  }
0x31d: {  	v3 =	vperm.xlane v3, v2;
	v4 =	vadd.s32 v1, v4;
	_ =	sdelay $0x1  }
0x31e: {  	v3 =	vadd.s32 v1, v3;
	_ =	sdelay $0x1  }
0x31f: {  	s14 =	simm.s32 $0xB800  }
0x320: {  	[tilespmem:s14], [sflag:$0x3] =	stream.indirect_vreg.gather [hbm4b:s3+s4], $0x80, v4, vm0, $0xb8;
	[tilespmem:$0x10800] =	vst v63  }
0x321: {  	s12 =	simm.s32 $0xC000  }
0x322: {  	[tilespmem:s12], [sflag:$0x3] =	stream.indirect_vreg.gather [hbm4b:s3+s4], $0x80, v3, vm0, $0xb8;
	[tilespmem:$0x10800] =	vst v63  }
0x323: {  	_ =	swait.ge [sflag:s17], $0x4000  }
0x324: {  	s7 =	sld [smem:$0x7E9]  }
0x325: {  	[sflag:s17] =	ssyncset.done $0x0  }
0x326: {  	[sflag:s17] =	ssyncadd.s32 $0xFFFFC000  }
0x327: {  	[hbm4b:s7+s4] =	stream.linear.scatter [tilespmem:s2], [sflag:$0x5], $0x4000, $0x38;
	[tilespmem:$0x10800] =	vst v63  }
0x328: {  	_ =	swait.ge [sflag:s6], $0x4000  }
0x329: {  	[sflag:s6] =	ssyncset.done $0x0  }
0x32a: {  	[sflag:s6] =	ssyncadd.s32 $0xFFFFC000  }
0x32b: {  	_ =	swait.ge [sflag:s18], $0x4000  }
0x32c: {  	s12 =	sld [smem:$0x7EA]  }
0x32d: {  	[sflag:s18] =	ssyncset.done $0x0  }
0x32e: {  	[sflag:s18] =	ssyncadd.s32 $0xFFFFC000  }
0x32f: {  	[hbm4b:s12+s4] =	stream.linear.scatter [tilespmem:s0], [sflag:$0x5], $0x4000, $0x38;
	[tilespmem:$0x10800] =	vst v63  }
0x330: {  	_ =	swait.ge [sflag:s6], $0x4000  }
0x331: {  	[sflag:s6] =	ssyncset.done $0x0  }
0x332: {  	[sflag:s6] =	ssyncadd.s32 $0xFFFFC000  }
0x333: {  	v3 =	vld [tilespmem:$0x380];
	_ =	sdelay $0x4  }
0x334: {  	v56 =	vshll.u32 v3, $0x1  }
0x335: {  	v3 =	vand.u32 $0x7, v3;
	v4 =	vand.u32 $0xFFFFFFF0, v56  }
0x336: {  	v3 =	vor.u32 v3, v4  }
0x337: {  	v4 =	vperm.xlane v3, v0;
	_ =	sdelay $0x1  }
0x338: {  	v3 =	vperm.xlane v3, v2;
	v4 =	vadd.s32 v1, v4;
	_ =	sdelay $0x1  }
0x339: {  	v3 =	vadd.s32 v1, v3;
	_ =	sdelay $0x2  }
0x33a: {  	[tilespmem:s2], [sflag:$0x2] =	stream.indirect_vreg.gather [hbm4b:s1+s4], $0x80, v4, vm0, $0xb8;
	[tilespmem:$0x10800] =	vst v63  }
0x33b: {  	s14 =	simm.s32 $0x5000  }
0x33c: {  	[tilespmem:s14], [sflag:$0x2] =	stream.indirect_vreg.gather [hbm4b:s1+s4], $0x80, v3, vm0, $0xb8;
	[tilespmem:$0x10800] =	vst v63  }
0x33d: {  	v3 =	vld [tilespmem:$0x390];
	_ =	sdelay $0x4  }
0x33e: {  	v57 =	vshll.u32 v3, $0x1  }
0x33f: {  	v3 =	vand.u32 $0x7, v3;
	v4 =	vand.u32 $0xFFFFFFF0, v57  }
0x340: {  	v3 =	vor.u32 v3, v4  }
0x341: {  	v4 =	vperm.xlane v3, v0;
	_ =	sdelay $0x1  }
0x342: {  	v3 =	vperm.xlane v3, v2;
	v4 =	vadd.s32 v1, v4;
	_ =	sdelay $0x1  }
0x343: {  	v3 =	vadd.s32 v1, v3;
	_ =	sdelay $0x1  }
0x344: {  	s8 =	simm.s32 $0x5800  }
0x345: {  	[tilespmem:s8], [sflag:$0x2] =	stream.indirect_vreg.gather [hbm4b:s1+s4], $0x80, v4, vm0, $0xb8;
	[tilespmem:$0x10800] =	vst v63  }
0x346: {  	s19 =	simm.s32 $0x6000  }
0x347: {  	[tilespmem:s19], [sflag:$0x2] =	stream.indirect_vreg.gather [hbm4b:s1+s4], $0x80, v3, vm0, $0xb8;
	[tilespmem:$0x10800] =	vst v63  }
0x348: {  	v3 =	vld [tilespmem:$0x3A0];
	_ =	sdelay $0x4  }
0x349: {  	v58 =	vshll.u32 v3, $0x1  }
0x34a: {  	v3 =	vand.u32 $0x7, v3;
	v4 =	vand.u32 $0xFFFFFFF0, v58  }
0x34b: {  	v3 =	vor.u32 v3, v4  }
0x34c: {  	v4 =	vperm.xlane v3, v0;
	_ =	sdelay $0x1  }
0x34d: {  	v3 =	vperm.xlane v3, v2;
	v4 =	vadd.s32 v1, v4;
	_ =	sdelay $0x1  }
0x34e: {  	v3 =	vadd.s32 v1, v3;
	_ =	sdelay $0x1  }
0x34f: {  	s9 =	simm.s32 $0x6800  }
0x350: {  	[tilespmem:s9], [sflag:$0x2] =	stream.indirect_vreg.gather [hbm4b:s1+s4], $0x80, v4, vm0, $0xb8;
	[tilespmem:$0x10800] =	vst v63  }
0x351: {  	s30 =	simm.s32 $0x7000  }
0x352: {  	[tilespmem:s30], [sflag:$0x2] =	stream.indirect_vreg.gather [hbm4b:s1+s4], $0x80, v3, vm0, $0xb8;
	[tilespmem:$0x10800] =	vst v63  }
0x353: {  	v3 =	vld [tilespmem:$0x3B0];
	_ =	sdelay $0x4  }
0x354: {  	v59 =	vshll.u32 v3, $0x1  }
0x355: {  	v3 =	vand.u32 $0x7, v3;
	v4 =	vand.u32 $0xFFFFFFF0, v59  }
0x356: {  	v3 =	vor.u32 v3, v4  }
0x357: {  	v4 =	vperm.xlane v3, v0;
	_ =	sdelay $0x1  }
0x358: {  	v3 =	vperm.xlane v3, v2;
	v4 =	vadd.s32 v1, v4;
	_ =	sdelay $0x1  }
0x359: {  	v3 =	vadd.s32 v1, v3;
	_ =	sdelay $0x1  }
0x35a: {  	s20 =	simm.s32 $0x7800  }
0x35b: {  	[tilespmem:s20], [sflag:$0x2] =	stream.indirect_vreg.gather [hbm4b:s1+s4], $0x80, v4, vm0, $0xb8;
	[tilespmem:$0x10800] =	vst v63  }
0x35c: {  	s31 =	simm.s32 $0x8000  }
0x35d: {  	[tilespmem:s31], [sflag:$0x2] =	stream.indirect_vreg.gather [hbm4b:s1+s4], $0x80, v3, vm0, $0xb8;
	[tilespmem:$0x10800] =	vst v63  }
0x35e: {  	v3 =	vld [tilespmem:$0x780];
	_ =	sdelay $0x4  }
0x35f: {  	v60 =	vshll.u32 v3, $0x1  }
0x360: {  	v3 =	vand.u32 $0x7, v3;
	v4 =	vand.u32 $0xFFFFFFF0, v60  }
0x361: {  	v3 =	vor.u32 v3, v4  }
0x362: {  	v4 =	vperm.xlane v3, v0;
	_ =	sdelay $0x1  }
0x363: {  	v3 =	vperm.xlane v3, v2;
	v4 =	vadd.s32 v1, v4;
	_ =	sdelay $0x1  }
0x364: {  	v3 =	vadd.s32 v1, v3;
	_ =	sdelay $0x2  }
0x365: {  	[tilespmem:s0], [sflag:$0x4] =	stream.indirect_vreg.gather [hbm4b:s3+s4], $0x80, v4, vm0, $0xb8;
	[tilespmem:$0x10800] =	vst v63  }
0x366: {  	s24 =	simm.s32 $0xD000  }
0x367: {  	[tilespmem:s24], [sflag:$0x4] =	stream.indirect_vreg.gather [hbm4b:s3+s4], $0x80, v3, vm0, $0xb8;
	[tilespmem:$0x10800] =	vst v63  }
0x368: {  	v3 =	vld [tilespmem:$0x790];
	_ =	sdelay $0x4  }
0x369: {  	v61 =	vshll.u32 v3, $0x1  }
0x36a: {  	v3 =	vand.u32 $0x7, v3;
	v4 =	vand.u32 $0xFFFFFFF0, v61  }
0x36b: {  	v3 =	vor.u32 v3, v4  }
0x36c: {  	v4 =	vperm.xlane v3, v0;
	_ =	sdelay $0x1  }
0x36d: {  	v3 =	vperm.xlane v3, v2;
	v4 =	vadd.s32 v1, v4;
	_ =	sdelay $0x1  }
0x36e: {  	v3 =	vadd.s32 v1, v3;
	_ =	sdelay $0x1  }
0x36f: {  	s10 =	simm.s32 $0xD800  }
0x370: {  	[tilespmem:s10], [sflag:$0x4] =	stream.indirect_vreg.gather [hbm4b:s3+s4], $0x80, v4, vm0, $0xb8;
	[tilespmem:$0x10800] =	vst v63  }
0x371: {  	s25 =	simm.s32 $0xE000  }
0x372: {  	[tilespmem:s25], [sflag:$0x4] =	stream.indirect_vreg.gather [hbm4b:s3+s4], $0x80, v3, vm0, $0xb8;
	[tilespmem:$0x10800] =	vst v63  }
0x373: {  	v3 =	vld [tilespmem:$0x7A0];
	_ =	sdelay $0x4  }
0x374: {  	v62 =	vshll.u32 v3, $0x1  }
0x375: {  	v3 =	vand.u32 $0x7, v3;
	v4 =	vand.u32 $0xFFFFFFF0, v62  }
0x376: {  	v3 =	vor.u32 v3, v4  }
0x377: {  	v4 =	vperm.xlane v3, v0;
	_ =	sdelay $0x1  }
0x378: {  	v3 =	vperm.xlane v3, v2;
	v4 =	vadd.s32 v1, v4;
	_ =	sdelay $0x1  }
0x379: {  	v3 =	vadd.s32 v1, v3;
	_ =	sdelay $0x1  }
0x37a: {  	s11 =	simm.s32 $0xE800  }
0x37b: {  	[tilespmem:s11], [sflag:$0x4] =	stream.indirect_vreg.gather [hbm4b:s3+s4], $0x80, v4, vm0, $0xb8;
	[tilespmem:$0x10800] =	vst v63  }
0x37c: {  	s26 =	simm.s32 $0xF000  }
0x37d: {  	[tilespmem:s26], [sflag:$0x4] =	stream.indirect_vreg.gather [hbm4b:s3+s4], $0x80, v3, vm0, $0xb8;
	[tilespmem:$0x10800] =	vst v63  }
0x37e: {  	v3 =	vld [tilespmem:$0x7B0];
	_ =	sdelay $0x4  }
0x37f: {  	v63 =	vshll.u32 v3, $0x1  }
0x380: {  	v3 =	vand.u32 $0x7, v3;
	v4 =	vand.u32 $0xFFFFFFF0, v63  }
0x381: {  	v3 =	vor.u32 v3, v4  }
0x382: {  	v4 =	vperm.xlane v3, v0;
	_ =	sdelay $0x1  }
0x383: {  	v3 =	vperm.xlane v3, v2;
	v4 =	vadd.s32 v1, v4;
	_ =	sdelay $0x1  }
0x384: {  	v3 =	vadd.s32 v1, v3;
	_ =	sdelay $0x1  }
0x385: {  	s21 =	simm.s32 $0xF800  }
0x386: {  	[tilespmem:s21], [sflag:$0x4] =	stream.indirect_vreg.gather [hbm4b:s3+s4], $0x80, v4, vm0, $0xb8;
	[tilespmem:$0x10800] =	vst v63  }
0x387: {  	s22 =	simm.s32 $0x10000  }
0x388: {  	[tilespmem:s22], [sflag:$0x4] =	stream.indirect_vreg.gather [hbm4b:s3+s4], $0x80, v3, vm0, $0xb8;
	[tilespmem:$0x10800] =	vst v63  }
0x389: {  	_ =	swait.ge [sflag:s13], $0x4000  }
0x38a: {  	s28 =	sld [smem:$0x7EB]  }
0x38b: {  	[sflag:s13] =	ssyncset.done $0x0  }
0x38c: {  	[sflag:s13] =	ssyncadd.s32 $0xFFFFC000  }
0x38d: {  	[hbm4b:s28+s4] =	stream.linear.scatter [tilespmem:s15], [sflag:$0x5], $0x4000, $0x38;
	[tilespmem:$0x10800] =	vst v63  }
0x38e: {  	_ =	swait.ge [sflag:s6], $0x4000  }
0x38f: {  	[sflag:s6] =	ssyncset.done $0x0  }
0x390: {  	[sflag:s6] =	ssyncadd.s32 $0xFFFFC000  }
0x391: {  	_ =	swait.ge [sflag:s16], $0x4000  }
0x392: {  	s29 =	sld [smem:$0x7EC]  }
0x393: {  	[sflag:s16] =	ssyncset.done $0x0  }
0x394: {  	[sflag:s16] =	ssyncadd.s32 $0xFFFFC000  }
0x395: {  	[hbm4b:s29+s4] =	stream.linear.scatter [tilespmem:s23], [sflag:$0x5], $0x4000, $0x38;
	[tilespmem:$0x10800] =	vst v63  }
0x396: {  	_ =	swait.ge [sflag:s6], $0x4000  }
0x397: {  	[sflag:s6] =	ssyncset.done $0x0  }
0x398: {  	[sflag:s6] =	ssyncadd.s32 $0xFFFFC000  }
0x399: {  	_ =	swait.ge [sflag:s17], $0x4000  }
0x39a: {  	s30 =	sld [smem:$0x7ED]  }
0x39b: {  	[sflag:s17] =	ssyncset.done $0x0  }
0x39c: {  	[sflag:s17] =	ssyncadd.s32 $0xFFFFC000  }
0x39d: {  	[hbm4b:s30+s4] =	stream.linear.scatter [tilespmem:s2], [sflag:$0x5], $0x4000, $0x38;
	[tilespmem:$0x10800] =	vst v63  }
0x39e: {  	_ =	swait.ge [sflag:s6], $0x4000  }
0x39f: {  	[sflag:s6] =	ssyncset.done $0x0  }
0x3a0: {  	[sflag:s6] =	ssyncadd.s32 $0xFFFFC000  }
0x3a1: {  	_ =	swait.ge [sflag:s18], $0x4000  }
0x3a2: {  	s31 =	sld [smem:$0x7EE]  }
0x3a3: {  	p0 =	sne.s32 s5, $0x1;
	[sflag:s18] =	ssyncset.done $0x0  }
.Ltmp0:
0x3a4: {  	[sflag:s18] =	ssyncadd.s32 $0xFFFFC000;
	(pc) =	sbr.rel @p0 .LBB2_1-.Ltmp0, $4  }
0x3a5: {  	[hbm4b:s31+s4] =	stream.linear.scatter [tilespmem:s0], [sflag:$0x5], $0x4000, $0x38;
	[tilespmem:$0x10800] =	vst v63  }
0x3a6: {  	_ =	swait.ge [sflag:s6], $0x4000  }
0x3a7: {  	[sflag:s6] =	ssyncset.done $0x0  }
0x3a8: {  	s5 =	sadd.s32 $0xFFFFFFFF, s5;
	[sflag:s6] =	ssyncadd.s32 $0xFFFFC000  }
0x3a9: {  	_ =	sfence.sel $0x180000  }
0x3aa: {  	[bflag:$0x0] =	sbarrier.arrive $0xFFFF  }
0x3ab: {  	_ =	strace $0x90000047  }
0x3ac: {  	s0 =	stileid.u32;
	[bflag:$0x2] =	sbarrier.arrive $0xFFFF  }
0x3ad: {  	p0 =	sne.s32 s0, $0x0;
	s0 =	rddreg [dreg:$0x5]  }
0x3ae: {  	s0 =	sadd.s32 @!p0 $0x100000, s0  }
0x3af: {  	[sflag:s0] =	ssyncadd.tile.s32 @!p0 $0x1;
	_ =	shalt  }
.Lfunc_end2:
_tile_overlayer_lowered:
.L_overlay_start_2:
0x3b0: {  	(tag) =	ssettag $0x2  }
0x3b1: {  	s0 =	rddreg [dreg:$0x0];
	s2 =	stileid.u32  }
0x3b2: {  	s1 =	rddreg [dreg:$0x1];
	p0 =	sne.s32 s2, $0x0  }
0x3b3: {  	s3 =	rddreg [dreg:$0x2];
	[bflag:$0x3] =	sbarrier.arrive $0xFFFF;
	s2 =	simm.s32 @!p0 $0x1C05  }
0x3b4: {  	[timem:s3], [sflag:s2] =	dma.local @!p0 [hbm:s0], s1  }
0x3b5: {  	s0 =	simm.s32 @!p0 $0x5  }
0x3b6: {  	_ =	swait.ge @!p0 [sflag:s0], s1  }
0x3b7: {  	s1 =	ssub.s32 @!p0 $0x0, s1;
	[sflag:s0] =	ssyncset.done @!p0 $0x0  }
0x3b8: {  	[sflag:s0] =	ssyncadd.s32 @!p0 s1  }
0x3b9: {  	[bflag:$0x3] =	sbarrier.arrive $0xFFFF  }
0x3ba: {  	_ =	shalt  }

</sc_bundles>
